<compile_context>
chip_gen: v7x
topology: tpu7x:2x2x1
jax: 0.10.2.dev20260603
libtpu: 0.0.44.dev20260713+nightly
codegen_flags: <defaults>
</compile_context>

<pallas_src>
import jax
import jax.numpy as jnp
from jax import lax
from jax.experimental import pallas as pl
from jax.experimental.pallas import tpu as pltpu
from jax.experimental.pallas import tpu_sc as plsc

_N = 10000
_E = 320000
_D = 128
_H = _D // 2
_NS = 16
_NC = 2
_EPW = _E // _NS
_B = 40
_NB = _EPW // _B
_NZ = 624
_NR = _N - _NS * _NZ
_ZB = 16
_L = 16


def _node_mm_body(h_ref, wa_ref, ba_ref, wb_ref, bb_ref, wd_ref, bd_ref,
                  we_ref, be_ref, ah_ref, db_ref, eh_ref):
    h = h_ref[...]
    ah_ref[...] = jnp.dot(h, wa_ref[...], preferred_element_type=jnp.float32) + ba_ref[...]
    bh = jnp.dot(h, wb_ref[...], preferred_element_type=jnp.float32) + bb_ref[...]
    dh = jnp.dot(h, wd_ref[...], preferred_element_type=jnp.float32) + bd_ref[...]
    eh = jnp.dot(h, we_ref[...], preferred_element_type=jnp.float32) + be_ref[...]
    db_ref[0] = jnp.concatenate([dh[:, :_H], bh[:, :_H]], axis=1)
    db_ref[1] = jnp.concatenate([dh[:, _H:], bh[:, _H:]], axis=1)
    eh_ref[0] = eh
    eh_ref[1] = jnp.concatenate([eh[:, _H:], eh[:, :_H]], axis=1)


_BE = 2000


def _ce_body(e_ref, wc_ref, bc_ref, h_ref, wa_ref, ba_ref, wb_ref, bb_ref,
             wd_ref, bd_ref, we_ref, be_ref, ce_ref, ah_ref, db_ref, eh_ref):
    @pl.when(pl.program_id(0) == 0)
    def _node():
        _node_mm_body(h_ref, wa_ref, ba_ref, wb_ref, bb_ref, wd_ref, bd_ref,
                      we_ref, be_ref, ah_ref, db_ref, eh_ref)

    ce = jnp.dot(e_ref[...], wc_ref[...], preferred_element_type=jnp.float32) + bc_ref[...]
    ce_ref[0] = ce[:, :_H]
    ce_ref[1] = ce[:, _H:]


def _ce_mm(e, wc, bc, h, wa, ba, wb, bb, wd, bd, we, be):
    fix = lambda i: (0, 0)
    return pl.pallas_call(
        _ce_body,
        grid=(_E // _BE,),
        in_specs=[
            pl.BlockSpec((_BE, _D), lambda i: (i, 0)),
            pl.BlockSpec((_D, _D), fix),
            pl.BlockSpec((_D,), lambda i: (0,)),
            pl.BlockSpec((_N, _D), fix),
            pl.BlockSpec((_D, _D), fix),
            pl.BlockSpec((_D,), lambda i: (0,)),
            pl.BlockSpec((_D, _D), fix),
            pl.BlockSpec((_D,), lambda i: (0,)),
            pl.BlockSpec((_D, _D), fix),
            pl.BlockSpec((_D,), lambda i: (0,)),
            pl.BlockSpec((_D, _D), fix),
            pl.BlockSpec((_D,), lambda i: (0,)),
        ],
        out_specs=[
            pl.BlockSpec((_NC, _BE, _H), lambda i: (0, i, 0)),
            pl.BlockSpec((_N, _D), fix),
            pl.BlockSpec((_NC, _N, _D), lambda i: (0, 0, 0)),
            pl.BlockSpec((_NC, _N, _D), lambda i: (0, 0, 0)),
        ],
        out_shape=[
            jax.ShapeDtypeStruct((_NC, _E, _H), jnp.float32),
            jax.ShapeDtypeStruct((_N, _D), jnp.float32),
            jax.ShapeDtypeStruct((_NC, _N, _D), jnp.float32),
            jax.ShapeDtypeStruct((_NC, _N, _D), jnp.float32),
        ],
    )(e, wc, bc, h, wa, ba, wb, bb, wd, bd, we, be)


def _sc_edge_body(src, dst, db2, eh2, ce2, zeros,
                  enew, acc_o, stats,
                  srco0, dstr0, db0, eh0, en0,
                  srco1, dstr1, db1, eh1, en1, sums_v,
                  acc, g0, g1, w0, w1, i0, i1, sc0, sc1):
    c = lax.axis_index("c")
    s = lax.axis_index("s")
    sets = ((srco0, dstr0, db0, eh0, en0, g0, w0, i0, sc0),
            (srco1, dstr1, db1, eh1, en1, g1, w1, i1, sc1))

    z0 = s * _NZ

    def zrow(i, _):
        pltpu.sync_copy(zeros, acc.at[pl.ds(z0 + i * _ZB, _ZB)])
        return 0

    lax.fori_loop(0, _NZ // _ZB, zrow, 0)

    @pl.when(s == _NS - 1)
    def _zero_tail():
        pltpu.sync_copy(zeros, acc.at[pl.ds(_NS * _NZ, _NR)])

    plsc.subcore_barrier()

    base = s * _EPW
    zv = jnp.zeros((_L,), jnp.float32)
    init = (zv,) * 8

    def fetch_idx(bidx, st):
        srco, dstr = st[0], st[1]
        isem = st[7]
        off = base + bidx * _B
        pltpu.async_copy(src.at[pl.ds(off, _B)], srco.at[0], isem)
        pltpu.async_copy(dst.at[pl.ds(off, _B)], dstr.at[0], isem)

    def wait_idx(st):
        srco, dstr = st[0], st[1]
        isem = st[7]
        pltpu.make_async_copy(src.at[pl.ds(0, _B)], srco.at[0], isem).wait()
        pltpu.make_async_copy(dst.at[pl.ds(0, _B)], dstr.at[0], isem).wait()

    def gathers(bidx, st):
        srco, dstr, db_v, eh_v, en_v, g = st[:6]
        off = base + bidx * _B
        pltpu.async_copy(db2.at[c].at[srco.at[0]], db_v, g)
        pltpu.async_copy(eh2.at[c].at[dstr.at[0]], eh_v, g)
        pltpu.async_copy(ce2.at[c, pl.ds(off, _B)], en_v, g)

    def wait_gathers(st):
        srco, dstr, db_v, eh_v, en_v, g = st[:6]
        pltpu.make_async_copy(db2.at[c].at[srco.at[0]], db_v, g).wait()
        pltpu.make_async_copy(eh2.at[c].at[dstr.at[0]], eh_v, g).wait()
        pltpu.make_async_copy(ce2.at[c, pl.ds(0, _B)], en_v, g).wait()

    def put(bidx, st):
        dstr, db_v, en_v, w, sc = st[1], st[2], st[4], st[6], st[8]
        off = base + bidx * _B
        pltpu.async_copy(en_v, enew.at[c, pl.ds(off, _B)], w)
        pltpu.async_copy(db_v, acc.at[dstr.at[0]], sc, add=True)

    def wait_put(st):
        dstr, db_v, en_v, w, sc = st[1], st[2], st[4], st[6], st[8]
        pltpu.make_async_copy(en_v, enew.at[c, pl.ds(0, _B)], w).wait()
        pltpu.make_async_copy(db_v, acc.at[dstr.at[0]], sc).wait()

    def compute(st, carry):
        db_v, eh_v, en_v = st[2], st[3], st[4]

        def row(r2, t):
            t = list(t)
            for u in range(4):
                r = r2 * 4 + u
                for j in range(_H // _L):
                    sl = pl.ds(j * _L, _L)
                    sh = pl.ds(_H + j * _L, _L)
                    en = db_v[r, sl] + eh_v[r, sl] + en_v[r, sl]
                    en_v[r, sl] = en
                    sg = 1.0 / (1.0 + jnp.exp(-en))
                    msg = db_v[r, sh] * sg
                    db_v[r, sl] = msg
                    db_v[r, sh] = sg
                    t[j] = t[j] + en
                    t[4 + j] = t[4 + j] + en * en
            return tuple(t)

        return lax.fori_loop(0, _B // 4, row, carry)

    fetch_idx(0, sets[0])
    wait_idx(sets[0])
    gathers(0, sets[0])
    fetch_idx(1, sets[1])

    def outer(i, carry):
        a = 2 * i
        wait_idx(sets[1])
        gathers(a + 1, sets[1])
        wait_gathers(sets[0])
        carry = compute(sets[0], carry)
        put(a, sets[0])
        wait_put(sets[0])

        @pl.when(a + 2 < _NB)
        def _gather0():
            fetch_idx(a + 2, sets[0])
            wait_idx(sets[0])
            gathers(a + 2, sets[0])

        wait_gathers(sets[1])
        carry = compute(sets[1], carry)
        put(a + 1, sets[1])
        wait_put(sets[1])

        @pl.when(a + 3 < _NB)
        def _fetch1():
            fetch_idx(a + 3, sets[1])

        return carry

    carry = lax.fori_loop(0, _NB // 2, outer, init)

    for j in range(_H // _L):
        sums_v[0, pl.ds(j * _L, _L)] = carry[j]
        sums_v[1, pl.ds(j * _L, _L)] = carry[4 + j]
    pltpu.sync_copy(sums_v, stats.at[c, s])

    plsc.subcore_barrier()
    pltpu.sync_copy(acc.at[pl.ds(z0, _NZ)], acc_o.at[c, pl.ds(z0, _NZ)])

    @pl.when(s == _NS - 1)
    def _out_tail():
        t0 = _NS * _NZ
        pltpu.sync_copy(acc.at[pl.ds(t0, _NR)], acc_o.at[c, pl.ds(t0, _NR)])


def _sc_edge(src, dst, db2, eh2, ce2, zeros):
    mesh = plsc.VectorSubcoreMesh(core_axis_name="c", subcore_axis_name="s")
    f = pl.kernel(
        _sc_edge_body,
        out_type=[
            jax.ShapeDtypeStruct((_NC, _E, _H), jnp.float32),
            jax.ShapeDtypeStruct((_NC, _N, _D), jnp.float32),
            jax.ShapeDtypeStruct((_NC, _NS, 2, _H), jnp.float32),
        ],
        mesh=mesh,
        scratch_types=(
            [pltpu.VMEM((1, _B), jnp.int32),
             pltpu.VMEM((1, _B), jnp.int32),
             pltpu.VMEM((_B, _D), jnp.float32),
             pltpu.VMEM((_B, _D), jnp.float32),
             pltpu.VMEM((_B, _H), jnp.float32)] * 2
            + [pltpu.VMEM((2, _H), jnp.float32),
               pltpu.VMEM_SHARED((_N, _D), jnp.float32)]
            + [pltpu.SemaphoreType.DMA] * 8
        ),
    )
    return f(src, dst, db2, eh2, ce2, zeros)


_BF = 2000


def _fin_body(e_ref, en_ref, ah_ref, acc_ref, h_ref, gh_ref, bh_ref, st_ref,
              ge_ref, be_ref, eo_ref, ho_ref, ss_ref):
    @pl.when(pl.program_id(0) == 0)
    def _h():
        acch = jnp.concatenate([acc_ref[0, :, :_H], acc_ref[1, :, :_H]], axis=1)
        accs = jnp.concatenate([acc_ref[0, :, _H:], acc_ref[1, :, _H:]], axis=1)
        q = ah_ref[...] + acch / (accs + 1e-6)
        m = jnp.mean(q, axis=0, keepdims=True)
        v = jnp.mean((q - m) * (q - m), axis=0, keepdims=True)
        hn = gh_ref[...] * (q - m) / jnp.sqrt(v + 1e-5) + bh_ref[...]
        ho_ref[...] = h_ref[...] + jnp.maximum(hn, 0.0)

        stc = jnp.sum(st_ref[...], axis=1)
        mean = jnp.concatenate([stc[0, 0], stc[1, 0]]) * (1.0 / _E)
        msq = jnp.concatenate([stc[0, 1], stc[1, 1]]) * (1.0 / _E)
        var = msq - mean * mean
        scale = ge_ref[...] / jnp.sqrt(var + 1e-5)
        ss_ref[0] = scale
        ss_ref[1] = be_ref[...] - mean * scale

    @pl.when(pl.program_id(0) > 0)
    def _e():
        en = jnp.concatenate([en_ref[0], en_ref[1]], axis=1)
        eo_ref[...] = e_ref[...] + jnp.maximum(
            en * ss_ref[0:1] + ss_ref[1:2], 0.0)


def _fin(e, enew, ah, acc, h, gamma_h, beta_h, stats, gamma_e, beta_e):
    fix = lambda i: (0, 0)
    eix = lambda i: (jnp.maximum(i - 1, 0), 0)
    return pl.pallas_call(
        _fin_body,
        grid=(_E // _BF + 1,),
        in_specs=[
            pl.BlockSpec((_BF, _D), eix),
            pl.BlockSpec((_NC, _BF, _H), lambda i: (0, jnp.maximum(i - 1, 0), 0)),
            pl.BlockSpec((_N, _D), fix),
            pl.BlockSpec((_NC, _N, _D), lambda i: (0, 0, 0)),
            pl.BlockSpec((_N, _D), fix),
            pl.BlockSpec((_D,), lambda i: (0,)),
            pl.BlockSpec((_D,), lambda i: (0,)),
            pl.BlockSpec((_NC, _NS, 2, _H), lambda i: (0, 0, 0, 0)),
            pl.BlockSpec((_D,), lambda i: (0,)),
            pl.BlockSpec((_D,), lambda i: (0,)),
        ],
        out_specs=[
            pl.BlockSpec((_BF, _D), eix),
            pl.BlockSpec((_N, _D), fix),
        ],
        out_shape=[
            jax.ShapeDtypeStruct((_E, _D), jnp.float32),
            jax.ShapeDtypeStruct((_N, _D), jnp.float32),
        ],
        scratch_shapes=[pltpu.VMEM((2, _D), jnp.float32)],
    )(e, enew, ah, acc, h, gamma_h, beta_h, stats, gamma_e, beta_e)


def kernel(h, e, edge_index, WA, bA, WB, bB, WC, bC, WD, bD, WE, bE,
           gamma_h, beta_h, gamma_e, beta_e):
    src = edge_index[0]
    dst = edge_index[1]
    zeros = jnp.zeros((_ZB, _D), jnp.float32)

    ce2, ah, db2, eh2 = _ce_mm(e, WC, bC, h, WA, bA, WB, bB, WD, bD, WE, bE)

    enew, acc, stats = _sc_edge(src, dst, db2, eh2, ce2, zeros)

    e_out, h_out = _fin(e, enew, ah, acc, h, gamma_h, beta_h,
                        stats, gamma_e, beta_e)
    return (h_out, e_out)

# --- scband reference (transcript-rebuilt; emitter-appended) ---
"""Pipeline reference for scband-gated-gcnlayer-39187281608763 (READ-ONLY COPY).

The authoritative reference and input builder live on the scoring server;
editing this copy changes nothing except your own understanding.
"""

import jax, jax.numpy as jnp
import numpy as np

N = 10000
E = 320000
D = 128


def _bn(x, gamma, beta, eps=1e-5):
    m = jnp.mean(x, axis=0)
    v = jnp.var(x, axis=0)
    return gamma * (x - m) / jnp.sqrt(v + eps) + beta


def setup_inputs(seed: int = 0) -> dict:
    key = jax.random.key(seed)
    ks = jax.random.split(key, 16)
    s = 1.0 / np.sqrt(D)
    inp = {
        "h": jax.random.normal(ks[0], (N, D), jnp.float32),
        "e": jax.random.normal(ks[1], (E, D), jnp.float32),
        "edge_index": jax.random.randint(ks[2], (2, E), 0, N, jnp.int32),
        "WA": jax.random.uniform(ks[3], (D, D), jnp.float32, -s, s),
        "bA": jax.random.uniform(ks[4], (D,), jnp.float32, -s, s),
        "WB": jax.random.uniform(ks[5], (D, D), jnp.float32, -s, s),
        "bB": jax.random.uniform(ks[6], (D,), jnp.float32, -s, s),
        "WC": jax.random.uniform(ks[7], (D, D), jnp.float32, -s, s),
        "bC": jax.random.uniform(ks[8], (D,), jnp.float32, -s, s),
        "WD": jax.random.uniform(ks[9], (D, D), jnp.float32, -s, s),
        "bD": jax.random.uniform(ks[10], (D,), jnp.float32, -s, s),
        "WE": jax.random.uniform(ks[11], (D, D), jnp.float32, -s, s),
        "bE": jax.random.uniform(ks[12], (D,), jnp.float32, -s, s),
        "gamma_h": jnp.ones((D,), jnp.float32),
        "beta_h": jnp.zeros((D,), jnp.float32),
        "gamma_e": jnp.ones((D,), jnp.float32),
        "beta_e": jnp.zeros((D,), jnp.float32),
    }
    return inp


def reference(h, e, edge_index, WA, bA, WB, bB, WC, bC, WD, bD, WE, bE,
              gamma_h, beta_h, gamma_e, beta_e):
    # GatedGCNLayer forward (edge_lr=False, dropout=0.0, batch_norm=True, residual=True)
    h_in = h
    e_in = e
    src = edge_index[0]
    dst = edge_index[1]

    Ah = h @ WA + bA
    Bh = h @ WB + bB
    Ce = e @ WC + bC
    Dh = h @ WD + bD
    Eh = h @ WE + bE

    # u_add_v('Dh','Eh') + Ce
    DEh = jnp.take(Dh, src, axis=0) + jnp.take(Eh, dst, axis=0)
    e_new = DEh + Ce
    sigma = jax.nn.sigmoid(e_new)

    # u_mul_e('Bh','sigma') summed at destination nodes
    msg = jnp.take(Bh, src, axis=0) * sigma
    sum_sigma_h = jax.ops.segment_sum(msg, dst, num_segments=N)
    sum_sigma = jax.ops.segment_sum(sigma, dst, num_segments=N)

    h_new = Ah + sum_sigma_h / (sum_sigma + 1e-6)

    # batch norm (training-mode batch statistics)
    h_new = _bn(h_new, gamma_h, beta_h)
    e_out = _bn(e_new, gamma_e, beta_e)

    h_new = jax.nn.relu(h_new)
    e_out = jax.nn.relu(e_out)

    # residual
    h_out = h_in + h_new
    e_out = e_in + e_out
    # dropout p=0.0 -> identity
    return (h_out, e_out)

if __name__ == "__main__":
    import jax
    _d = setup_inputs()
    print(jax.jit(kernel)(*tuple(_d.values())))

</pallas_src>

<mosaic_0001>
#map = affine_map<(d0, d1) -> (0)>
#map1 = affine_map<(d0, d1) -> (0, 0, 0)>
#map2 = affine_map<(d0, d1) -> (0, 0)>
#map3 = affine_map<(d0, d1) -> (0, 0, 0, 0)>
module attributes {stable_mosaic.version = 14 : i64} {
  func.func @_sc_edge_body(%arg0: i32, %arg1: i32, %arg2: memref<320000xi32, #tpu.memory_space<hbm>>, %arg3: memref<320000xi32, #tpu.memory_space<hbm>>, %arg4: memref<2x10000x128xf32, #tpu.memory_space<hbm>>, %arg5: memref<2x10000x128xf32, #tpu.memory_space<hbm>>, %arg6: memref<2x320000x64xf32, #tpu.memory_space<hbm>>, %arg7: memref<16x128xf32, #tpu.memory_space<hbm>>, %arg8: memref<2x320000x64xf32, #tpu.memory_space<hbm>>, %arg9: memref<2x10000x128xf32, #tpu.memory_space<hbm>>, %arg10: memref<2x16x2x64xf32, #tpu.memory_space<hbm>>, %arg11: memref<1x40xi32, #tpu.memory_space<vmem>>, %arg12: memref<1x40xi32, #tpu.memory_space<vmem>>, %arg13: memref<40x128xf32, #tpu.memory_space<vmem>>, %arg14: memref<40x128xf32, #tpu.memory_space<vmem>>, %arg15: memref<40x64xf32, #tpu.memory_space<vmem>>, %arg16: memref<1x40xi32, #tpu.memory_space<vmem>>, %arg17: memref<1x40xi32, #tpu.memory_space<vmem>>, %arg18: memref<40x128xf32, #tpu.memory_space<vmem>>, %arg19: memref<40x128xf32, #tpu.memory_space<vmem>>, %arg20: memref<40x64xf32, #tpu.memory_space<vmem>>, %arg21: memref<2x64xf32, #tpu.memory_space<vmem>>, %arg22: memref<10000x128xf32, #tpu.memory_space<vmem_shared>>, %arg23: memref<!tpu.dma_semaphore, #tpu.memory_space<semaphore_mem>>, %arg24: memref<!tpu.dma_semaphore, #tpu.memory_space<semaphore_mem>>, %arg25: memref<!tpu.dma_semaphore, #tpu.memory_space<semaphore_mem>>, %arg26: memref<!tpu.dma_semaphore, #tpu.memory_space<semaphore_mem>>, %arg27: memref<!tpu.dma_semaphore, #tpu.memory_space<semaphore_mem>>, %arg28: memref<!tpu.dma_semaphore, #tpu.memory_space<semaphore_mem>>, %arg29: memref<!tpu.dma_semaphore, #tpu.memory_space<semaphore_mem>>, %arg30: memref<!tpu.dma_semaphore, #tpu.memory_space<semaphore_mem>>) attributes {dimension_semantics = [#tpu.dimension_semantics<core_parallel>, #tpu.dimension_semantics<subcore_parallel>], iteration_bounds = array<i64: 2, 16>, scalar_prefetch = 0 : i64, scratch_operands = 20 : i64, tpu.core_type = #tpu.core_type<sc_vector_subcore>, window_params = [{transform_indices = #map}, {transform_indices = #map}, {transform_indices = #map1}, {transform_indices = #map1}, {transform_indices = #map1}, {transform_indices = #map2}, {transform_indices = #map1}, {transform_indices = #map1}, {transform_indices = #map3}]} {
    %mul3A = arith.constant 624 : i32
    %mul3A_0 = arith.muli %arg1, %mul3A : i32
    %scan3A = arith.constant 0 : i32
    %scan3A_1 = arith.constant 0 : i32
    %scan3A_2 = arith.constant 39 : i32
    %scan3A_3 = arith.addi %scan3A_1, %scan3A_2 : i32
    %scan3A_4 = arith.constant 1 : i32
    %scan3A_5 = scf.for %scan3A_160 = %scan3A_1 to %scan3A_3 step %scan3A_4 iter_args(%scan3A_161 = %scan3A) -> (i32)  : i32 {
      %mul3A_162 = arith.constant 16 : i32
      %mul3A_163 = arith.muli %scan3A_160, %mul3A_162 : i32
      %add3A_164 = arith.addi %mul3A_0, %mul3A_163 : i32
      "tpu.region"() ({
        %run_scoped3A = tpu.sem_alloc : memref<!tpu.dma_semaphore, #tpu.memory_space<semaphore_mem>>
        %dma_start3A_166 = arith.constant 0 : i32
        %dma_start3A_167 = tpu.memref_slice %arg22[%add3A_164, %dma_start3A_166] : memref<10000x128xf32, #tpu.memory_space<vmem_shared>> -> memref<16x128xf32, #tpu.memory_space<vmem_shared>>
        tpu.enqueue_dma source(%arg7 : memref<16x128xf32, #tpu.memory_space<hbm>>) target(%dma_start3A_167 : memref<16x128xf32, #tpu.memory_space<vmem_shared>>) target_semaphore(%run_scoped3A : memref<!tpu.dma_semaphore, #tpu.memory_space<semaphore_mem>>)
        %dma_wait3A_168 = arith.constant 0 : i32
        %dma_wait3A_169 = tpu.memref_slice %arg22[%add3A_164, %dma_wait3A_168] : memref<10000x128xf32, #tpu.memory_space<vmem_shared>> -> memref<16x128xf32, #tpu.memory_space<vmem_shared>>
        tpu.wait_dma2 semaphore(%run_scoped3A : memref<!tpu.dma_semaphore, #tpu.memory_space<semaphore_mem>>) src(%arg7 : memref<16x128xf32, #tpu.memory_space<hbm>>) dst(%dma_wait3A_169 : memref<16x128xf32, #tpu.memory_space<vmem_shared>>)
        tpu.yield
      }) : () -> ()
      %scan3A_165 = arith.constant 0 : i32
      scf.yield %scan3A_165 : i32
    }
    %scan3A_6 = arith.constant 39 : i32
    %eq3A = arith.constant 15 : i32
    %eq3A_7 = arith.cmpi eq, %arg1, %eq3A : i32
    %convert_element_type3A = arith.extui %eq3A_7 : i1 to i32
    %cond3A = arith.constant 0 : i32
    %cond3A_8 = arith.cmpi ne, %convert_element_type3A, %cond3A : i32
    scf.if %cond3A_8 {
      "tpu.region"() ({
        %run_scoped3A = tpu.sem_alloc : memref<!tpu.dma_semaphore, #tpu.memory_space<semaphore_mem>>
        %dma_start3A_160 = arith.constant 9984 : i32
        %dma_start3A_161 = arith.constant 0 : i32
        %dma_start3A_162 = tpu.memref_slice %arg22[%dma_start3A_160, %dma_start3A_161] : memref<10000x128xf32, #tpu.memory_space<vmem_shared>> -> memref<16x128xf32, #tpu.memory_space<vmem_shared>>
        tpu.enqueue_dma source(%arg7 : memref<16x128xf32, #tpu.memory_space<hbm>>) target(%dma_start3A_162 : memref<16x128xf32, #tpu.memory_space<vmem_shared>>) target_semaphore(%run_scoped3A : memref<!tpu.dma_semaphore, #tpu.memory_space<semaphore_mem>>)
        %dma_wait3A_163 = arith.constant 9984 : i32
        %dma_wait3A_164 = arith.constant 0 : i32
        %dma_wait3A_165 = tpu.memref_slice %arg22[%dma_wait3A_163, %dma_wait3A_164] : memref<10000x128xf32, #tpu.memory_space<vmem_shared>> -> memref<16x128xf32, #tpu.memory_space<vmem_shared>>
        tpu.wait_dma2 semaphore(%run_scoped3A : memref<!tpu.dma_semaphore, #tpu.memory_space<semaphore_mem>>) src(%arg7 : memref<16x128xf32, #tpu.memory_space<hbm>>) dst(%dma_wait3A_165 : memref<16x128xf32, #tpu.memory_space<vmem_shared>>)
        tpu.yield
      }) : () -> ()
    } else {
    }
    %barrier3A = arith.constant 0 : index
    tpu.barrier barrier_id(%barrier3A)
    %mul3A_9 = arith.constant 20000 : i32
    %mul3A_10 = arith.muli %arg1, %mul3A_9 : i32
    %broadcast_in_dim3A = arith.constant 0.000000e+00 : f32
    %broadcast_in_dim3A_11 = vector.broadcast %broadcast_in_dim3A : f32 to vector<16xf32>
    %add3A = arith.constant 0 : i32
    %add3A_12 = arith.addi %mul3A_10, %add3A : i32
    %dma_start3A = arith.constant 0 : i32
    %dma_start3A_13 = arith.constant 0 : i32
    %dma_start3A_14 = tpu.memref_slice %arg11[%dma_start3A, %dma_start3A_13] : memref<1x40xi32, #tpu.memory_space<vmem>> -> memref<1x40xi32, #tpu.memory_space<vmem>>
    %dma_start3A_15 = tpu.memref_squeeze %dma_start3A_14 : memref<1x40xi32, #tpu.memory_space<vmem>> -> memref<40xi32, #tpu.memory_space<vmem>>
    %dma_start3A_16 = tpu.memref_slice %arg2[%add3A_12] : memref<320000xi32, #tpu.memory_space<hbm>> -> memref<40xi32, #tpu.memory_space<hbm>>
    %dma_start3A_17 = arith.constant 0 : i32
    %dma_start3A_18 = tpu.memref_slice %arg11[%dma_start3A, %dma_start3A_17] : memref<1x40xi32, #tpu.memory_space<vmem>> -> memref<1x40xi32, #tpu.memory_space<vmem>>
    %dma_start3A_19 = tpu.memref_squeeze %dma_start3A_18 : memref<1x40xi32, #tpu.memory_space<vmem>> -> memref<40xi32, #tpu.memory_space<vmem>>
    %dma_start3A_20 = tpu.memref_slice %arg2[%add3A_12] : memref<320000xi32, #tpu.memory_space<hbm>> -> memref<40xi32, #tpu.memory_space<hbm>>
    tpu.enqueue_dma source(%dma_start3A_20 : memref<40xi32, #tpu.memory_space<hbm>>) target(%dma_start3A_19 : memref<40xi32, #tpu.memory_space<vmem>>) target_semaphore(%arg27 : memref<!tpu.dma_semaphore, #tpu.memory_space<semaphore_mem>>)
    %dma_start3A_21 = arith.constant 0 : i32
    %dma_start3A_22 = arith.constant 0 : i32
    %dma_start3A_23 = tpu.memref_slice %arg12[%dma_start3A_21, %dma_start3A_22] : memref<1x40xi32, #tpu.memory_space<vmem>> -> memref<1x40xi32, #tpu.memory_space<vmem>>
    %dma_start3A_24 = tpu.memref_squeeze %dma_start3A_23 : memref<1x40xi32, #tpu.memory_space<vmem>> -> memref<40xi32, #tpu.memory_space<vmem>>
    %dma_start3A_25 = tpu.memref_slice %arg3[%add3A_12] : memref<320000xi32, #tpu.memory_space<hbm>> -> memref<40xi32, #tpu.memory_space<hbm>>
    %dma_start3A_26 = arith.constant 0 : i32
    %dma_start3A_27 = tpu.memref_slice %arg12[%dma_start3A_21, %dma_start3A_26] : memref<1x40xi32, #tpu.memory_space<vmem>> -> memref<1x40xi32, #tpu.memory_space<vmem>>
    %dma_start3A_28 = tpu.memref_squeeze %dma_start3A_27 : memref<1x40xi32, #tpu.memory_space<vmem>> -> memref<40xi32, #tpu.memory_space<vmem>>
    %dma_start3A_29 = tpu.memref_slice %arg3[%add3A_12] : memref<320000xi32, #tpu.memory_space<hbm>> -> memref<40xi32, #tpu.memory_space<hbm>>
    tpu.enqueue_dma source(%dma_start3A_29 : memref<40xi32, #tpu.memory_space<hbm>>) target(%dma_start3A_28 : memref<40xi32, #tpu.memory_space<vmem>>) target_semaphore(%arg27 : memref<!tpu.dma_semaphore, #tpu.memory_space<semaphore_mem>>)
    %dma_wait3A = arith.constant 0 : i32
    %dma_wait3A_30 = arith.constant 0 : i32
    %dma_wait3A_31 = tpu.memref_slice %arg11[%dma_wait3A, %dma_wait3A_30] : memref<1x40xi32, #tpu.memory_space<vmem>> -> memref<1x40xi32, #tpu.memory_space<vmem>>
    %dma_wait3A_32 = tpu.memref_squeeze %dma_wait3A_31 : memref<1x40xi32, #tpu.memory_space<vmem>> -> memref<40xi32, #tpu.memory_space<vmem>>
    %dma_wait3A_33 = arith.constant 0 : i32
    %dma_wait3A_34 = tpu.memref_slice %arg2[%dma_wait3A_33] : memref<320000xi32, #tpu.memory_space<hbm>> -> memref<40xi32, #tpu.memory_space<hbm>>
    %dma_wait3A_35 = arith.constant 0 : i32
    %dma_wait3A_36 = tpu.memref_slice %arg11[%dma_wait3A, %dma_wait3A_35] : memref<1x40xi32, #tpu.memory_space<vmem>> -> memref<1x40xi32, #tpu.memory_space<vmem>>
    %dma_wait3A_37 = tpu.memref_squeeze %dma_wait3A_36 : memref<1x40xi32, #tpu.memory_space<vmem>> -> memref<40xi32, #tpu.memory_space<vmem>>
    %dma_wait3A_38 = arith.constant 0 : i32
    %dma_wait3A_39 = tpu.memref_slice %arg2[%dma_wait3A_38] : memref<320000xi32, #tpu.memory_space<hbm>> -> memref<40xi32, #tpu.memory_space<hbm>>
    tpu.wait_dma2 semaphore(%arg27 : memref<!tpu.dma_semaphore, #tpu.memory_space<semaphore_mem>>) src(%dma_wait3A_39 : memref<40xi32, #tpu.memory_space<hbm>>) dst(%dma_wait3A_37 : memref<40xi32, #tpu.memory_space<vmem>>)
    %dma_wait3A_40 = arith.constant 0 : i32
    %dma_wait3A_41 = arith.constant 0 : i32
    %dma_wait3A_42 = tpu.memref_slice %arg12[%dma_wait3A_40, %dma_wait3A_41] : memref<1x40xi32, #tpu.memory_space<vmem>> -> memref<1x40xi32, #tpu.memory_space<vmem>>
    %dma_wait3A_43 = tpu.memref_squeeze %dma_wait3A_42 : memref<1x40xi32, #tpu.memory_space<vmem>> -> memref<40xi32, #tpu.memory_space<vmem>>
    %dma_wait3A_44 = arith.constant 0 : i32
    %dma_wait3A_45 = tpu.memref_slice %arg3[%dma_wait3A_44] : memref<320000xi32, #tpu.memory_space<hbm>> -> memref<40xi32, #tpu.memory_space<hbm>>
    %dma_wait3A_46 = arith.constant 0 : i32
    %dma_wait3A_47 = tpu.memref_slice %arg12[%dma_wait3A_40, %dma_wait3A_46] : memref<1x40xi32, #tpu.memory_space<vmem>> -> memref<1x40xi32, #tpu.memory_space<vmem>>
    %dma_wait3A_48 = tpu.memref_squeeze %dma_wait3A_47 : memref<1x40xi32, #tpu.memory_space<vmem>> -> memref<40xi32, #tpu.memory_space<vmem>>
    %dma_wait3A_49 = arith.constant 0 : i32
    %dma_wait3A_50 = tpu.memref_slice %arg3[%dma_wait3A_49] : memref<320000xi32, #tpu.memory_space<hbm>> -> memref<40xi32, #tpu.memory_space<hbm>>
    tpu.wait_dma2 semaphore(%arg27 : memref<!tpu.dma_semaphore, #tpu.memory_space<semaphore_mem>>) src(%dma_wait3A_50 : memref<40xi32, #tpu.memory_space<hbm>>) dst(%dma_wait3A_48 : memref<40xi32, #tpu.memory_space<vmem>>)
    %add3A_51 = arith.constant 0 : i32
    %add3A_52 = arith.addi %mul3A_10, %add3A_51 : i32
    %dma_start3A_53 = arith.constant 0 : i32
    %dma_start3A_54 = arith.constant 0 : i32
    %dma_start3A_55 = tpu.memref_slice %arg11[%dma_start3A_53, %dma_start3A_54] : memref<1x40xi32, #tpu.memory_space<vmem>> -> memref<1x40xi32, #tpu.memory_space<vmem>>
    %dma_start3A_56 = tpu.memref_squeeze %dma_start3A_55 : memref<1x40xi32, #tpu.memory_space<vmem>> -> memref<40xi32, #tpu.memory_space<vmem>>
    %dma_start3A_57 = arith.constant 0 : i32
    %dma_start3A_58 = arith.constant 0 : i32
    %dma_start3A_59 = tpu.memref_slice %arg4[%arg0, %dma_start3A_57, %dma_start3A_58] : memref<2x10000x128xf32, #tpu.memory_space<hbm>> -> memref<1x10000x128xf32, #tpu.memory_space<hbm>>
    %dma_start3A_60 = tpu.memref_squeeze %dma_start3A_59 : memref<1x10000x128xf32, #tpu.memory_space<hbm>> -> memref<10000x128xf32, #tpu.memory_space<hbm>>
    %dma_start3A_61 = arith.constant 0 : i32
    %dma_start3A_62 = arith.constant 0 : i32
    %dma_start3A_63 = tpu.memref_slice %dma_start3A_60[%dma_start3A_61, %dma_start3A_62] : memref<10000x128xf32, #tpu.memory_space<hbm>> -> memref<10000x128xf32, #tpu.memory_space<hbm>>
    tpu.enqueue_indirect_dma source(%dma_start3A_63 : memref<10000x128xf32, #tpu.memory_space<hbm>>) target(%arg13 : memref<40x128xf32, #tpu.memory_space<vmem>>) offsets(%dma_start3A_56 : memref<40xi32, #tpu.memory_space<vmem>>) semaphore(%arg23 : memref<!tpu.dma_semaphore, #tpu.memory_space<semaphore_mem>>)
    %dma_start3A_64 = arith.constant 0 : i32
    %dma_start3A_65 = arith.constant 0 : i32
    %dma_start3A_66 = tpu.memref_slice %arg12[%dma_start3A_64, %dma_start3A_65] : memref<1x40xi32, #tpu.memory_space<vmem>> -> memref<1x40xi32, #tpu.memory_space<vmem>>
    %dma_start3A_67 = tpu.memref_squeeze %dma_start3A_66 : memref<1x40xi32, #tpu.memory_space<vmem>> -> memref<40xi32, #tpu.memory_space<vmem>>
    %dma_start3A_68 = arith.constant 0 : i32
    %dma_start3A_69 = arith.constant 0 : i32
    %dma_start3A_70 = tpu.memref_slice %arg5[%arg0, %dma_start3A_68, %dma_start3A_69] : memref<2x10000x128xf32, #tpu.memory_space<hbm>> -> memref<1x10000x128xf32, #tpu.memory_space<hbm>>
    %dma_start3A_71 = tpu.memref_squeeze %dma_start3A_70 : memref<1x10000x128xf32, #tpu.memory_space<hbm>> -> memref<10000x128xf32, #tpu.memory_space<hbm>>
    %dma_start3A_72 = arith.constant 0 : i32
    %dma_start3A_73 = arith.constant 0 : i32
    %dma_start3A_74 = tpu.memref_slice %dma_start3A_71[%dma_start3A_72, %dma_start3A_73] : memref<10000x128xf32, #tpu.memory_space<hbm>> -> memref<10000x128xf32, #tpu.memory_space<hbm>>
    tpu.enqueue_indirect_dma source(%dma_start3A_74 : memref<10000x128xf32, #tpu.memory_space<hbm>>) target(%arg14 : memref<40x128xf32, #tpu.memory_space<vmem>>) offsets(%dma_start3A_67 : memref<40xi32, #tpu.memory_space<vmem>>) semaphore(%arg23 : memref<!tpu.dma_semaphore, #tpu.memory_space<semaphore_mem>>)
    %dma_start3A_75 = arith.constant 0 : i32
    %dma_start3A_76 = tpu.memref_slice %arg6[%arg0, %add3A_52, %dma_start3A_75] : memref<2x320000x64xf32, #tpu.memory_space<hbm>> -> memref<1x40x64xf32, #tpu.memory_space<hbm>>
    %dma_start3A_77 = tpu.memref_squeeze %dma_start3A_76 : memref<1x40x64xf32, #tpu.memory_space<hbm>> -> memref<40x64xf32, #tpu.memory_space<hbm>>
    %dma_start3A_78 = arith.constant 0 : i32
    %dma_start3A_79 = tpu.memref_slice %arg6[%arg0, %add3A_52, %dma_start3A_78] : memref<2x320000x64xf32, #tpu.memory_space<hbm>> -> memref<1x40x64xf32, #tpu.memory_space<hbm>>
    %dma_start3A_80 = tpu.memref_squeeze %dma_start3A_79 : memref<1x40x64xf32, #tpu.memory_space<hbm>> -> memref<40x64xf32, #tpu.memory_space<hbm>>
    tpu.enqueue_dma source(%dma_start3A_80 : memref<40x64xf32, #tpu.memory_space<hbm>>) target(%arg15 : memref<40x64xf32, #tpu.memory_space<vmem>>) target_semaphore(%arg23 : memref<!tpu.dma_semaphore, #tpu.memory_space<semaphore_mem>>)
    %add3A_81 = arith.constant 40 : i32
    %add3A_82 = arith.addi %mul3A_10, %add3A_81 : i32
    %dma_start3A_83 = arith.constant 0 : i32
    %dma_start3A_84 = arith.constant 0 : i32
    %dma_start3A_85 = tpu.memref_slice %arg16[%dma_start3A_83, %dma_start3A_84] : memref<1x40xi32, #tpu.memory_space<vmem>> -> memref<1x40xi32, #tpu.memory_space<vmem>>
    %dma_start3A_86 = tpu.memref_squeeze %dma_start3A_85 : memref<1x40xi32, #tpu.memory_space<vmem>> -> memref<40xi32, #tpu.memory_space<vmem>>
    %dma_start3A_87 = tpu.memref_slice %arg2[%add3A_82] : memref<320000xi32, #tpu.memory_space<hbm>> -> memref<40xi32, #tpu.memory_space<hbm>>
    %dma_start3A_88 = arith.constant 0 : i32
    %dma_start3A_89 = tpu.memref_slice %arg16[%dma_start3A_83, %dma_start3A_88] : memref<1x40xi32, #tpu.memory_space<vmem>> -> memref<1x40xi32, #tpu.memory_space<vmem>>
    %dma_start3A_90 = tpu.memref_squeeze %dma_start3A_89 : memref<1x40xi32, #tpu.memory_space<vmem>> -> memref<40xi32, #tpu.memory_space<vmem>>
    %dma_start3A_91 = tpu.memref_slice %arg2[%add3A_82] : memref<320000xi32, #tpu.memory_space<hbm>> -> memref<40xi32, #tpu.memory_space<hbm>>
    tpu.enqueue_dma source(%dma_start3A_91 : memref<40xi32, #tpu.memory_space<hbm>>) target(%dma_start3A_90 : memref<40xi32, #tpu.memory_space<vmem>>) target_semaphore(%arg28 : memref<!tpu.dma_semaphore, #tpu.memory_space<semaphore_mem>>)
    %dma_start3A_92 = arith.constant 0 : i32
    %dma_start3A_93 = arith.constant 0 : i32
    %dma_start3A_94 = tpu.memref_slice %arg17[%dma_start3A_92, %dma_start3A_93] : memref<1x40xi32, #tpu.memory_space<vmem>> -> memref<1x40xi32, #tpu.memory_space<vmem>>
    %dma_start3A_95 = tpu.memref_squeeze %dma_start3A_94 : memref<1x40xi32, #tpu.memory_space<vmem>> -> memref<40xi32, #tpu.memory_space<vmem>>
    %dma_start3A_96 = tpu.memref_slice %arg3[%add3A_82] : memref<320000xi32, #tpu.memory_space<hbm>> -> memref<40xi32, #tpu.memory_space<hbm>>
    %dma_start3A_97 = arith.constant 0 : i32
    %dma_start3A_98 = tpu.memref_slice %arg17[%dma_start3A_92, %dma_start3A_97] : memref<1x40xi32, #tpu.memory_space<vmem>> -> memref<1x40xi32, #tpu.memory_space<vmem>>
    %dma_start3A_99 = tpu.memref_squeeze %dma_start3A_98 : memref<1x40xi32, #tpu.memory_space<vmem>> -> memref<40xi32, #tpu.memory_space<vmem>>
    %dma_start3A_100 = tpu.memref_slice %arg3[%add3A_82] : memref<320000xi32, #tpu.memory_space<hbm>> -> memref<40xi32, #tpu.memory_space<hbm>>
    tpu.enqueue_dma source(%dma_start3A_100 : memref<40xi32, #tpu.memory_space<hbm>>) target(%dma_start3A_99 : memref<40xi32, #tpu.memory_space<vmem>>) target_semaphore(%arg28 : memref<!tpu.dma_semaphore, #tpu.memory_space<semaphore_mem>>)
    %scan3A_101 = arith.constant 0 : i32
    %scan3A_102 = arith.constant 250 : i32
    %scan3A_103 = arith.addi %scan3A_101, %scan3A_102 : i32
    %scan3A_104 = arith.constant 1 : i32
    %scan3A_105:8 = scf.for %scan3A_160 = %scan3A_101 to %scan3A_103 step %scan3A_104 iter_args(%scan3A_161 = %broadcast_in_dim3A_11, %scan3A_162 = %broadcast_in_dim3A_11, %scan3A_163 = %broadcast_in_dim3A_11, %scan3A_164 = %broadcast_in_dim3A_11, %scan3A_165 = %broadcast_in_dim3A_11, %scan3A_166 = %broadcast_in_dim3A_11, %scan3A_167 = %broadcast_in_dim3A_11, %scan3A_168 = %broadcast_in_dim3A_11) -> (vector<16xf32>, vector<16xf32>, vector<16xf32>, vector<16xf32>, vector<16xf32>, vector<16xf32>, vector<16xf32>, vector<16xf32>)  : i32 {
      %mul3A_169 = arith.constant 2 : i32
      %mul3A_170 = arith.muli %mul3A_169, %scan3A_160 : i32
      %dma_wait3A_171 = arith.constant 0 : i32
      %dma_wait3A_172 = arith.constant 0 : i32
      %dma_wait3A_173 = tpu.memref_slice %arg16[%dma_wait3A_171, %dma_wait3A_172] : memref<1x40xi32, #tpu.memory_space<vmem>> -> memref<1x40xi32, #tpu.memory_space<vmem>>
      %dma_wait3A_174 = tpu.memref_squeeze %dma_wait3A_173 : memref<1x40xi32, #tpu.memory_space<vmem>> -> memref<40xi32, #tpu.memory_space<vmem>>
      %dma_wait3A_175 = arith.constant 0 : i32
      %dma_wait3A_176 = tpu.memref_slice %arg2[%dma_wait3A_175] : memref<320000xi32, #tpu.memory_space<hbm>> -> memref<40xi32, #tpu.memory_space<hbm>>
      %dma_wait3A_177 = arith.constant 0 : i32
      %dma_wait3A_178 = tpu.memref_slice %arg16[%dma_wait3A_171, %dma_wait3A_177] : memref<1x40xi32, #tpu.memory_space<vmem>> -> memref<1x40xi32, #tpu.memory_space<vmem>>
      %dma_wait3A_179 = tpu.memref_squeeze %dma_wait3A_178 : memref<1x40xi32, #tpu.memory_space<vmem>> -> memref<40xi32, #tpu.memory_space<vmem>>
      %dma_wait3A_180 = arith.constant 0 : i32
      %dma_wait3A_181 = tpu.memref_slice %arg2[%dma_wait3A_180] : memref<320000xi32, #tpu.memory_space<hbm>> -> memref<40xi32, #tpu.memory_space<hbm>>
      tpu.wait_dma2 semaphore(%arg28 : memref<!tpu.dma_semaphore, #tpu.memory_space<semaphore_mem>>) src(%dma_wait3A_181 : memref<40xi32, #tpu.memory_space<hbm>>) dst(%dma_wait3A_179 : memref<40xi32, #tpu.memory_space<vmem>>)
      %dma_wait3A_182 = arith.constant 0 : i32
      %dma_wait3A_183 = arith.constant 0 : i32
      %dma_wait3A_184 = tpu.memref_slice %arg17[%dma_wait3A_182, %dma_wait3A_183] : memref<1x40xi32, #tpu.memory_space<vmem>> -> memref<1x40xi32, #tpu.memory_space<vmem>>
      %dma_wait3A_185 = tpu.memref_squeeze %dma_wait3A_184 : memref<1x40xi32, #tpu.memory_space<vmem>> -> memref<40xi32, #tpu.memory_space<vmem>>
      %dma_wait3A_186 = arith.constant 0 : i32
      %dma_wait3A_187 = tpu.memref_slice %arg3[%dma_wait3A_186] : memref<320000xi32, #tpu.memory_space<hbm>> -> memref<40xi32, #tpu.memory_space<hbm>>
      %dma_wait3A_188 = arith.constant 0 : i32
      %dma_wait3A_189 = tpu.memref_slice %arg17[%dma_wait3A_182, %dma_wait3A_188] : memref<1x40xi32, #tpu.memory_space<vmem>> -> memref<1x40xi32, #tpu.memory_space<vmem>>
      %dma_wait3A_190 = tpu.memref_squeeze %dma_wait3A_189 : memref<1x40xi32, #tpu.memory_space<vmem>> -> memref<40xi32, #tpu.memory_space<vmem>>
      %dma_wait3A_191 = arith.constant 0 : i32
      %dma_wait3A_192 = tpu.memref_slice %arg3[%dma_wait3A_191] : memref<320000xi32, #tpu.memory_space<hbm>> -> memref<40xi32, #tpu.memory_space<hbm>>
      tpu.wait_dma2 semaphore(%arg28 : memref<!tpu.dma_semaphore, #tpu.memory_space<semaphore_mem>>) src(%dma_wait3A_192 : memref<40xi32, #tpu.memory_space<hbm>>) dst(%dma_wait3A_190 : memref<40xi32, #tpu.memory_space<vmem>>)
      %add3A_193 = arith.constant 1 : i32
      %add3A_194 = arith.addi %mul3A_170, %add3A_193 : i32
      %mul3A_195 = arith.constant 40 : i32
      %mul3A_196 = arith.muli %add3A_194, %mul3A_195 : i32
      %add3A_197 = arith.addi %mul3A_10, %mul3A_196 : i32
      %dma_start3A_198 = arith.constant 0 : i32
      %dma_start3A_199 = arith.constant 0 : i32
      %dma_start3A_200 = tpu.memref_slice %arg16[%dma_start3A_198, %dma_start3A_199] : memref<1x40xi32, #tpu.memory_space<vmem>> -> memref<1x40xi32, #tpu.memory_space<vmem>>
      %dma_start3A_201 = tpu.memref_squeeze %dma_start3A_200 : memref<1x40xi32, #tpu.memory_space<vmem>> -> memref<40xi32, #tpu.memory_space<vmem>>
      %dma_start3A_202 = arith.constant 0 : i32
      %dma_start3A_203 = arith.constant 0 : i32
      %dma_start3A_204 = tpu.memref_slice %arg4[%arg0, %dma_start3A_202, %dma_start3A_203] : memref<2x10000x128xf32, #tpu.memory_space<hbm>> -> memref<1x10000x128xf32, #tpu.memory_space<hbm>>
      %dma_start3A_205 = tpu.memref_squeeze %dma_start3A_204 : memref<1x10000x128xf32, #tpu.memory_space<hbm>> -> memref<10000x128xf32, #tpu.memory_space<hbm>>
      %dma_start3A_206 = arith.constant 0 : i32
      %dma_start3A_207 = arith.constant 0 : i32
      %dma_start3A_208 = tpu.memref_slice %dma_start3A_205[%dma_start3A_206, %dma_start3A_207] : memref<10000x128xf32, #tpu.memory_space<hbm>> -> memref<10000x128xf32, #tpu.memory_space<hbm>>
      tpu.enqueue_indirect_dma source(%dma_start3A_208 : memref<10000x128xf32, #tpu.memory_space<hbm>>) target(%arg18 : memref<40x128xf32, #tpu.memory_space<vmem>>) offsets(%dma_start3A_201 : memref<40xi32, #tpu.memory_space<vmem>>) semaphore(%arg24 : memref<!tpu.dma_semaphore, #tpu.memory_space<semaphore_mem>>)
      %dma_start3A_209 = arith.constant 0 : i32
      %dma_start3A_210 = arith.constant 0 : i32
      %dma_start3A_211 = tpu.memref_slice %arg17[%dma_start3A_209, %dma_start3A_210] : memref<1x40xi32, #tpu.memory_space<vmem>> -> memref<1x40xi32, #tpu.memory_space<vmem>>
      %dma_start3A_212 = tpu.memref_squeeze %dma_start3A_211 : memref<1x40xi32, #tpu.memory_space<vmem>> -> memref<40xi32, #tpu.memory_space<vmem>>
      %dma_start3A_213 = arith.constant 0 : i32
      %dma_start3A_214 = arith.constant 0 : i32
      %dma_start3A_215 = tpu.memref_slice %arg5[%arg0, %dma_start3A_213, %dma_start3A_214] : memref<2x10000x128xf32, #tpu.memory_space<hbm>> -> memref<1x10000x128xf32, #tpu.memory_space<hbm>>
      %dma_start3A_216 = tpu.memref_squeeze %dma_start3A_215 : memref<1x10000x128xf32, #tpu.memory_space<hbm>> -> memref<10000x128xf32, #tpu.memory_space<hbm>>
      %dma_start3A_217 = arith.constant 0 : i32
      %dma_start3A_218 = arith.constant 0 : i32
      %dma_start3A_219 = tpu.memref_slice %dma_start3A_216[%dma_start3A_217, %dma_start3A_218] : memref<10000x128xf32, #tpu.memory_space<hbm>> -> memref<10000x128xf32, #tpu.memory_space<hbm>>
      tpu.enqueue_indirect_dma source(%dma_start3A_219 : memref<10000x128xf32, #tpu.memory_space<hbm>>) target(%arg19 : memref<40x128xf32, #tpu.memory_space<vmem>>) offsets(%dma_start3A_212 : memref<40xi32, #tpu.memory_space<vmem>>) semaphore(%arg24 : memref<!tpu.dma_semaphore, #tpu.memory_space<semaphore_mem>>)
      %dma_start3A_220 = arith.constant 0 : i32
      %dma_start3A_221 = tpu.memref_slice %arg6[%arg0, %add3A_197, %dma_start3A_220] : memref<2x320000x64xf32, #tpu.memory_space<hbm>> -> memref<1x40x64xf32, #tpu.memory_space<hbm>>
      %dma_start3A_222 = tpu.memref_squeeze %dma_start3A_221 : memref<1x40x64xf32, #tpu.memory_space<hbm>> -> memref<40x64xf32, #tpu.memory_space<hbm>>
      %dma_start3A_223 = arith.constant 0 : i32
      %dma_start3A_224 = tpu.memref_slice %arg6[%arg0, %add3A_197, %dma_start3A_223] : memref<2x320000x64xf32, #tpu.memory_space<hbm>> -> memref<1x40x64xf32, #tpu.memory_space<hbm>>
      %dma_start3A_225 = tpu.memref_squeeze %dma_start3A_224 : memref<1x40x64xf32, #tpu.memory_space<hbm>> -> memref<40x64xf32, #tpu.memory_space<hbm>>
      tpu.enqueue_dma source(%dma_start3A_225 : memref<40x64xf32, #tpu.memory_space<hbm>>) target(%arg20 : memref<40x64xf32, #tpu.memory_space<vmem>>) target_semaphore(%arg24 : memref<!tpu.dma_semaphore, #tpu.memory_space<semaphore_mem>>)
      %dma_wait3A_226 = arith.constant 0 : i32
      %dma_wait3A_227 = arith.constant 0 : i32
      %dma_wait3A_228 = tpu.memref_slice %arg11[%dma_wait3A_226, %dma_wait3A_227] : memref<1x40xi32, #tpu.memory_space<vmem>> -> memref<1x40xi32, #tpu.memory_space<vmem>>
      %dma_wait3A_229 = tpu.memref_squeeze %dma_wait3A_228 : memref<1x40xi32, #tpu.memory_space<vmem>> -> memref<40xi32, #tpu.memory_space<vmem>>
      %dma_wait3A_230 = arith.constant 0 : i32
      %dma_wait3A_231 = arith.constant 0 : i32
      %dma_wait3A_232 = tpu.memref_slice %arg4[%arg0, %dma_wait3A_230, %dma_wait3A_231] : memref<2x10000x128xf32, #tpu.memory_space<hbm>> -> memref<1x10000x128xf32, #tpu.memory_space<hbm>>
      %dma_wait3A_233 = tpu.memref_squeeze %dma_wait3A_232 : memref<1x10000x128xf32, #tpu.memory_space<hbm>> -> memref<10000x128xf32, #tpu.memory_space<hbm>>
      %dma_wait3A_234 = arith.constant 0 : i32
      %dma_wait3A_235 = arith.constant 0 : i32
      %dma_wait3A_236 = tpu.memref_slice %dma_wait3A_233[%dma_wait3A_234, %dma_wait3A_235] : memref<10000x128xf32, #tpu.memory_space<hbm>> -> memref<10000x128xf32, #tpu.memory_space<hbm>>
      tpu.wait_indirect_dma semaphore(%arg23 : memref<!tpu.dma_semaphore, #tpu.memory_space<semaphore_mem>>) src(%dma_wait3A_236 : memref<10000x128xf32, #tpu.memory_space<hbm>>) dst(%arg13 : memref<40x128xf32, #tpu.memory_space<vmem>>)
      %dma_wait3A_237 = arith.constant 0 : i32
      %dma_wait3A_238 = arith.constant 0 : i32
      %dma_wait3A_239 = tpu.memref_slice %arg12[%dma_wait3A_237, %dma_wait3A_238] : memref<1x40xi32, #tpu.memory_space<vmem>> -> memref<1x40xi32, #tpu.memory_space<vmem>>
      %dma_wait3A_240 = tpu.memref_squeeze %dma_wait3A_239 : memref<1x40xi32, #tpu.memory_space<vmem>> -> memref<40xi32, #tpu.memory_space<vmem>>
      %dma_wait3A_241 = arith.constant 0 : i32
      %dma_wait3A_242 = arith.constant 0 : i32
      %dma_wait3A_243 = tpu.memref_slice %arg5[%arg0, %dma_wait3A_241, %dma_wait3A_242] : memref<2x10000x128xf32, #tpu.memory_space<hbm>> -> memref<1x10000x128xf32, #tpu.memory_space<hbm>>
      %dma_wait3A_244 = tpu.memref_squeeze %dma_wait3A_243 : memref<1x10000x128xf32, #tpu.memory_space<hbm>> -> memref<10000x128xf32, #tpu.memory_space<hbm>>
      %dma_wait3A_245 = arith.constant 0 : i32
      %dma_wait3A_246 = arith.constant 0 : i32
      %dma_wait3A_247 = tpu.memref_slice %dma_wait3A_244[%dma_wait3A_245, %dma_wait3A_246] : memref<10000x128xf32, #tpu.memory_space<hbm>> -> memref<10000x128xf32, #tpu.memory_space<hbm>>
      tpu.wait_indirect_dma semaphore(%arg23 : memref<!tpu.dma_semaphore, #tpu.memory_space<semaphore_mem>>) src(%dma_wait3A_247 : memref<10000x128xf32, #tpu.memory_space<hbm>>) dst(%arg14 : memref<40x128xf32, #tpu.memory_space<vmem>>)
      %dma_wait3A_248 = arith.constant 0 : i32
      %dma_wait3A_249 = arith.constant 0 : i32
      %dma_wait3A_250 = tpu.memref_slice %arg6[%arg0, %dma_wait3A_248, %dma_wait3A_249] : memref<2x320000x64xf32, #tpu.memory_space<hbm>> -> memref<1x40x64xf32, #tpu.memory_space<hbm>>
      %dma_wait3A_251 = tpu.memref_squeeze %dma_wait3A_250 : memref<1x40x64xf32, #tpu.memory_space<hbm>> -> memref<40x64xf32, #tpu.memory_space<hbm>>
      %dma_wait3A_252 = arith.constant 0 : i32
      %dma_wait3A_253 = arith.constant 0 : i32
      %dma_wait3A_254 = tpu.memref_slice %arg6[%arg0, %dma_wait3A_252, %dma_wait3A_253] : memref<2x320000x64xf32, #tpu.memory_space<hbm>> -> memref<1x40x64xf32, #tpu.memory_space<hbm>>
      %dma_wait3A_255 = tpu.memref_squeeze %dma_wait3A_254 : memref<1x40x64xf32, #tpu.memory_space<hbm>> -> memref<40x64xf32, #tpu.memory_space<hbm>>
      tpu.wait_dma2 semaphore(%arg23 : memref<!tpu.dma_semaphore, #tpu.memory_space<semaphore_mem>>) src(%dma_wait3A_255 : memref<40x64xf32, #tpu.memory_space<hbm>>) dst(%arg15 : memref<40x64xf32, #tpu.memory_space<vmem>>)
      %scan3A_256 = arith.constant 0 : i32
      %scan3A_257 = arith.constant 10 : i32
      %scan3A_258 = arith.addi %scan3A_256, %scan3A_257 : i32
      %scan3A_259 = arith.constant 1 : i32
      %scan3A_260:8 = scf.for %scan3A_375 = %scan3A_256 to %scan3A_258 step %scan3A_259 iter_args(%scan3A_376 = %scan3A_161, %scan3A_377 = %scan3A_162, %scan3A_378 = %scan3A_163, %scan3A_379 = %scan3A_164, %scan3A_380 = %scan3A_165, %scan3A_381 = %scan3A_166, %scan3A_382 = %scan3A_167, %scan3A_383 = %scan3A_168) -> (vector<16xf32>, vector<16xf32>, vector<16xf32>, vector<16xf32>, vector<16xf32>, vector<16xf32>, vector<16xf32>, vector<16xf32>)  : i32 {
        %mul3A_384 = arith.constant 4 : i32
        %mul3A_385 = arith.muli %scan3A_375, %mul3A_384 : i32
        %add3A_386 = arith.constant 0 : i32
        %add3A_387 = arith.addi %mul3A_385, %add3A_386 : i32
        %get3A = arith.index_cast %add3A_387 : i32 to index
        %get3A_388 = arith.constant 0 : index
        %get3A_389 = tpu.vector_load %arg13[%get3A, %get3A_388] {strides = array<i32>} : memref<40x128xf32, #tpu.memory_space<vmem>>, vector<1x16xf32>,
        %get3A_390 = vector.shape_cast %get3A_389 : vector<1x16xf32> to vector<16xf32>
        %get3A_391 = arith.index_cast %add3A_387 : i32 to index
        %get3A_392 = arith.constant 0 : index
        %get3A_393 = tpu.vector_load %arg14[%get3A_391, %get3A_392] {strides = array<i32>} : memref<40x128xf32, #tpu.memory_space<vmem>>, vector<1x16xf32>,
        %get3A_394 = vector.shape_cast %get3A_393 : vector<1x16xf32> to vector<16xf32>
        %add3A_395 = arith.addf %get3A_390, %get3A_394 : vector<16xf32>
        %get3A_396 = arith.index_cast %add3A_387 : i32 to index
        %get3A_397 = arith.constant 0 : index
        %get3A_398 = tpu.vector_load %arg15[%get3A_396, %get3A_397] {strides = array<i32>} : memref<40x64xf32, #tpu.memory_space<vmem>>, vector<1x16xf32>,
        %get3A_399 = vector.shape_cast %get3A_398 : vector<1x16xf32> to vector<16xf32>
        %add3A_400 = arith.addf %add3A_395, %get3A_399 : vector<16xf32>
        %swap3A_401 = arith.index_cast %add3A_387 : i32 to index
        %swap3A_402 = arith.constant 0 : index
        %swap3A_403 = tpu.vector_load %arg15[%swap3A_401, %swap3A_402] {strides = array<i32>} : memref<40x64xf32, #tpu.memory_space<vmem>>, vector<1x16xf32>,
        %swap3A_404 = vector.shape_cast %swap3A_403 : vector<1x16xf32> to vector<16xf32>
        %swap3A_405 = vector.shape_cast %add3A_400 : vector<16xf32> to vector<1x16xf32>
        tpu.vector_store %arg15[%swap3A_401, %swap3A_402], %swap3A_405 {strides = array<i32>} : memref<40x64xf32, #tpu.memory_space<vmem>>, vector<1x16xf32>,
        %neg3A = arith.constant 0.000000e+00 : f32
        %neg3A_406 = vector.broadcast %neg3A : f32 to vector<16xf32>
        %neg3A_407 = arith.subf %neg3A_406, %add3A_400 : vector<16xf32>
        %exp3A = math.exp %neg3A_407 : vector<16xf32>
        %add3A_408 = arith.constant 1.000000e+00 : f32
        %add3A_409 = vector.broadcast %add3A_408 : f32 to vector<16xf32>
        %add3A_410 = arith.addf %add3A_409, %exp3A : vector<16xf32>
        %div3A = arith.constant 1.000000e+00 : f32
        %div3A_411 = vector.broadcast %div3A : f32 to vector<16xf32>
        %div3A_412 = arith.divf %div3A_411, %add3A_410 : vector<16xf32>
        %get3A_413 = arith.index_cast %add3A_387 : i32 to index
        %get3A_414 = arith.constant 64 : index
        %get3A_415 = tpu.vector_load %arg13[%get3A_413, %get3A_414] {strides = array<i32>} : memref<40x128xf32, #tpu.memory_space<vmem>>, vector<1x16xf32>,
        %get3A_416 = vector.shape_cast %get3A_415 : vector<1x16xf32> to vector<16xf32>
        %mul3A_417 = arith.mulf %get3A_416, %div3A_412 : vector<16xf32>
        %swap3A_418 = arith.index_cast %add3A_387 : i32 to index
        %swap3A_419 = arith.constant 0 : index
        %swap3A_420 = tpu.vector_load %arg13[%swap3A_418, %swap3A_419] {strides = array<i32>} : memref<40x128xf32, #tpu.memory_space<vmem>>, vector<1x16xf32>,
        %swap3A_421 = vector.shape_cast %swap3A_420 : vector<1x16xf32> to vector<16xf32>
        %swap3A_422 = vector.shape_cast %mul3A_417 : vector<16xf32> to vector<1x16xf32>
        tpu.vector_store %arg13[%swap3A_418, %swap3A_419], %swap3A_422 {strides = array<i32>} : memref<40x128xf32, #tpu.memory_space<vmem>>, vector<1x16xf32>,
        %swap3A_423 = arith.index_cast %add3A_387 : i32 to index
        %swap3A_424 = arith.constant 64 : index
        %swap3A_425 = tpu.vector_load %arg13[%swap3A_423, %swap3A_424] {strides = array<i32>} : memref<40x128xf32, #tpu.memory_space<vmem>>, vector<1x16xf32>,
        %swap3A_426 = vector.shape_cast %swap3A_425 : vector<1x16xf32> to vector<16xf32>
        %swap3A_427 = vector.shape_cast %div3A_412 : vector<16xf32> to vector<1x16xf32>
        tpu.vector_store %arg13[%swap3A_423, %swap3A_424], %swap3A_427 {strides = array<i32>} : memref<40x128xf32, #tpu.memory_space<vmem>>, vector<1x16xf32>,
        %add3A_428 = arith.addf %scan3A_376, %add3A_400 : vector<16xf32>
        %mul3A_429 = arith.mulf %add3A_400, %add3A_400 : vector<16xf32>
        %add3A_430 = arith.addf %scan3A_380, %mul3A_429 : vector<16xf32>
        %get3A_431 = arith.index_cast %add3A_387 : i32 to index
        %get3A_432 = arith.constant 16 : index
        %get3A_433 = tpu.vector_load %arg13[%get3A_431, %get3A_432] {strides = array<i32>} : memref<40x128xf32, #tpu.memory_space<vmem>>, vector<1x16xf32>,
        %get3A_434 = vector.shape_cast %get3A_433 : vector<1x16xf32> to vector<16xf32>
        %get3A_435 = arith.index_cast %add3A_387 : i32 to index
        %get3A_436 = arith.constant 16 : index
        %get3A_437 = tpu.vector_load %arg14[%get3A_435, %get3A_436] {strides = array<i32>} : memref<40x128xf32, #tpu.memory_space<vmem>>, vector<1x16xf32>,
        %get3A_438 = vector.shape_cast %get3A_437 : vector<1x16xf32> to vector<16xf32>
        %add3A_439 = arith.addf %get3A_434, %get3A_438 : vector<16xf32>
        %get3A_440 = arith.index_cast %add3A_387 : i32 to index
        %get3A_441 = arith.constant 16 : index
        %get3A_442 = tpu.vector_load %arg15[%get3A_440, %get3A_441] {strides = array<i32>} : memref<40x64xf32, #tpu.memory_space<vmem>>, vector<1x16xf32>,
        %get3A_443 = vector.shape_cast %get3A_442 : vector<1x16xf32> to vector<16xf32>
        %add3A_444 = arith.addf %add3A_439, %get3A_443 : vector<16xf32>
        %swap3A_445 = arith.index_cast %add3A_387 : i32 to index
        %swap3A_446 = arith.constant 16 : index
        %swap3A_447 = tpu.vector_load %arg15[%swap3A_445, %swap3A_446] {strides = array<i32>} : memref<40x64xf32, #tpu.memory_space<vmem>>, vector<1x16xf32>,
        %swap3A_448 = vector.shape_cast %swap3A_447 : vector<1x16xf32> to vector<16xf32>
        %swap3A_449 = vector.shape_cast %add3A_444 : vector<16xf32> to vector<1x16xf32>
        tpu.vector_store %arg15[%swap3A_445, %swap3A_446], %swap3A_449 {strides = array<i32>} : memref<40x64xf32, #tpu.memory_space<vmem>>, vector<1x16xf32>,
        %neg3A_450 = arith.constant 0.000000e+00 : f32
        %neg3A_451 = vector.broadcast %neg3A_450 : f32 to vector<16xf32>
        %neg3A_452 = arith.subf %neg3A_451, %add3A_444 : vector<16xf32>
        %exp3A_453 = math.exp %neg3A_452 : vector<16xf32>
        %add3A_454 = arith.constant 1.000000e+00 : f32
        %add3A_455 = vector.broadcast %add3A_454 : f32 to vector<16xf32>
        %add3A_456 = arith.addf %add3A_455, %exp3A_453 : vector<16xf32>
        %div3A_457 = arith.constant 1.000000e+00 : f32
        %div3A_458 = vector.broadcast %div3A_457 : f32 to vector<16xf32>
        %div3A_459 = arith.divf %div3A_458, %add3A_456 : vector<16xf32>
        %get3A_460 = arith.index_cast %add3A_387 : i32 to index
        %get3A_461 = arith.constant 80 : index
        %get3A_462 = tpu.vector_load %arg13[%get3A_460, %get3A_461] {strides = array<i32>} : memref<40x128xf32, #tpu.memory_space<vmem>>, vector<1x16xf32>,
        %get3A_463 = vector.shape_cast %get3A_462 : vector<1x16xf32> to vector<16xf32>
        %mul3A_464 = arith.mulf %get3A_463, %div3A_459 : vector<16xf32>
        %swap3A_465 = arith.index_cast %add3A_387 : i32 to index
        %swap3A_466 = arith.constant 16 : index
        %swap3A_467 = tpu.vector_load %arg13[%swap3A_465, %swap3A_466] {strides = array<i32>} : memref<40x128xf32, #tpu.memory_space<vmem>>, vector<1x16xf32>,
        %swap3A_468 = vector.shape_cast %swap3A_467 : vector<1x16xf32> to vector<16xf32>
        %swap3A_469 = vector.shape_cast %mul3A_464 : vector<16xf32> to vector<1x16xf32>
        tpu.vector_store %arg13[%swap3A_465, %swap3A_466], %swap3A_469 {strides = array<i32>} : memref<40x128xf32, #tpu.memory_space<vmem>>, vector<1x16xf32>,
        %swap3A_470 = arith.index_cast %add3A_387 : i32 to index
        %swap3A_471 = arith.constant 80 : index
        %swap3A_472 = tpu.vector_load %arg13[%swap3A_470, %swap3A_471] {strides = array<i32>} : memref<40x128xf32, #tpu.memory_space<vmem>>, vector<1x16xf32>,
        %swap3A_473 = vector.shape_cast %swap3A_472 : vector<1x16xf32> to vector<16xf32>
        %swap3A_474 = vector.shape_cast %div3A_459 : vector<16xf32> to vector<1x16xf32>
        tpu.vector_store %arg13[%swap3A_470, %swap3A_471], %swap3A_474 {strides = array<i32>} : memref<40x128xf32, #tpu.memory_space<vmem>>, vector<1x16xf32>,
        %add3A_475 = arith.addf %scan3A_377, %add3A_444 : vector<16xf32>
        %mul3A_476 = arith.mulf %add3A_444, %add3A_444 : vector<16xf32>
        %add3A_477 = arith.addf %scan3A_381, %mul3A_476 : vector<16xf32>
        %get3A_478 = arith.index_cast %add3A_387 : i32 to index
        %get3A_479 = arith.constant 32 : index
        %get3A_480 = tpu.vector_load %arg13[%get3A_478, %get3A_479] {strides = array<i32>} : memref<40x128xf32, #tpu.memory_space<vmem>>, vector<1x16xf32>,
        %get3A_481 = vector.shape_cast %get3A_480 : vector<1x16xf32> to vector<16xf32>
        %get3A_482 = arith.index_cast %add3A_387 : i32 to index
        %get3A_483 = arith.constant 32 : index
        %get3A_484 = tpu.vector_load %arg14[%get3A_482, %get3A_483] {strides = array<i32>} : memref<40x128xf32, #tpu.memory_space<vmem>>, vector<1x16xf32>,
        %get3A_485 = vector.shape_cast %get3A_484 : vector<1x16xf32> to vector<16xf32>
        %add3A_486 = arith.addf %get3A_481, %get3A_485 : vector<16xf32>
        %get3A_487 = arith.index_cast %add3A_387 : i32 to index
        %get3A_488 = arith.constant 32 : index
        %get3A_489 = tpu.vector_load %arg15[%get3A_487, %get3A_488] {strides = array<i32>} : memref<40x64xf32, #tpu.memory_space<vmem>>, vector<1x16xf32>,
        %get3A_490 = vector.shape_cast %get3A_489 : vector<1x16xf32> to vector<16xf32>
        %add3A_491 = arith.addf %add3A_486, %get3A_490 : vector<16xf32>
        %swap3A_492 = arith.index_cast %add3A_387 : i32 to index
        %swap3A_493 = arith.constant 32 : index
        %swap3A_494 = tpu.vector_load %arg15[%swap3A_492, %swap3A_493] {strides = array<i32>} : memref<40x64xf32, #tpu.memory_space<vmem>>, vector<1x16xf32>,
        %swap3A_495 = vector.shape_cast %swap3A_494 : vector<1x16xf32> to vector<16xf32>
        %swap3A_496 = vector.shape_cast %add3A_491 : vector<16xf32> to vector<1x16xf32>
        tpu.vector_store %arg15[%swap3A_492, %swap3A_493], %swap3A_496 {strides = array<i32>} : memref<40x64xf32, #tpu.memory_space<vmem>>, vector<1x16xf32>,
        %neg3A_497 = arith.constant 0.000000e+00 : f32
        %neg3A_498 = vector.broadcast %neg3A_497 : f32 to vector<16xf32>
        %neg3A_499 = arith.subf %neg3A_498, %add3A_491 : vector<16xf32>
        %exp3A_500 = math.exp %neg3A_499 : vector<16xf32>
        %add3A_501 = arith.constant 1.000000e+00 : f32
        %add3A_502 = vector.broadcast %add3A_501 : f32 to vector<16xf32>
        %add3A_503 = arith.addf %add3A_502, %exp3A_500 : vector<16xf32>
        %div3A_504 = arith.constant 1.000000e+00 : f32
        %div3A_505 = vector.broadcast %div3A_504 : f32 to vector<16xf32>
        %div3A_506 = arith.divf %div3A_505, %add3A_503 : vector<16xf32>
        %get3A_507 = arith.index_cast %add3A_387 : i32 to index
        %get3A_508 = arith.constant 96 : index
        %get3A_509 = tpu.vector_load %arg13[%get3A_507, %get3A_508] {strides = array<i32>} : memref<40x128xf32, #tpu.memory_space<vmem>>, vector<1x16xf32>,
        %get3A_510 = vector.shape_cast %get3A_509 : vector<1x16xf32> to vector<16xf32>
        %mul3A_511 = arith.mulf %get3A_510, %div3A_506 : vector<16xf32>
        %swap3A_512 = arith.index_cast %add3A_387 : i32 to index
        %swap3A_513 = arith.constant 32 : index
        %swap3A_514 = tpu.vector_load %arg13[%swap3A_512, %swap3A_513] {strides = array<i32>} : memref<40x128xf32, #tpu.memory_space<vmem>>, vector<1x16xf32>,
        %swap3A_515 = vector.shape_cast %swap3A_514 : vector<1x16xf32> to vector<16xf32>
        %swap3A_516 = vector.shape_cast %mul3A_511 : vector<16xf32> to vector<1x16xf32>
        tpu.vector_store %arg13[%swap3A_512, %swap3A_513], %swap3A_516 {strides = array<i32>} : memref<40x128xf32, #tpu.memory_space<vmem>>, vector<1x16xf32>,
        %swap3A_517 = arith.index_cast %add3A_387 : i32 to index
        %swap3A_518 = arith.constant 96 : index
        %swap3A_519 = tpu.vector_load %arg13[%swap3A_517, %swap3A_518] {strides = array<i32>} : memref<40x128xf32, #tpu.memory_space<vmem>>, vector<1x16xf32>,
        %swap3A_520 = vector.shape_cast %swap3A_519 : vector<1x16xf32> to vector<16xf32>
        %swap3A_521 = vector.shape_cast %div3A_506 : vector<16xf32> to vector<1x16xf32>
        tpu.vector_store %arg13[%swap3A_517, %swap3A_518], %swap3A_521 {strides = array<i32>} : memref<40x128xf32, #tpu.memory_space<vmem>>, vector<1x16xf32>,
        %add3A_522 = arith.addf %scan3A_378, %add3A_491 : vector<16xf32>
        %mul3A_523 = arith.mulf %add3A_491, %add3A_491 : vector<16xf32>
        %add3A_524 = arith.addf %scan3A_382, %mul3A_523 : vector<16xf32>
        %get3A_525 = arith.index_cast %add3A_387 : i32 to index
        %get3A_526 = arith.constant 48 : index
        %get3A_527 = tpu.vector_load %arg13[%get3A_525, %get3A_526] {strides = array<i32>} : memref<40x128xf32, #tpu.memory_space<vmem>>, vector<1x16xf32>,
        %get3A_528 = vector.shape_cast %get3A_527 : vector<1x16xf32> to vector<16xf32>
        %get3A_529 = arith.index_cast %add3A_387 : i32 to index
        %get3A_530 = arith.constant 48 : index
        %get3A_531 = tpu.vector_load %arg14[%get3A_529, %get3A_530] {strides = array<i32>} : memref<40x128xf32, #tpu.memory_space<vmem>>, vector<1x16xf32>,
        %get3A_532 = vector.shape_cast %get3A_531 : vector<1x16xf32> to vector<16xf32>
        %add3A_533 = arith.addf %get3A_528, %get3A_532 : vector<16xf32>
        %get3A_534 = arith.index_cast %add3A_387 : i32 to index
        %get3A_535 = arith.constant 48 : index
        %get3A_536 = tpu.vector_load %arg15[%get3A_534, %get3A_535] {strides = array<i32>} : memref<40x64xf32, #tpu.memory_space<vmem>>, vector<1x16xf32>,
        %get3A_537 = vector.shape_cast %get3A_536 : vector<1x16xf32> to vector<16xf32>
        %add3A_538 = arith.addf %add3A_533, %get3A_537 : vector<16xf32>
        %swap3A_539 = arith.index_cast %add3A_387 : i32 to index
        %swap3A_540 = arith.constant 48 : index
        %swap3A_541 = tpu.vector_load %arg15[%swap3A_539, %swap3A_540] {strides = array<i32>} : memref<40x64xf32, #tpu.memory_space<vmem>>, vector<1x16xf32>,
        %swap3A_542 = vector.shape_cast %swap3A_541 : vector<1x16xf32> to vector<16xf32>
        %swap3A_543 = vector.shape_cast %add3A_538 : vector<16xf32> to vector<1x16xf32>
        tpu.vector_store %arg15[%swap3A_539, %swap3A_540], %swap3A_543 {strides = array<i32>} : memref<40x64xf32, #tpu.memory_space<vmem>>, vector<1x16xf32>,
        %neg3A_544 = arith.constant 0.000000e+00 : f32
        %neg3A_545 = vector.broadcast %neg3A_544 : f32 to vector<16xf32>
        %neg3A_546 = arith.subf %neg3A_545, %add3A_538 : vector<16xf32>
        %exp3A_547 = math.exp %neg3A_546 : vector<16xf32>
        %add3A_548 = arith.constant 1.000000e+00 : f32
        %add3A_549 = vector.broadcast %add3A_548 : f32 to vector<16xf32>
        %add3A_550 = arith.addf %add3A_549, %exp3A_547 : vector<16xf32>
        %div3A_551 = arith.constant 1.000000e+00 : f32
        %div3A_552 = vector.broadcast %div3A_551 : f32 to vector<16xf32>
        %div3A_553 = arith.divf %div3A_552, %add3A_550 : vector<16xf32>
        %get3A_554 = arith.index_cast %add3A_387 : i32 to index
        %get3A_555 = arith.constant 112 : index
        %get3A_556 = tpu.vector_load %arg13[%get3A_554, %get3A_555] {strides = array<i32>} : memref<40x128xf32, #tpu.memory_space<vmem>>, vector<1x16xf32>,
        %get3A_557 = vector.shape_cast %get3A_556 : vector<1x16xf32> to vector<16xf32>
        %mul3A_558 = arith.mulf %get3A_557, %div3A_553 : vector<16xf32>
        %swap3A_559 = arith.index_cast %add3A_387 : i32 to index
        %swap3A_560 = arith.constant 48 : index
        %swap3A_561 = tpu.vector_load %arg13[%swap3A_559, %swap3A_560] {strides = array<i32>} : memref<40x128xf32, #tpu.memory_space<vmem>>, vector<1x16xf32>,
        %swap3A_562 = vector.shape_cast %swap3A_561 : vector<1x16xf32> to vector<16xf32>
        %swap3A_563 = vector.shape_cast %mul3A_558 : vector<16xf32> to vector<1x16xf32>
        tpu.vector_store %arg13[%swap3A_559, %swap3A_560], %swap3A_563 {strides = array<i32>} : memref<40x128xf32, #tpu.memory_space<vmem>>, vector<1x16xf32>,
        %swap3A_564 = arith.index_cast %add3A_387 : i32 to index
        %swap3A_565 = arith.constant 112 : index
        %swap3A_566 = tpu.vector_load %arg13[%swap3A_564, %swap3A_565] {strides = array<i32>} : memref<40x128xf32, #tpu.memory_space<vmem>>, vector<1x16xf32>,
        %swap3A_567 = vector.shape_cast %swap3A_566 : vector<1x16xf32> to vector<16xf32>
        %swap3A_568 = vector.shape_cast %div3A_553 : vector<16xf32> to vector<1x16xf32>
        tpu.vector_store %arg13[%swap3A_564, %swap3A_565], %swap3A_568 {strides = array<i32>} : memref<40x128xf32, #tpu.memory_space<vmem>>, vector<1x16xf32>,
        %add3A_569 = arith.addf %scan3A_379, %add3A_538 : vector<16xf32>
        %mul3A_570 = arith.mulf %add3A_538, %add3A_538 : vector<16xf32>
        %add3A_571 = arith.addf %scan3A_383, %mul3A_570 : vector<16xf32>
        %mul3A_572 = arith.constant 4 : i32
        %mul3A_573 = arith.muli %scan3A_375, %mul3A_572 : i32
        %add3A_574 = arith.constant 1 : i32
        %add3A_575 = arith.addi %mul3A_573, %add3A_574 : i32
        %get3A_576 = arith.index_cast %add3A_575 : i32 to index
        %get3A_577 = arith.constant 0 : index
        %get3A_578 = tpu.vector_load %arg13[%get3A_576, %get3A_577] {strides = array<i32>} : memref<40x128xf32, #tpu.memory_space<vmem>>, vector<1x16xf32>,
        %get3A_579 = vector.shape_cast %get3A_578 : vector<1x16xf32> to vector<16xf32>
        %get3A_580 = arith.index_cast %add3A_575 : i32 to index
        %get3A_581 = arith.constant 0 : index
        %get3A_582 = tpu.vector_load %arg14[%get3A_580, %get3A_581] {strides = array<i32>} : memref<40x128xf32, #tpu.memory_space<vmem>>, vector<1x16xf32>,
        %get3A_583 = vector.shape_cast %get3A_582 : vector<1x16xf32> to vector<16xf32>
        %add3A_584 = arith.addf %get3A_579, %get3A_583 : vector<16xf32>
        %get3A_585 = arith.index_cast %add3A_575 : i32 to index
        %get3A_586 = arith.constant 0 : index
        %get3A_587 = tpu.vector_load %arg15[%get3A_585, %get3A_586] {strides = array<i32>} : memref<40x64xf32, #tpu.memory_space<vmem>>, vector<1x16xf32>,
        %get3A_588 = vector.shape_cast %get3A_587 : vector<1x16xf32> to vector<16xf32>
        %add3A_589 = arith.addf %add3A_584, %get3A_588 : vector<16xf32>
        %swap3A_590 = arith.index_cast %add3A_575 : i32 to index
        %swap3A_591 = arith.constant 0 : index
        %swap3A_592 = tpu.vector_load %arg15[%swap3A_590, %swap3A_591] {strides = array<i32>} : memref<40x64xf32, #tpu.memory_space<vmem>>, vector<1x16xf32>,
        %swap3A_593 = vector.shape_cast %swap3A_592 : vector<1x16xf32> to vector<16xf32>
        %swap3A_594 = vector.shape_cast %add3A_589 : vector<16xf32> to vector<1x16xf32>
        tpu.vector_store %arg15[%swap3A_590, %swap3A_591], %swap3A_594 {strides = array<i32>} : memref<40x64xf32, #tpu.memory_space<vmem>>, vector<1x16xf32>,
        %neg3A_595 = arith.constant 0.000000e+00 : f32
        %neg3A_596 = vector.broadcast %neg3A_595 : f32 to vector<16xf32>
        %neg3A_597 = arith.subf %neg3A_596, %add3A_589 : vector<16xf32>
        %exp3A_598 = math.exp %neg3A_597 : vector<16xf32>
        %add3A_599 = arith.constant 1.000000e+00 : f32
        %add3A_600 = vector.broadcast %add3A_599 : f32 to vector<16xf32>
        %add3A_601 = arith.addf %add3A_600, %exp3A_598 : vector<16xf32>
        %div3A_602 = arith.constant 1.000000e+00 : f32
        %div3A_603 = vector.broadcast %div3A_602 : f32 to vector<16xf32>
        %div3A_604 = arith.divf %div3A_603, %add3A_601 : vector<16xf32>
        %get3A_605 = arith.index_cast %add3A_575 : i32 to index
        %get3A_606 = arith.constant 64 : index
        %get3A_607 = tpu.vector_load %arg13[%get3A_605, %get3A_606] {strides = array<i32>} : memref<40x128xf32, #tpu.memory_space<vmem>>, vector<1x16xf32>,
        %get3A_608 = vector.shape_cast %get3A_607 : vector<1x16xf32> to vector<16xf32>
        %mul3A_609 = arith.mulf %get3A_608, %div3A_604 : vector<16xf32>
        %swap3A_610 = arith.index_cast %add3A_575 : i32 to index
        %swap3A_611 = arith.constant 0 : index
        %swap3A_612 = tpu.vector_load %arg13[%swap3A_610, %swap3A_611] {strides = array<i32>} : memref<40x128xf32, #tpu.memory_space<vmem>>, vector<1x16xf32>,
        %swap3A_613 = vector.shape_cast %swap3A_612 : vector<1x16xf32> to vector<16xf32>
        %swap3A_614 = vector.shape_cast %mul3A_609 : vector<16xf32> to vector<1x16xf32>
        tpu.vector_store %arg13[%swap3A_610, %swap3A_611], %swap3A_614 {strides = array<i32>} : memref<40x128xf32, #tpu.memory_space<vmem>>, vector<1x16xf32>,
        %swap3A_615 = arith.index_cast %add3A_575 : i32 to index
        %swap3A_616 = arith.constant 64 : index
        %swap3A_617 = tpu.vector_load %arg13[%swap3A_615, %swap3A_616] {strides = array<i32>} : memref<40x128xf32, #tpu.memory_space<vmem>>, vector<1x16xf32>,
        %swap3A_618 = vector.shape_cast %swap3A_617 : vector<1x16xf32> to vector<16xf32>
        %swap3A_619 = vector.shape_cast %div3A_604 : vector<16xf32> to vector<1x16xf32>
        tpu.vector_store %arg13[%swap3A_615, %swap3A_616], %swap3A_619 {strides = array<i32>} : memref<40x128xf32, #tpu.memory_space<vmem>>, vector<1x16xf32>,
        %add3A_620 = arith.addf %add3A_428, %add3A_589 : vector<16xf32>
        %mul3A_621 = arith.mulf %add3A_589, %add3A_589 : vector<16xf32>
        %add3A_622 = arith.addf %add3A_430, %mul3A_621 : vector<16xf32>
        %get3A_623 = arith.index_cast %add3A_575 : i32 to index
        %get3A_624 = arith.constant 16 : index
        %get3A_625 = tpu.vector_load %arg13[%get3A_623, %get3A_624] {strides = array<i32>} : memref<40x128xf32, #tpu.memory_space<vmem>>, vector<1x16xf32>,
        %get3A_626 = vector.shape_cast %get3A_625 : vector<1x16xf32> to vector<16xf32>
        %get3A_627 = arith.index_cast %add3A_575 : i32 to index
        %get3A_628 = arith.constant 16 : index
        %get3A_629 = tpu.vector_load %arg14[%get3A_627, %get3A_628] {strides = array<i32>} : memref<40x128xf32, #tpu.memory_space<vmem>>, vector<1x16xf32>,
        %get3A_630 = vector.shape_cast %get3A_629 : vector<1x16xf32> to vector<16xf32>
        %add3A_631 = arith.addf %get3A_626, %get3A_630 : vector<16xf32>
        %get3A_632 = arith.index_cast %add3A_575 : i32 to index
        %get3A_633 = arith.constant 16 : index
        %get3A_634 = tpu.vector_load %arg15[%get3A_632, %get3A_633] {strides = array<i32>} : memref<40x64xf32, #tpu.memory_space<vmem>>, vector<1x16xf32>,
        %get3A_635 = vector.shape_cast %get3A_634 : vector<1x16xf32> to vector<16xf32>
        %add3A_636 = arith.addf %add3A_631, %get3A_635 : vector<16xf32>
        %swap3A_637 = arith.index_cast %add3A_575 : i32 to index
        %swap3A_638 = arith.constant 16 : index
        %swap3A_639 = tpu.vector_load %arg15[%swap3A_637, %swap3A_638] {strides = array<i32>} : memref<40x64xf32, #tpu.memory_space<vmem>>, vector<1x16xf32>,
        %swap3A_640 = vector.shape_cast %swap3A_639 : vector<1x16xf32> to vector<16xf32>
        %swap3A_641 = vector.shape_cast %add3A_636 : vector<16xf32> to vector<1x16xf32>
        tpu.vector_store %arg15[%swap3A_637, %swap3A_638], %swap3A_641 {strides = array<i32>} : memref<40x64xf32, #tpu.memory_space<vmem>>, vector<1x16xf32>,
        %neg3A_642 = arith.constant 0.000000e+00 : f32
        %neg3A_643 = vector.broadcast %neg3A_642 : f32 to vector<16xf32>
        %neg3A_644 = arith.subf %neg3A_643, %add3A_636 : vector<16xf32>
        %exp3A_645 = math.exp %neg3A_644 : vector<16xf32>
        %add3A_646 = arith.constant 1.000000e+00 : f32
        %add3A_647 = vector.broadcast %add3A_646 : f32 to vector<16xf32>
        %add3A_648 = arith.addf %add3A_647, %exp3A_645 : vector<16xf32>
        %div3A_649 = arith.constant 1.000000e+00 : f32
        %div3A_650 = vector.broadcast %div3A_649 : f32 to vector<16xf32>
        %div3A_651 = arith.divf %div3A_650, %add3A_648 : vector<16xf32>
        %get3A_652 = arith.index_cast %add3A_575 : i32 to index
        %get3A_653 = arith.constant 80 : index
        %get3A_654 = tpu.vector_load %arg13[%get3A_652, %get3A_653] {strides = array<i32>} : memref<40x128xf32, #tpu.memory_space<vmem>>, vector<1x16xf32>,
        %get3A_655 = vector.shape_cast %get3A_654 : vector<1x16xf32> to vector<16xf32>
        %mul3A_656 = arith.mulf %get3A_655, %div3A_651 : vector<16xf32>
        %swap3A_657 = arith.index_cast %add3A_575 : i32 to index
        %swap3A_658 = arith.constant 16 : index
        %swap3A_659 = tpu.vector_load %arg13[%swap3A_657, %swap3A_658] {strides = array<i32>} : memref<40x128xf32, #tpu.memory_space<vmem>>, vector<1x16xf32>,
        %swap3A_660 = vector.shape_cast %swap3A_659 : vector<1x16xf32> to vector<16xf32>
        %swap3A_661 = vector.shape_cast %mul3A_656 : vector<16xf32> to vector<1x16xf32>
        tpu.vector_store %arg13[%swap3A_657, %swap3A_658], %swap3A_661 {strides = array<i32>} : memref<40x128xf32, #tpu.memory_space<vmem>>, vector<1x16xf32>,
        %swap3A_662 = arith.index_cast %add3A_575 : i32 to index
        %swap3A_663 = arith.constant 80 : index
        %swap3A_664 = tpu.vector_load %arg13[%swap3A_662, %swap3A_663] {strides = array<i32>} : memref<40x128xf32, #tpu.memory_space<vmem>>, vector<1x16xf32>,
        %swap3A_665 = vector.shape_cast %swap3A_664 : vector<1x16xf32> to vector<16xf32>
        %swap3A_666 = vector.shape_cast %div3A_651 : vector<16xf32> to vector<1x16xf32>
        tpu.vector_store %arg13[%swap3A_662, %swap3A_663], %swap3A_666 {strides = array<i32>} : memref<40x128xf32, #tpu.memory_space<vmem>>, vector<1x16xf32>,
        %add3A_667 = arith.addf %add3A_475, %add3A_636 : vector<16xf32>
        %mul3A_668 = arith.mulf %add3A_636, %add3A_636 : vector<16xf32>
        %add3A_669 = arith.addf %add3A_477, %mul3A_668 : vector<16xf32>
        %get3A_670 = arith.index_cast %add3A_575 : i32 to index
        %get3A_671 = arith.constant 32 : index
        %get3A_672 = tpu.vector_load %arg13[%get3A_670, %get3A_671] {strides = array<i32>} : memref<40x128xf32, #tpu.memory_space<vmem>>, vector<1x16xf32>,
        %get3A_673 = vector.shape_cast %get3A_672 : vector<1x16xf32> to vector<16xf32>
        %get3A_674 = arith.index_cast %add3A_575 : i32 to index
        %get3A_675 = arith.constant 32 : index
        %get3A_676 = tpu.vector_load %arg14[%get3A_674, %get3A_675] {strides = array<i32>} : memref<40x128xf32, #tpu.memory_space<vmem>>, vector<1x16xf32>,
        %get3A_677 = vector.shape_cast %get3A_676 : vector<1x16xf32> to vector<16xf32>
        %add3A_678 = arith.addf %get3A_673, %get3A_677 : vector<16xf32>
        %get3A_679 = arith.index_cast %add3A_575 : i32 to index
        %get3A_680 = arith.constant 32 : index
        %get3A_681 = tpu.vector_load %arg15[%get3A_679, %get3A_680] {strides = array<i32>} : memref<40x64xf32, #tpu.memory_space<vmem>>, vector<1x16xf32>,
        %get3A_682 = vector.shape_cast %get3A_681 : vector<1x16xf32> to vector<16xf32>
        %add3A_683 = arith.addf %add3A_678, %get3A_682 : vector<16xf32>
        %swap3A_684 = arith.index_cast %add3A_575 : i32 to index
        %swap3A_685 = arith.constant 32 : index
        %swap3A_686 = tpu.vector_load %arg15[%swap3A_684, %swap3A_685] {strides = array<i32>} : memref<40x64xf32, #tpu.memory_space<vmem>>, vector<1x16xf32>,
        %swap3A_687 = vector.shape_cast %swap3A_686 : vector<1x16xf32> to vector<16xf32>
        %swap3A_688 = vector.shape_cast %add3A_683 : vector<16xf32> to vector<1x16xf32>
        tpu.vector_store %arg15[%swap3A_684, %swap3A_685], %swap3A_688 {strides = array<i32>} : memref<40x64xf32, #tpu.memory_space<vmem>>, vector<1x16xf32>,
        %neg3A_689 = arith.constant 0.000000e+00 : f32
        %neg3A_690 = vector.broadcast %neg3A_689 : f32 to vector<16xf32>
        %neg3A_691 = arith.subf %neg3A_690, %add3A_683 : vector<16xf32>
        %exp3A_692 = math.exp %neg3A_691 : vector<16xf32>
        %add3A_693 = arith.constant 1.000000e+00 : f32
        %add3A_694 = vector.broadcast %add3A_693 : f32 to vector<16xf32>
        %add3A_695 = arith.addf %add3A_694, %exp3A_692 : vector<16xf32>
        %div3A_696 = arith.constant 1.000000e+00 : f32
        %div3A_697 = vector.broadcast %div3A_696 : f32 to vector<16xf32>
        %div3A_698 = arith.divf %div3A_697, %add3A_695 : vector<16xf32>
        %get3A_699 = arith.index_cast %add3A_575 : i32 to index
        %get3A_700 = arith.constant 96 : index
        %get3A_701 = tpu.vector_load %arg13[%get3A_699, %get3A_700] {strides = array<i32>} : memref<40x128xf32, #tpu.memory_space<vmem>>, vector<1x16xf32>,
        %get3A_702 = vector.shape_cast %get3A_701 : vector<1x16xf32> to vector<16xf32>
        %mul3A_703 = arith.mulf %get3A_702, %div3A_698 : vector<16xf32>
        %swap3A_704 = arith.index_cast %add3A_575 : i32 to index
        %swap3A_705 = arith.constant 32 : index
        %swap3A_706 = tpu.vector_load %arg13[%swap3A_704, %swap3A_705] {strides = array<i32>} : memref<40x128xf32, #tpu.memory_space<vmem>>, vector<1x16xf32>,
        %swap3A_707 = vector.shape_cast %swap3A_706 : vector<1x16xf32> to vector<16xf32>
        %swap3A_708 = vector.shape_cast %mul3A_703 : vector<16xf32> to vector<1x16xf32>
        tpu.vector_store %arg13[%swap3A_704, %swap3A_705], %swap3A_708 {strides = array<i32>} : memref<40x128xf32, #tpu.memory_space<vmem>>, vector<1x16xf32>,
        %swap3A_709 = arith.index_cast %add3A_575 : i32 to index
        %swap3A_710 = arith.constant 96 : index
        %swap3A_711 = tpu.vector_load %arg13[%swap3A_709, %swap3A_710] {strides = array<i32>} : memref<40x128xf32, #tpu.memory_space<vmem>>, vector<1x16xf32>,
        %swap3A_712 = vector.shape_cast %swap3A_711 : vector<1x16xf32> to vector<16xf32>
        %swap3A_713 = vector.shape_cast %div3A_698 : vector<16xf32> to vector<1x16xf32>
        tpu.vector_store %arg13[%swap3A_709, %swap3A_710], %swap3A_713 {strides = array<i32>} : memref<40x128xf32, #tpu.memory_space<vmem>>, vector<1x16xf32>,
        %add3A_714 = arith.addf %add3A_522, %add3A_683 : vector<16xf32>
        %mul3A_715 = arith.mulf %add3A_683, %add3A_683 : vector<16xf32>
        %add3A_716 = arith.addf %add3A_524, %mul3A_715 : vector<16xf32>
        %get3A_717 = arith.index_cast %add3A_575 : i32 to index
        %get3A_718 = arith.constant 48 : index
        %get3A_719 = tpu.vector_load %arg13[%get3A_717, %get3A_718] {strides = array<i32>} : memref<40x128xf32, #tpu.memory_space<vmem>>, vector<1x16xf32>,
        %get3A_720 = vector.shape_cast %get3A_719 : vector<1x16xf32> to vector<16xf32>
        %get3A_721 = arith.index_cast %add3A_575 : i32 to index
        %get3A_722 = arith.constant 48 : index
        %get3A_723 = tpu.vector_load %arg14[%get3A_721, %get3A_722] {strides = array<i32>} : memref<40x128xf32, #tpu.memory_space<vmem>>, vector<1x16xf32>,
        %get3A_724 = vector.shape_cast %get3A_723 : vector<1x16xf32> to vector<16xf32>
        %add3A_725 = arith.addf %get3A_720, %get3A_724 : vector<16xf32>
        %get3A_726 = arith.index_cast %add3A_575 : i32 to index
        %get3A_727 = arith.constant 48 : index
        %get3A_728 = tpu.vector_load %arg15[%get3A_726, %get3A_727] {strides = array<i32>} : memref<40x64xf32, #tpu.memory_space<vmem>>, vector<1x16xf32>,
        %get3A_729 = vector.shape_cast %get3A_728 : vector<1x16xf32> to vector<16xf32>
        %add3A_730 = arith.addf %add3A_725, %get3A_729 : vector<16xf32>
        %swap3A_731 = arith.index_cast %add3A_575 : i32 to index
        %swap3A_732 = arith.constant 48 : index
        %swap3A_733 = tpu.vector_load %arg15[%swap3A_731, %swap3A_732] {strides = array<i32>} : memref<40x64xf32, #tpu.memory_space<vmem>>, vector<1x16xf32>,
        %swap3A_734 = vector.shape_cast %swap3A_733 : vector<1x16xf32> to vector<16xf32>
        %swap3A_735 = vector.shape_cast %add3A_730 : vector<16xf32> to vector<1x16xf32>
        tpu.vector_store %arg15[%swap3A_731, %swap3A_732], %swap3A_735 {strides = array<i32>} : memref<40x64xf32, #tpu.memory_space<vmem>>, vector<1x16xf32>,
        %neg3A_736 = arith.constant 0.000000e+00 : f32
        %neg3A_737 = vector.broadcast %neg3A_736 : f32 to vector<16xf32>
        %neg3A_738 = arith.subf %neg3A_737, %add3A_730 : vector<16xf32>
        %exp3A_739 = math.exp %neg3A_738 : vector<16xf32>
        %add3A_740 = arith.constant 1.000000e+00 : f32
        %add3A_741 = vector.broadcast %add3A_740 : f32 to vector<16xf32>
        %add3A_742 = arith.addf %add3A_741, %exp3A_739 : vector<16xf32>
        %div3A_743 = arith.constant 1.000000e+00 : f32
        %div3A_744 = vector.broadcast %div3A_743 : f32 to vector<16xf32>
        %div3A_745 = arith.divf %div3A_744, %add3A_742 : vector<16xf32>
        %get3A_746 = arith.index_cast %add3A_575 : i32 to index
        %get3A_747 = arith.constant 112 : index
        %get3A_748 = tpu.vector_load %arg13[%get3A_746, %get3A_747] {strides = array<i32>} : memref<40x128xf32, #tpu.memory_space<vmem>>, vector<1x16xf32>,
        %get3A_749 = vector.shape_cast %get3A_748 : vector<1x16xf32> to vector<16xf32>
        %mul3A_750 = arith.mulf %get3A_749, %div3A_745 : vector<16xf32>
        %swap3A_751 = arith.index_cast %add3A_575 : i32 to index
        %swap3A_752 = arith.constant 48 : index
        %swap3A_753 = tpu.vector_load %arg13[%swap3A_751, %swap3A_752] {strides = array<i32>} : memref<40x128xf32, #tpu.memory_space<vmem>>, vector<1x16xf32>,
        %swap3A_754 = vector.shape_cast %swap3A_753 : vector<1x16xf32> to vector<16xf32>
        %swap3A_755 = vector.shape_cast %mul3A_750 : vector<16xf32> to vector<1x16xf32>
        tpu.vector_store %arg13[%swap3A_751, %swap3A_752], %swap3A_755 {strides = array<i32>} : memref<40x128xf32, #tpu.memory_space<vmem>>, vector<1x16xf32>,
        %swap3A_756 = arith.index_cast %add3A_575 : i32 to index
        %swap3A_757 = arith.constant 112 : index
        %swap3A_758 = tpu.vector_load %arg13[%swap3A_756, %swap3A_757] {strides = array<i32>} : memref<40x128xf32, #tpu.memory_space<vmem>>, vector<1x16xf32>,
        %swap3A_759 = vector.shape_cast %swap3A_758 : vector<1x16xf32> to vector<16xf32>
        %swap3A_760 = vector.shape_cast %div3A_745 : vector<16xf32> to vector<1x16xf32>
        tpu.vector_store %arg13[%swap3A_756, %swap3A_757], %swap3A_760 {strides = array<i32>} : memref<40x128xf32, #tpu.memory_space<vmem>>, vector<1x16xf32>,
        %add3A_761 = arith.addf %add3A_569, %add3A_730 : vector<16xf32>
        %mul3A_762 = arith.mulf %add3A_730, %add3A_730 : vector<16xf32>
        %add3A_763 = arith.addf %add3A_571, %mul3A_762 : vector<16xf32>
        %mul3A_764 = arith.constant 4 : i32
        %mul3A_765 = arith.muli %scan3A_375, %mul3A_764 : i32
        %add3A_766 = arith.constant 2 : i32
        %add3A_767 = arith.addi %mul3A_765, %add3A_766 : i32
        %get3A_768 = arith.index_cast %add3A_767 : i32 to index
        %get3A_769 = arith.constant 0 : index
        %get3A_770 = tpu.vector_load %arg13[%get3A_768, %get3A_769] {strides = array<i32>} : memref<40x128xf32, #tpu.memory_space<vmem>>, vector<1x16xf32>,
        %get3A_771 = vector.shape_cast %get3A_770 : vector<1x16xf32> to vector<16xf32>
        %get3A_772 = arith.index_cast %add3A_767 : i32 to index
        %get3A_773 = arith.constant 0 : index
        %get3A_774 = tpu.vector_load %arg14[%get3A_772, %get3A_773] {strides = array<i32>} : memref<40x128xf32, #tpu.memory_space<vmem>>, vector<1x16xf32>,
        %get3A_775 = vector.shape_cast %get3A_774 : vector<1x16xf32> to vector<16xf32>
        %add3A_776 = arith.addf %get3A_771, %get3A_775 : vector<16xf32>
        %get3A_777 = arith.index_cast %add3A_767 : i32 to index
        %get3A_778 = arith.constant 0 : index
        %get3A_779 = tpu.vector_load %arg15[%get3A_777, %get3A_778] {strides = array<i32>} : memref<40x64xf32, #tpu.memory_space<vmem>>, vector<1x16xf32>,
        %get3A_780 = vector.shape_cast %get3A_779 : vector<1x16xf32> to vector<16xf32>
        %add3A_781 = arith.addf %add3A_776, %get3A_780 : vector<16xf32>
        %swap3A_782 = arith.index_cast %add3A_767 : i32 to index
        %swap3A_783 = arith.constant 0 : index
        %swap3A_784 = tpu.vector_load %arg15[%swap3A_782, %swap3A_783] {strides = array<i32>} : memref<40x64xf32, #tpu.memory_space<vmem>>, vector<1x16xf32>,
        %swap3A_785 = vector.shape_cast %swap3A_784 : vector<1x16xf32> to vector<16xf32>
        %swap3A_786 = vector.shape_cast %add3A_781 : vector<16xf32> to vector<1x16xf32>
        tpu.vector_store %arg15[%swap3A_782, %swap3A_783], %swap3A_786 {strides = array<i32>} : memref<40x64xf32, #tpu.memory_space<vmem>>, vector<1x16xf32>,
        %neg3A_787 = arith.constant 0.000000e+00 : f32
        %neg3A_788 = vector.broadcast %neg3A_787 : f32 to vector<16xf32>
        %neg3A_789 = arith.subf %neg3A_788, %add3A_781 : vector<16xf32>
        %exp3A_790 = math.exp %neg3A_789 : vector<16xf32>
        %add3A_791 = arith.constant 1.000000e+00 : f32
        %add3A_792 = vector.broadcast %add3A_791 : f32 to vector<16xf32>
        %add3A_793 = arith.addf %add3A_792, %exp3A_790 : vector<16xf32>
        %div3A_794 = arith.constant 1.000000e+00 : f32
        %div3A_795 = vector.broadcast %div3A_794 : f32 to vector<16xf32>
        %div3A_796 = arith.divf %div3A_795, %add3A_793 : vector<16xf32>
        %get3A_797 = arith.index_cast %add3A_767 : i32 to index
        %get3A_798 = arith.constant 64 : index
        %get3A_799 = tpu.vector_load %arg13[%get3A_797, %get3A_798] {strides = array<i32>} : memref<40x128xf32, #tpu.memory_space<vmem>>, vector<1x16xf32>,
        %get3A_800 = vector.shape_cast %get3A_799 : vector<1x16xf32> to vector<16xf32>
        %mul3A_801 = arith.mulf %get3A_800, %div3A_796 : vector<16xf32>
        %swap3A_802 = arith.index_cast %add3A_767 : i32 to index
        %swap3A_803 = arith.constant 0 : index
        %swap3A_804 = tpu.vector_load %arg13[%swap3A_802, %swap3A_803] {strides = array<i32>} : memref<40x128xf32, #tpu.memory_space<vmem>>, vector<1x16xf32>,
        %swap3A_805 = vector.shape_cast %swap3A_804 : vector<1x16xf32> to vector<16xf32>
        %swap3A_806 = vector.shape_cast %mul3A_801 : vector<16xf32> to vector<1x16xf32>
        tpu.vector_store %arg13[%swap3A_802, %swap3A_803], %swap3A_806 {strides = array<i32>} : memref<40x128xf32, #tpu.memory_space<vmem>>, vector<1x16xf32>,
        %swap3A_807 = arith.index_cast %add3A_767 : i32 to index
        %swap3A_808 = arith.constant 64 : index
        %swap3A_809 = tpu.vector_load %arg13[%swap3A_807, %swap3A_808] {strides = array<i32>} : memref<40x128xf32, #tpu.memory_space<vmem>>, vector<1x16xf32>,
        %swap3A_810 = vector.shape_cast %swap3A_809 : vector<1x16xf32> to vector<16xf32>
        %swap3A_811 = vector.shape_cast %div3A_796 : vector<16xf32> to vector<1x16xf32>
        tpu.vector_store %arg13[%swap3A_807, %swap3A_808], %swap3A_811 {strides = array<i32>} : memref<40x128xf32, #tpu.memory_space<vmem>>, vector<1x16xf32>,
        %add3A_812 = arith.addf %add3A_620, %add3A_781 : vector<16xf32>
        %mul3A_813 = arith.mulf %add3A_781, %add3A_781 : vector<16xf32>
        %add3A_814 = arith.addf %add3A_622, %mul3A_813 : vector<16xf32>
        %get3A_815 = arith.index_cast %add3A_767 : i32 to index
        %get3A_816 = arith.constant 16 : index
        %get3A_817 = tpu.vector_load %arg13[%get3A_815, %get3A_816] {strides = array<i32>} : memref<40x128xf32, #tpu.memory_space<vmem>>, vector<1x16xf32>,
        %get3A_818 = vector.shape_cast %get3A_817 : vector<1x16xf32> to vector<16xf32>
        %get3A_819 = arith.index_cast %add3A_767 : i32 to index
        %get3A_820 = arith.constant 16 : index
        %get3A_821 = tpu.vector_load %arg14[%get3A_819, %get3A_820] {strides = array<i32>} : memref<40x128xf32, #tpu.memory_space<vmem>>, vector<1x16xf32>,
        %get3A_822 = vector.shape_cast %get3A_821 : vector<1x16xf32> to vector<16xf32>
        %add3A_823 = arith.addf %get3A_818, %get3A_822 : vector<16xf32>
        %get3A_824 = arith.index_cast %add3A_767 : i32 to index
        %get3A_825 = arith.constant 16 : index
        %get3A_826 = tpu.vector_load %arg15[%get3A_824, %get3A_825] {strides = array<i32>} : memref<40x64xf32, #tpu.memory_space<vmem>>, vector<1x16xf32>,
        %get3A_827 = vector.shape_cast %get3A_826 : vector<1x16xf32> to vector<16xf32>
        %add3A_828 = arith.addf %add3A_823, %get3A_827 : vector<16xf32>
        %swap3A_829 = arith.index_cast %add3A_767 : i32 to index
        %swap3A_830 = arith.constant 16 : index
        %swap3A_831 = tpu.vector_load %arg15[%swap3A_829, %swap3A_830] {strides = array<i32>} : memref<40x64xf32, #tpu.memory_space<vmem>>, vector<1x16xf32>,
        %swap3A_832 = vector.shape_cast %swap3A_831 : vector<1x16xf32> to vector<16xf32>
        %swap3A_833 = vector.shape_cast %add3A_828 : vector<16xf32> to vector<1x16xf32>
        tpu.vector_store %arg15[%swap3A_829, %swap3A_830], %swap3A_833 {strides = array<i32>} : memref<40x64xf32, #tpu.memory_space<vmem>>, vector<1x16xf32>,
        %neg3A_834 = arith.constant 0.000000e+00 : f32
        %neg3A_835 = vector.broadcast %neg3A_834 : f32 to vector<16xf32>
        %neg3A_836 = arith.subf %neg3A_835, %add3A_828 : vector<16xf32>
        %exp3A_837 = math.exp %neg3A_836 : vector<16xf32>
        %add3A_838 = arith.constant 1.000000e+00 : f32
        %add3A_839 = vector.broadcast %add3A_838 : f32 to vector<16xf32>
        %add3A_840 = arith.addf %add3A_839, %exp3A_837 : vector<16xf32>
        %div3A_841 = arith.constant 1.000000e+00 : f32
        %div3A_842 = vector.broadcast %div3A_841 : f32 to vector<16xf32>
        %div3A_843 = arith.divf %div3A_842, %add3A_840 : vector<16xf32>
        %get3A_844 = arith.index_cast %add3A_767 : i32 to index
        %get3A_845 = arith.constant 80 : index
        %get3A_846 = tpu.vector_load %arg13[%get3A_844, %get3A_845] {strides = array<i32>} : memref<40x128xf32, #tpu.memory_space<vmem>>, vector<1x16xf32>,
        %get3A_847 = vector.shape_cast %get3A_846 : vector<1x16xf32> to vector<16xf32>
        %mul3A_848 = arith.mulf %get3A_847, %div3A_843 : vector<16xf32>
        %swap3A_849 = arith.index_cast %add3A_767 : i32 to index
        %swap3A_850 = arith.constant 16 : index
        %swap3A_851 = tpu.vector_load %arg13[%swap3A_849, %swap3A_850] {strides = array<i32>} : memref<40x128xf32, #tpu.memory_space<vmem>>, vector<1x16xf32>,
        %swap3A_852 = vector.shape_cast %swap3A_851 : vector<1x16xf32> to vector<16xf32>
        %swap3A_853 = vector.shape_cast %mul3A_848 : vector<16xf32> to vector<1x16xf32>
        tpu.vector_store %arg13[%swap3A_849, %swap3A_850], %swap3A_853 {strides = array<i32>} : memref<40x128xf32, #tpu.memory_space<vmem>>, vector<1x16xf32>,
        %swap3A_854 = arith.index_cast %add3A_767 : i32 to index
        %swap3A_855 = arith.constant 80 : index
        %swap3A_856 = tpu.vector_load %arg13[%swap3A_854, %swap3A_855] {strides = array<i32>} : memref<40x128xf32, #tpu.memory_space<vmem>>, vector<1x16xf32>,
        %swap3A_857 = vector.shape_cast %swap3A_856 : vector<1x16xf32> to vector<16xf32>
        %swap3A_858 = vector.shape_cast %div3A_843 : vector<16xf32> to vector<1x16xf32>
        tpu.vector_store %arg13[%swap3A_854, %swap3A_855], %swap3A_858 {strides = array<i32>} : memref<40x128xf32, #tpu.memory_space<vmem>>, vector<1x16xf32>,
        %add3A_859 = arith.addf %add3A_667, %add3A_828 : vector<16xf32>
        %mul3A_860 = arith.mulf %add3A_828, %add3A_828 : vector<16xf32>
        %add3A_861 = arith.addf %add3A_669, %mul3A_860 : vector<16xf32>
        %get3A_862 = arith.index_cast %add3A_767 : i32 to index
        %get3A_863 = arith.constant 32 : index
        %get3A_864 = tpu.vector_load %arg13[%get3A_862, %get3A_863] {strides = array<i32>} : memref<40x128xf32, #tpu.memory_space<vmem>>, vector<1x16xf32>,
        %get3A_865 = vector.shape_cast %get3A_864 : vector<1x16xf32> to vector<16xf32>
        %get3A_866 = arith.index_cast %add3A_767 : i32 to index
        %get3A_867 = arith.constant 32 : index
        %get3A_868 = tpu.vector_load %arg14[%get3A_866, %get3A_867] {strides = array<i32>} : memref<40x128xf32, #tpu.memory_space<vmem>>, vector<1x16xf32>,
        %get3A_869 = vector.shape_cast %get3A_868 : vector<1x16xf32> to vector<16xf32>
        %add3A_870 = arith.addf %get3A_865, %get3A_869 : vector<16xf32>
        %get3A_871 = arith.index_cast %add3A_767 : i32 to index
        %get3A_872 = arith.constant 32 : index
        %get3A_873 = tpu.vector_load %arg15[%get3A_871, %get3A_872] {strides = array<i32>} : memref<40x64xf32, #tpu.memory_space<vmem>>, vector<1x16xf32>,
        %get3A_874 = vector.shape_cast %get3A_873 : vector<1x16xf32> to vector<16xf32>
        %add3A_875 = arith.addf %add3A_870, %get3A_874 : vector<16xf32>
        %swap3A_876 = arith.index_cast %add3A_767 : i32 to index
        %swap3A_877 = arith.constant 32 : index
        %swap3A_878 = tpu.vector_load %arg15[%swap3A_876, %swap3A_877] {strides = array<i32>} : memref<40x64xf32, #tpu.memory_space<vmem>>, vector<1x16xf32>,
        %swap3A_879 = vector.shape_cast %swap3A_878 : vector<1x16xf32> to vector<16xf32>
        %swap3A_880 = vector.shape_cast %add3A_875 : vector<16xf32> to vector<1x16xf32>
        tpu.vector_store %arg15[%swap3A_876, %swap3A_877], %swap3A_880 {strides = array<i32>} : memref<40x64xf32, #tpu.memory_space<vmem>>, vector<1x16xf32>,
        %neg3A_881 = arith.constant 0.000000e+00 : f32
        %neg3A_882 = vector.broadcast %neg3A_881 : f32 to vector<16xf32>
        %neg3A_883 = arith.subf %neg3A_882, %add3A_875 : vector<16xf32>
        %exp3A_884 = math.exp %neg3A_883 : vector<16xf32>
        %add3A_885 = arith.constant 1.000000e+00 : f32
        %add3A_886 = vector.broadcast %add3A_885 : f32 to vector<16xf32>
        %add3A_887 = arith.addf %add3A_886, %exp3A_884 : vector<16xf32>
        %div3A_888 = arith.constant 1.000000e+00 : f32
        %div3A_889 = vector.broadcast %div3A_888 : f32 to vector<16xf32>
        %div3A_890 = arith.divf %div3A_889, %add3A_887 : vector<16xf32>
        %get3A_891 = arith.index_cast %add3A_767 : i32 to index
        %get3A_892 = arith.constant 96 : index
        %get3A_893 = tpu.vector_load %arg13[%get3A_891, %get3A_892] {strides = array<i32>} : memref<40x128xf32, #tpu.memory_space<vmem>>, vector<1x16xf32>,
        %get3A_894 = vector.shape_cast %get3A_893 : vector<1x16xf32> to vector<16xf32>
        %mul3A_895 = arith.mulf %get3A_894, %div3A_890 : vector<16xf32>
        %swap3A_896 = arith.index_cast %add3A_767 : i32 to index
        %swap3A_897 = arith.constant 32 : index
        %swap3A_898 = tpu.vector_load %arg13[%swap3A_896, %swap3A_897] {strides = array<i32>} : memref<40x128xf32, #tpu.memory_space<vmem>>, vector<1x16xf32>,
        %swap3A_899 = vector.shape_cast %swap3A_898 : vector<1x16xf32> to vector<16xf32>
        %swap3A_900 = vector.shape_cast %mul3A_895 : vector<16xf32> to vector<1x16xf32>
        tpu.vector_store %arg13[%swap3A_896, %swap3A_897], %swap3A_900 {strides = array<i32>} : memref<40x128xf32, #tpu.memory_space<vmem>>, vector<1x16xf32>,
        %swap3A_901 = arith.index_cast %add3A_767 : i32 to index
        %swap3A_902 = arith.constant 96 : index
        %swap3A_903 = tpu.vector_load %arg13[%swap3A_901, %swap3A_902] {strides = array<i32>} : memref<40x128xf32, #tpu.memory_space<vmem>>, vector<1x16xf32>,
        %swap3A_904 = vector.shape_cast %swap3A_903 : vector<1x16xf32> to vector<16xf32>
        %swap3A_905 = vector.shape_cast %div3A_890 : vector<16xf32> to vector<1x16xf32>
        tpu.vector_store %arg13[%swap3A_901, %swap3A_902], %swap3A_905 {strides = array<i32>} : memref<40x128xf32, #tpu.memory_space<vmem>>, vector<1x16xf32>,
        %add3A_906 = arith.addf %add3A_714, %add3A_875 : vector<16xf32>
        %mul3A_907 = arith.mulf %add3A_875, %add3A_875 : vector<16xf32>
        %add3A_908 = arith.addf %add3A_716, %mul3A_907 : vector<16xf32>
        %get3A_909 = arith.index_cast %add3A_767 : i32 to index
        %get3A_910 = arith.constant 48 : index
        %get3A_911 = tpu.vector_load %arg13[%get3A_909, %get3A_910] {strides = array<i32>} : memref<40x128xf32, #tpu.memory_space<vmem>>, vector<1x16xf32>,
        %get3A_912 = vector.shape_cast %get3A_911 : vector<1x16xf32> to vector<16xf32>
        %get3A_913 = arith.index_cast %add3A_767 : i32 to index
        %get3A_914 = arith.constant 48 : index
        %get3A_915 = tpu.vector_load %arg14[%get3A_913, %get3A_914] {strides = array<i32>} : memref<40x128xf32, #tpu.memory_space<vmem>>, vector<1x16xf32>,
        %get3A_916 = vector.shape_cast %get3A_915 : vector<1x16xf32> to vector<16xf32>
        %add3A_917 = arith.addf %get3A_912, %get3A_916 : vector<16xf32>
        %get3A_918 = arith.index_cast %add3A_767 : i32 to index
        %get3A_919 = arith.constant 48 : index
        %get3A_920 = tpu.vector_load %arg15[%get3A_918, %get3A_919] {strides = array<i32>} : memref<40x64xf32, #tpu.memory_space<vmem>>, vector<1x16xf32>,
        %get3A_921 = vector.shape_cast %get3A_920 : vector<1x16xf32> to vector<16xf32>
        %add3A_922 = arith.addf %add3A_917, %get3A_921 : vector<16xf32>
        %swap3A_923 = arith.index_cast %add3A_767 : i32 to index
        %swap3A_924 = arith.constant 48 : index
        %swap3A_925 = tpu.vector_load %arg15[%swap3A_923, %swap3A_924] {strides = array<i32>} : memref<40x64xf32, #tpu.memory_space<vmem>>, vector<1x16xf32>,
        %swap3A_926 = vector.shape_cast %swap3A_925 : vector<1x16xf32> to vector<16xf32>
        %swap3A_927 = vector.shape_cast %add3A_922 : vector<16xf32> to vector<1x16xf32>
        tpu.vector_store %arg15[%swap3A_923, %swap3A_924], %swap3A_927 {strides = array<i32>} : memref<40x64xf32, #tpu.memory_space<vmem>>, vector<1x16xf32>,
        %neg3A_928 = arith.constant 0.000000e+00 : f32
        %neg3A_929 = vector.broadcast %neg3A_928 : f32 to vector<16xf32>
        %neg3A_930 = arith.subf %neg3A_929, %add3A_922 : vector<16xf32>
        %exp3A_931 = math.exp %neg3A_930 : vector<16xf32>
        %add3A_932 = arith.constant 1.000000e+00 : f32
        %add3A_933 = vector.broadcast %add3A_932 : f32 to vector<16xf32>
        %add3A_934 = arith.addf %add3A_933, %exp3A_931 : vector<16xf32>
        %div3A_935 = arith.constant 1.000000e+00 : f32
        %div3A_936 = vector.broadcast %div3A_935 : f32 to vector<16xf32>
        %div3A_937 = arith.divf %div3A_936, %add3A_934 : vector<16xf32>
        %get3A_938 = arith.index_cast %add3A_767 : i32 to index
        %get3A_939 = arith.constant 112 : index
        %get3A_940 = tpu.vector_load %arg13[%get3A_938, %get3A_939] {strides = array<i32>} : memref<40x128xf32, #tpu.memory_space<vmem>>, vector<1x16xf32>,
        %get3A_941 = vector.shape_cast %get3A_940 : vector<1x16xf32> to vector<16xf32>
        %mul3A_942 = arith.mulf %get3A_941, %div3A_937 : vector<16xf32>
        %swap3A_943 = arith.index_cast %add3A_767 : i32 to index
        %swap3A_944 = arith.constant 48 : index
        %swap3A_945 = tpu.vector_load %arg13[%swap3A_943, %swap3A_944] {strides = array<i32>} : memref<40x128xf32, #tpu.memory_space<vmem>>, vector<1x16xf32>,
        %swap3A_946 = vector.shape_cast %swap3A_945 : vector<1x16xf32> to vector<16xf32>
        %swap3A_947 = vector.shape_cast %mul3A_942 : vector<16xf32> to vector<1x16xf32>
        tpu.vector_store %arg13[%swap3A_943, %swap3A_944], %swap3A_947 {strides = array<i32>} : memref<40x128xf32, #tpu.memory_space<vmem>>, vector<1x16xf32>,
        %swap3A_948 = arith.index_cast %add3A_767 : i32 to index
        %swap3A_949 = arith.constant 112 : index
        %swap3A_950 = tpu.vector_load %arg13[%swap3A_948, %swap3A_949] {strides = array<i32>} : memref<40x128xf32, #tpu.memory_space<vmem>>, vector<1x16xf32>,
        %swap3A_951 = vector.shape_cast %swap3A_950 : vector<1x16xf32> to vector<16xf32>
        %swap3A_952 = vector.shape_cast %div3A_937 : vector<16xf32> to vector<1x16xf32>
        tpu.vector_store %arg13[%swap3A_948, %swap3A_949], %swap3A_952 {strides = array<i32>} : memref<40x128xf32, #tpu.memory_space<vmem>>, vector<1x16xf32>,
        %add3A_953 = arith.addf %add3A_761, %add3A_922 : vector<16xf32>
        %mul3A_954 = arith.mulf %add3A_922, %add3A_922 : vector<16xf32>
        %add3A_955 = arith.addf %add3A_763, %mul3A_954 : vector<16xf32>
        %mul3A_956 = arith.constant 4 : i32
        %mul3A_957 = arith.muli %scan3A_375, %mul3A_956 : i32
        %add3A_958 = arith.constant 3 : i32
        %add3A_959 = arith.addi %mul3A_957, %add3A_958 : i32
        %get3A_960 = arith.index_cast %add3A_959 : i32 to index
        %get3A_961 = arith.constant 0 : index
        %get3A_962 = tpu.vector_load %arg13[%get3A_960, %get3A_961] {strides = array<i32>} : memref<40x128xf32, #tpu.memory_space<vmem>>, vector<1x16xf32>,
        %get3A_963 = vector.shape_cast %get3A_962 : vector<1x16xf32> to vector<16xf32>
        %get3A_964 = arith.index_cast %add3A_959 : i32 to index
        %get3A_965 = arith.constant 0 : index
        %get3A_966 = tpu.vector_load %arg14[%get3A_964, %get3A_965] {strides = array<i32>} : memref<40x128xf32, #tpu.memory_space<vmem>>, vector<1x16xf32>,
        %get3A_967 = vector.shape_cast %get3A_966 : vector<1x16xf32> to vector<16xf32>
        %add3A_968 = arith.addf %get3A_963, %get3A_967 : vector<16xf32>
        %get3A_969 = arith.index_cast %add3A_959 : i32 to index
        %get3A_970 = arith.constant 0 : index
        %get3A_971 = tpu.vector_load %arg15[%get3A_969, %get3A_970] {strides = array<i32>} : memref<40x64xf32, #tpu.memory_space<vmem>>, vector<1x16xf32>,
        %get3A_972 = vector.shape_cast %get3A_971 : vector<1x16xf32> to vector<16xf32>
        %add3A_973 = arith.addf %add3A_968, %get3A_972 : vector<16xf32>
        %swap3A_974 = arith.index_cast %add3A_959 : i32 to index
        %swap3A_975 = arith.constant 0 : index
        %swap3A_976 = tpu.vector_load %arg15[%swap3A_974, %swap3A_975] {strides = array<i32>} : memref<40x64xf32, #tpu.memory_space<vmem>>, vector<1x16xf32>,
        %swap3A_977 = vector.shape_cast %swap3A_976 : vector<1x16xf32> to vector<16xf32>
        %swap3A_978 = vector.shape_cast %add3A_973 : vector<16xf32> to vector<1x16xf32>
        tpu.vector_store %arg15[%swap3A_974, %swap3A_975], %swap3A_978 {strides = array<i32>} : memref<40x64xf32, #tpu.memory_space<vmem>>, vector<1x16xf32>,
        %neg3A_979 = arith.constant 0.000000e+00 : f32
        %neg3A_980 = vector.broadcast %neg3A_979 : f32 to vector<16xf32>
        %neg3A_981 = arith.subf %neg3A_980, %add3A_973 : vector<16xf32>
        %exp3A_982 = math.exp %neg3A_981 : vector<16xf32>
        %add3A_983 = arith.constant 1.000000e+00 : f32
        %add3A_984 = vector.broadcast %add3A_983 : f32 to vector<16xf32>
        %add3A_985 = arith.addf %add3A_984, %exp3A_982 : vector<16xf32>
        %div3A_986 = arith.constant 1.000000e+00 : f32
        %div3A_987 = vector.broadcast %div3A_986 : f32 to vector<16xf32>
        %div3A_988 = arith.divf %div3A_987, %add3A_985 : vector<16xf32>
        %get3A_989 = arith.index_cast %add3A_959 : i32 to index
        %get3A_990 = arith.constant 64 : index
        %get3A_991 = tpu.vector_load %arg13[%get3A_989, %get3A_990] {strides = array<i32>} : memref<40x128xf32, #tpu.memory_space<vmem>>, vector<1x16xf32>,
        %get3A_992 = vector.shape_cast %get3A_991 : vector<1x16xf32> to vector<16xf32>
        %mul3A_993 = arith.mulf %get3A_992, %div3A_988 : vector<16xf32>
        %swap3A_994 = arith.index_cast %add3A_959 : i32 to index
        %swap3A_995 = arith.constant 0 : index
        %swap3A_996 = tpu.vector_load %arg13[%swap3A_994, %swap3A_995] {strides = array<i32>} : memref<40x128xf32, #tpu.memory_space<vmem>>, vector<1x16xf32>,
        %swap3A_997 = vector.shape_cast %swap3A_996 : vector<1x16xf32> to vector<16xf32>
        %swap3A_998 = vector.shape_cast %mul3A_993 : vector<16xf32> to vector<1x16xf32>
        tpu.vector_store %arg13[%swap3A_994, %swap3A_995], %swap3A_998 {strides = array<i32>} : memref<40x128xf32, #tpu.memory_space<vmem>>, vector<1x16xf32>,
        %swap3A_999 = arith.index_cast %add3A_959 : i32 to index
        %swap3A_1000 = arith.constant 64 : index
        %swap3A_1001 = tpu.vector_load %arg13[%swap3A_999, %swap3A_1000] {strides = array<i32>} : memref<40x128xf32, #tpu.memory_space<vmem>>, vector<1x16xf32>,
        %swap3A_1002 = vector.shape_cast %swap3A_1001 : vector<1x16xf32> to vector<16xf32>
        %swap3A_1003 = vector.shape_cast %div3A_988 : vector<16xf32> to vector<1x16xf32>
        tpu.vector_store %arg13[%swap3A_999, %swap3A_1000], %swap3A_1003 {strides = array<i32>} : memref<40x128xf32, #tpu.memory_space<vmem>>, vector<1x16xf32>,
        %add3A_1004 = arith.addf %add3A_812, %add3A_973 : vector<16xf32>
        %mul3A_1005 = arith.mulf %add3A_973, %add3A_973 : vector<16xf32>
        %add3A_1006 = arith.addf %add3A_814, %mul3A_1005 : vector<16xf32>
        %get3A_1007 = arith.index_cast %add3A_959 : i32 to index
        %get3A_1008 = arith.constant 16 : index
        %get3A_1009 = tpu.vector_load %arg13[%get3A_1007, %get3A_1008] {strides = array<i32>} : memref<40x128xf32, #tpu.memory_space<vmem>>, vector<1x16xf32>,
        %get3A_1010 = vector.shape_cast %get3A_1009 : vector<1x16xf32> to vector<16xf32>
        %get3A_1011 = arith.index_cast %add3A_959 : i32 to index
        %get3A_1012 = arith.constant 16 : index
        %get3A_1013 = tpu.vector_load %arg14[%get3A_1011, %get3A_1012] {strides = array<i32>} : memref<40x128xf32, #tpu.memory_space<vmem>>, vector<1x16xf32>,
        %get3A_1014 = vector.shape_cast %get3A_1013 : vector<1x16xf32> to vector<16xf32>
        %add3A_1015 = arith.addf %get3A_1010, %get3A_1014 : vector<16xf32>
        %get3A_1016 = arith.index_cast %add3A_959 : i32 to index
        %get3A_1017 = arith.constant 16 : index
        %get3A_1018 = tpu.vector_load %arg15[%get3A_1016, %get3A_1017] {strides = array<i32>} : memref<40x64xf32, #tpu.memory_space<vmem>>, vector<1x16xf32>,
        %get3A_1019 = vector.shape_cast %get3A_1018 : vector<1x16xf32> to vector<16xf32>
        %add3A_1020 = arith.addf %add3A_1015, %get3A_1019 : vector<16xf32>
        %swap3A_1021 = arith.index_cast %add3A_959 : i32 to index
        %swap3A_1022 = arith.constant 16 : index
        %swap3A_1023 = tpu.vector_load %arg15[%swap3A_1021, %swap3A_1022] {strides = array<i32>} : memref<40x64xf32, #tpu.memory_space<vmem>>, vector<1x16xf32>,
        %swap3A_1024 = vector.shape_cast %swap3A_1023 : vector<1x16xf32> to vector<16xf32>
        %swap3A_1025 = vector.shape_cast %add3A_1020 : vector<16xf32> to vector<1x16xf32>
        tpu.vector_store %arg15[%swap3A_1021, %swap3A_1022], %swap3A_1025 {strides = array<i32>} : memref<40x64xf32, #tpu.memory_space<vmem>>, vector<1x16xf32>,
        %neg3A_1026 = arith.constant 0.000000e+00 : f32
        %neg3A_1027 = vector.broadcast %neg3A_1026 : f32 to vector<16xf32>
        %neg3A_1028 = arith.subf %neg3A_1027, %add3A_1020 : vector<16xf32>
        %exp3A_1029 = math.exp %neg3A_1028 : vector<16xf32>
        %add3A_1030 = arith.constant 1.000000e+00 : f32
        %add3A_1031 = vector.broadcast %add3A_1030 : f32 to vector<16xf32>
        %add3A_1032 = arith.addf %add3A_1031, %exp3A_1029 : vector<16xf32>
        %div3A_1033 = arith.constant 1.000000e+00 : f32
        %div3A_1034 = vector.broadcast %div3A_1033 : f32 to vector<16xf32>
        %div3A_1035 = arith.divf %div3A_1034, %add3A_1032 : vector<16xf32>
        %get3A_1036 = arith.index_cast %add3A_959 : i32 to index
        %get3A_1037 = arith.constant 80 : index
        %get3A_1038 = tpu.vector_load %arg13[%get3A_1036, %get3A_1037] {strides = array<i32>} : memref<40x128xf32, #tpu.memory_space<vmem>>, vector<1x16xf32>,
        %get3A_1039 = vector.shape_cast %get3A_1038 : vector<1x16xf32> to vector<16xf32>
        %mul3A_1040 = arith.mulf %get3A_1039, %div3A_1035 : vector<16xf32>
        %swap3A_1041 = arith.index_cast %add3A_959 : i32 to index
        %swap3A_1042 = arith.constant 16 : index
        %swap3A_1043 = tpu.vector_load %arg13[%swap3A_1041, %swap3A_1042] {strides = array<i32>} : memref<40x128xf32, #tpu.memory_space<vmem>>, vector<1x16xf32>,
        %swap3A_1044 = vector.shape_cast %swap3A_1043 : vector<1x16xf32> to vector<16xf32>
        %swap3A_1045 = vector.shape_cast %mul3A_1040 : vector<16xf32> to vector<1x16xf32>
        tpu.vector_store %arg13[%swap3A_1041, %swap3A_1042], %swap3A_1045 {strides = array<i32>} : memref<40x128xf32, #tpu.memory_space<vmem>>, vector<1x16xf32>,
        %swap3A_1046 = arith.index_cast %add3A_959 : i32 to index
        %swap3A_1047 = arith.constant 80 : index
        %swap3A_1048 = tpu.vector_load %arg13[%swap3A_1046, %swap3A_1047] {strides = array<i32>} : memref<40x128xf32, #tpu.memory_space<vmem>>, vector<1x16xf32>,
        %swap3A_1049 = vector.shape_cast %swap3A_1048 : vector<1x16xf32> to vector<16xf32>
        %swap3A_1050 = vector.shape_cast %div3A_1035 : vector<16xf32> to vector<1x16xf32>
        tpu.vector_store %arg13[%swap3A_1046, %swap3A_1047], %swap3A_1050 {strides = array<i32>} : memref<40x128xf32, #tpu.memory_space<vmem>>, vector<1x16xf32>,
        %add3A_1051 = arith.addf %add3A_859, %add3A_1020 : vector<16xf32>
        %mul3A_1052 = arith.mulf %add3A_1020, %add3A_1020 : vector<16xf32>
        %add3A_1053 = arith.addf %add3A_861, %mul3A_1052 : vector<16xf32>
        %get3A_1054 = arith.index_cast %add3A_959 : i32 to index
        %get3A_1055 = arith.constant 32 : index
        %get3A_1056 = tpu.vector_load %arg13[%get3A_1054, %get3A_1055] {strides = array<i32>} : memref<40x128xf32, #tpu.memory_space<vmem>>, vector<1x16xf32>,
        %get3A_1057 = vector.shape_cast %get3A_1056 : vector<1x16xf32> to vector<16xf32>
        %get3A_1058 = arith.index_cast %add3A_959 : i32 to index
        %get3A_1059 = arith.constant 32 : index
        %get3A_1060 = tpu.vector_load %arg14[%get3A_1058, %get3A_1059] {strides = array<i32>} : memref<40x128xf32, #tpu.memory_space<vmem>>, vector<1x16xf32>,
        %get3A_1061 = vector.shape_cast %get3A_1060 : vector<1x16xf32> to vector<16xf32>
        %add3A_1062 = arith.addf %get3A_1057, %get3A_1061 : vector<16xf32>
        %get3A_1063 = arith.index_cast %add3A_959 : i32 to index
        %get3A_1064 = arith.constant 32 : index
        %get3A_1065 = tpu.vector_load %arg15[%get3A_1063, %get3A_1064] {strides = array<i32>} : memref<40x64xf32, #tpu.memory_space<vmem>>, vector<1x16xf32>,
        %get3A_1066 = vector.shape_cast %get3A_1065 : vector<1x16xf32> to vector<16xf32>
        %add3A_1067 = arith.addf %add3A_1062, %get3A_1066 : vector<16xf32>
        %swap3A_1068 = arith.index_cast %add3A_959 : i32 to index
        %swap3A_1069 = arith.constant 32 : index
        %swap3A_1070 = tpu.vector_load %arg15[%swap3A_1068, %swap3A_1069] {strides = array<i32>} : memref<40x64xf32, #tpu.memory_space<vmem>>, vector<1x16xf32>,
        %swap3A_1071 = vector.shape_cast %swap3A_1070 : vector<1x16xf32> to vector<16xf32>
        %swap3A_1072 = vector.shape_cast %add3A_1067 : vector<16xf32> to vector<1x16xf32>
        tpu.vector_store %arg15[%swap3A_1068, %swap3A_1069], %swap3A_1072 {strides = array<i32>} : memref<40x64xf32, #tpu.memory_space<vmem>>, vector<1x16xf32>,
        %neg3A_1073 = arith.constant 0.000000e+00 : f32
        %neg3A_1074 = vector.broadcast %neg3A_1073 : f32 to vector<16xf32>
        %neg3A_1075 = arith.subf %neg3A_1074, %add3A_1067 : vector<16xf32>
        %exp3A_1076 = math.exp %neg3A_1075 : vector<16xf32>
        %add3A_1077 = arith.constant 1.000000e+00 : f32
        %add3A_1078 = vector.broadcast %add3A_1077 : f32 to vector<16xf32>
        %add3A_1079 = arith.addf %add3A_1078, %exp3A_1076 : vector<16xf32>
        %div3A_1080 = arith.constant 1.000000e+00 : f32
        %div3A_1081 = vector.broadcast %div3A_1080 : f32 to vector<16xf32>
        %div3A_1082 = arith.divf %div3A_1081, %add3A_1079 : vector<16xf32>
        %get3A_1083 = arith.index_cast %add3A_959 : i32 to index
        %get3A_1084 = arith.constant 96 : index
        %get3A_1085 = tpu.vector_load %arg13[%get3A_1083, %get3A_1084] {strides = array<i32>} : memref<40x128xf32, #tpu.memory_space<vmem>>, vector<1x16xf32>,
        %get3A_1086 = vector.shape_cast %get3A_1085 : vector<1x16xf32> to vector<16xf32>
        %mul3A_1087 = arith.mulf %get3A_1086, %div3A_1082 : vector<16xf32>
        %swap3A_1088 = arith.index_cast %add3A_959 : i32 to index
        %swap3A_1089 = arith.constant 32 : index
        %swap3A_1090 = tpu.vector_load %arg13[%swap3A_1088, %swap3A_1089] {strides = array<i32>} : memref<40x128xf32, #tpu.memory_space<vmem>>, vector<1x16xf32>,
        %swap3A_1091 = vector.shape_cast %swap3A_1090 : vector<1x16xf32> to vector<16xf32>
        %swap3A_1092 = vector.shape_cast %mul3A_1087 : vector<16xf32> to vector<1x16xf32>
        tpu.vector_store %arg13[%swap3A_1088, %swap3A_1089], %swap3A_1092 {strides = array<i32>} : memref<40x128xf32, #tpu.memory_space<vmem>>, vector<1x16xf32>,
        %swap3A_1093 = arith.index_cast %add3A_959 : i32 to index
        %swap3A_1094 = arith.constant 96 : index
        %swap3A_1095 = tpu.vector_load %arg13[%swap3A_1093, %swap3A_1094] {strides = array<i32>} : memref<40x128xf32, #tpu.memory_space<vmem>>, vector<1x16xf32>,
        %swap3A_1096 = vector.shape_cast %swap3A_1095 : vector<1x16xf32> to vector<16xf32>
        %swap3A_1097 = vector.shape_cast %div3A_1082 : vector<16xf32> to vector<1x16xf32>
        tpu.vector_store %arg13[%swap3A_1093, %swap3A_1094], %swap3A_1097 {strides = array<i32>} : memref<40x128xf32, #tpu.memory_space<vmem>>, vector<1x16xf32>,
        %add3A_1098 = arith.addf %add3A_906, %add3A_1067 : vector<16xf32>
        %mul3A_1099 = arith.mulf %add3A_1067, %add3A_1067 : vector<16xf32>
        %add3A_1100 = arith.addf %add3A_908, %mul3A_1099 : vector<16xf32>
        %get3A_1101 = arith.index_cast %add3A_959 : i32 to index
        %get3A_1102 = arith.constant 48 : index
        %get3A_1103 = tpu.vector_load %arg13[%get3A_1101, %get3A_1102] {strides = array<i32>} : memref<40x128xf32, #tpu.memory_space<vmem>>, vector<1x16xf32>,
        %get3A_1104 = vector.shape_cast %get3A_1103 : vector<1x16xf32> to vector<16xf32>
        %get3A_1105 = arith.index_cast %add3A_959 : i32 to index
        %get3A_1106 = arith.constant 48 : index
        %get3A_1107 = tpu.vector_load %arg14[%get3A_1105, %get3A_1106] {strides = array<i32>} : memref<40x128xf32, #tpu.memory_space<vmem>>, vector<1x16xf32>,
        %get3A_1108 = vector.shape_cast %get3A_1107 : vector<1x16xf32> to vector<16xf32>
        %add3A_1109 = arith.addf %get3A_1104, %get3A_1108 : vector<16xf32>
        %get3A_1110 = arith.index_cast %add3A_959 : i32 to index
        %get3A_1111 = arith.constant 48 : index
        %get3A_1112 = tpu.vector_load %arg15[%get3A_1110, %get3A_1111] {strides = array<i32>} : memref<40x64xf32, #tpu.memory_space<vmem>>, vector<1x16xf32>,
        %get3A_1113 = vector.shape_cast %get3A_1112 : vector<1x16xf32> to vector<16xf32>
        %add3A_1114 = arith.addf %add3A_1109, %get3A_1113 : vector<16xf32>
        %swap3A_1115 = arith.index_cast %add3A_959 : i32 to index
        %swap3A_1116 = arith.constant 48 : index
        %swap3A_1117 = tpu.vector_load %arg15[%swap3A_1115, %swap3A_1116] {strides = array<i32>} : memref<40x64xf32, #tpu.memory_space<vmem>>, vector<1x16xf32>,
        %swap3A_1118 = vector.shape_cast %swap3A_1117 : vector<1x16xf32> to vector<16xf32>
        %swap3A_1119 = vector.shape_cast %add3A_1114 : vector<16xf32> to vector<1x16xf32>
        tpu.vector_store %arg15[%swap3A_1115, %swap3A_1116], %swap3A_1119 {strides = array<i32>} : memref<40x64xf32, #tpu.memory_space<vmem>>, vector<1x16xf32>,
        %neg3A_1120 = arith.constant 0.000000e+00 : f32
        %neg3A_1121 = vector.broadcast %neg3A_1120 : f32 to vector<16xf32>
        %neg3A_1122 = arith.subf %neg3A_1121, %add3A_1114 : vector<16xf32>
        %exp3A_1123 = math.exp %neg3A_1122 : vector<16xf32>
        %add3A_1124 = arith.constant 1.000000e+00 : f32
        %add3A_1125 = vector.broadcast %add3A_1124 : f32 to vector<16xf32>
        %add3A_1126 = arith.addf %add3A_1125, %exp3A_1123 : vector<16xf32>
        %div3A_1127 = arith.constant 1.000000e+00 : f32
        %div3A_1128 = vector.broadcast %div3A_1127 : f32 to vector<16xf32>
        %div3A_1129 = arith.divf %div3A_1128, %add3A_1126 : vector<16xf32>
        %get3A_1130 = arith.index_cast %add3A_959 : i32 to index
        %get3A_1131 = arith.constant 112 : index
        %get3A_1132 = tpu.vector_load %arg13[%get3A_1130, %get3A_1131] {strides = array<i32>} : memref<40x128xf32, #tpu.memory_space<vmem>>, vector<1x16xf32>,
        %get3A_1133 = vector.shape_cast %get3A_1132 : vector<1x16xf32> to vector<16xf32>
        %mul3A_1134 = arith.mulf %get3A_1133, %div3A_1129 : vector<16xf32>
        %swap3A_1135 = arith.index_cast %add3A_959 : i32 to index
        %swap3A_1136 = arith.constant 48 : index
        %swap3A_1137 = tpu.vector_load %arg13[%swap3A_1135, %swap3A_1136] {strides = array<i32>} : memref<40x128xf32, #tpu.memory_space<vmem>>, vector<1x16xf32>,
        %swap3A_1138 = vector.shape_cast %swap3A_1137 : vector<1x16xf32> to vector<16xf32>
        %swap3A_1139 = vector.shape_cast %mul3A_1134 : vector<16xf32> to vector<1x16xf32>
        tpu.vector_store %arg13[%swap3A_1135, %swap3A_1136], %swap3A_1139 {strides = array<i32>} : memref<40x128xf32, #tpu.memory_space<vmem>>, vector<1x16xf32>,
        %swap3A_1140 = arith.index_cast %add3A_959 : i32 to index
        %swap3A_1141 = arith.constant 112 : index
        %swap3A_1142 = tpu.vector_load %arg13[%swap3A_1140, %swap3A_1141] {strides = array<i32>} : memref<40x128xf32, #tpu.memory_space<vmem>>, vector<1x16xf32>,
        %swap3A_1143 = vector.shape_cast %swap3A_1142 : vector<1x16xf32> to vector<16xf32>
        %swap3A_1144 = vector.shape_cast %div3A_1129 : vector<16xf32> to vector<1x16xf32>
        tpu.vector_store %arg13[%swap3A_1140, %swap3A_1141], %swap3A_1144 {strides = array<i32>} : memref<40x128xf32, #tpu.memory_space<vmem>>, vector<1x16xf32>,
        %add3A_1145 = arith.addf %add3A_953, %add3A_1114 : vector<16xf32>
        %mul3A_1146 = arith.mulf %add3A_1114, %add3A_1114 : vector<16xf32>
        %add3A_1147 = arith.addf %add3A_955, %mul3A_1146 : vector<16xf32>
        scf.yield %add3A_1004, %add3A_1051, %add3A_1098, %add3A_1145, %add3A_1006, %add3A_1053, %add3A_1100, %add3A_1147 : vector<16xf32>, vector<16xf32>, vector<16xf32>, vector<16xf32>, vector<16xf32>, vector<16xf32>, vector<16xf32>, vector<16xf32>
      }
      %scan3A_261 = arith.constant 10 : i32
      %mul3A_262 = arith.constant 40 : i32
      %mul3A_263 = arith.muli %mul3A_170, %mul3A_262 : i32
      %add3A_264 = arith.addi %mul3A_10, %mul3A_263 : i32
      %dma_start3A_265 = arith.constant 0 : i32
      %dma_start3A_266 = tpu.memref_slice %arg8[%arg0, %add3A_264, %dma_start3A_265] : memref<2x320000x64xf32, #tpu.memory_space<hbm>> -> memref<1x40x64xf32, #tpu.memory_space<hbm>>
      %dma_start3A_267 = tpu.memref_squeeze %dma_start3A_266 : memref<1x40x64xf32, #tpu.memory_space<hbm>> -> memref<40x64xf32, #tpu.memory_space<hbm>>
      %dma_start3A_268 = arith.constant 0 : i32
      %dma_start3A_269 = tpu.memref_slice %arg8[%arg0, %add3A_264, %dma_start3A_268] : memref<2x320000x64xf32, #tpu.memory_space<hbm>> -> memref<1x40x64xf32, #tpu.memory_space<hbm>>
      %dma_start3A_270 = tpu.memref_squeeze %dma_start3A_269 : memref<1x40x64xf32, #tpu.memory_space<hbm>> -> memref<40x64xf32, #tpu.memory_space<hbm>>
      tpu.enqueue_dma source(%arg15 : memref<40x64xf32, #tpu.memory_space<vmem>>) target(%dma_start3A_270 : memref<40x64xf32, #tpu.memory_space<hbm>>) target_semaphore(%arg25 : memref<!tpu.dma_semaphore, #tpu.memory_space<semaphore_mem>>)
      %dma_start3A_271 = arith.constant 0 : i32
      %dma_start3A_272 = arith.constant 0 : i32
      %dma_start3A_273 = tpu.memref_slice %arg12[%dma_start3A_271, %dma_start3A_272] : memref<1x40xi32, #tpu.memory_space<vmem>> -> memref<1x40xi32, #tpu.memory_space<vmem>>
      %dma_start3A_274 = tpu.memref_squeeze %dma_start3A_273 : memref<1x40xi32, #tpu.memory_space<vmem>> -> memref<40xi32, #tpu.memory_space<vmem>>
      %dma_start3A_275 = arith.constant 0 : i32
      %dma_start3A_276 = arith.constant 0 : i32
      %dma_start3A_277 = tpu.memref_slice %arg22[%dma_start3A_275, %dma_start3A_276] : memref<10000x128xf32, #tpu.memory_space<vmem_shared>> -> memref<10000x128xf32, #tpu.memory_space<vmem_shared>>
      tpu.enqueue_indirect_dma source(%arg13 : memref<40x128xf32, #tpu.memory_space<vmem>>) target(%dma_start3A_277 : memref<10000x128xf32, #tpu.memory_space<vmem_shared>>) offsets(%dma_start3A_274 : memref<40xi32, #tpu.memory_space<vmem>>) semaphore(%arg29 : memref<!tpu.dma_semaphore, #tpu.memory_space<semaphore_mem>>) {add = true}
      %dma_wait3A_278 = arith.constant 0 : i32
      %dma_wait3A_279 = arith.constant 0 : i32
      %dma_wait3A_280 = tpu.memref_slice %arg8[%arg0, %dma_wait3A_278, %dma_wait3A_279] : memref<2x320000x64xf32, #tpu.memory_space<hbm>> -> memref<1x40x64xf32, #tpu.memory_space<hbm>>
      %dma_wait3A_281 = tpu.memref_squeeze %dma_wait3A_280 : memref<1x40x64xf32, #tpu.memory_space<hbm>> -> memref<40x64xf32, #tpu.memory_space<hbm>>
      %dma_wait3A_282 = arith.constant 0 : i32
      %dma_wait3A_283 = arith.constant 0 : i32
      %dma_wait3A_284 = tpu.memref_slice %arg8[%arg0, %dma_wait3A_282, %dma_wait3A_283] : memref<2x320000x64xf32, #tpu.memory_space<hbm>> -> memref<1x40x64xf32, #tpu.memory_space<hbm>>
      %dma_wait3A_285 = tpu.memref_squeeze %dma_wait3A_284 : memref<1x40x64xf32, #tpu.memory_space<hbm>> -> memref<40x64xf32, #tpu.memory_space<hbm>>
      tpu.wait_dma2 semaphore(%arg25 : memref<!tpu.dma_semaphore, #tpu.memory_space<semaphore_mem>>) src(%arg15 : memref<40x64xf32, #tpu.memory_space<vmem>>) dst(%dma_wait3A_285 : memref<40x64xf32, #tpu.memory_space<hbm>>)
      %dma_wait3A_286 = arith.constant 0 : i32
      %dma_wait3A_287 = arith.constant 0 : i32
      %dma_wait3A_288 = tpu.memref_slice %arg12[%dma_wait3A_286, %dma_wait3A_287] : memref<1x40xi32, #tpu.memory_space<vmem>> -> memref<1x40xi32, #tpu.memory_space<vmem>>
      %dma_wait3A_289 = tpu.memref_squeeze %dma_wait3A_288 : memref<1x40xi32, #tpu.memory_space<vmem>> -> memref<40xi32, #tpu.memory_space<vmem>>
      %dma_wait3A_290 = arith.constant 0 : i32
      %dma_wait3A_291 = arith.constant 0 : i32
      %dma_wait3A_292 = tpu.memref_slice %arg22[%dma_wait3A_290, %dma_wait3A_291] : memref<10000x128xf32, #tpu.memory_space<vmem_shared>> -> memref<10000x128xf32, #tpu.memory_space<vmem_shared>>
      tpu.wait_indirect_dma semaphore(%arg29 : memref<!tpu.dma_semaphore, #tpu.memory_space<semaphore_mem>>) src(%arg13 : memref<40x128xf32, #tpu.memory_space<vmem>>) dst(%dma_wait3A_292 : memref<10000x128xf32, #tpu.memory_space<vmem_shared>>)
      %add3A_293 = arith.constant 2 : i32
      %add3A_294 = arith.addi %mul3A_170, %add3A_293 : i32
      %lt3A = arith.constant 500 : i32
      %lt3A_295 = arith.cmpi slt, %add3A_294, %lt3A : i32
      %convert_element_type3A_296 = arith.extui %lt3A_295 : i1 to i32
      %cond3A_297 = arith.constant 0 : i32
      %cond3A_298 = arith.cmpi ne, %convert_element_type3A_296, %cond3A_297 : i32
      scf.if %cond3A_298 {
        %add3A_375 = arith.constant 2 : i32
        %add3A_376 = arith.addi %mul3A_170, %add3A_375 : i32
        %mul3A_377 = arith.constant 40 : i32
        %mul3A_378 = arith.muli %add3A_376, %mul3A_377 : i32
        %add3A_379 = arith.addi %mul3A_10, %mul3A_378 : i32
        %dma_start3A_380 = arith.constant 0 : i32
        %dma_start3A_381 = arith.constant 0 : i32
        %dma_start3A_382 = tpu.memref_slice %arg11[%dma_start3A_380, %dma_start3A_381] : memref<1x40xi32, #tpu.memory_space<vmem>> -> memref<1x40xi32, #tpu.memory_space<vmem>>
        %dma_start3A_383 = tpu.memref_squeeze %dma_start3A_382 : memref<1x40xi32, #tpu.memory_space<vmem>> -> memref<40xi32, #tpu.memory_space<vmem>>
        %dma_start3A_384 = tpu.memref_slice %arg2[%add3A_379] : memref<320000xi32, #tpu.memory_space<hbm>> -> memref<40xi32, #tpu.memory_space<hbm>>
        %dma_start3A_385 = arith.constant 0 : i32
        %dma_start3A_386 = tpu.memref_slice %arg11[%dma_start3A_380, %dma_start3A_385] : memref<1x40xi32, #tpu.memory_space<vmem>> -> memref<1x40xi32, #tpu.memory_space<vmem>>
        %dma_start3A_387 = tpu.memref_squeeze %dma_start3A_386 : memref<1x40xi32, #tpu.memory_space<vmem>> -> memref<40xi32, #tpu.memory_space<vmem>>
        %dma_start3A_388 = tpu.memref_slice %arg2[%add3A_379] : memref<320000xi32, #tpu.memory_space<hbm>> -> memref<40xi32, #tpu.memory_space<hbm>>
        tpu.enqueue_dma source(%dma_start3A_388 : memref<40xi32, #tpu.memory_space<hbm>>) target(%dma_start3A_387 : memref<40xi32, #tpu.memory_space<vmem>>) target_semaphore(%arg27 : memref<!tpu.dma_semaphore, #tpu.memory_space<semaphore_mem>>)
        %dma_start3A_389 = arith.constant 0 : i32
        %dma_start3A_390 = arith.constant 0 : i32
        %dma_start3A_391 = tpu.memref_slice %arg12[%dma_start3A_389, %dma_start3A_390] : memref<1x40xi32, #tpu.memory_space<vmem>> -> memref<1x40xi32, #tpu.memory_space<vmem>>
        %dma_start3A_392 = tpu.memref_squeeze %dma_start3A_391 : memref<1x40xi32, #tpu.memory_space<vmem>> -> memref<40xi32, #tpu.memory_space<vmem>>
        %dma_start3A_393 = tpu.memref_slice %arg3[%add3A_379] : memref<320000xi32, #tpu.memory_space<hbm>> -> memref<40xi32, #tpu.memory_space<hbm>>
        %dma_start3A_394 = arith.constant 0 : i32
        %dma_start3A_395 = tpu.memref_slice %arg12[%dma_start3A_389, %dma_start3A_394] : memref<1x40xi32, #tpu.memory_space<vmem>> -> memref<1x40xi32, #tpu.memory_space<vmem>>
        %dma_start3A_396 = tpu.memref_squeeze %dma_start3A_395 : memref<1x40xi32, #tpu.memory_space<vmem>> -> memref<40xi32, #tpu.memory_space<vmem>>
        %dma_start3A_397 = tpu.memref_slice %arg3[%add3A_379] : memref<320000xi32, #tpu.memory_space<hbm>> -> memref<40xi32, #tpu.memory_space<hbm>>
        tpu.enqueue_dma source(%dma_start3A_397 : memref<40xi32, #tpu.memory_space<hbm>>) target(%dma_start3A_396 : memref<40xi32, #tpu.memory_space<vmem>>) target_semaphore(%arg27 : memref<!tpu.dma_semaphore, #tpu.memory_space<semaphore_mem>>)
        %dma_wait3A_398 = arith.constant 0 : i32
        %dma_wait3A_399 = arith.constant 0 : i32
        %dma_wait3A_400 = tpu.memref_slice %arg11[%dma_wait3A_398, %dma_wait3A_399] : memref<1x40xi32, #tpu.memory_space<vmem>> -> memref<1x40xi32, #tpu.memory_space<vmem>>
        %dma_wait3A_401 = tpu.memref_squeeze %dma_wait3A_400 : memref<1x40xi32, #tpu.memory_space<vmem>> -> memref<40xi32, #tpu.memory_space<vmem>>
        %dma_wait3A_402 = arith.constant 0 : i32
        %dma_wait3A_403 = tpu.memref_slice %arg2[%dma_wait3A_402] : memref<320000xi32, #tpu.memory_space<hbm>> -> memref<40xi32, #tpu.memory_space<hbm>>
        %dma_wait3A_404 = arith.constant 0 : i32
        %dma_wait3A_405 = tpu.memref_slice %arg11[%dma_wait3A_398, %dma_wait3A_404] : memref<1x40xi32, #tpu.memory_space<vmem>> -> memref<1x40xi32, #tpu.memory_space<vmem>>
        %dma_wait3A_406 = tpu.memref_squeeze %dma_wait3A_405 : memref<1x40xi32, #tpu.memory_space<vmem>> -> memref<40xi32, #tpu.memory_space<vmem>>
        %dma_wait3A_407 = arith.constant 0 : i32
        %dma_wait3A_408 = tpu.memref_slice %arg2[%dma_wait3A_407] : memref<320000xi32, #tpu.memory_space<hbm>> -> memref<40xi32, #tpu.memory_space<hbm>>
        tpu.wait_dma2 semaphore(%arg27 : memref<!tpu.dma_semaphore, #tpu.memory_space<semaphore_mem>>) src(%dma_wait3A_408 : memref<40xi32, #tpu.memory_space<hbm>>) dst(%dma_wait3A_406 : memref<40xi32, #tpu.memory_space<vmem>>)
        %dma_wait3A_409 = arith.constant 0 : i32
        %dma_wait3A_410 = arith.constant 0 : i32
        %dma_wait3A_411 = tpu.memref_slice %arg12[%dma_wait3A_409, %dma_wait3A_410] : memref<1x40xi32, #tpu.memory_space<vmem>> -> memref<1x40xi32, #tpu.memory_space<vmem>>
        %dma_wait3A_412 = tpu.memref_squeeze %dma_wait3A_411 : memref<1x40xi32, #tpu.memory_space<vmem>> -> memref<40xi32, #tpu.memory_space<vmem>>
        %dma_wait3A_413 = arith.constant 0 : i32
        %dma_wait3A_414 = tpu.memref_slice %arg3[%dma_wait3A_413] : memref<320000xi32, #tpu.memory_space<hbm>> -> memref<40xi32, #tpu.memory_space<hbm>>
        %dma_wait3A_415 = arith.constant 0 : i32
        %dma_wait3A_416 = tpu.memref_slice %arg12[%dma_wait3A_409, %dma_wait3A_415] : memref<1x40xi32, #tpu.memory_space<vmem>> -> memref<1x40xi32, #tpu.memory_space<vmem>>
        %dma_wait3A_417 = tpu.memref_squeeze %dma_wait3A_416 : memref<1x40xi32, #tpu.memory_space<vmem>> -> memref<40xi32, #tpu.memory_space<vmem>>
        %dma_wait3A_418 = arith.constant 0 : i32
        %dma_wait3A_419 = tpu.memref_slice %arg3[%dma_wait3A_418] : memref<320000xi32, #tpu.memory_space<hbm>> -> memref<40xi32, #tpu.memory_space<hbm>>
        tpu.wait_dma2 semaphore(%arg27 : memref<!tpu.dma_semaphore, #tpu.memory_space<semaphore_mem>>) src(%dma_wait3A_419 : memref<40xi32, #tpu.memory_space<hbm>>) dst(%dma_wait3A_417 : memref<40xi32, #tpu.memory_space<vmem>>)
        %add3A_420 = arith.constant 2 : i32
        %add3A_421 = arith.addi %mul3A_170, %add3A_420 : i32
        %mul3A_422 = arith.constant 40 : i32
        %mul3A_423 = arith.muli %add3A_421, %mul3A_422 : i32
        %add3A_424 = arith.addi %mul3A_10, %mul3A_423 : i32
        %dma_start3A_425 = arith.constant 0 : i32
        %dma_start3A_426 = arith.constant 0 : i32
        %dma_start3A_427 = tpu.memref_slice %arg11[%dma_start3A_425, %dma_start3A_426] : memref<1x40xi32, #tpu.memory_space<vmem>> -> memref<1x40xi32, #tpu.memory_space<vmem>>
        %dma_start3A_428 = tpu.memref_squeeze %dma_start3A_427 : memref<1x40xi32, #tpu.memory_space<vmem>> -> memref<40xi32, #tpu.memory_space<vmem>>
        %dma_start3A_429 = arith.constant 0 : i32
        %dma_start3A_430 = arith.constant 0 : i32
        %dma_start3A_431 = tpu.memref_slice %arg4[%arg0, %dma_start3A_429, %dma_start3A_430] : memref<2x10000x128xf32, #tpu.memory_space<hbm>> -> memref<1x10000x128xf32, #tpu.memory_space<hbm>>
        %dma_start3A_432 = tpu.memref_squeeze %dma_start3A_431 : memref<1x10000x128xf32, #tpu.memory_space<hbm>> -> memref<10000x128xf32, #tpu.memory_space<hbm>>
        %dma_start3A_433 = arith.constant 0 : i32
        %dma_start3A_434 = arith.constant 0 : i32
        %dma_start3A_435 = tpu.memref_slice %dma_start3A_432[%dma_start3A_433, %dma_start3A_434] : memref<10000x128xf32, #tpu.memory_space<hbm>> -> memref<10000x128xf32, #tpu.memory_space<hbm>>
        tpu.enqueue_indirect_dma source(%dma_start3A_435 : memref<10000x128xf32, #tpu.memory_space<hbm>>) target(%arg13 : memref<40x128xf32, #tpu.memory_space<vmem>>) offsets(%dma_start3A_428 : memref<40xi32, #tpu.memory_space<vmem>>) semaphore(%arg23 : memref<!tpu.dma_semaphore, #tpu.memory_space<semaphore_mem>>)
        %dma_start3A_436 = arith.constant 0 : i32
        %dma_start3A_437 = arith.constant 0 : i32
        %dma_start3A_438 = tpu.memref_slice %arg12[%dma_start3A_436, %dma_start3A_437] : memref<1x40xi32, #tpu.memory_space<vmem>> -> memref<1x40xi32, #tpu.memory_space<vmem>>
        %dma_start3A_439 = tpu.memref_squeeze %dma_start3A_438 : memref<1x40xi32, #tpu.memory_space<vmem>> -> memref<40xi32, #tpu.memory_space<vmem>>
        %dma_start3A_440 = arith.constant 0 : i32
        %dma_start3A_441 = arith.constant 0 : i32
        %dma_start3A_442 = tpu.memref_slice %arg5[%arg0, %dma_start3A_440, %dma_start3A_441] : memref<2x10000x128xf32, #tpu.memory_space<hbm>> -> memref<1x10000x128xf32, #tpu.memory_space<hbm>>
        %dma_start3A_443 = tpu.memref_squeeze %dma_start3A_442 : memref<1x10000x128xf32, #tpu.memory_space<hbm>> -> memref<10000x128xf32, #tpu.memory_space<hbm>>
        %dma_start3A_444 = arith.constant 0 : i32
        %dma_start3A_445 = arith.constant 0 : i32
        %dma_start3A_446 = tpu.memref_slice %dma_start3A_443[%dma_start3A_444, %dma_start3A_445] : memref<10000x128xf32, #tpu.memory_space<hbm>> -> memref<10000x128xf32, #tpu.memory_space<hbm>>
        tpu.enqueue_indirect_dma source(%dma_start3A_446 : memref<10000x128xf32, #tpu.memory_space<hbm>>) target(%arg14 : memref<40x128xf32, #tpu.memory_space<vmem>>) offsets(%dma_start3A_439 : memref<40xi32, #tpu.memory_space<vmem>>) semaphore(%arg23 : memref<!tpu.dma_semaphore, #tpu.memory_space<semaphore_mem>>)
        %dma_start3A_447 = arith.constant 0 : i32
        %dma_start3A_448 = tpu.memref_slice %arg6[%arg0, %add3A_424, %dma_start3A_447] : memref<2x320000x64xf32, #tpu.memory_space<hbm>> -> memref<1x40x64xf32, #tpu.memory_space<hbm>>
        %dma_start3A_449 = tpu.memref_squeeze %dma_start3A_448 : memref<1x40x64xf32, #tpu.memory_space<hbm>> -> memref<40x64xf32, #tpu.memory_space<hbm>>
        %dma_start3A_450 = arith.constant 0 : i32
        %dma_start3A_451 = tpu.memref_slice %arg6[%arg0, %add3A_424, %dma_start3A_450] : memref<2x320000x64xf32, #tpu.memory_space<hbm>> -> memref<1x40x64xf32, #tpu.memory_space<hbm>>
        %dma_start3A_452 = tpu.memref_squeeze %dma_start3A_451 : memref<1x40x64xf32, #tpu.memory_space<hbm>> -> memref<40x64xf32, #tpu.memory_space<hbm>>
        tpu.enqueue_dma source(%dma_start3A_452 : memref<40x64xf32, #tpu.memory_space<hbm>>) target(%arg15 : memref<40x64xf32, #tpu.memory_space<vmem>>) target_semaphore(%arg23 : memref<!tpu.dma_semaphore, #tpu.memory_space<semaphore_mem>>)
      } else {
      }
      %dma_wait3A_299 = arith.constant 0 : i32
      %dma_wait3A_300 = arith.constant 0 : i32
      %dma_wait3A_301 = tpu.memref_slice %arg16[%dma_wait3A_299, %dma_wait3A_300] : memref<1x40xi32, #tpu.memory_space<vmem>> -> memref<1x40xi32, #tpu.memory_space<vmem>>
      %dma_wait3A_302 = tpu.memref_squeeze %dma_wait3A_301 : memref<1x40xi32, #tpu.memory_space<vmem>> -> memref<40xi32, #tpu.memory_space<vmem>>
      %dma_wait3A_303 = arith.constant 0 : i32
      %dma_wait3A_304 = arith.constant 0 : i32
      %dma_wait3A_305 = tpu.memref_slice %arg4[%arg0, %dma_wait3A_303, %dma_wait3A_304] : memref<2x10000x128xf32, #tpu.memory_space<hbm>> -> memref<1x10000x128xf32, #tpu.memory_space<hbm>>
      %dma_wait3A_306 = tpu.memref_squeeze %dma_wait3A_305 : memref<1x10000x128xf32, #tpu.memory_space<hbm>> -> memref<10000x128xf32, #tpu.memory_space<hbm>>
      %dma_wait3A_307 = arith.constant 0 : i32
      %dma_wait3A_308 = arith.constant 0 : i32
      %dma_wait3A_309 = tpu.memref_slice %dma_wait3A_306[%dma_wait3A_307, %dma_wait3A_308] : memref<10000x128xf32, #tpu.memory_space<hbm>> -> memref<10000x128xf32, #tpu.memory_space<hbm>>
      tpu.wait_indirect_dma semaphore(%arg24 : memref<!tpu.dma_semaphore, #tpu.memory_space<semaphore_mem>>) src(%dma_wait3A_309 : memref<10000x128xf32, #tpu.memory_space<hbm>>) dst(%arg18 : memref<40x128xf32, #tpu.memory_space<vmem>>)
      %dma_wait3A_310 = arith.constant 0 : i32
      %dma_wait3A_311 = arith.constant 0 : i32
      %dma_wait3A_312 = tpu.memref_slice %arg17[%dma_wait3A_310, %dma_wait3A_311] : memref<1x40xi32, #tpu.memory_space<vmem>> -> memref<1x40xi32, #tpu.memory_space<vmem>>
      %dma_wait3A_313 = tpu.memref_squeeze %dma_wait3A_312 : memref<1x40xi32, #tpu.memory_space<vmem>> -> memref<40xi32, #tpu.memory_space<vmem>>
      %dma_wait3A_314 = arith.constant 0 : i32
      %dma_wait3A_315 = arith.constant 0 : i32
      %dma_wait3A_316 = tpu.memref_slice %arg5[%arg0, %dma_wait3A_314, %dma_wait3A_315] : memref<2x10000x128xf32, #tpu.memory_space<hbm>> -> memref<1x10000x128xf32, #tpu.memory_space<hbm>>
      %dma_wait3A_317 = tpu.memref_squeeze %dma_wait3A_316 : memref<1x10000x128xf32, #tpu.memory_space<hbm>> -> memref<10000x128xf32, #tpu.memory_space<hbm>>
      %dma_wait3A_318 = arith.constant 0 : i32
      %dma_wait3A_319 = arith.constant 0 : i32
      %dma_wait3A_320 = tpu.memref_slice %dma_wait3A_317[%dma_wait3A_318, %dma_wait3A_319] : memref<10000x128xf32, #tpu.memory_space<hbm>> -> memref<10000x128xf32, #tpu.memory_space<hbm>>
      tpu.wait_indirect_dma semaphore(%arg24 : memref<!tpu.dma_semaphore, #tpu.memory_space<semaphore_mem>>) src(%dma_wait3A_320 : memref<10000x128xf32, #tpu.memory_space<hbm>>) dst(%arg19 : memref<40x128xf32, #tpu.memory_space<vmem>>)
      %dma_wait3A_321 = arith.constant 0 : i32
      %dma_wait3A_322 = arith.constant 0 : i32
      %dma_wait3A_323 = tpu.memref_slice %arg6[%arg0, %dma_wait3A_321, %dma_wait3A_322] : memref<2x320000x64xf32, #tpu.memory_space<hbm>> -> memref<1x40x64xf32, #tpu.memory_space<hbm>>
      %dma_wait3A_324 = tpu.memref_squeeze %dma_wait3A_323 : memref<1x40x64xf32, #tpu.memory_space<hbm>> -> memref<40x64xf32, #tpu.memory_space<hbm>>
      %dma_wait3A_325 = arith.constant 0 : i32
      %dma_wait3A_326 = arith.constant 0 : i32
      %dma_wait3A_327 = tpu.memref_slice %arg6[%arg0, %dma_wait3A_325, %dma_wait3A_326] : memref<2x320000x64xf32, #tpu.memory_space<hbm>> -> memref<1x40x64xf32, #tpu.memory_space<hbm>>
      %dma_wait3A_328 = tpu.memref_squeeze %dma_wait3A_327 : memref<1x40x64xf32, #tpu.memory_space<hbm>> -> memref<40x64xf32, #tpu.memory_space<hbm>>
      tpu.wait_dma2 semaphore(%arg24 : memref<!tpu.dma_semaphore, #tpu.memory_space<semaphore_mem>>) src(%dma_wait3A_328 : memref<40x64xf32, #tpu.memory_space<hbm>>) dst(%arg20 : memref<40x64xf32, #tpu.memory_space<vmem>>)
      %scan3A_329 = arith.constant 0 : i32
      %scan3A_330 = arith.constant 10 : i32
      %scan3A_331 = arith.addi %scan3A_329, %scan3A_330 : i32
      %scan3A_332 = arith.constant 1 : i32
      %scan3A_333:8 = scf.for %scan3A_375 = %scan3A_329 to %scan3A_331 step %scan3A_332 iter_args(%scan3A_376 = %scan3A_260#0, %scan3A_377 = %scan3A_260#1, %scan3A_378 = %scan3A_260#2, %scan3A_379 = %scan3A_260#3, %scan3A_380 = %scan3A_260#4, %scan3A_381 = %scan3A_260#5, %scan3A_382 = %scan3A_260#6, %scan3A_383 = %scan3A_260#7) -> (vector<16xf32>, vector<16xf32>, vector<16xf32>, vector<16xf32>, vector<16xf32>, vector<16xf32>, vector<16xf32>, vector<16xf32>)  : i32 {
        %mul3A_384 = arith.constant 4 : i32
        %mul3A_385 = arith.muli %scan3A_375, %mul3A_384 : i32
        %add3A_386 = arith.constant 0 : i32
        %add3A_387 = arith.addi %mul3A_385, %add3A_386 : i32
        %get3A = arith.index_cast %add3A_387 : i32 to index
        %get3A_388 = arith.constant 0 : index
        %get3A_389 = tpu.vector_load %arg18[%get3A, %get3A_388] {strides = array<i32>} : memref<40x128xf32, #tpu.memory_space<vmem>>, vector<1x16xf32>,
        %get3A_390 = vector.shape_cast %get3A_389 : vector<1x16xf32> to vector<16xf32>
        %get3A_391 = arith.index_cast %add3A_387 : i32 to index
        %get3A_392 = arith.constant 0 : index
        %get3A_393 = tpu.vector_load %arg19[%get3A_391, %get3A_392] {strides = array<i32>} : memref<40x128xf32, #tpu.memory_space<vmem>>, vector<1x16xf32>,
        %get3A_394 = vector.shape_cast %get3A_393 : vector<1x16xf32> to vector<16xf32>
        %add3A_395 = arith.addf %get3A_390, %get3A_394 : vector<16xf32>
        %get3A_396 = arith.index_cast %add3A_387 : i32 to index
        %get3A_397 = arith.constant 0 : index
        %get3A_398 = tpu.vector_load %arg20[%get3A_396, %get3A_397] {strides = array<i32>} : memref<40x64xf32, #tpu.memory_space<vmem>>, vector<1x16xf32>,
        %get3A_399 = vector.shape_cast %get3A_398 : vector<1x16xf32> to vector<16xf32>
        %add3A_400 = arith.addf %add3A_395, %get3A_399 : vector<16xf32>
        %swap3A_401 = arith.index_cast %add3A_387 : i32 to index
        %swap3A_402 = arith.constant 0 : index
        %swap3A_403 = tpu.vector_load %arg20[%swap3A_401, %swap3A_402] {strides = array<i32>} : memref<40x64xf32, #tpu.memory_space<vmem>>, vector<1x16xf32>,
        %swap3A_404 = vector.shape_cast %swap3A_403 : vector<1x16xf32> to vector<16xf32>
        %swap3A_405 = vector.shape_cast %add3A_400 : vector<16xf32> to vector<1x16xf32>
        tpu.vector_store %arg20[%swap3A_401, %swap3A_402], %swap3A_405 {strides = array<i32>} : memref<40x64xf32, #tpu.memory_space<vmem>>, vector<1x16xf32>,
        %neg3A = arith.constant 0.000000e+00 : f32
        %neg3A_406 = vector.broadcast %neg3A : f32 to vector<16xf32>
        %neg3A_407 = arith.subf %neg3A_406, %add3A_400 : vector<16xf32>
        %exp3A = math.exp %neg3A_407 : vector<16xf32>
        %add3A_408 = arith.constant 1.000000e+00 : f32
        %add3A_409 = vector.broadcast %add3A_408 : f32 to vector<16xf32>
        %add3A_410 = arith.addf %add3A_409, %exp3A : vector<16xf32>
        %div3A = arith.constant 1.000000e+00 : f32
        %div3A_411 = vector.broadcast %div3A : f32 to vector<16xf32>
        %div3A_412 = arith.divf %div3A_411, %add3A_410 : vector<16xf32>
        %get3A_413 = arith.index_cast %add3A_387 : i32 to index
        %get3A_414 = arith.constant 64 : index
        %get3A_415 = tpu.vector_load %arg18[%get3A_413, %get3A_414] {strides = array<i32>} : memref<40x128xf32, #tpu.memory_space<vmem>>, vector<1x16xf32>,
        %get3A_416 = vector.shape_cast %get3A_415 : vector<1x16xf32> to vector<16xf32>
        %mul3A_417 = arith.mulf %get3A_416, %div3A_412 : vector<16xf32>
        %swap3A_418 = arith.index_cast %add3A_387 : i32 to index
        %swap3A_419 = arith.constant 0 : index
        %swap3A_420 = tpu.vector_load %arg18[%swap3A_418, %swap3A_419] {strides = array<i32>} : memref<40x128xf32, #tpu.memory_space<vmem>>, vector<1x16xf32>,
        %swap3A_421 = vector.shape_cast %swap3A_420 : vector<1x16xf32> to vector<16xf32>
        %swap3A_422 = vector.shape_cast %mul3A_417 : vector<16xf32> to vector<1x16xf32>
        tpu.vector_store %arg18[%swap3A_418, %swap3A_419], %swap3A_422 {strides = array<i32>} : memref<40x128xf32, #tpu.memory_space<vmem>>, vector<1x16xf32>,
        %swap3A_423 = arith.index_cast %add3A_387 : i32 to index
        %swap3A_424 = arith.constant 64 : index
        %swap3A_425 = tpu.vector_load %arg18[%swap3A_423, %swap3A_424] {strides = array<i32>} : memref<40x128xf32, #tpu.memory_space<vmem>>, vector<1x16xf32>,
        %swap3A_426 = vector.shape_cast %swap3A_425 : vector<1x16xf32> to vector<16xf32>
        %swap3A_427 = vector.shape_cast %div3A_412 : vector<16xf32> to vector<1x16xf32>
        tpu.vector_store %arg18[%swap3A_423, %swap3A_424], %swap3A_427 {strides = array<i32>} : memref<40x128xf32, #tpu.memory_space<vmem>>, vector<1x16xf32>,
        %add3A_428 = arith.addf %scan3A_376, %add3A_400 : vector<16xf32>
        %mul3A_429 = arith.mulf %add3A_400, %add3A_400 : vector<16xf32>
        %add3A_430 = arith.addf %scan3A_380, %mul3A_429 : vector<16xf32>
        %get3A_431 = arith.index_cast %add3A_387 : i32 to index
        %get3A_432 = arith.constant 16 : index
        %get3A_433 = tpu.vector_load %arg18[%get3A_431, %get3A_432] {strides = array<i32>} : memref<40x128xf32, #tpu.memory_space<vmem>>, vector<1x16xf32>,
        %get3A_434 = vector.shape_cast %get3A_433 : vector<1x16xf32> to vector<16xf32>
        %get3A_435 = arith.index_cast %add3A_387 : i32 to index
        %get3A_436 = arith.constant 16 : index
        %get3A_437 = tpu.vector_load %arg19[%get3A_435, %get3A_436] {strides = array<i32>} : memref<40x128xf32, #tpu.memory_space<vmem>>, vector<1x16xf32>,
        %get3A_438 = vector.shape_cast %get3A_437 : vector<1x16xf32> to vector<16xf32>
        %add3A_439 = arith.addf %get3A_434, %get3A_438 : vector<16xf32>
        %get3A_440 = arith.index_cast %add3A_387 : i32 to index
        %get3A_441 = arith.constant 16 : index
        %get3A_442 = tpu.vector_load %arg20[%get3A_440, %get3A_441] {strides = array<i32>} : memref<40x64xf32, #tpu.memory_space<vmem>>, vector<1x16xf32>,
        %get3A_443 = vector.shape_cast %get3A_442 : vector<1x16xf32> to vector<16xf32>
        %add3A_444 = arith.addf %add3A_439, %get3A_443 : vector<16xf32>
        %swap3A_445 = arith.index_cast %add3A_387 : i32 to index
        %swap3A_446 = arith.constant 16 : index
        %swap3A_447 = tpu.vector_load %arg20[%swap3A_445, %swap3A_446] {strides = array<i32>} : memref<40x64xf32, #tpu.memory_space<vmem>>, vector<1x16xf32>,
        %swap3A_448 = vector.shape_cast %swap3A_447 : vector<1x16xf32> to vector<16xf32>
        %swap3A_449 = vector.shape_cast %add3A_444 : vector<16xf32> to vector<1x16xf32>
        tpu.vector_store %arg20[%swap3A_445, %swap3A_446], %swap3A_449 {strides = array<i32>} : memref<40x64xf32, #tpu.memory_space<vmem>>, vector<1x16xf32>,
        %neg3A_450 = arith.constant 0.000000e+00 : f32
        %neg3A_451 = vector.broadcast %neg3A_450 : f32 to vector<16xf32>
        %neg3A_452 = arith.subf %neg3A_451, %add3A_444 : vector<16xf32>
        %exp3A_453 = math.exp %neg3A_452 : vector<16xf32>
        %add3A_454 = arith.constant 1.000000e+00 : f32
        %add3A_455 = vector.broadcast %add3A_454 : f32 to vector<16xf32>
        %add3A_456 = arith.addf %add3A_455, %exp3A_453 : vector<16xf32>
        %div3A_457 = arith.constant 1.000000e+00 : f32
        %div3A_458 = vector.broadcast %div3A_457 : f32 to vector<16xf32>
        %div3A_459 = arith.divf %div3A_458, %add3A_456 : vector<16xf32>
        %get3A_460 = arith.index_cast %add3A_387 : i32 to index
        %get3A_461 = arith.constant 80 : index
        %get3A_462 = tpu.vector_load %arg18[%get3A_460, %get3A_461] {strides = array<i32>} : memref<40x128xf32, #tpu.memory_space<vmem>>, vector<1x16xf32>,
        %get3A_463 = vector.shape_cast %get3A_462 : vector<1x16xf32> to vector<16xf32>
        %mul3A_464 = arith.mulf %get3A_463, %div3A_459 : vector<16xf32>
        %swap3A_465 = arith.index_cast %add3A_387 : i32 to index
        %swap3A_466 = arith.constant 16 : index
        %swap3A_467 = tpu.vector_load %arg18[%swap3A_465, %swap3A_466] {strides = array<i32>} : memref<40x128xf32, #tpu.memory_space<vmem>>, vector<1x16xf32>,
        %swap3A_468 = vector.shape_cast %swap3A_467 : vector<1x16xf32> to vector<16xf32>
        %swap3A_469 = vector.shape_cast %mul3A_464 : vector<16xf32> to vector<1x16xf32>
        tpu.vector_store %arg18[%swap3A_465, %swap3A_466], %swap3A_469 {strides = array<i32>} : memref<40x128xf32, #tpu.memory_space<vmem>>, vector<1x16xf32>,
        %swap3A_470 = arith.index_cast %add3A_387 : i32 to index
        %swap3A_471 = arith.constant 80 : index
        %swap3A_472 = tpu.vector_load %arg18[%swap3A_470, %swap3A_471] {strides = array<i32>} : memref<40x128xf32, #tpu.memory_space<vmem>>, vector<1x16xf32>,
        %swap3A_473 = vector.shape_cast %swap3A_472 : vector<1x16xf32> to vector<16xf32>
        %swap3A_474 = vector.shape_cast %div3A_459 : vector<16xf32> to vector<1x16xf32>
        tpu.vector_store %arg18[%swap3A_470, %swap3A_471], %swap3A_474 {strides = array<i32>} : memref<40x128xf32, #tpu.memory_space<vmem>>, vector<1x16xf32>,
        %add3A_475 = arith.addf %scan3A_377, %add3A_444 : vector<16xf32>
        %mul3A_476 = arith.mulf %add3A_444, %add3A_444 : vector<16xf32>
        %add3A_477 = arith.addf %scan3A_381, %mul3A_476 : vector<16xf32>
        %get3A_478 = arith.index_cast %add3A_387 : i32 to index
        %get3A_479 = arith.constant 32 : index
        %get3A_480 = tpu.vector_load %arg18[%get3A_478, %get3A_479] {strides = array<i32>} : memref<40x128xf32, #tpu.memory_space<vmem>>, vector<1x16xf32>,
        %get3A_481 = vector.shape_cast %get3A_480 : vector<1x16xf32> to vector<16xf32>
        %get3A_482 = arith.index_cast %add3A_387 : i32 to index
        %get3A_483 = arith.constant 32 : index
        %get3A_484 = tpu.vector_load %arg19[%get3A_482, %get3A_483] {strides = array<i32>} : memref<40x128xf32, #tpu.memory_space<vmem>>, vector<1x16xf32>,
        %get3A_485 = vector.shape_cast %get3A_484 : vector<1x16xf32> to vector<16xf32>
        %add3A_486 = arith.addf %get3A_481, %get3A_485 : vector<16xf32>
        %get3A_487 = arith.index_cast %add3A_387 : i32 to index
        %get3A_488 = arith.constant 32 : index
        %get3A_489 = tpu.vector_load %arg20[%get3A_487, %get3A_488] {strides = array<i32>} : memref<40x64xf32, #tpu.memory_space<vmem>>, vector<1x16xf32>,
        %get3A_490 = vector.shape_cast %get3A_489 : vector<1x16xf32> to vector<16xf32>
        %add3A_491 = arith.addf %add3A_486, %get3A_490 : vector<16xf32>
        %swap3A_492 = arith.index_cast %add3A_387 : i32 to index
        %swap3A_493 = arith.constant 32 : index
        %swap3A_494 = tpu.vector_load %arg20[%swap3A_492, %swap3A_493] {strides = array<i32>} : memref<40x64xf32, #tpu.memory_space<vmem>>, vector<1x16xf32>,
        %swap3A_495 = vector.shape_cast %swap3A_494 : vector<1x16xf32> to vector<16xf32>
        %swap3A_496 = vector.shape_cast %add3A_491 : vector<16xf32> to vector<1x16xf32>
        tpu.vector_store %arg20[%swap3A_492, %swap3A_493], %swap3A_496 {strides = array<i32>} : memref<40x64xf32, #tpu.memory_space<vmem>>, vector<1x16xf32>,
        %neg3A_497 = arith.constant 0.000000e+00 : f32
        %neg3A_498 = vector.broadcast %neg3A_497 : f32 to vector<16xf32>
        %neg3A_499 = arith.subf %neg3A_498, %add3A_491 : vector<16xf32>
        %exp3A_500 = math.exp %neg3A_499 : vector<16xf32>
        %add3A_501 = arith.constant 1.000000e+00 : f32
        %add3A_502 = vector.broadcast %add3A_501 : f32 to vector<16xf32>
        %add3A_503 = arith.addf %add3A_502, %exp3A_500 : vector<16xf32>
        %div3A_504 = arith.constant 1.000000e+00 : f32
        %div3A_505 = vector.broadcast %div3A_504 : f32 to vector<16xf32>
        %div3A_506 = arith.divf %div3A_505, %add3A_503 : vector<16xf32>
        %get3A_507 = arith.index_cast %add3A_387 : i32 to index
        %get3A_508 = arith.constant 96 : index
        %get3A_509 = tpu.vector_load %arg18[%get3A_507, %get3A_508] {strides = array<i32>} : memref<40x128xf32, #tpu.memory_space<vmem>>, vector<1x16xf32>,
        %get3A_510 = vector.shape_cast %get3A_509 : vector<1x16xf32> to vector<16xf32>
        %mul3A_511 = arith.mulf %get3A_510, %div3A_506 : vector<16xf32>
        %swap3A_512 = arith.index_cast %add3A_387 : i32 to index
        %swap3A_513 = arith.constant 32 : index
        %swap3A_514 = tpu.vector_load %arg18[%swap3A_512, %swap3A_513] {strides = array<i32>} : memref<40x128xf32, #tpu.memory_space<vmem>>, vector<1x16xf32>,
        %swap3A_515 = vector.shape_cast %swap3A_514 : vector<1x16xf32> to vector<16xf32>
        %swap3A_516 = vector.shape_cast %mul3A_511 : vector<16xf32> to vector<1x16xf32>
        tpu.vector_store %arg18[%swap3A_512, %swap3A_513], %swap3A_516 {strides = array<i32>} : memref<40x128xf32, #tpu.memory_space<vmem>>, vector<1x16xf32>,
        %swap3A_517 = arith.index_cast %add3A_387 : i32 to index
        %swap3A_518 = arith.constant 96 : index
        %swap3A_519 = tpu.vector_load %arg18[%swap3A_517, %swap3A_518] {strides = array<i32>} : memref<40x128xf32, #tpu.memory_space<vmem>>, vector<1x16xf32>,
        %swap3A_520 = vector.shape_cast %swap3A_519 : vector<1x16xf32> to vector<16xf32>
        %swap3A_521 = vector.shape_cast %div3A_506 : vector<16xf32> to vector<1x16xf32>
        tpu.vector_store %arg18[%swap3A_517, %swap3A_518], %swap3A_521 {strides = array<i32>} : memref<40x128xf32, #tpu.memory_space<vmem>>, vector<1x16xf32>,
        %add3A_522 = arith.addf %scan3A_378, %add3A_491 : vector<16xf32>
        %mul3A_523 = arith.mulf %add3A_491, %add3A_491 : vector<16xf32>
        %add3A_524 = arith.addf %scan3A_382, %mul3A_523 : vector<16xf32>
        %get3A_525 = arith.index_cast %add3A_387 : i32 to index
        %get3A_526 = arith.constant 48 : index
        %get3A_527 = tpu.vector_load %arg18[%get3A_525, %get3A_526] {strides = array<i32>} : memref<40x128xf32, #tpu.memory_space<vmem>>, vector<1x16xf32>,
        %get3A_528 = vector.shape_cast %get3A_527 : vector<1x16xf32> to vector<16xf32>
        %get3A_529 = arith.index_cast %add3A_387 : i32 to index
        %get3A_530 = arith.constant 48 : index
        %get3A_531 = tpu.vector_load %arg19[%get3A_529, %get3A_530] {strides = array<i32>} : memref<40x128xf32, #tpu.memory_space<vmem>>, vector<1x16xf32>,
        %get3A_532 = vector.shape_cast %get3A_531 : vector<1x16xf32> to vector<16xf32>
        %add3A_533 = arith.addf %get3A_528, %get3A_532 : vector<16xf32>
        %get3A_534 = arith.index_cast %add3A_387 : i32 to index
        %get3A_535 = arith.constant 48 : index
        %get3A_536 = tpu.vector_load %arg20[%get3A_534, %get3A_535] {strides = array<i32>} : memref<40x64xf32, #tpu.memory_space<vmem>>, vector<1x16xf32>,
        %get3A_537 = vector.shape_cast %get3A_536 : vector<1x16xf32> to vector<16xf32>
        %add3A_538 = arith.addf %add3A_533, %get3A_537 : vector<16xf32>
        %swap3A_539 = arith.index_cast %add3A_387 : i32 to index
        %swap3A_540 = arith.constant 48 : index
        %swap3A_541 = tpu.vector_load %arg20[%swap3A_539, %swap3A_540] {strides = array<i32>} : memref<40x64xf32, #tpu.memory_space<vmem>>, vector<1x16xf32>,
        %swap3A_542 = vector.shape_cast %swap3A_541 : vector<1x16xf32> to vector<16xf32>
        %swap3A_543 = vector.shape_cast %add3A_538 : vector<16xf32> to vector<1x16xf32>
        tpu.vector_store %arg20[%swap3A_539, %swap3A_540], %swap3A_543 {strides = array<i32>} : memref<40x64xf32, #tpu.memory_space<vmem>>, vector<1x16xf32>,
        %neg3A_544 = arith.constant 0.000000e+00 : f32
        %neg3A_545 = vector.broadcast %neg3A_544 : f32 to vector<16xf32>
        %neg3A_546 = arith.subf %neg3A_545, %add3A_538 : vector<16xf32>
        %exp3A_547 = math.exp %neg3A_546 : vector<16xf32>
        %add3A_548 = arith.constant 1.000000e+00 : f32
        %add3A_549 = vector.broadcast %add3A_548 : f32 to vector<16xf32>
        %add3A_550 = arith.addf %add3A_549, %exp3A_547 : vector<16xf32>
        %div3A_551 = arith.constant 1.000000e+00 : f32
        %div3A_552 = vector.broadcast %div3A_551 : f32 to vector<16xf32>
        %div3A_553 = arith.divf %div3A_552, %add3A_550 : vector<16xf32>
        %get3A_554 = arith.index_cast %add3A_387 : i32 to index
        %get3A_555 = arith.constant 112 : index
        %get3A_556 = tpu.vector_load %arg18[%get3A_554, %get3A_555] {strides = array<i32>} : memref<40x128xf32, #tpu.memory_space<vmem>>, vector<1x16xf32>,
        %get3A_557 = vector.shape_cast %get3A_556 : vector<1x16xf32> to vector<16xf32>
        %mul3A_558 = arith.mulf %get3A_557, %div3A_553 : vector<16xf32>
        %swap3A_559 = arith.index_cast %add3A_387 : i32 to index
        %swap3A_560 = arith.constant 48 : index
        %swap3A_561 = tpu.vector_load %arg18[%swap3A_559, %swap3A_560] {strides = array<i32>} : memref<40x128xf32, #tpu.memory_space<vmem>>, vector<1x16xf32>,
        %swap3A_562 = vector.shape_cast %swap3A_561 : vector<1x16xf32> to vector<16xf32>
        %swap3A_563 = vector.shape_cast %mul3A_558 : vector<16xf32> to vector<1x16xf32>
        tpu.vector_store %arg18[%swap3A_559, %swap3A_560], %swap3A_563 {strides = array<i32>} : memref<40x128xf32, #tpu.memory_space<vmem>>, vector<1x16xf32>,
        %swap3A_564 = arith.index_cast %add3A_387 : i32 to index
        %swap3A_565 = arith.constant 112 : index
        %swap3A_566 = tpu.vector_load %arg18[%swap3A_564, %swap3A_565] {strides = array<i32>} : memref<40x128xf32, #tpu.memory_space<vmem>>, vector<1x16xf32>,
        %swap3A_567 = vector.shape_cast %swap3A_566 : vector<1x16xf32> to vector<16xf32>
        %swap3A_568 = vector.shape_cast %div3A_553 : vector<16xf32> to vector<1x16xf32>
        tpu.vector_store %arg18[%swap3A_564, %swap3A_565], %swap3A_568 {strides = array<i32>} : memref<40x128xf32, #tpu.memory_space<vmem>>, vector<1x16xf32>,
        %add3A_569 = arith.addf %scan3A_379, %add3A_538 : vector<16xf32>
        %mul3A_570 = arith.mulf %add3A_538, %add3A_538 : vector<16xf32>
        %add3A_571 = arith.addf %scan3A_383, %mul3A_570 : vector<16xf32>
        %mul3A_572 = arith.constant 4 : i32
        %mul3A_573 = arith.muli %scan3A_375, %mul3A_572 : i32
        %add3A_574 = arith.constant 1 : i32
        %add3A_575 = arith.addi %mul3A_573, %add3A_574 : i32
        %get3A_576 = arith.index_cast %add3A_575 : i32 to index
        %get3A_577 = arith.constant 0 : index
        %get3A_578 = tpu.vector_load %arg18[%get3A_576, %get3A_577] {strides = array<i32>} : memref<40x128xf32, #tpu.memory_space<vmem>>, vector<1x16xf32>,
        %get3A_579 = vector.shape_cast %get3A_578 : vector<1x16xf32> to vector<16xf32>
        %get3A_580 = arith.index_cast %add3A_575 : i32 to index
        %get3A_581 = arith.constant 0 : index
        %get3A_582 = tpu.vector_load %arg19[%get3A_580, %get3A_581] {strides = array<i32>} : memref<40x128xf32, #tpu.memory_space<vmem>>, vector<1x16xf32>,
        %get3A_583 = vector.shape_cast %get3A_582 : vector<1x16xf32> to vector<16xf32>
        %add3A_584 = arith.addf %get3A_579, %get3A_583 : vector<16xf32>
        %get3A_585 = arith.index_cast %add3A_575 : i32 to index
        %get3A_586 = arith.constant 0 : index
        %get3A_587 = tpu.vector_load %arg20[%get3A_585, %get3A_586] {strides = array<i32>} : memref<40x64xf32, #tpu.memory_space<vmem>>, vector<1x16xf32>,
        %get3A_588 = vector.shape_cast %get3A_587 : vector<1x16xf32> to vector<16xf32>
        %add3A_589 = arith.addf %add3A_584, %get3A_588 : vector<16xf32>
        %swap3A_590 = arith.index_cast %add3A_575 : i32 to index
        %swap3A_591 = arith.constant 0 : index
        %swap3A_592 = tpu.vector_load %arg20[%swap3A_590, %swap3A_591] {strides = array<i32>} : memref<40x64xf32, #tpu.memory_space<vmem>>, vector<1x16xf32>,
        %swap3A_593 = vector.shape_cast %swap3A_592 : vector<1x16xf32> to vector<16xf32>
        %swap3A_594 = vector.shape_cast %add3A_589 : vector<16xf32> to vector<1x16xf32>
        tpu.vector_store %arg20[%swap3A_590, %swap3A_591], %swap3A_594 {strides = array<i32>} : memref<40x64xf32, #tpu.memory_space<vmem>>, vector<1x16xf32>,
        %neg3A_595 = arith.constant 0.000000e+00 : f32
        %neg3A_596 = vector.broadcast %neg3A_595 : f32 to vector<16xf32>
        %neg3A_597 = arith.subf %neg3A_596, %add3A_589 : vector<16xf32>
        %exp3A_598 = math.exp %neg3A_597 : vector<16xf32>
        %add3A_599 = arith.constant 1.000000e+00 : f32
        %add3A_600 = vector.broadcast %add3A_599 : f32 to vector<16xf32>
        %add3A_601 = arith.addf %add3A_600, %exp3A_598 : vector<16xf32>
        %div3A_602 = arith.constant 1.000000e+00 : f32
        %div3A_603 = vector.broadcast %div3A_602 : f32 to vector<16xf32>
        %div3A_604 = arith.divf %div3A_603, %add3A_601 : vector<16xf32>
        %get3A_605 = arith.index_cast %add3A_575 : i32 to index
        %get3A_606 = arith.constant 64 : index
        %get3A_607 = tpu.vector_load %arg18[%get3A_605, %get3A_606] {strides = array<i32>} : memref<40x128xf32, #tpu.memory_space<vmem>>, vector<1x16xf32>,
        %get3A_608 = vector.shape_cast %get3A_607 : vector<1x16xf32> to vector<16xf32>
        %mul3A_609 = arith.mulf %get3A_608, %div3A_604 : vector<16xf32>
        %swap3A_610 = arith.index_cast %add3A_575 : i32 to index
        %swap3A_611 = arith.constant 0 : index
        %swap3A_612 = tpu.vector_load %arg18[%swap3A_610, %swap3A_611] {strides = array<i32>} : memref<40x128xf32, #tpu.memory_space<vmem>>, vector<1x16xf32>,
        %swap3A_613 = vector.shape_cast %swap3A_612 : vector<1x16xf32> to vector<16xf32>
        %swap3A_614 = vector.shape_cast %mul3A_609 : vector<16xf32> to vector<1x16xf32>
        tpu.vector_store %arg18[%swap3A_610, %swap3A_611], %swap3A_614 {strides = array<i32>} : memref<40x128xf32, #tpu.memory_space<vmem>>, vector<1x16xf32>,
        %swap3A_615 = arith.index_cast %add3A_575 : i32 to index
        %swap3A_616 = arith.constant 64 : index
        %swap3A_617 = tpu.vector_load %arg18[%swap3A_615, %swap3A_616] {strides = array<i32>} : memref<40x128xf32, #tpu.memory_space<vmem>>, vector<1x16xf32>,
        %swap3A_618 = vector.shape_cast %swap3A_617 : vector<1x16xf32> to vector<16xf32>
        %swap3A_619 = vector.shape_cast %div3A_604 : vector<16xf32> to vector<1x16xf32>
        tpu.vector_store %arg18[%swap3A_615, %swap3A_616], %swap3A_619 {strides = array<i32>} : memref<40x128xf32, #tpu.memory_space<vmem>>, vector<1x16xf32>,
        %add3A_620 = arith.addf %add3A_428, %add3A_589 : vector<16xf32>
        %mul3A_621 = arith.mulf %add3A_589, %add3A_589 : vector<16xf32>
        %add3A_622 = arith.addf %add3A_430, %mul3A_621 : vector<16xf32>
        %get3A_623 = arith.index_cast %add3A_575 : i32 to index
        %get3A_624 = arith.constant 16 : index
        %get3A_625 = tpu.vector_load %arg18[%get3A_623, %get3A_624] {strides = array<i32>} : memref<40x128xf32, #tpu.memory_space<vmem>>, vector<1x16xf32>,
        %get3A_626 = vector.shape_cast %get3A_625 : vector<1x16xf32> to vector<16xf32>
        %get3A_627 = arith.index_cast %add3A_575 : i32 to index
        %get3A_628 = arith.constant 16 : index
        %get3A_629 = tpu.vector_load %arg19[%get3A_627, %get3A_628] {strides = array<i32>} : memref<40x128xf32, #tpu.memory_space<vmem>>, vector<1x16xf32>,
        %get3A_630 = vector.shape_cast %get3A_629 : vector<1x16xf32> to vector<16xf32>
        %add3A_631 = arith.addf %get3A_626, %get3A_630 : vector<16xf32>
        %get3A_632 = arith.index_cast %add3A_575 : i32 to index
        %get3A_633 = arith.constant 16 : index
        %get3A_634 = tpu.vector_load %arg20[%get3A_632, %get3A_633] {strides = array<i32>} : memref<40x64xf32, #tpu.memory_space<vmem>>, vector<1x16xf32>,
        %get3A_635 = vector.shape_cast %get3A_634 : vector<1x16xf32> to vector<16xf32>
        %add3A_636 = arith.addf %add3A_631, %get3A_635 : vector<16xf32>
        %swap3A_637 = arith.index_cast %add3A_575 : i32 to index
        %swap3A_638 = arith.constant 16 : index
        %swap3A_639 = tpu.vector_load %arg20[%swap3A_637, %swap3A_638] {strides = array<i32>} : memref<40x64xf32, #tpu.memory_space<vmem>>, vector<1x16xf32>,
        %swap3A_640 = vector.shape_cast %swap3A_639 : vector<1x16xf32> to vector<16xf32>
        %swap3A_641 = vector.shape_cast %add3A_636 : vector<16xf32> to vector<1x16xf32>
        tpu.vector_store %arg20[%swap3A_637, %swap3A_638], %swap3A_641 {strides = array<i32>} : memref<40x64xf32, #tpu.memory_space<vmem>>, vector<1x16xf32>,
        %neg3A_642 = arith.constant 0.000000e+00 : f32
        %neg3A_643 = vector.broadcast %neg3A_642 : f32 to vector<16xf32>
        %neg3A_644 = arith.subf %neg3A_643, %add3A_636 : vector<16xf32>
        %exp3A_645 = math.exp %neg3A_644 : vector<16xf32>
        %add3A_646 = arith.constant 1.000000e+00 : f32
        %add3A_647 = vector.broadcast %add3A_646 : f32 to vector<16xf32>
        %add3A_648 = arith.addf %add3A_647, %exp3A_645 : vector<16xf32>
        %div3A_649 = arith.constant 1.000000e+00 : f32
        %div3A_650 = vector.broadcast %div3A_649 : f32 to vector<16xf32>
        %div3A_651 = arith.divf %div3A_650, %add3A_648 : vector<16xf32>
        %get3A_652 = arith.index_cast %add3A_575 : i32 to index
        %get3A_653 = arith.constant 80 : index
        %get3A_654 = tpu.vector_load %arg18[%get3A_652, %get3A_653] {strides = array<i32>} : memref<40x128xf32, #tpu.memory_space<vmem>>, vector<1x16xf32>,
        %get3A_655 = vector.shape_cast %get3A_654 : vector<1x16xf32> to vector<16xf32>
        %mul3A_656 = arith.mulf %get3A_655, %div3A_651 : vector<16xf32>
        %swap3A_657 = arith.index_cast %add3A_575 : i32 to index
        %swap3A_658 = arith.constant 16 : index
        %swap3A_659 = tpu.vector_load %arg18[%swap3A_657, %swap3A_658] {strides = array<i32>} : memref<40x128xf32, #tpu.memory_space<vmem>>, vector<1x16xf32>,
        %swap3A_660 = vector.shape_cast %swap3A_659 : vector<1x16xf32> to vector<16xf32>
        %swap3A_661 = vector.shape_cast %mul3A_656 : vector<16xf32> to vector<1x16xf32>
        tpu.vector_store %arg18[%swap3A_657, %swap3A_658], %swap3A_661 {strides = array<i32>} : memref<40x128xf32, #tpu.memory_space<vmem>>, vector<1x16xf32>,
        %swap3A_662 = arith.index_cast %add3A_575 : i32 to index
        %swap3A_663 = arith.constant 80 : index
        %swap3A_664 = tpu.vector_load %arg18[%swap3A_662, %swap3A_663] {strides = array<i32>} : memref<40x128xf32, #tpu.memory_space<vmem>>, vector<1x16xf32>,
        %swap3A_665 = vector.shape_cast %swap3A_664 : vector<1x16xf32> to vector<16xf32>
        %swap3A_666 = vector.shape_cast %div3A_651 : vector<16xf32> to vector<1x16xf32>
        tpu.vector_store %arg18[%swap3A_662, %swap3A_663], %swap3A_666 {strides = array<i32>} : memref<40x128xf32, #tpu.memory_space<vmem>>, vector<1x16xf32>,
        %add3A_667 = arith.addf %add3A_475, %add3A_636 : vector<16xf32>
        %mul3A_668 = arith.mulf %add3A_636, %add3A_636 : vector<16xf32>
        %add3A_669 = arith.addf %add3A_477, %mul3A_668 : vector<16xf32>
        %get3A_670 = arith.index_cast %add3A_575 : i32 to index
        %get3A_671 = arith.constant 32 : index
        %get3A_672 = tpu.vector_load %arg18[%get3A_670, %get3A_671] {strides = array<i32>} : memref<40x128xf32, #tpu.memory_space<vmem>>, vector<1x16xf32>,
        %get3A_673 = vector.shape_cast %get3A_672 : vector<1x16xf32> to vector<16xf32>
        %get3A_674 = arith.index_cast %add3A_575 : i32 to index
        %get3A_675 = arith.constant 32 : index
        %get3A_676 = tpu.vector_load %arg19[%get3A_674, %get3A_675] {strides = array<i32>} : memref<40x128xf32, #tpu.memory_space<vmem>>, vector<1x16xf32>,
        %get3A_677 = vector.shape_cast %get3A_676 : vector<1x16xf32> to vector<16xf32>
        %add3A_678 = arith.addf %get3A_673, %get3A_677 : vector<16xf32>
        %get3A_679 = arith.index_cast %add3A_575 : i32 to index
        %get3A_680 = arith.constant 32 : index
        %get3A_681 = tpu.vector_load %arg20[%get3A_679, %get3A_680] {strides = array<i32>} : memref<40x64xf32, #tpu.memory_space<vmem>>, vector<1x16xf32>,
        %get3A_682 = vector.shape_cast %get3A_681 : vector<1x16xf32> to vector<16xf32>
        %add3A_683 = arith.addf %add3A_678, %get3A_682 : vector<16xf32>
        %swap3A_684 = arith.index_cast %add3A_575 : i32 to index
        %swap3A_685 = arith.constant 32 : index
        %swap3A_686 = tpu.vector_load %arg20[%swap3A_684, %swap3A_685] {strides = array<i32>} : memref<40x64xf32, #tpu.memory_space<vmem>>, vector<1x16xf32>,
        %swap3A_687 = vector.shape_cast %swap3A_686 : vector<1x16xf32> to vector<16xf32>
        %swap3A_688 = vector.shape_cast %add3A_683 : vector<16xf32> to vector<1x16xf32>
        tpu.vector_store %arg20[%swap3A_684, %swap3A_685], %swap3A_688 {strides = array<i32>} : memref<40x64xf32, #tpu.memory_space<vmem>>, vector<1x16xf32>,
        %neg3A_689 = arith.constant 0.000000e+00 : f32
        %neg3A_690 = vector.broadcast %neg3A_689 : f32 to vector<16xf32>
        %neg3A_691 = arith.subf %neg3A_690, %add3A_683 : vector<16xf32>
        %exp3A_692 = math.exp %neg3A_691 : vector<16xf32>
        %add3A_693 = arith.constant 1.000000e+00 : f32
        %add3A_694 = vector.broadcast %add3A_693 : f32 to vector<16xf32>
        %add3A_695 = arith.addf %add3A_694, %exp3A_692 : vector<16xf32>
        %div3A_696 = arith.constant 1.000000e+00 : f32
        %div3A_697 = vector.broadcast %div3A_696 : f32 to vector<16xf32>
        %div3A_698 = arith.divf %div3A_697, %add3A_695 : vector<16xf32>
        %get3A_699 = arith.index_cast %add3A_575 : i32 to index
        %get3A_700 = arith.constant 96 : index
        %get3A_701 = tpu.vector_load %arg18[%get3A_699, %get3A_700] {strides = array<i32>} : memref<40x128xf32, #tpu.memory_space<vmem>>, vector<1x16xf32>,
        %get3A_702 = vector.shape_cast %get3A_701 : vector<1x16xf32> to vector<16xf32>
        %mul3A_703 = arith.mulf %get3A_702, %div3A_698 : vector<16xf32>
        %swap3A_704 = arith.index_cast %add3A_575 : i32 to index
        %swap3A_705 = arith.constant 32 : index
        %swap3A_706 = tpu.vector_load %arg18[%swap3A_704, %swap3A_705] {strides = array<i32>} : memref<40x128xf32, #tpu.memory_space<vmem>>, vector<1x16xf32>,
        %swap3A_707 = vector.shape_cast %swap3A_706 : vector<1x16xf32> to vector<16xf32>
        %swap3A_708 = vector.shape_cast %mul3A_703 : vector<16xf32> to vector<1x16xf32>
        tpu.vector_store %arg18[%swap3A_704, %swap3A_705], %swap3A_708 {strides = array<i32>} : memref<40x128xf32, #tpu.memory_space<vmem>>, vector<1x16xf32>,
        %swap3A_709 = arith.index_cast %add3A_575 : i32 to index
        %swap3A_710 = arith.constant 96 : index
        %swap3A_711 = tpu.vector_load %arg18[%swap3A_709, %swap3A_710] {strides = array<i32>} : memref<40x128xf32, #tpu.memory_space<vmem>>, vector<1x16xf32>,
        %swap3A_712 = vector.shape_cast %swap3A_711 : vector<1x16xf32> to vector<16xf32>
        %swap3A_713 = vector.shape_cast %div3A_698 : vector<16xf32> to vector<1x16xf32>
        tpu.vector_store %arg18[%swap3A_709, %swap3A_710], %swap3A_713 {strides = array<i32>} : memref<40x128xf32, #tpu.memory_space<vmem>>, vector<1x16xf32>,
        %add3A_714 = arith.addf %add3A_522, %add3A_683 : vector<16xf32>
        %mul3A_715 = arith.mulf %add3A_683, %add3A_683 : vector<16xf32>
        %add3A_716 = arith.addf %add3A_524, %mul3A_715 : vector<16xf32>
        %get3A_717 = arith.index_cast %add3A_575 : i32 to index
        %get3A_718 = arith.constant 48 : index
        %get3A_719 = tpu.vector_load %arg18[%get3A_717, %get3A_718] {strides = array<i32>} : memref<40x128xf32, #tpu.memory_space<vmem>>, vector<1x16xf32>,
        %get3A_720 = vector.shape_cast %get3A_719 : vector<1x16xf32> to vector<16xf32>
        %get3A_721 = arith.index_cast %add3A_575 : i32 to index
        %get3A_722 = arith.constant 48 : index
        %get3A_723 = tpu.vector_load %arg19[%get3A_721, %get3A_722] {strides = array<i32>} : memref<40x128xf32, #tpu.memory_space<vmem>>, vector<1x16xf32>,
        %get3A_724 = vector.shape_cast %get3A_723 : vector<1x16xf32> to vector<16xf32>
        %add3A_725 = arith.addf %get3A_720, %get3A_724 : vector<16xf32>
        %get3A_726 = arith.index_cast %add3A_575 : i32 to index
        %get3A_727 = arith.constant 48 : index
        %get3A_728 = tpu.vector_load %arg20[%get3A_726, %get3A_727] {strides = array<i32>} : memref<40x64xf32, #tpu.memory_space<vmem>>, vector<1x16xf32>,
        %get3A_729 = vector.shape_cast %get3A_728 : vector<1x16xf32> to vector<16xf32>
        %add3A_730 = arith.addf %add3A_725, %get3A_729 : vector<16xf32>
        %swap3A_731 = arith.index_cast %add3A_575 : i32 to index
        %swap3A_732 = arith.constant 48 : index
        %swap3A_733 = tpu.vector_load %arg20[%swap3A_731, %swap3A_732] {strides = array<i32>} : memref<40x64xf32, #tpu.memory_space<vmem>>, vector<1x16xf32>,
        %swap3A_734 = vector.shape_cast %swap3A_733 : vector<1x16xf32> to vector<16xf32>
        %swap3A_735 = vector.shape_cast %add3A_730 : vector<16xf32> to vector<1x16xf32>
        tpu.vector_store %arg20[%swap3A_731, %swap3A_732], %swap3A_735 {strides = array<i32>} : memref<40x64xf32, #tpu.memory_space<vmem>>, vector<1x16xf32>,
        %neg3A_736 = arith.constant 0.000000e+00 : f32
        %neg3A_737 = vector.broadcast %neg3A_736 : f32 to vector<16xf32>
        %neg3A_738 = arith.subf %neg3A_737, %add3A_730 : vector<16xf32>
        %exp3A_739 = math.exp %neg3A_738 : vector<16xf32>
        %add3A_740 = arith.constant 1.000000e+00 : f32
        %add3A_741 = vector.broadcast %add3A_740 : f32 to vector<16xf32>
        %add3A_742 = arith.addf %add3A_741, %exp3A_739 : vector<16xf32>
        %div3A_743 = arith.constant 1.000000e+00 : f32
        %div3A_744 = vector.broadcast %div3A_743 : f32 to vector<16xf32>
        %div3A_745 = arith.divf %div3A_744, %add3A_742 : vector<16xf32>
        %get3A_746 = arith.index_cast %add3A_575 : i32 to index
        %get3A_747 = arith.constant 112 : index
        %get3A_748 = tpu.vector_load %arg18[%get3A_746, %get3A_747] {strides = array<i32>} : memref<40x128xf32, #tpu.memory_space<vmem>>, vector<1x16xf32>,
        %get3A_749 = vector.shape_cast %get3A_748 : vector<1x16xf32> to vector<16xf32>
        %mul3A_750 = arith.mulf %get3A_749, %div3A_745 : vector<16xf32>
        %swap3A_751 = arith.index_cast %add3A_575 : i32 to index
        %swap3A_752 = arith.constant 48 : index
        %swap3A_753 = tpu.vector_load %arg18[%swap3A_751, %swap3A_752] {strides = array<i32>} : memref<40x128xf32, #tpu.memory_space<vmem>>, vector<1x16xf32>,
        %swap3A_754 = vector.shape_cast %swap3A_753 : vector<1x16xf32> to vector<16xf32>
        %swap3A_755 = vector.shape_cast %mul3A_750 : vector<16xf32> to vector<1x16xf32>
        tpu.vector_store %arg18[%swap3A_751, %swap3A_752], %swap3A_755 {strides = array<i32>} : memref<40x128xf32, #tpu.memory_space<vmem>>, vector<1x16xf32>,
        %swap3A_756 = arith.index_cast %add3A_575 : i32 to index
        %swap3A_757 = arith.constant 112 : index
        %swap3A_758 = tpu.vector_load %arg18[%swap3A_756, %swap3A_757] {strides = array<i32>} : memref<40x128xf32, #tpu.memory_space<vmem>>, vector<1x16xf32>,
        %swap3A_759 = vector.shape_cast %swap3A_758 : vector<1x16xf32> to vector<16xf32>
        %swap3A_760 = vector.shape_cast %div3A_745 : vector<16xf32> to vector<1x16xf32>
        tpu.vector_store %arg18[%swap3A_756, %swap3A_757], %swap3A_760 {strides = array<i32>} : memref<40x128xf32, #tpu.memory_space<vmem>>, vector<1x16xf32>,
        %add3A_761 = arith.addf %add3A_569, %add3A_730 : vector<16xf32>
        %mul3A_762 = arith.mulf %add3A_730, %add3A_730 : vector<16xf32>
        %add3A_763 = arith.addf %add3A_571, %mul3A_762 : vector<16xf32>
        %mul3A_764 = arith.constant 4 : i32
        %mul3A_765 = arith.muli %scan3A_375, %mul3A_764 : i32
        %add3A_766 = arith.constant 2 : i32
        %add3A_767 = arith.addi %mul3A_765, %add3A_766 : i32
        %get3A_768 = arith.index_cast %add3A_767 : i32 to index
        %get3A_769 = arith.constant 0 : index
        %get3A_770 = tpu.vector_load %arg18[%get3A_768, %get3A_769] {strides = array<i32>} : memref<40x128xf32, #tpu.memory_space<vmem>>, vector<1x16xf32>,
        %get3A_771 = vector.shape_cast %get3A_770 : vector<1x16xf32> to vector<16xf32>
        %get3A_772 = arith.index_cast %add3A_767 : i32 to index
        %get3A_773 = arith.constant 0 : index
        %get3A_774 = tpu.vector_load %arg19[%get3A_772, %get3A_773] {strides = array<i32>} : memref<40x128xf32, #tpu.memory_space<vmem>>, vector<1x16xf32>,
        %get3A_775 = vector.shape_cast %get3A_774 : vector<1x16xf32> to vector<16xf32>
        %add3A_776 = arith.addf %get3A_771, %get3A_775 : vector<16xf32>
        %get3A_777 = arith.index_cast %add3A_767 : i32 to index
        %get3A_778 = arith.constant 0 : index
        %get3A_779 = tpu.vector_load %arg20[%get3A_777, %get3A_778] {strides = array<i32>} : memref<40x64xf32, #tpu.memory_space<vmem>>, vector<1x16xf32>,
        %get3A_780 = vector.shape_cast %get3A_779 : vector<1x16xf32> to vector<16xf32>
        %add3A_781 = arith.addf %add3A_776, %get3A_780 : vector<16xf32>
        %swap3A_782 = arith.index_cast %add3A_767 : i32 to index
        %swap3A_783 = arith.constant 0 : index
        %swap3A_784 = tpu.vector_load %arg20[%swap3A_782, %swap3A_783] {strides = array<i32>} : memref<40x64xf32, #tpu.memory_space<vmem>>, vector<1x16xf32>,
        %swap3A_785 = vector.shape_cast %swap3A_784 : vector<1x16xf32> to vector<16xf32>
        %swap3A_786 = vector.shape_cast %add3A_781 : vector<16xf32> to vector<1x16xf32>
        tpu.vector_store %arg20[%swap3A_782, %swap3A_783], %swap3A_786 {strides = array<i32>} : memref<40x64xf32, #tpu.memory_space<vmem>>, vector<1x16xf32>,
        %neg3A_787 = arith.constant 0.000000e+00 : f32
        %neg3A_788 = vector.broadcast %neg3A_787 : f32 to vector<16xf32>
        %neg3A_789 = arith.subf %neg3A_788, %add3A_781 : vector<16xf32>
        %exp3A_790 = math.exp %neg3A_789 : vector<16xf32>
        %add3A_791 = arith.constant 1.000000e+00 : f32
        %add3A_792 = vector.broadcast %add3A_791 : f32 to vector<16xf32>
        %add3A_793 = arith.addf %add3A_792, %exp3A_790 : vector<16xf32>
        %div3A_794 = arith.constant 1.000000e+00 : f32
        %div3A_795 = vector.broadcast %div3A_794 : f32 to vector<16xf32>
        %div3A_796 = arith.divf %div3A_795, %add3A_793 : vector<16xf32>
        %get3A_797 = arith.index_cast %add3A_767 : i32 to index
        %get3A_798 = arith.constant 64 : index
        %get3A_799 = tpu.vector_load %arg18[%get3A_797, %get3A_798] {strides = array<i32>} : memref<40x128xf32, #tpu.memory_space<vmem>>, vector<1x16xf32>,
        %get3A_800 = vector.shape_cast %get3A_799 : vector<1x16xf32> to vector<16xf32>
        %mul3A_801 = arith.mulf %get3A_800, %div3A_796 : vector<16xf32>
        %swap3A_802 = arith.index_cast %add3A_767 : i32 to index
        %swap3A_803 = arith.constant 0 : index
        %swap3A_804 = tpu.vector_load %arg18[%swap3A_802, %swap3A_803] {strides = array<i32>} : memref<40x128xf32, #tpu.memory_space<vmem>>, vector<1x16xf32>,
        %swap3A_805 = vector.shape_cast %swap3A_804 : vector<1x16xf32> to vector<16xf32>
        %swap3A_806 = vector.shape_cast %mul3A_801 : vector<16xf32> to vector<1x16xf32>
        tpu.vector_store %arg18[%swap3A_802, %swap3A_803], %swap3A_806 {strides = array<i32>} : memref<40x128xf32, #tpu.memory_space<vmem>>, vector<1x16xf32>,
        %swap3A_807 = arith.index_cast %add3A_767 : i32 to index
        %swap3A_808 = arith.constant 64 : index
        %swap3A_809 = tpu.vector_load %arg18[%swap3A_807, %swap3A_808] {strides = array<i32>} : memref<40x128xf32, #tpu.memory_space<vmem>>, vector<1x16xf32>,
        %swap3A_810 = vector.shape_cast %swap3A_809 : vector<1x16xf32> to vector<16xf32>
        %swap3A_811 = vector.shape_cast %div3A_796 : vector<16xf32> to vector<1x16xf32>
        tpu.vector_store %arg18[%swap3A_807, %swap3A_808], %swap3A_811 {strides = array<i32>} : memref<40x128xf32, #tpu.memory_space<vmem>>, vector<1x16xf32>,
        %add3A_812 = arith.addf %add3A_620, %add3A_781 : vector<16xf32>
        %mul3A_813 = arith.mulf %add3A_781, %add3A_781 : vector<16xf32>
        %add3A_814 = arith.addf %add3A_622, %mul3A_813 : vector<16xf32>
        %get3A_815 = arith.index_cast %add3A_767 : i32 to index
        %get3A_816 = arith.constant 16 : index
        %get3A_817 = tpu.vector_load %arg18[%get3A_815, %get3A_816] {strides = array<i32>} : memref<40x128xf32, #tpu.memory_space<vmem>>, vector<1x16xf32>,
        %get3A_818 = vector.shape_cast %get3A_817 : vector<1x16xf32> to vector<16xf32>
        %get3A_819 = arith.index_cast %add3A_767 : i32 to index
        %get3A_820 = arith.constant 16 : index
        %get3A_821 = tpu.vector_load %arg19[%get3A_819, %get3A_820] {strides = array<i32>} : memref<40x128xf32, #tpu.memory_space<vmem>>, vector<1x16xf32>,
        %get3A_822 = vector.shape_cast %get3A_821 : vector<1x16xf32> to vector<16xf32>
        %add3A_823 = arith.addf %get3A_818, %get3A_822 : vector<16xf32>
        %get3A_824 = arith.index_cast %add3A_767 : i32 to index
        %get3A_825 = arith.constant 16 : index
        %get3A_826 = tpu.vector_load %arg20[%get3A_824, %get3A_825] {strides = array<i32>} : memref<40x64xf32, #tpu.memory_space<vmem>>, vector<1x16xf32>,
        %get3A_827 = vector.shape_cast %get3A_826 : vector<1x16xf32> to vector<16xf32>
        %add3A_828 = arith.addf %add3A_823, %get3A_827 : vector<16xf32>
        %swap3A_829 = arith.index_cast %add3A_767 : i32 to index
        %swap3A_830 = arith.constant 16 : index
        %swap3A_831 = tpu.vector_load %arg20[%swap3A_829, %swap3A_830] {strides = array<i32>} : memref<40x64xf32, #tpu.memory_space<vmem>>, vector<1x16xf32>,
        %swap3A_832 = vector.shape_cast %swap3A_831 : vector<1x16xf32> to vector<16xf32>
        %swap3A_833 = vector.shape_cast %add3A_828 : vector<16xf32> to vector<1x16xf32>
        tpu.vector_store %arg20[%swap3A_829, %swap3A_830], %swap3A_833 {strides = array<i32>} : memref<40x64xf32, #tpu.memory_space<vmem>>, vector<1x16xf32>,
        %neg3A_834 = arith.constant 0.000000e+00 : f32
        %neg3A_835 = vector.broadcast %neg3A_834 : f32 to vector<16xf32>
        %neg3A_836 = arith.subf %neg3A_835, %add3A_828 : vector<16xf32>
        %exp3A_837 = math.exp %neg3A_836 : vector<16xf32>
        %add3A_838 = arith.constant 1.000000e+00 : f32
        %add3A_839 = vector.broadcast %add3A_838 : f32 to vector<16xf32>
        %add3A_840 = arith.addf %add3A_839, %exp3A_837 : vector<16xf32>
        %div3A_841 = arith.constant 1.000000e+00 : f32
        %div3A_842 = vector.broadcast %div3A_841 : f32 to vector<16xf32>
        %div3A_843 = arith.divf %div3A_842, %add3A_840 : vector<16xf32>
        %get3A_844 = arith.index_cast %add3A_767 : i32 to index
        %get3A_845 = arith.constant 80 : index
        %get3A_846 = tpu.vector_load %arg18[%get3A_844, %get3A_845] {strides = array<i32>} : memref<40x128xf32, #tpu.memory_space<vmem>>, vector<1x16xf32>,
        %get3A_847 = vector.shape_cast %get3A_846 : vector<1x16xf32> to vector<16xf32>
        %mul3A_848 = arith.mulf %get3A_847, %div3A_843 : vector<16xf32>
        %swap3A_849 = arith.index_cast %add3A_767 : i32 to index
        %swap3A_850 = arith.constant 16 : index
        %swap3A_851 = tpu.vector_load %arg18[%swap3A_849, %swap3A_850] {strides = array<i32>} : memref<40x128xf32, #tpu.memory_space<vmem>>, vector<1x16xf32>,
        %swap3A_852 = vector.shape_cast %swap3A_851 : vector<1x16xf32> to vector<16xf32>
        %swap3A_853 = vector.shape_cast %mul3A_848 : vector<16xf32> to vector<1x16xf32>
        tpu.vector_store %arg18[%swap3A_849, %swap3A_850], %swap3A_853 {strides = array<i32>} : memref<40x128xf32, #tpu.memory_space<vmem>>, vector<1x16xf32>,
        %swap3A_854 = arith.index_cast %add3A_767 : i32 to index
        %swap3A_855 = arith.constant 80 : index
        %swap3A_856 = tpu.vector_load %arg18[%swap3A_854, %swap3A_855] {strides = array<i32>} : memref<40x128xf32, #tpu.memory_space<vmem>>, vector<1x16xf32>,
        %swap3A_857 = vector.shape_cast %swap3A_856 : vector<1x16xf32> to vector<16xf32>
        %swap3A_858 = vector.shape_cast %div3A_843 : vector<16xf32> to vector<1x16xf32>
        tpu.vector_store %arg18[%swap3A_854, %swap3A_855], %swap3A_858 {strides = array<i32>} : memref<40x128xf32, #tpu.memory_space<vmem>>, vector<1x16xf32>,
        %add3A_859 = arith.addf %add3A_667, %add3A_828 : vector<16xf32>
        %mul3A_860 = arith.mulf %add3A_828, %add3A_828 : vector<16xf32>
        %add3A_861 = arith.addf %add3A_669, %mul3A_860 : vector<16xf32>
        %get3A_862 = arith.index_cast %add3A_767 : i32 to index
        %get3A_863 = arith.constant 32 : index
        %get3A_864 = tpu.vector_load %arg18[%get3A_862, %get3A_863] {strides = array<i32>} : memref<40x128xf32, #tpu.memory_space<vmem>>, vector<1x16xf32>,
        %get3A_865 = vector.shape_cast %get3A_864 : vector<1x16xf32> to vector<16xf32>
        %get3A_866 = arith.index_cast %add3A_767 : i32 to index
        %get3A_867 = arith.constant 32 : index
        %get3A_868 = tpu.vector_load %arg19[%get3A_866, %get3A_867] {strides = array<i32>} : memref<40x128xf32, #tpu.memory_space<vmem>>, vector<1x16xf32>,
        %get3A_869 = vector.shape_cast %get3A_868 : vector<1x16xf32> to vector<16xf32>
        %add3A_870 = arith.addf %get3A_865, %get3A_869 : vector<16xf32>
        %get3A_871 = arith.index_cast %add3A_767 : i32 to index
        %get3A_872 = arith.constant 32 : index
        %get3A_873 = tpu.vector_load %arg20[%get3A_871, %get3A_872] {strides = array<i32>} : memref<40x64xf32, #tpu.memory_space<vmem>>, vector<1x16xf32>,
        %get3A_874 = vector.shape_cast %get3A_873 : vector<1x16xf32> to vector<16xf32>
        %add3A_875 = arith.addf %add3A_870, %get3A_874 : vector<16xf32>
        %swap3A_876 = arith.index_cast %add3A_767 : i32 to index
        %swap3A_877 = arith.constant 32 : index
        %swap3A_878 = tpu.vector_load %arg20[%swap3A_876, %swap3A_877] {strides = array<i32>} : memref<40x64xf32, #tpu.memory_space<vmem>>, vector<1x16xf32>,
        %swap3A_879 = vector.shape_cast %swap3A_878 : vector<1x16xf32> to vector<16xf32>
        %swap3A_880 = vector.shape_cast %add3A_875 : vector<16xf32> to vector<1x16xf32>
        tpu.vector_store %arg20[%swap3A_876, %swap3A_877], %swap3A_880 {strides = array<i32>} : memref<40x64xf32, #tpu.memory_space<vmem>>, vector<1x16xf32>,
        %neg3A_881 = arith.constant 0.000000e+00 : f32
        %neg3A_882 = vector.broadcast %neg3A_881 : f32 to vector<16xf32>
        %neg3A_883 = arith.subf %neg3A_882, %add3A_875 : vector<16xf32>
        %exp3A_884 = math.exp %neg3A_883 : vector<16xf32>
        %add3A_885 = arith.constant 1.000000e+00 : f32
        %add3A_886 = vector.broadcast %add3A_885 : f32 to vector<16xf32>
        %add3A_887 = arith.addf %add3A_886, %exp3A_884 : vector<16xf32>
        %div3A_888 = arith.constant 1.000000e+00 : f32
        %div3A_889 = vector.broadcast %div3A_888 : f32 to vector<16xf32>
        %div3A_890 = arith.divf %div3A_889, %add3A_887 : vector<16xf32>
        %get3A_891 = arith.index_cast %add3A_767 : i32 to index
        %get3A_892 = arith.constant 96 : index
        %get3A_893 = tpu.vector_load %arg18[%get3A_891, %get3A_892] {strides = array<i32>} : memref<40x128xf32, #tpu.memory_space<vmem>>, vector<1x16xf32>,
        %get3A_894 = vector.shape_cast %get3A_893 : vector<1x16xf32> to vector<16xf32>
        %mul3A_895 = arith.mulf %get3A_894, %div3A_890 : vector<16xf32>
        %swap3A_896 = arith.index_cast %add3A_767 : i32 to index
        %swap3A_897 = arith.constant 32 : index
        %swap3A_898 = tpu.vector_load %arg18[%swap3A_896, %swap3A_897] {strides = array<i32>} : memref<40x128xf32, #tpu.memory_space<vmem>>, vector<1x16xf32>,
        %swap3A_899 = vector.shape_cast %swap3A_898 : vector<1x16xf32> to vector<16xf32>
        %swap3A_900 = vector.shape_cast %mul3A_895 : vector<16xf32> to vector<1x16xf32>
        tpu.vector_store %arg18[%swap3A_896, %swap3A_897], %swap3A_900 {strides = array<i32>} : memref<40x128xf32, #tpu.memory_space<vmem>>, vector<1x16xf32>,
        %swap3A_901 = arith.index_cast %add3A_767 : i32 to index
        %swap3A_902 = arith.constant 96 : index
        %swap3A_903 = tpu.vector_load %arg18[%swap3A_901, %swap3A_902] {strides = array<i32>} : memref<40x128xf32, #tpu.memory_space<vmem>>, vector<1x16xf32>,
        %swap3A_904 = vector.shape_cast %swap3A_903 : vector<1x16xf32> to vector<16xf32>
        %swap3A_905 = vector.shape_cast %div3A_890 : vector<16xf32> to vector<1x16xf32>
        tpu.vector_store %arg18[%swap3A_901, %swap3A_902], %swap3A_905 {strides = array<i32>} : memref<40x128xf32, #tpu.memory_space<vmem>>, vector<1x16xf32>,
        %add3A_906 = arith.addf %add3A_714, %add3A_875 : vector<16xf32>
        %mul3A_907 = arith.mulf %add3A_875, %add3A_875 : vector<16xf32>
        %add3A_908 = arith.addf %add3A_716, %mul3A_907 : vector<16xf32>
        %get3A_909 = arith.index_cast %add3A_767 : i32 to index
        %get3A_910 = arith.constant 48 : index
        %get3A_911 = tpu.vector_load %arg18[%get3A_909, %get3A_910] {strides = array<i32>} : memref<40x128xf32, #tpu.memory_space<vmem>>, vector<1x16xf32>,
        %get3A_912 = vector.shape_cast %get3A_911 : vector<1x16xf32> to vector<16xf32>
        %get3A_913 = arith.index_cast %add3A_767 : i32 to index
        %get3A_914 = arith.constant 48 : index
        %get3A_915 = tpu.vector_load %arg19[%get3A_913, %get3A_914] {strides = array<i32>} : memref<40x128xf32, #tpu.memory_space<vmem>>, vector<1x16xf32>,
        %get3A_916 = vector.shape_cast %get3A_915 : vector<1x16xf32> to vector<16xf32>
        %add3A_917 = arith.addf %get3A_912, %get3A_916 : vector<16xf32>
        %get3A_918 = arith.index_cast %add3A_767 : i32 to index
        %get3A_919 = arith.constant 48 : index
        %get3A_920 = tpu.vector_load %arg20[%get3A_918, %get3A_919] {strides = array<i32>} : memref<40x64xf32, #tpu.memory_space<vmem>>, vector<1x16xf32>,
        %get3A_921 = vector.shape_cast %get3A_920 : vector<1x16xf32> to vector<16xf32>
        %add3A_922 = arith.addf %add3A_917, %get3A_921 : vector<16xf32>
        %swap3A_923 = arith.index_cast %add3A_767 : i32 to index
        %swap3A_924 = arith.constant 48 : index
        %swap3A_925 = tpu.vector_load %arg20[%swap3A_923, %swap3A_924] {strides = array<i32>} : memref<40x64xf32, #tpu.memory_space<vmem>>, vector<1x16xf32>,
        %swap3A_926 = vector.shape_cast %swap3A_925 : vector<1x16xf32> to vector<16xf32>
        %swap3A_927 = vector.shape_cast %add3A_922 : vector<16xf32> to vector<1x16xf32>
        tpu.vector_store %arg20[%swap3A_923, %swap3A_924], %swap3A_927 {strides = array<i32>} : memref<40x64xf32, #tpu.memory_space<vmem>>, vector<1x16xf32>,
        %neg3A_928 = arith.constant 0.000000e+00 : f32
        %neg3A_929 = vector.broadcast %neg3A_928 : f32 to vector<16xf32>
        %neg3A_930 = arith.subf %neg3A_929, %add3A_922 : vector<16xf32>
        %exp3A_931 = math.exp %neg3A_930 : vector<16xf32>
        %add3A_932 = arith.constant 1.000000e+00 : f32
        %add3A_933 = vector.broadcast %add3A_932 : f32 to vector<16xf32>
        %add3A_934 = arith.addf %add3A_933, %exp3A_931 : vector<16xf32>
        %div3A_935 = arith.constant 1.000000e+00 : f32
        %div3A_936 = vector.broadcast %div3A_935 : f32 to vector<16xf32>
        %div3A_937 = arith.divf %div3A_936, %add3A_934 : vector<16xf32>
        %get3A_938 = arith.index_cast %add3A_767 : i32 to index
        %get3A_939 = arith.constant 112 : index
        %get3A_940 = tpu.vector_load %arg18[%get3A_938, %get3A_939] {strides = array<i32>} : memref<40x128xf32, #tpu.memory_space<vmem>>, vector<1x16xf32>,
        %get3A_941 = vector.shape_cast %get3A_940 : vector<1x16xf32> to vector<16xf32>
        %mul3A_942 = arith.mulf %get3A_941, %div3A_937 : vector<16xf32>
        %swap3A_943 = arith.index_cast %add3A_767 : i32 to index
        %swap3A_944 = arith.constant 48 : index
        %swap3A_945 = tpu.vector_load %arg18[%swap3A_943, %swap3A_944] {strides = array<i32>} : memref<40x128xf32, #tpu.memory_space<vmem>>, vector<1x16xf32>,
        %swap3A_946 = vector.shape_cast %swap3A_945 : vector<1x16xf32> to vector<16xf32>
        %swap3A_947 = vector.shape_cast %mul3A_942 : vector<16xf32> to vector<1x16xf32>
        tpu.vector_store %arg18[%swap3A_943, %swap3A_944], %swap3A_947 {strides = array<i32>} : memref<40x128xf32, #tpu.memory_space<vmem>>, vector<1x16xf32>,
        %swap3A_948 = arith.index_cast %add3A_767 : i32 to index
        %swap3A_949 = arith.constant 112 : index
        %swap3A_950 = tpu.vector_load %arg18[%swap3A_948, %swap3A_949] {strides = array<i32>} : memref<40x128xf32, #tpu.memory_space<vmem>>, vector<1x16xf32>,
        %swap3A_951 = vector.shape_cast %swap3A_950 : vector<1x16xf32> to vector<16xf32>
        %swap3A_952 = vector.shape_cast %div3A_937 : vector<16xf32> to vector<1x16xf32>
        tpu.vector_store %arg18[%swap3A_948, %swap3A_949], %swap3A_952 {strides = array<i32>} : memref<40x128xf32, #tpu.memory_space<vmem>>, vector<1x16xf32>,
        %add3A_953 = arith.addf %add3A_761, %add3A_922 : vector<16xf32>
        %mul3A_954 = arith.mulf %add3A_922, %add3A_922 : vector<16xf32>
        %add3A_955 = arith.addf %add3A_763, %mul3A_954 : vector<16xf32>
        %mul3A_956 = arith.constant 4 : i32
        %mul3A_957 = arith.muli %scan3A_375, %mul3A_956 : i32
        %add3A_958 = arith.constant 3 : i32
        %add3A_959 = arith.addi %mul3A_957, %add3A_958 : i32
        %get3A_960 = arith.index_cast %add3A_959 : i32 to index
        %get3A_961 = arith.constant 0 : index
        %get3A_962 = tpu.vector_load %arg18[%get3A_960, %get3A_961] {strides = array<i32>} : memref<40x128xf32, #tpu.memory_space<vmem>>, vector<1x16xf32>,
        %get3A_963 = vector.shape_cast %get3A_962 : vector<1x16xf32> to vector<16xf32>
        %get3A_964 = arith.index_cast %add3A_959 : i32 to index
        %get3A_965 = arith.constant 0 : index
        %get3A_966 = tpu.vector_load %arg19[%get3A_964, %get3A_965] {strides = array<i32>} : memref<40x128xf32, #tpu.memory_space<vmem>>, vector<1x16xf32>,
        %get3A_967 = vector.shape_cast %get3A_966 : vector<1x16xf32> to vector<16xf32>
        %add3A_968 = arith.addf %get3A_963, %get3A_967 : vector<16xf32>
        %get3A_969 = arith.index_cast %add3A_959 : i32 to index
        %get3A_970 = arith.constant 0 : index
        %get3A_971 = tpu.vector_load %arg20[%get3A_969, %get3A_970] {strides = array<i32>} : memref<40x64xf32, #tpu.memory_space<vmem>>, vector<1x16xf32>,
        %get3A_972 = vector.shape_cast %get3A_971 : vector<1x16xf32> to vector<16xf32>
        %add3A_973 = arith.addf %add3A_968, %get3A_972 : vector<16xf32>
        %swap3A_974 = arith.index_cast %add3A_959 : i32 to index
        %swap3A_975 = arith.constant 0 : index
        %swap3A_976 = tpu.vector_load %arg20[%swap3A_974, %swap3A_975] {strides = array<i32>} : memref<40x64xf32, #tpu.memory_space<vmem>>, vector<1x16xf32>,
        %swap3A_977 = vector.shape_cast %swap3A_976 : vector<1x16xf32> to vector<16xf32>
        %swap3A_978 = vector.shape_cast %add3A_973 : vector<16xf32> to vector<1x16xf32>
        tpu.vector_store %arg20[%swap3A_974, %swap3A_975], %swap3A_978 {strides = array<i32>} : memref<40x64xf32, #tpu.memory_space<vmem>>, vector<1x16xf32>,
        %neg3A_979 = arith.constant 0.000000e+00 : f32
        %neg3A_980 = vector.broadcast %neg3A_979 : f32 to vector<16xf32>
        %neg3A_981 = arith.subf %neg3A_980, %add3A_973 : vector<16xf32>
        %exp3A_982 = math.exp %neg3A_981 : vector<16xf32>
        %add3A_983 = arith.constant 1.000000e+00 : f32
        %add3A_984 = vector.broadcast %add3A_983 : f32 to vector<16xf32>
        %add3A_985 = arith.addf %add3A_984, %exp3A_982 : vector<16xf32>
        %div3A_986 = arith.constant 1.000000e+00 : f32
        %div3A_987 = vector.broadcast %div3A_986 : f32 to vector<16xf32>
        %div3A_988 = arith.divf %div3A_987, %add3A_985 : vector<16xf32>
        %get3A_989 = arith.index_cast %add3A_959 : i32 to index
        %get3A_990 = arith.constant 64 : index
        %get3A_991 = tpu.vector_load %arg18[%get3A_989, %get3A_990] {strides = array<i32>} : memref<40x128xf32, #tpu.memory_space<vmem>>, vector<1x16xf32>,
        %get3A_992 = vector.shape_cast %get3A_991 : vector<1x16xf32> to vector<16xf32>
        %mul3A_993 = arith.mulf %get3A_992, %div3A_988 : vector<16xf32>
        %swap3A_994 = arith.index_cast %add3A_959 : i32 to index
        %swap3A_995 = arith.constant 0 : index
        %swap3A_996 = tpu.vector_load %arg18[%swap3A_994, %swap3A_995] {strides = array<i32>} : memref<40x128xf32, #tpu.memory_space<vmem>>, vector<1x16xf32>,
        %swap3A_997 = vector.shape_cast %swap3A_996 : vector<1x16xf32> to vector<16xf32>
        %swap3A_998 = vector.shape_cast %mul3A_993 : vector<16xf32> to vector<1x16xf32>
        tpu.vector_store %arg18[%swap3A_994, %swap3A_995], %swap3A_998 {strides = array<i32>} : memref<40x128xf32, #tpu.memory_space<vmem>>, vector<1x16xf32>,
        %swap3A_999 = arith.index_cast %add3A_959 : i32 to index
        %swap3A_1000 = arith.constant 64 : index
        %swap3A_1001 = tpu.vector_load %arg18[%swap3A_999, %swap3A_1000] {strides = array<i32>} : memref<40x128xf32, #tpu.memory_space<vmem>>, vector<1x16xf32>,
        %swap3A_1002 = vector.shape_cast %swap3A_1001 : vector<1x16xf32> to vector<16xf32>
        %swap3A_1003 = vector.shape_cast %div3A_988 : vector<16xf32> to vector<1x16xf32>
        tpu.vector_store %arg18[%swap3A_999, %swap3A_1000], %swap3A_1003 {strides = array<i32>} : memref<40x128xf32, #tpu.memory_space<vmem>>, vector<1x16xf32>,
        %add3A_1004 = arith.addf %add3A_812, %add3A_973 : vector<16xf32>
        %mul3A_1005 = arith.mulf %add3A_973, %add3A_973 : vector<16xf32>
        %add3A_1006 = arith.addf %add3A_814, %mul3A_1005 : vector<16xf32>
        %get3A_1007 = arith.index_cast %add3A_959 : i32 to index
        %get3A_1008 = arith.constant 16 : index
        %get3A_1009 = tpu.vector_load %arg18[%get3A_1007, %get3A_1008] {strides = array<i32>} : memref<40x128xf32, #tpu.memory_space<vmem>>, vector<1x16xf32>,
        %get3A_1010 = vector.shape_cast %get3A_1009 : vector<1x16xf32> to vector<16xf32>
        %get3A_1011 = arith.index_cast %add3A_959 : i32 to index
        %get3A_1012 = arith.constant 16 : index
        %get3A_1013 = tpu.vector_load %arg19[%get3A_1011, %get3A_1012] {strides = array<i32>} : memref<40x128xf32, #tpu.memory_space<vmem>>, vector<1x16xf32>,
        %get3A_1014 = vector.shape_cast %get3A_1013 : vector<1x16xf32> to vector<16xf32>
        %add3A_1015 = arith.addf %get3A_1010, %get3A_1014 : vector<16xf32>
        %get3A_1016 = arith.index_cast %add3A_959 : i32 to index
        %get3A_1017 = arith.constant 16 : index
        %get3A_1018 = tpu.vector_load %arg20[%get3A_1016, %get3A_1017] {strides = array<i32>} : memref<40x64xf32, #tpu.memory_space<vmem>>, vector<1x16xf32>,
        %get3A_1019 = vector.shape_cast %get3A_1018 : vector<1x16xf32> to vector<16xf32>
        %add3A_1020 = arith.addf %add3A_1015, %get3A_1019 : vector<16xf32>
        %swap3A_1021 = arith.index_cast %add3A_959 : i32 to index
        %swap3A_1022 = arith.constant 16 : index
        %swap3A_1023 = tpu.vector_load %arg20[%swap3A_1021, %swap3A_1022] {strides = array<i32>} : memref<40x64xf32, #tpu.memory_space<vmem>>, vector<1x16xf32>,
        %swap3A_1024 = vector.shape_cast %swap3A_1023 : vector<1x16xf32> to vector<16xf32>
        %swap3A_1025 = vector.shape_cast %add3A_1020 : vector<16xf32> to vector<1x16xf32>
        tpu.vector_store %arg20[%swap3A_1021, %swap3A_1022], %swap3A_1025 {strides = array<i32>} : memref<40x64xf32, #tpu.memory_space<vmem>>, vector<1x16xf32>,
        %neg3A_1026 = arith.constant 0.000000e+00 : f32
        %neg3A_1027 = vector.broadcast %neg3A_1026 : f32 to vector<16xf32>
        %neg3A_1028 = arith.subf %neg3A_1027, %add3A_1020 : vector<16xf32>
        %exp3A_1029 = math.exp %neg3A_1028 : vector<16xf32>
        %add3A_1030 = arith.constant 1.000000e+00 : f32
        %add3A_1031 = vector.broadcast %add3A_1030 : f32 to vector<16xf32>
        %add3A_1032 = arith.addf %add3A_1031, %exp3A_1029 : vector<16xf32>
        %div3A_1033 = arith.constant 1.000000e+00 : f32
        %div3A_1034 = vector.broadcast %div3A_1033 : f32 to vector<16xf32>
        %div3A_1035 = arith.divf %div3A_1034, %add3A_1032 : vector<16xf32>
        %get3A_1036 = arith.index_cast %add3A_959 : i32 to index
        %get3A_1037 = arith.constant 80 : index
        %get3A_1038 = tpu.vector_load %arg18[%get3A_1036, %get3A_1037] {strides = array<i32>} : memref<40x128xf32, #tpu.memory_space<vmem>>, vector<1x16xf32>,
        %get3A_1039 = vector.shape_cast %get3A_1038 : vector<1x16xf32> to vector<16xf32>
        %mul3A_1040 = arith.mulf %get3A_1039, %div3A_1035 : vector<16xf32>
        %swap3A_1041 = arith.index_cast %add3A_959 : i32 to index
        %swap3A_1042 = arith.constant 16 : index
        %swap3A_1043 = tpu.vector_load %arg18[%swap3A_1041, %swap3A_1042] {strides = array<i32>} : memref<40x128xf32, #tpu.memory_space<vmem>>, vector<1x16xf32>,
        %swap3A_1044 = vector.shape_cast %swap3A_1043 : vector<1x16xf32> to vector<16xf32>
        %swap3A_1045 = vector.shape_cast %mul3A_1040 : vector<16xf32> to vector<1x16xf32>
        tpu.vector_store %arg18[%swap3A_1041, %swap3A_1042], %swap3A_1045 {strides = array<i32>} : memref<40x128xf32, #tpu.memory_space<vmem>>, vector<1x16xf32>,
        %swap3A_1046 = arith.index_cast %add3A_959 : i32 to index
        %swap3A_1047 = arith.constant 80 : index
        %swap3A_1048 = tpu.vector_load %arg18[%swap3A_1046, %swap3A_1047] {strides = array<i32>} : memref<40x128xf32, #tpu.memory_space<vmem>>, vector<1x16xf32>,
        %swap3A_1049 = vector.shape_cast %swap3A_1048 : vector<1x16xf32> to vector<16xf32>
        %swap3A_1050 = vector.shape_cast %div3A_1035 : vector<16xf32> to vector<1x16xf32>
        tpu.vector_store %arg18[%swap3A_1046, %swap3A_1047], %swap3A_1050 {strides = array<i32>} : memref<40x128xf32, #tpu.memory_space<vmem>>, vector<1x16xf32>,
        %add3A_1051 = arith.addf %add3A_859, %add3A_1020 : vector<16xf32>
        %mul3A_1052 = arith.mulf %add3A_1020, %add3A_1020 : vector<16xf32>
        %add3A_1053 = arith.addf %add3A_861, %mul3A_1052 : vector<16xf32>
        %get3A_1054 = arith.index_cast %add3A_959 : i32 to index
        %get3A_1055 = arith.constant 32 : index
        %get3A_1056 = tpu.vector_load %arg18[%get3A_1054, %get3A_1055] {strides = array<i32>} : memref<40x128xf32, #tpu.memory_space<vmem>>, vector<1x16xf32>,
        %get3A_1057 = vector.shape_cast %get3A_1056 : vector<1x16xf32> to vector<16xf32>
        %get3A_1058 = arith.index_cast %add3A_959 : i32 to index
        %get3A_1059 = arith.constant 32 : index
        %get3A_1060 = tpu.vector_load %arg19[%get3A_1058, %get3A_1059] {strides = array<i32>} : memref<40x128xf32, #tpu.memory_space<vmem>>, vector<1x16xf32>,
        %get3A_1061 = vector.shape_cast %get3A_1060 : vector<1x16xf32> to vector<16xf32>
        %add3A_1062 = arith.addf %get3A_1057, %get3A_1061 : vector<16xf32>
        %get3A_1063 = arith.index_cast %add3A_959 : i32 to index
        %get3A_1064 = arith.constant 32 : index
        %get3A_1065 = tpu.vector_load %arg20[%get3A_1063, %get3A_1064] {strides = array<i32>} : memref<40x64xf32, #tpu.memory_space<vmem>>, vector<1x16xf32>,
        %get3A_1066 = vector.shape_cast %get3A_1065 : vector<1x16xf32> to vector<16xf32>
        %add3A_1067 = arith.addf %add3A_1062, %get3A_1066 : vector<16xf32>
        %swap3A_1068 = arith.index_cast %add3A_959 : i32 to index
        %swap3A_1069 = arith.constant 32 : index
        %swap3A_1070 = tpu.vector_load %arg20[%swap3A_1068, %swap3A_1069] {strides = array<i32>} : memref<40x64xf32, #tpu.memory_space<vmem>>, vector<1x16xf32>,
        %swap3A_1071 = vector.shape_cast %swap3A_1070 : vector<1x16xf32> to vector<16xf32>
        %swap3A_1072 = vector.shape_cast %add3A_1067 : vector<16xf32> to vector<1x16xf32>
        tpu.vector_store %arg20[%swap3A_1068, %swap3A_1069], %swap3A_1072 {strides = array<i32>} : memref<40x64xf32, #tpu.memory_space<vmem>>, vector<1x16xf32>,
        %neg3A_1073 = arith.constant 0.000000e+00 : f32
        %neg3A_1074 = vector.broadcast %neg3A_1073 : f32 to vector<16xf32>
        %neg3A_1075 = arith.subf %neg3A_1074, %add3A_1067 : vector<16xf32>
        %exp3A_1076 = math.exp %neg3A_1075 : vector<16xf32>
        %add3A_1077 = arith.constant 1.000000e+00 : f32
        %add3A_1078 = vector.broadcast %add3A_1077 : f32 to vector<16xf32>
        %add3A_1079 = arith.addf %add3A_1078, %exp3A_1076 : vector<16xf32>
        %div3A_1080 = arith.constant 1.000000e+00 : f32
        %div3A_1081 = vector.broadcast %div3A_1080 : f32 to vector<16xf32>
        %div3A_1082 = arith.divf %div3A_1081, %add3A_1079 : vector<16xf32>
        %get3A_1083 = arith.index_cast %add3A_959 : i32 to index
        %get3A_1084 = arith.constant 96 : index
        %get3A_1085 = tpu.vector_load %arg18[%get3A_1083, %get3A_1084] {strides = array<i32>} : memref<40x128xf32, #tpu.memory_space<vmem>>, vector<1x16xf32>,
        %get3A_1086 = vector.shape_cast %get3A_1085 : vector<1x16xf32> to vector<16xf32>
        %mul3A_1087 = arith.mulf %get3A_1086, %div3A_1082 : vector<16xf32>
        %swap3A_1088 = arith.index_cast %add3A_959 : i32 to index
        %swap3A_1089 = arith.constant 32 : index
        %swap3A_1090 = tpu.vector_load %arg18[%swap3A_1088, %swap3A_1089] {strides = array<i32>} : memref<40x128xf32, #tpu.memory_space<vmem>>, vector<1x16xf32>,
        %swap3A_1091 = vector.shape_cast %swap3A_1090 : vector<1x16xf32> to vector<16xf32>
        %swap3A_1092 = vector.shape_cast %mul3A_1087 : vector<16xf32> to vector<1x16xf32>
        tpu.vector_store %arg18[%swap3A_1088, %swap3A_1089], %swap3A_1092 {strides = array<i32>} : memref<40x128xf32, #tpu.memory_space<vmem>>, vector<1x16xf32>,
        %swap3A_1093 = arith.index_cast %add3A_959 : i32 to index
        %swap3A_1094 = arith.constant 96 : index
        %swap3A_1095 = tpu.vector_load %arg18[%swap3A_1093, %swap3A_1094] {strides = array<i32>} : memref<40x128xf32, #tpu.memory_space<vmem>>, vector<1x16xf32>,
        %swap3A_1096 = vector.shape_cast %swap3A_1095 : vector<1x16xf32> to vector<16xf32>
        %swap3A_1097 = vector.shape_cast %div3A_1082 : vector<16xf32> to vector<1x16xf32>
        tpu.vector_store %arg18[%swap3A_1093, %swap3A_1094], %swap3A_1097 {strides = array<i32>} : memref<40x128xf32, #tpu.memory_space<vmem>>, vector<1x16xf32>,
        %add3A_1098 = arith.addf %add3A_906, %add3A_1067 : vector<16xf32>
        %mul3A_1099 = arith.mulf %add3A_1067, %add3A_1067 : vector<16xf32>
        %add3A_1100 = arith.addf %add3A_908, %mul3A_1099 : vector<16xf32>
        %get3A_1101 = arith.index_cast %add3A_959 : i32 to index
        %get3A_1102 = arith.constant 48 : index
        %get3A_1103 = tpu.vector_load %arg18[%get3A_1101, %get3A_1102] {strides = array<i32>} : memref<40x128xf32, #tpu.memory_space<vmem>>, vector<1x16xf32>,
        %get3A_1104 = vector.shape_cast %get3A_1103 : vector<1x16xf32> to vector<16xf32>
        %get3A_1105 = arith.index_cast %add3A_959 : i32 to index
        %get3A_1106 = arith.constant 48 : index
        %get3A_1107 = tpu.vector_load %arg19[%get3A_1105, %get3A_1106] {strides = array<i32>} : memref<40x128xf32, #tpu.memory_space<vmem>>, vector<1x16xf32>,
        %get3A_1108 = vector.shape_cast %get3A_1107 : vector<1x16xf32> to vector<16xf32>
        %add3A_1109 = arith.addf %get3A_1104, %get3A_1108 : vector<16xf32>
        %get3A_1110 = arith.index_cast %add3A_959 : i32 to index
        %get3A_1111 = arith.constant 48 : index
        %get3A_1112 = tpu.vector_load %arg20[%get3A_1110, %get3A_1111] {strides = array<i32>} : memref<40x64xf32, #tpu.memory_space<vmem>>, vector<1x16xf32>,
        %get3A_1113 = vector.shape_cast %get3A_1112 : vector<1x16xf32> to vector<16xf32>
        %add3A_1114 = arith.addf %add3A_1109, %get3A_1113 : vector<16xf32>
        %swap3A_1115 = arith.index_cast %add3A_959 : i32 to index
        %swap3A_1116 = arith.constant 48 : index
        %swap3A_1117 = tpu.vector_load %arg20[%swap3A_1115, %swap3A_1116] {strides = array<i32>} : memref<40x64xf32, #tpu.memory_space<vmem>>, vector<1x16xf32>,
        %swap3A_1118 = vector.shape_cast %swap3A_1117 : vector<1x16xf32> to vector<16xf32>
        %swap3A_1119 = vector.shape_cast %add3A_1114 : vector<16xf32> to vector<1x16xf32>
        tpu.vector_store %arg20[%swap3A_1115, %swap3A_1116], %swap3A_1119 {strides = array<i32>} : memref<40x64xf32, #tpu.memory_space<vmem>>, vector<1x16xf32>,
        %neg3A_1120 = arith.constant 0.000000e+00 : f32
        %neg3A_1121 = vector.broadcast %neg3A_1120 : f32 to vector<16xf32>
        %neg3A_1122 = arith.subf %neg3A_1121, %add3A_1114 : vector<16xf32>
        %exp3A_1123 = math.exp %neg3A_1122 : vector<16xf32>
        %add3A_1124 = arith.constant 1.000000e+00 : f32
        %add3A_1125 = vector.broadcast %add3A_1124 : f32 to vector<16xf32>
        %add3A_1126 = arith.addf %add3A_1125, %exp3A_1123 : vector<16xf32>
        %div3A_1127 = arith.constant 1.000000e+00 : f32
        %div3A_1128 = vector.broadcast %div3A_1127 : f32 to vector<16xf32>
        %div3A_1129 = arith.divf %div3A_1128, %add3A_1126 : vector<16xf32>
        %get3A_1130 = arith.index_cast %add3A_959 : i32 to index
        %get3A_1131 = arith.constant 112 : index
        %get3A_1132 = tpu.vector_load %arg18[%get3A_1130, %get3A_1131] {strides = array<i32>} : memref<40x128xf32, #tpu.memory_space<vmem>>, vector<1x16xf32>,
        %get3A_1133 = vector.shape_cast %get3A_1132 : vector<1x16xf32> to vector<16xf32>
        %mul3A_1134 = arith.mulf %get3A_1133, %div3A_1129 : vector<16xf32>
        %swap3A_1135 = arith.index_cast %add3A_959 : i32 to index
        %swap3A_1136 = arith.constant 48 : index
        %swap3A_1137 = tpu.vector_load %arg18[%swap3A_1135, %swap3A_1136] {strides = array<i32>} : memref<40x128xf32, #tpu.memory_space<vmem>>, vector<1x16xf32>,
        %swap3A_1138 = vector.shape_cast %swap3A_1137 : vector<1x16xf32> to vector<16xf32>
        %swap3A_1139 = vector.shape_cast %mul3A_1134 : vector<16xf32> to vector<1x16xf32>
        tpu.vector_store %arg18[%swap3A_1135, %swap3A_1136], %swap3A_1139 {strides = array<i32>} : memref<40x128xf32, #tpu.memory_space<vmem>>, vector<1x16xf32>,
        %swap3A_1140 = arith.index_cast %add3A_959 : i32 to index
        %swap3A_1141 = arith.constant 112 : index
        %swap3A_1142 = tpu.vector_load %arg18[%swap3A_1140, %swap3A_1141] {strides = array<i32>} : memref<40x128xf32, #tpu.memory_space<vmem>>, vector<1x16xf32>,
        %swap3A_1143 = vector.shape_cast %swap3A_1142 : vector<1x16xf32> to vector<16xf32>
        %swap3A_1144 = vector.shape_cast %div3A_1129 : vector<16xf32> to vector<1x16xf32>
        tpu.vector_store %arg18[%swap3A_1140, %swap3A_1141], %swap3A_1144 {strides = array<i32>} : memref<40x128xf32, #tpu.memory_space<vmem>>, vector<1x16xf32>,
        %add3A_1145 = arith.addf %add3A_953, %add3A_1114 : vector<16xf32>
        %mul3A_1146 = arith.mulf %add3A_1114, %add3A_1114 : vector<16xf32>
        %add3A_1147 = arith.addf %add3A_955, %mul3A_1146 : vector<16xf32>
        scf.yield %add3A_1004, %add3A_1051, %add3A_1098, %add3A_1145, %add3A_1006, %add3A_1053, %add3A_1100, %add3A_1147 : vector<16xf32>, vector<16xf32>, vector<16xf32>, vector<16xf32>, vector<16xf32>, vector<16xf32>, vector<16xf32>, vector<16xf32>
      }
      %scan3A_334 = arith.constant 10 : i32
      %add3A_335 = arith.constant 1 : i32
      %add3A_336 = arith.addi %mul3A_170, %add3A_335 : i32
      %mul3A_337 = arith.constant 40 : i32
      %mul3A_338 = arith.muli %add3A_336, %mul3A_337 : i32
      %add3A_339 = arith.addi %mul3A_10, %mul3A_338 : i32
      %dma_start3A_340 = arith.constant 0 : i32
      %dma_start3A_341 = tpu.memref_slice %arg8[%arg0, %add3A_339, %dma_start3A_340] : memref<2x320000x64xf32, #tpu.memory_space<hbm>> -> memref<1x40x64xf32, #tpu.memory_space<hbm>>
      %dma_start3A_342 = tpu.memref_squeeze %dma_start3A_341 : memref<1x40x64xf32, #tpu.memory_space<hbm>> -> memref<40x64xf32, #tpu.memory_space<hbm>>
      %dma_start3A_343 = arith.constant 0 : i32
      %dma_start3A_344 = tpu.memref_slice %arg8[%arg0, %add3A_339, %dma_start3A_343] : memref<2x320000x64xf32, #tpu.memory_space<hbm>> -> memref<1x40x64xf32, #tpu.memory_space<hbm>>
      %dma_start3A_345 = tpu.memref_squeeze %dma_start3A_344 : memref<1x40x64xf32, #tpu.memory_space<hbm>> -> memref<40x64xf32, #tpu.memory_space<hbm>>
      tpu.enqueue_dma source(%arg20 : memref<40x64xf32, #tpu.memory_space<vmem>>) target(%dma_start3A_345 : memref<40x64xf32, #tpu.memory_space<hbm>>) target_semaphore(%arg26 : memref<!tpu.dma_semaphore, #tpu.memory_space<semaphore_mem>>)
      %dma_start3A_346 = arith.constant 0 : i32
      %dma_start3A_347 = arith.constant 0 : i32
      %dma_start3A_348 = tpu.memref_slice %arg17[%dma_start3A_346, %dma_start3A_347] : memref<1x40xi32, #tpu.memory_space<vmem>> -> memref<1x40xi32, #tpu.memory_space<vmem>>
      %dma_start3A_349 = tpu.memref_squeeze %dma_start3A_348 : memref<1x40xi32, #tpu.memory_space<vmem>> -> memref<40xi32, #tpu.memory_space<vmem>>
      %dma_start3A_350 = arith.constant 0 : i32
      %dma_start3A_351 = arith.constant 0 : i32
      %dma_start3A_352 = tpu.memref_slice %arg22[%dma_start3A_350, %dma_start3A_351] : memref<10000x128xf32, #tpu.memory_space<vmem_shared>> -> memref<10000x128xf32, #tpu.memory_space<vmem_shared>>
      tpu.enqueue_indirect_dma source(%arg18 : memref<40x128xf32, #tpu.memory_space<vmem>>) target(%dma_start3A_352 : memref<10000x128xf32, #tpu.memory_space<vmem_shared>>) offsets(%dma_start3A_349 : memref<40xi32, #tpu.memory_space<vmem>>) semaphore(%arg30 : memref<!tpu.dma_semaphore, #tpu.memory_space<semaphore_mem>>) {add = true}
      %dma_wait3A_353 = arith.constant 0 : i32
      %dma_wait3A_354 = arith.constant 0 : i32
      %dma_wait3A_355 = tpu.memref_slice %arg8[%arg0, %dma_wait3A_353, %dma_wait3A_354] : memref<2x320000x64xf32, #tpu.memory_space<hbm>> -> memref<1x40x64xf32, #tpu.memory_space<hbm>>
      %dma_wait3A_356 = tpu.memref_squeeze %dma_wait3A_355 : memref<1x40x64xf32, #tpu.memory_space<hbm>> -> memref<40x64xf32, #tpu.memory_space<hbm>>
      %dma_wait3A_357 = arith.constant 0 : i32
      %dma_wait3A_358 = arith.constant 0 : i32
      %dma_wait3A_359 = tpu.memref_slice %arg8[%arg0, %dma_wait3A_357, %dma_wait3A_358] : memref<2x320000x64xf32, #tpu.memory_space<hbm>> -> memref<1x40x64xf32, #tpu.memory_space<hbm>>
      %dma_wait3A_360 = tpu.memref_squeeze %dma_wait3A_359 : memref<1x40x64xf32, #tpu.memory_space<hbm>> -> memref<40x64xf32, #tpu.memory_space<hbm>>
      tpu.wait_dma2 semaphore(%arg26 : memref<!tpu.dma_semaphore, #tpu.memory_space<semaphore_mem>>) src(%arg20 : memref<40x64xf32, #tpu.memory_space<vmem>>) dst(%dma_wait3A_360 : memref<40x64xf32, #tpu.memory_space<hbm>>)
      %dma_wait3A_361 = arith.constant 0 : i32
      %dma_wait3A_362 = arith.constant 0 : i32
      %dma_wait3A_363 = tpu.memref_slice %arg17[%dma_wait3A_361, %dma_wait3A_362] : memref<1x40xi32, #tpu.memory_space<vmem>> -> memref<1x40xi32, #tpu.memory_space<vmem>>
      %dma_wait3A_364 = tpu.memref_squeeze %dma_wait3A_363 : memref<1x40xi32, #tpu.memory_space<vmem>> -> memref<40xi32, #tpu.memory_space<vmem>>
      %dma_wait3A_365 = arith.constant 0 : i32
      %dma_wait3A_366 = arith.constant 0 : i32
      %dma_wait3A_367 = tpu.memref_slice %arg22[%dma_wait3A_365, %dma_wait3A_366] : memref<10000x128xf32, #tpu.memory_space<vmem_shared>> -> memref<10000x128xf32, #tpu.memory_space<vmem_shared>>
      tpu.wait_indirect_dma semaphore(%arg30 : memref<!tpu.dma_semaphore, #tpu.memory_space<semaphore_mem>>) src(%arg18 : memref<40x128xf32, #tpu.memory_space<vmem>>) dst(%dma_wait3A_367 : memref<10000x128xf32, #tpu.memory_space<vmem_shared>>)
      %add3A_368 = arith.constant 3 : i32
      %add3A_369 = arith.addi %mul3A_170, %add3A_368 : i32
      %lt3A_370 = arith.constant 500 : i32
      %lt3A_371 = arith.cmpi slt, %add3A_369, %lt3A_370 : i32
      %convert_element_type3A_372 = arith.extui %lt3A_371 : i1 to i32
      %cond3A_373 = arith.constant 0 : i32
      %cond3A_374 = arith.cmpi ne, %convert_element_type3A_372, %cond3A_373 : i32
      scf.if %cond3A_374 {
        %add3A_375 = arith.constant 3 : i32
        %add3A_376 = arith.addi %mul3A_170, %add3A_375 : i32
        %mul3A_377 = arith.constant 40 : i32
        %mul3A_378 = arith.muli %add3A_376, %mul3A_377 : i32
        %add3A_379 = arith.addi %mul3A_10, %mul3A_378 : i32
        %dma_start3A_380 = arith.constant 0 : i32
        %dma_start3A_381 = arith.constant 0 : i32
        %dma_start3A_382 = tpu.memref_slice %arg16[%dma_start3A_380, %dma_start3A_381] : memref<1x40xi32, #tpu.memory_space<vmem>> -> memref<1x40xi32, #tpu.memory_space<vmem>>
        %dma_start3A_383 = tpu.memref_squeeze %dma_start3A_382 : memref<1x40xi32, #tpu.memory_space<vmem>> -> memref<40xi32, #tpu.memory_space<vmem>>
        %dma_start3A_384 = tpu.memref_slice %arg2[%add3A_379] : memref<320000xi32, #tpu.memory_space<hbm>> -> memref<40xi32, #tpu.memory_space<hbm>>
        %dma_start3A_385 = arith.constant 0 : i32
        %dma_start3A_386 = tpu.memref_slice %arg16[%dma_start3A_380, %dma_start3A_385] : memref<1x40xi32, #tpu.memory_space<vmem>> -> memref<1x40xi32, #tpu.memory_space<vmem>>
        %dma_start3A_387 = tpu.memref_squeeze %dma_start3A_386 : memref<1x40xi32, #tpu.memory_space<vmem>> -> memref<40xi32, #tpu.memory_space<vmem>>
        %dma_start3A_388 = tpu.memref_slice %arg2[%add3A_379] : memref<320000xi32, #tpu.memory_space<hbm>> -> memref<40xi32, #tpu.memory_space<hbm>>
        tpu.enqueue_dma source(%dma_start3A_388 : memref<40xi32, #tpu.memory_space<hbm>>) target(%dma_start3A_387 : memref<40xi32, #tpu.memory_space<vmem>>) target_semaphore(%arg28 : memref<!tpu.dma_semaphore, #tpu.memory_space<semaphore_mem>>)
        %dma_start3A_389 = arith.constant 0 : i32
        %dma_start3A_390 = arith.constant 0 : i32
        %dma_start3A_391 = tpu.memref_slice %arg17[%dma_start3A_389, %dma_start3A_390] : memref<1x40xi32, #tpu.memory_space<vmem>> -> memref<1x40xi32, #tpu.memory_space<vmem>>
        %dma_start3A_392 = tpu.memref_squeeze %dma_start3A_391 : memref<1x40xi32, #tpu.memory_space<vmem>> -> memref<40xi32, #tpu.memory_space<vmem>>
        %dma_start3A_393 = tpu.memref_slice %arg3[%add3A_379] : memref<320000xi32, #tpu.memory_space<hbm>> -> memref<40xi32, #tpu.memory_space<hbm>>
        %dma_start3A_394 = arith.constant 0 : i32
        %dma_start3A_395 = tpu.memref_slice %arg17[%dma_start3A_389, %dma_start3A_394] : memref<1x40xi32, #tpu.memory_space<vmem>> -> memref<1x40xi32, #tpu.memory_space<vmem>>
        %dma_start3A_396 = tpu.memref_squeeze %dma_start3A_395 : memref<1x40xi32, #tpu.memory_space<vmem>> -> memref<40xi32, #tpu.memory_space<vmem>>
        %dma_start3A_397 = tpu.memref_slice %arg3[%add3A_379] : memref<320000xi32, #tpu.memory_space<hbm>> -> memref<40xi32, #tpu.memory_space<hbm>>
        tpu.enqueue_dma source(%dma_start3A_397 : memref<40xi32, #tpu.memory_space<hbm>>) target(%dma_start3A_396 : memref<40xi32, #tpu.memory_space<vmem>>) target_semaphore(%arg28 : memref<!tpu.dma_semaphore, #tpu.memory_space<semaphore_mem>>)
      } else {
      }
      scf.yield %scan3A_333#0, %scan3A_333#1, %scan3A_333#2, %scan3A_333#3, %scan3A_333#4, %scan3A_333#5, %scan3A_333#6, %scan3A_333#7 : vector<16xf32>, vector<16xf32>, vector<16xf32>, vector<16xf32>, vector<16xf32>, vector<16xf32>, vector<16xf32>, vector<16xf32>
    }
    %scan3A_106 = arith.constant 250 : i32
    %swap3A = arith.constant 0 : i32
    %swap3A_107 = arith.index_cast %swap3A : i32 to index
    %swap3A_108 = arith.constant 0 : index
    %swap3A_109 = tpu.vector_load %arg21[%swap3A_107, %swap3A_108] {strides = array<i32>} : memref<2x64xf32, #tpu.memory_space<vmem>>, vector<1x16xf32>,
    %swap3A_110 = vector.shape_cast %swap3A_109 : vector<1x16xf32> to vector<16xf32>
    %swap3A_111 = vector.shape_cast %scan3A_105#0 : vector<16xf32> to vector<1x16xf32>
    tpu.vector_store %arg21[%swap3A_107, %swap3A_108], %swap3A_111 {strides = array<i32>} : memref<2x64xf32, #tpu.memory_space<vmem>>, vector<1x16xf32>,
    %swap3A_112 = arith.constant 1 : i32
    %swap3A_113 = arith.index_cast %swap3A_112 : i32 to index
    %swap3A_114 = arith.constant 0 : index
    %swap3A_115 = tpu.vector_load %arg21[%swap3A_113, %swap3A_114] {strides = array<i32>} : memref<2x64xf32, #tpu.memory_space<vmem>>, vector<1x16xf32>,
    %swap3A_116 = vector.shape_cast %swap3A_115 : vector<1x16xf32> to vector<16xf32>
    %swap3A_117 = vector.shape_cast %scan3A_105#4 : vector<16xf32> to vector<1x16xf32>
    tpu.vector_store %arg21[%swap3A_113, %swap3A_114], %swap3A_117 {strides = array<i32>} : memref<2x64xf32, #tpu.memory_space<vmem>>, vector<1x16xf32>,
    %swap3A_118 = arith.constant 0 : i32
    %swap3A_119 = arith.index_cast %swap3A_118 : i32 to index
    %swap3A_120 = arith.constant 16 : index
    %swap3A_121 = tpu.vector_load %arg21[%swap3A_119, %swap3A_120] {strides = array<i32>} : memref<2x64xf32, #tpu.memory_space<vmem>>, vector<1x16xf32>,
    %swap3A_122 = vector.shape_cast %swap3A_121 : vector<1x16xf32> to vector<16xf32>
    %swap3A_123 = vector.shape_cast %scan3A_105#1 : vector<16xf32> to vector<1x16xf32>
    tpu.vector_store %arg21[%swap3A_119, %swap3A_120], %swap3A_123 {strides = array<i32>} : memref<2x64xf32, #tpu.memory_space<vmem>>, vector<1x16xf32>,
    %swap3A_124 = arith.constant 1 : i32
    %swap3A_125 = arith.index_cast %swap3A_124 : i32 to index
    %swap3A_126 = arith.constant 16 : index
    %swap3A_127 = tpu.vector_load %arg21[%swap3A_125, %swap3A_126] {strides = array<i32>} : memref<2x64xf32, #tpu.memory_space<vmem>>, vector<1x16xf32>,
    %swap3A_128 = vector.shape_cast %swap3A_127 : vector<1x16xf32> to vector<16xf32>
    %swap3A_129 = vector.shape_cast %scan3A_105#5 : vector<16xf32> to vector<1x16xf32>
    tpu.vector_store %arg21[%swap3A_125, %swap3A_126], %swap3A_129 {strides = array<i32>} : memref<2x64xf32, #tpu.memory_space<vmem>>, vector<1x16xf32>,
    %swap3A_130 = arith.constant 0 : i32
    %swap3A_131 = arith.index_cast %swap3A_130 : i32 to index
    %swap3A_132 = arith.constant 32 : index
    %swap3A_133 = tpu.vector_load %arg21[%swap3A_131, %swap3A_132] {strides = array<i32>} : memref<2x64xf32, #tpu.memory_space<vmem>>, vector<1x16xf32>,
    %swap3A_134 = vector.shape_cast %swap3A_133 : vector<1x16xf32> to vector<16xf32>
    %swap3A_135 = vector.shape_cast %scan3A_105#2 : vector<16xf32> to vector<1x16xf32>
    tpu.vector_store %arg21[%swap3A_131, %swap3A_132], %swap3A_135 {strides = array<i32>} : memref<2x64xf32, #tpu.memory_space<vmem>>, vector<1x16xf32>,
    %swap3A_136 = arith.constant 1 : i32
    %swap3A_137 = arith.index_cast %swap3A_136 : i32 to index
    %swap3A_138 = arith.constant 32 : index
    %swap3A_139 = tpu.vector_load %arg21[%swap3A_137, %swap3A_138] {strides = array<i32>} : memref<2x64xf32, #tpu.memory_space<vmem>>, vector<1x16xf32>,
    %swap3A_140 = vector.shape_cast %swap3A_139 : vector<1x16xf32> to vector<16xf32>
    %swap3A_141 = vector.shape_cast %scan3A_105#6 : vector<16xf32> to vector<1x16xf32>
    tpu.vector_store %arg21[%swap3A_137, %swap3A_138], %swap3A_141 {strides = array<i32>} : memref<2x64xf32, #tpu.memory_space<vmem>>, vector<1x16xf32>,
    %swap3A_142 = arith.constant 0 : i32
    %swap3A_143 = arith.index_cast %swap3A_142 : i32 to index
    %swap3A_144 = arith.constant 48 : index
    %swap3A_145 = tpu.vector_load %arg21[%swap3A_143, %swap3A_144] {strides = array<i32>} : memref<2x64xf32, #tpu.memory_space<vmem>>, vector<1x16xf32>,
    %swap3A_146 = vector.shape_cast %swap3A_145 : vector<1x16xf32> to vector<16xf32>
    %swap3A_147 = vector.shape_cast %scan3A_105#3 : vector<16xf32> to vector<1x16xf32>
    tpu.vector_store %arg21[%swap3A_143, %swap3A_144], %swap3A_147 {strides = array<i32>} : memref<2x64xf32, #tpu.memory_space<vmem>>, vector<1x16xf32>,
    %swap3A_148 = arith.constant 1 : i32
    %swap3A_149 = arith.index_cast %swap3A_148 : i32 to index
    %swap3A_150 = arith.constant 48 : index
    %swap3A_151 = tpu.vector_load %arg21[%swap3A_149, %swap3A_150] {strides = array<i32>} : memref<2x64xf32, #tpu.memory_space<vmem>>, vector<1x16xf32>,
    %swap3A_152 = vector.shape_cast %swap3A_151 : vector<1x16xf32> to vector<16xf32>
    %swap3A_153 = vector.shape_cast %scan3A_105#7 : vector<16xf32> to vector<1x16xf32>
    tpu.vector_store %arg21[%swap3A_149, %swap3A_150], %swap3A_153 {strides = array<i32>} : memref<2x64xf32, #tpu.memory_space<vmem>>, vector<1x16xf32>,
    "tpu.region"() ({
      %run_scoped3A = tpu.sem_alloc : memref<!tpu.dma_semaphore, #tpu.memory_space<semaphore_mem>>
      %dma_start3A_160 = arith.constant 0 : i32
      %dma_start3A_161 = arith.constant 0 : i32
      %dma_start3A_162 = tpu.memref_slice %arg10[%arg0, %arg1, %dma_start3A_160, %dma_start3A_161] : memref<2x16x2x64xf32, #tpu.memory_space<hbm>> -> memref<1x1x2x64xf32, #tpu.memory_space<hbm>>
      %dma_start3A_163 = tpu.memref_squeeze %dma_start3A_162 : memref<1x1x2x64xf32, #tpu.memory_space<hbm>> -> memref<2x64xf32, #tpu.memory_space<hbm>>
      %dma_start3A_164 = arith.constant 0 : i32
      %dma_start3A_165 = arith.constant 0 : i32
      %dma_start3A_166 = tpu.memref_slice %arg10[%arg0, %arg1, %dma_start3A_164, %dma_start3A_165] : memref<2x16x2x64xf32, #tpu.memory_space<hbm>> -> memref<1x1x2x64xf32, #tpu.memory_space<hbm>>
      %dma_start3A_167 = tpu.memref_squeeze %dma_start3A_166 : memref<1x1x2x64xf32, #tpu.memory_space<hbm>> -> memref<2x64xf32, #tpu.memory_space<hbm>>
      tpu.enqueue_dma source(%arg21 : memref<2x64xf32, #tpu.memory_space<vmem>>) target(%dma_start3A_167 : memref<2x64xf32, #tpu.memory_space<hbm>>) target_semaphore(%run_scoped3A : memref<!tpu.dma_semaphore, #tpu.memory_space<semaphore_mem>>)
      %dma_wait3A_168 = arith.constant 0 : i32
      %dma_wait3A_169 = arith.constant 0 : i32
      %dma_wait3A_170 = tpu.memref_slice %arg10[%arg0, %arg1, %dma_wait3A_168, %dma_wait3A_169] : memref<2x16x2x64xf32, #tpu.memory_space<hbm>> -> memref<1x1x2x64xf32, #tpu.memory_space<hbm>>
      %dma_wait3A_171 = tpu.memref_squeeze %dma_wait3A_170 : memref<1x1x2x64xf32, #tpu.memory_space<hbm>> -> memref<2x64xf32, #tpu.memory_space<hbm>>
      %dma_wait3A_172 = arith.constant 0 : i32
      %dma_wait3A_173 = arith.constant 0 : i32
      %dma_wait3A_174 = tpu.memref_slice %arg10[%arg0, %arg1, %dma_wait3A_172, %dma_wait3A_173] : memref<2x16x2x64xf32, #tpu.memory_space<hbm>> -> memref<1x1x2x64xf32, #tpu.memory_space<hbm>>
      %dma_wait3A_175 = tpu.memref_squeeze %dma_wait3A_174 : memref<1x1x2x64xf32, #tpu.memory_space<hbm>> -> memref<2x64xf32, #tpu.memory_space<hbm>>
      tpu.wait_dma2 semaphore(%run_scoped3A : memref<!tpu.dma_semaphore, #tpu.memory_space<semaphore_mem>>) src(%arg21 : memref<2x64xf32, #tpu.memory_space<vmem>>) dst(%dma_wait3A_175 : memref<2x64xf32, #tpu.memory_space<hbm>>)
      tpu.yield
    }) : () -> ()
    %barrier3A_154 = arith.constant 0 : index
    tpu.barrier barrier_id(%barrier3A_154)
    "tpu.region"() ({
      %run_scoped3A = tpu.sem_alloc : memref<!tpu.dma_semaphore, #tpu.memory_space<semaphore_mem>>
      %dma_start3A_160 = arith.constant 0 : i32
      %dma_start3A_161 = tpu.memref_slice %arg9[%arg0, %mul3A_0, %dma_start3A_160] : memref<2x10000x128xf32, #tpu.memory_space<hbm>> -> memref<1x624x128xf32, #tpu.memory_space<hbm>>
      %dma_start3A_162 = tpu.memref_squeeze %dma_start3A_161 : memref<1x624x128xf32, #tpu.memory_space<hbm>> -> memref<624x128xf32, #tpu.memory_space<hbm>>
      %dma_start3A_163 = arith.constant 0 : i32
      %dma_start3A_164 = tpu.memref_slice %arg22[%mul3A_0, %dma_start3A_163] : memref<10000x128xf32, #tpu.memory_space<vmem_shared>> -> memref<624x128xf32, #tpu.memory_space<vmem_shared>>
      tpu.enqueue_dma source(%dma_start3A_164 : memref<624x128xf32, #tpu.memory_space<vmem_shared>>) target(%dma_start3A_162 : memref<624x128xf32, #tpu.memory_space<hbm>>) target_semaphore(%run_scoped3A : memref<!tpu.dma_semaphore, #tpu.memory_space<semaphore_mem>>)
      %dma_wait3A_165 = arith.constant 0 : i32
      %dma_wait3A_166 = tpu.memref_slice %arg9[%arg0, %mul3A_0, %dma_wait3A_165] : memref<2x10000x128xf32, #tpu.memory_space<hbm>> -> memref<1x624x128xf32, #tpu.memory_space<hbm>>
      %dma_wait3A_167 = tpu.memref_squeeze %dma_wait3A_166 : memref<1x624x128xf32, #tpu.memory_space<hbm>> -> memref<624x128xf32, #tpu.memory_space<hbm>>
      %dma_wait3A_168 = arith.constant 0 : i32
      %dma_wait3A_169 = tpu.memref_slice %arg22[%mul3A_0, %dma_wait3A_168] : memref<10000x128xf32, #tpu.memory_space<vmem_shared>> -> memref<624x128xf32, #tpu.memory_space<vmem_shared>>
      tpu.wait_dma2 semaphore(%run_scoped3A : memref<!tpu.dma_semaphore, #tpu.memory_space<semaphore_mem>>) src(%dma_wait3A_169 : memref<624x128xf32, #tpu.memory_space<vmem_shared>>) dst(%dma_wait3A_167 : memref<624x128xf32, #tpu.memory_space<hbm>>)
      tpu.yield
    }) : () -> ()
    %eq3A_155 = arith.constant 15 : i32
    %eq3A_156 = arith.cmpi eq, %arg1, %eq3A_155 : i32
    %convert_element_type3A_157 = arith.extui %eq3A_156 : i1 to i32
    %cond3A_158 = arith.constant 0 : i32
    %cond3A_159 = arith.cmpi ne, %convert_element_type3A_157, %cond3A_158 : i32
    scf.if %cond3A_159 {
      "tpu.region"() ({
        %run_scoped3A = tpu.sem_alloc : memref<!tpu.dma_semaphore, #tpu.memory_space<semaphore_mem>>
        %dma_start3A_160 = arith.constant 9984 : i32
        %dma_start3A_161 = arith.constant 0 : i32
        %dma_start3A_162 = tpu.memref_slice %arg9[%arg0, %dma_start3A_160, %dma_start3A_161] : memref<2x10000x128xf32, #tpu.memory_space<hbm>> -> memref<1x16x128xf32, #tpu.memory_space<hbm>>
        %dma_start3A_163 = tpu.memref_squeeze %dma_start3A_162 : memref<1x16x128xf32, #tpu.memory_space<hbm>> -> memref<16x128xf32, #tpu.memory_space<hbm>>
        %dma_start3A_164 = arith.constant 9984 : i32
        %dma_start3A_165 = arith.constant 0 : i32
        %dma_start3A_166 = tpu.memref_slice %arg22[%dma_start3A_164, %dma_start3A_165] : memref<10000x128xf32, #tpu.memory_space<vmem_shared>> -> memref<16x128xf32, #tpu.memory_space<vmem_shared>>
        tpu.enqueue_dma source(%dma_start3A_166 : memref<16x128xf32, #tpu.memory_space<vmem_shared>>) target(%dma_start3A_163 : memref<16x128xf32, #tpu.memory_space<hbm>>) target_semaphore(%run_scoped3A : memref<!tpu.dma_semaphore, #tpu.memory_space<semaphore_mem>>)
        %dma_wait3A_167 = arith.constant 9984 : i32
        %dma_wait3A_168 = arith.constant 0 : i32
        %dma_wait3A_169 = tpu.memref_slice %arg9[%arg0, %dma_wait3A_167, %dma_wait3A_168] : memref<2x10000x128xf32, #tpu.memory_space<hbm>> -> memref<1x16x128xf32, #tpu.memory_space<hbm>>
        %dma_wait3A_170 = tpu.memref_squeeze %dma_wait3A_169 : memref<1x16x128xf32, #tpu.memory_space<hbm>> -> memref<16x128xf32, #tpu.memory_space<hbm>>
        %dma_wait3A_171 = arith.constant 9984 : i32
        %dma_wait3A_172 = arith.constant 0 : i32
        %dma_wait3A_173 = tpu.memref_slice %arg22[%dma_wait3A_171, %dma_wait3A_172] : memref<10000x128xf32, #tpu.memory_space<vmem_shared>> -> memref<16x128xf32, #tpu.memory_space<vmem_shared>>
        tpu.wait_dma2 semaphore(%run_scoped3A : memref<!tpu.dma_semaphore, #tpu.memory_space<semaphore_mem>>) src(%dma_wait3A_173 : memref<16x128xf32, #tpu.memory_space<vmem_shared>>) dst(%dma_wait3A_170 : memref<16x128xf32, #tpu.memory_space<hbm>>)
        tpu.yield
      }) : () -> ()
    } else {
    }
    return
  }
}

module attributes {stable_mosaic.version = 14 : i64} {
  func.func @_ce_body(%arg0: i32, %arg1: memref<2000x128xf32, #tpu.memory_space<vmem>>, %arg2: memref<128x128xf32, #tpu.memory_space<vmem>>, %arg3: memref<128xf32, #tpu.memory_space<vmem>>, %arg4: memref<10000x128xf32, #tpu.memory_space<vmem>>, %arg5: memref<128x128xf32, #tpu.memory_space<vmem>>, %arg6: memref<128xf32, #tpu.memory_space<vmem>>, %arg7: memref<128x128xf32, #tpu.memory_space<vmem>>, %arg8: memref<128xf32, #tpu.memory_space<vmem>>, %arg9: memref<128x128xf32, #tpu.memory_space<vmem>>, %arg10: memref<128xf32, #tpu.memory_space<vmem>>, %arg11: memref<128x128xf32, #tpu.memory_space<vmem>>, %arg12: memref<128xf32, #tpu.memory_space<vmem>>, %arg13: memref<2x2000x64xf32, #tpu.memory_space<vmem>>, %arg14: memref<10000x128xf32, #tpu.memory_space<vmem>>, %arg15: memref<2x10000x128xf32, #tpu.memory_space<vmem>>, %arg16: memref<2x10000x128xf32, #tpu.memory_space<vmem>>) attributes {dimension_semantics = [#tpu.dimension_semantics<arbitrary>], iteration_bounds = array<i64: 160>, scalar_prefetch = 0 : i64, scratch_operands = 0 : i64, tpu.core_type = #tpu.core_type<tc>, window_params = [{transform_indices = @transform_0, window_bounds = array<i64: 2000, 128>}, {pipeline_mode = #tpu.pipeline_mode<synchronous>, transform_indices = @transform_1, window_bounds = array<i64: 128, 128>}, {pipeline_mode = #tpu.pipeline_mode<synchronous>, transform_indices = @transform_2, window_bounds = array<i64: 128>}, {pipeline_mode = #tpu.pipeline_mode<synchronous>, transform_indices = @transform_3, window_bounds = array<i64: 10000, 128>}, {pipeline_mode = #tpu.pipeline_mode<synchronous>, transform_indices = @transform_4, window_bounds = array<i64: 128, 128>}, {pipeline_mode = #tpu.pipeline_mode<synchronous>, transform_indices = @transform_5, window_bounds = array<i64: 128>}, {pipeline_mode = #tpu.pipeline_mode<synchronous>, transform_indices = @transform_6, window_bounds = array<i64: 128, 128>}, {pipeline_mode = #tpu.pipeline_mode<synchronous>, transform_indices = @transform_7, window_bounds = array<i64: 128>}, {pipeline_mode = #tpu.pipeline_mode<synchronous>, transform_indices = @transform_8, window_bounds = array<i64: 128, 128>}, {pipeline_mode = #tpu.pipeline_mode<synchronous>, transform_indices = @transform_9, window_bounds = array<i64: 128>}, {pipeline_mode = #tpu.pipeline_mode<synchronous>, transform_indices = @transform_10, window_bounds = array<i64: 128, 128>}, {pipeline_mode = #tpu.pipeline_mode<synchronous>, transform_indices = @transform_11, window_bounds = array<i64: 128>}, {transform_indices = @transform_12, window_bounds = array<i64: 2, 2000, 64>}, {pipeline_mode = #tpu.pipeline_mode<synchronous>, transform_indices = @transform_13, window_bounds = array<i64: 10000, 128>}, {pipeline_mode = #tpu.pipeline_mode<synchronous>, transform_indices = @transform_14, window_bounds = array<i64: 2, 10000, 128>}, {pipeline_mode = #tpu.pipeline_mode<synchronous>, transform_indices = @transform_15, window_bounds = array<i64: 2, 10000, 128>}]} {
    %eq3A = arith.constant 0 : i32
    %eq3A_0 = arith.cmpi eq, %arg0, %eq3A : i32
    %convert_element_type3A = arith.extui %eq3A_0 : i1 to i32
    %cond3A = arith.constant 0 : i32
    %cond3A_1 = arith.cmpi ne, %convert_element_type3A, %cond3A : i32
    scf.if %cond3A_1 {
      %get3A_23 = arith.constant 0 : index
      %get3A_24 = arith.constant 0 : index
      %get3A_25 = vector.load %arg4[%get3A_23, %get3A_24] : memref<10000x128xf32, #tpu.memory_space<vmem>>, vector<10000x128xf32>
      %get3A_26 = arith.constant 0 : index
      %get3A_27 = arith.constant 0 : index
      %get3A_28 = vector.load %arg5[%get3A_26, %get3A_27] : memref<128x128xf32, #tpu.memory_space<vmem>>, vector<128x128xf32>
      %dot_general3A_29 = arith.constant dense<0.000000e+00> : vector<10000x128xf32>
      %dot_general3A_30 = tpu.matmul %get3A_25, %get3A_28, %dot_general3A_29 {dimension_numbers = #tpu.dot_dimension_numbers<[1], [0], [0], [1], [0, 0, 1, 1], [], []>, transpose_lhs_hint = false} : vector<10000x128xf32>, vector<128x128xf32>, vector<10000x128xf32> -> vector<10000x128xf32>
      %get3A_31 = arith.constant 0 : index
      %get3A_32 = vector.load %arg6[%get3A_31] : memref<128xf32, #tpu.memory_space<vmem>>, vector<128xf32>
      %broadcast_in_dim3A_33 = vector.shape_cast %get3A_32 : vector<128xf32> to vector<1x128xf32>
      %add3A_34 = vector.broadcast %broadcast_in_dim3A_33 : vector<1x128xf32> to vector<10000x128xf32>
      %add3A_35 = arith.addf %dot_general3A_30, %add3A_34 : vector<10000x128xf32>
      %swap3A_36 = arith.constant 0 : index
      %swap3A_37 = arith.constant 0 : index
      %swap3A_38 = vector.load %arg14[%swap3A_36, %swap3A_37] : memref<10000x128xf32, #tpu.memory_space<vmem>>, vector<10000x128xf32>
      tpu.vector_store %arg14[%swap3A_36, %swap3A_37], %add3A_35 {strides = array<i32>} : memref<10000x128xf32, #tpu.memory_space<vmem>>, vector<10000x128xf32>,
      %get3A_39 = arith.constant 0 : index
      %get3A_40 = arith.constant 0 : index
      %get3A_41 = vector.load %arg7[%get3A_39, %get3A_40] : memref<128x128xf32, #tpu.memory_space<vmem>>, vector<128x128xf32>
      %dot_general3A_42 = arith.constant dense<0.000000e+00> : vector<10000x128xf32>
      %dot_general3A_43 = tpu.matmul %get3A_25, %get3A_41, %dot_general3A_42 {dimension_numbers = #tpu.dot_dimension_numbers<[1], [0], [0], [1], [0, 0, 1, 1], [], []>, transpose_lhs_hint = false} : vector<10000x128xf32>, vector<128x128xf32>, vector<10000x128xf32> -> vector<10000x128xf32>
      %get3A_44 = arith.constant 0 : index
      %get3A_45 = vector.load %arg8[%get3A_44] : memref<128xf32, #tpu.memory_space<vmem>>, vector<128xf32>
      %broadcast_in_dim3A_46 = vector.shape_cast %get3A_45 : vector<128xf32> to vector<1x128xf32>
      %add3A_47 = vector.broadcast %broadcast_in_dim3A_46 : vector<1x128xf32> to vector<10000x128xf32>
      %add3A_48 = arith.addf %dot_general3A_43, %add3A_47 : vector<10000x128xf32>
      %get3A_49 = arith.constant 0 : index
      %get3A_50 = arith.constant 0 : index
      %get3A_51 = vector.load %arg9[%get3A_49, %get3A_50] : memref<128x128xf32, #tpu.memory_space<vmem>>, vector<128x128xf32>
      %dot_general3A_52 = arith.constant dense<0.000000e+00> : vector<10000x128xf32>
      %dot_general3A_53 = tpu.matmul %get3A_25, %get3A_51, %dot_general3A_52 {dimension_numbers = #tpu.dot_dimension_numbers<[1], [0], [0], [1], [0, 0, 1, 1], [], []>, transpose_lhs_hint = false} : vector<10000x128xf32>, vector<128x128xf32>, vector<10000x128xf32> -> vector<10000x128xf32>
      %get3A_54 = arith.constant 0 : index
      %get3A_55 = vector.load %arg10[%get3A_54] : memref<128xf32, #tpu.memory_space<vmem>>, vector<128xf32>
      %broadcast_in_dim3A_56 = vector.shape_cast %get3A_55 : vector<128xf32> to vector<1x128xf32>
      %add3A_57 = vector.broadcast %broadcast_in_dim3A_56 : vector<1x128xf32> to vector<10000x128xf32>
      %add3A_58 = arith.addf %dot_general3A_53, %add3A_57 : vector<10000x128xf32>
      %get3A_59 = arith.constant 0 : index
      %get3A_60 = arith.constant 0 : index
      %get3A_61 = vector.load %arg11[%get3A_59, %get3A_60] : memref<128x128xf32, #tpu.memory_space<vmem>>, vector<128x128xf32>
      %dot_general3A_62 = arith.constant dense<0.000000e+00> : vector<10000x128xf32>
      %dot_general3A_63 = tpu.matmul %get3A_25, %get3A_61, %dot_general3A_62 {dimension_numbers = #tpu.dot_dimension_numbers<[1], [0], [0], [1], [0, 0, 1, 1], [], []>, transpose_lhs_hint = false} : vector<10000x128xf32>, vector<128x128xf32>, vector<10000x128xf32> -> vector<10000x128xf32>
      %get3A_64 = arith.constant 0 : index
      %get3A_65 = vector.load %arg12[%get3A_64] : memref<128xf32, #tpu.memory_space<vmem>>, vector<128xf32>
      %broadcast_in_dim3A_66 = vector.shape_cast %get3A_65 : vector<128xf32> to vector<1x128xf32>
      %add3A_67 = vector.broadcast %broadcast_in_dim3A_66 : vector<1x128xf32> to vector<10000x128xf32>
      %add3A_68 = arith.addf %dot_general3A_63, %add3A_67 : vector<10000x128xf32>
      %slice3A_69 = vector.extract_strided_slice %add3A_58 {offsets = [0, 0], sizes = [10000, 64], strides = [1, 1]} : vector<10000x128xf32> to vector<10000x64xf32>
      %slice3A_70 = vector.extract_strided_slice %add3A_48 {offsets = [0, 0], sizes = [10000, 64], strides = [1, 1]} : vector<10000x128xf32> to vector<10000x64xf32>
      %concatenate3A = tpu.concatenate %slice3A_69, %slice3A_70 in 1 : vector<10000x64xf32>, vector<10000x64xf32> -> vector<10000x128xf32>
      %swap3A_71 = arith.constant 0 : index
      %swap3A_72 = arith.constant 0 : index
      %swap3A_73 = arith.constant 0 : index
      %swap3A_74 = vector.load %arg15[%swap3A_71, %swap3A_72, %swap3A_73] : memref<2x10000x128xf32, #tpu.memory_space<vmem>>, vector<1x10000x128xf32>
      %swap3A_75 = vector.shape_cast %swap3A_74 : vector<1x10000x128xf32> to vector<10000x128xf32>
      %swap3A_76 = vector.shape_cast %concatenate3A : vector<10000x128xf32> to vector<1x10000x128xf32>
      tpu.vector_store %arg15[%swap3A_71, %swap3A_72, %swap3A_73], %swap3A_76 {strides = array<i32>} : memref<2x10000x128xf32, #tpu.memory_space<vmem>>, vector<1x10000x128xf32>,
      %slice3A_77 = vector.extract_strided_slice %add3A_58 {offsets = [0, 64], sizes = [10000, 64], strides = [1, 1]} : vector<10000x128xf32> to vector<10000x64xf32>
      %slice3A_78 = vector.extract_strided_slice %add3A_48 {offsets = [0, 64], sizes = [10000, 64], strides = [1, 1]} : vector<10000x128xf32> to vector<10000x64xf32>
      %concatenate3A_79 = tpu.concatenate %slice3A_77, %slice3A_78 in 1 : vector<10000x64xf32>, vector<10000x64xf32> -> vector<10000x128xf32>
      %swap3A_80 = arith.constant 1 : index
      %swap3A_81 = arith.constant 0 : index
      %swap3A_82 = arith.constant 0 : index
      %swap3A_83 = vector.load %arg15[%swap3A_80, %swap3A_81, %swap3A_82] : memref<2x10000x128xf32, #tpu.memory_space<vmem>>, vector<1x10000x128xf32>
      %swap3A_84 = vector.shape_cast %swap3A_83 : vector<1x10000x128xf32> to vector<10000x128xf32>
      %swap3A_85 = vector.shape_cast %concatenate3A_79 : vector<10000x128xf32> to vector<1x10000x128xf32>
      tpu.vector_store %arg15[%swap3A_80, %swap3A_81, %swap3A_82], %swap3A_85 {strides = array<i32>} : memref<2x10000x128xf32, #tpu.memory_space<vmem>>, vector<1x10000x128xf32>,
      %swap3A_86 = arith.constant 0 : index
      %swap3A_87 = arith.constant 0 : index
      %swap3A_88 = arith.constant 0 : index
      %swap3A_89 = vector.load %arg16[%swap3A_86, %swap3A_87, %swap3A_88] : memref<2x10000x128xf32, #tpu.memory_space<vmem>>, vector<1x10000x128xf32>
      %swap3A_90 = vector.shape_cast %swap3A_89 : vector<1x10000x128xf32> to vector<10000x128xf32>
      %swap3A_91 = vector.shape_cast %add3A_68 : vector<10000x128xf32> to vector<1x10000x128xf32>
      tpu.vector_store %arg16[%swap3A_86, %swap3A_87, %swap3A_88], %swap3A_91 {strides = array<i32>} : memref<2x10000x128xf32, #tpu.memory_space<vmem>>, vector<1x10000x128xf32>,
      %slice3A_92 = vector.extract_strided_slice %add3A_68 {offsets = [0, 64], sizes = [10000, 64], strides = [1, 1]} : vector<10000x128xf32> to vector<10000x64xf32>
      %slice3A_93 = vector.extract_strided_slice %add3A_68 {offsets = [0, 0], sizes = [10000, 64], strides = [1, 1]} : vector<10000x128xf32> to vector<10000x64xf32>
      %concatenate3A_94 = tpu.concatenate %slice3A_92, %slice3A_93 in 1 : vector<10000x64xf32>, vector<10000x64xf32> -> vector<10000x128xf32>
      %swap3A_95 = arith.constant 1 : index
      %swap3A_96 = arith.constant 0 : index
      %swap3A_97 = arith.constant 0 : index
      %swap3A_98 = vector.load %arg16[%swap3A_95, %swap3A_96, %swap3A_97] : memref<2x10000x128xf32, #tpu.memory_space<vmem>>, vector<1x10000x128xf32>
      %swap3A_99 = vector.shape_cast %swap3A_98 : vector<1x10000x128xf32> to vector<10000x128xf32>
      %swap3A_100 = vector.shape_cast %concatenate3A_94 : vector<10000x128xf32> to vector<1x10000x128xf32>
      tpu.vector_store %arg16[%swap3A_95, %swap3A_96, %swap3A_97], %swap3A_100 {strides = array<i32>} : memref<2x10000x128xf32, #tpu.memory_space<vmem>>, vector<1x10000x128xf32>,
    } else {
    }
    %get3A = arith.constant 0 : index
    %get3A_2 = arith.constant 0 : index
    %get3A_3 = vector.load %arg1[%get3A, %get3A_2] : memref<2000x128xf32, #tpu.memory_space<vmem>>, vector<2000x128xf32>
    %get3A_4 = arith.constant 0 : index
    %get3A_5 = arith.constant 0 : index
    %get3A_6 = vector.load %arg2[%get3A_4, %get3A_5] : memref<128x128xf32, #tpu.memory_space<vmem>>, vector<128x128xf32>
    %dot_general3A = arith.constant dense<0.000000e+00> : vector<2000x128xf32>
    %dot_general3A_7 = tpu.matmul %get3A_3, %get3A_6, %dot_general3A {dimension_numbers = #tpu.dot_dimension_numbers<[1], [0], [0], [1], [0, 0, 1, 1], [], []>, transpose_lhs_hint = false} : vector<2000x128xf32>, vector<128x128xf32>, vector<2000x128xf32> -> vector<2000x128xf32>
    %get3A_8 = arith.constant 0 : index
    %get3A_9 = vector.load %arg3[%get3A_8] : memref<128xf32, #tpu.memory_space<vmem>>, vector<128xf32>
    %broadcast_in_dim3A = vector.shape_cast %get3A_9 : vector<128xf32> to vector<1x128xf32>
    %add3A = vector.broadcast %broadcast_in_dim3A : vector<1x128xf32> to vector<2000x128xf32>
    %add3A_10 = arith.addf %dot_general3A_7, %add3A : vector<2000x128xf32>
    %slice3A = vector.extract_strided_slice %add3A_10 {offsets = [0, 0], sizes = [2000, 64], strides = [1, 1]} : vector<2000x128xf32> to vector<2000x64xf32>
    %swap3A = arith.constant 0 : index
    %swap3A_11 = arith.constant 0 : index
    %swap3A_12 = arith.constant 0 : index
    %swap3A_13 = vector.load %arg13[%swap3A, %swap3A_11, %swap3A_12] : memref<2x2000x64xf32, #tpu.memory_space<vmem>>, vector<1x2000x64xf32>
    %swap3A_14 = vector.shape_cast %swap3A_13 : vector<1x2000x64xf32> to vector<2000x64xf32>
    %swap3A_15 = vector.shape_cast %slice3A : vector<2000x64xf32> to vector<1x2000x64xf32>
    tpu.vector_store %arg13[%swap3A, %swap3A_11, %swap3A_12], %swap3A_15 {strides = array<i32>} : memref<2x2000x64xf32, #tpu.memory_space<vmem>>, vector<1x2000x64xf32>,
    %slice3A_16 = vector.extract_strided_slice %add3A_10 {offsets = [0, 64], sizes = [2000, 64], strides = [1, 1]} : vector<2000x128xf32> to vector<2000x64xf32>
    %swap3A_17 = arith.constant 1 : index
    %swap3A_18 = arith.constant 0 : index
    %swap3A_19 = arith.constant 0 : index
    %swap3A_20 = vector.load %arg13[%swap3A_17, %swap3A_18, %swap3A_19] : memref<2x2000x64xf32, #tpu.memory_space<vmem>>, vector<1x2000x64xf32>
    %swap3A_21 = vector.shape_cast %swap3A_20 : vector<1x2000x64xf32> to vector<2000x64xf32>
    %swap3A_22 = vector.shape_cast %slice3A_16 : vector<2000x64xf32> to vector<1x2000x64xf32>
    tpu.vector_store %arg13[%swap3A_17, %swap3A_18, %swap3A_19], %swap3A_22 {strides = array<i32>} : memref<2x2000x64xf32, #tpu.memory_space<vmem>>, vector<1x2000x64xf32>,
    return
  }
  func.func @transform_0(%arg0: i32) -> (i32, i32) {
    %c0_i32 = arith.constant 0 : i32
    %c0_i32_0 = arith.constant 0 : i32
    return %arg0, %c0_i32 : i32, i32
  }
  func.func @transform_1(%arg0: i32) -> (i32, i32) {
    %c0_i32 = arith.constant 0 : i32
    %c0_i32_0 = arith.constant 0 : i32
    %c0_i32_1 = arith.constant 0 : i32
    return %c0_i32, %c0_i32_0 : i32, i32
  }
  func.func @transform_2(%arg0: i32) -> i32 {
    %c0_i32 = arith.constant 0 : i32
    %c0_i32_0 = arith.constant 0 : i32
    return %c0_i32 : i32
  }
  func.func @transform_3(%arg0: i32) -> (i32, i32) {
    %c0_i32 = arith.constant 0 : i32
    %c0_i32_0 = arith.constant 0 : i32
    %c0_i32_1 = arith.constant 0 : i32
    return %c0_i32, %c0_i32_0 : i32, i32
  }
  func.func @transform_4(%arg0: i32) -> (i32, i32) {
    %c0_i32 = arith.constant 0 : i32
    %c0_i32_0 = arith.constant 0 : i32
    %c0_i32_1 = arith.constant 0 : i32
    return %c0_i32, %c0_i32_0 : i32, i32
  }
  func.func @transform_5(%arg0: i32) -> i32 {
    %c0_i32 = arith.constant 0 : i32
    %c0_i32_0 = arith.constant 0 : i32
    return %c0_i32 : i32
  }
  func.func @transform_6(%arg0: i32) -> (i32, i32) {
    %c0_i32 = arith.constant 0 : i32
    %c0_i32_0 = arith.constant 0 : i32
    %c0_i32_1 = arith.constant 0 : i32
    return %c0_i32, %c0_i32_0 : i32, i32
  }
  func.func @transform_7(%arg0: i32) -> i32 {
    %c0_i32 = arith.constant 0 : i32
    %c0_i32_0 = arith.constant 0 : i32
    return %c0_i32 : i32
  }
  func.func @transform_8(%arg0: i32) -> (i32, i32) {
    %c0_i32 = arith.constant 0 : i32
    %c0_i32_0 = arith.constant 0 : i32
    %c0_i32_1 = arith.constant 0 : i32
    return %c0_i32, %c0_i32_0 : i32, i32
  }
  func.func @transform_9(%arg0: i32) -> i32 {
    %c0_i32 = arith.constant 0 : i32
    %c0_i32_0 = arith.constant 0 : i32
    return %c0_i32 : i32
  }
  func.func @transform_10(%arg0: i32) -> (i32, i32) {
    %c0_i32 = arith.constant 0 : i32
    %c0_i32_0 = arith.constant 0 : i32
    %c0_i32_1 = arith.constant 0 : i32
    return %c0_i32, %c0_i32_0 : i32, i32
  }
  func.func @transform_11(%arg0: i32) -> i32 {
    %c0_i32 = arith.constant 0 : i32
    %c0_i32_0 = arith.constant 0 : i32
    return %c0_i32 : i32
  }
  func.func @transform_12(%arg0: i32) -> (i32, i32, i32) {
    %c0_i32 = arith.constant 0 : i32
    %c0_i32_0 = arith.constant 0 : i32
    %c0_i32_1 = arith.constant 0 : i32
    return %c0_i32, %arg0, %c0_i32_0 : i32, i32, i32
  }
  func.func @transform_13(%arg0: i32) -> (i32, i32) {
    %c0_i32 = arith.constant 0 : i32
    %c0_i32_0 = arith.constant 0 : i32
    %c0_i32_1 = arith.constant 0 : i32
    return %c0_i32, %c0_i32_0 : i32, i32
  }
  func.func @transform_14(%arg0: i32) -> (i32, i32, i32) {
    %c0_i32 = arith.constant 0 : i32
    %c0_i32_0 = arith.constant 0 : i32
    %c0_i32_1 = arith.constant 0 : i32
    %c0_i32_2 = arith.constant 0 : i32
    return %c0_i32, %c0_i32_0, %c0_i32_1 : i32, i32, i32
  }
  func.func @transform_15(%arg0: i32) -> (i32, i32, i32) {
    %c0_i32 = arith.constant 0 : i32
    %c0_i32_0 = arith.constant 0 : i32
    %c0_i32_1 = arith.constant 0 : i32
    %c0_i32_2 = arith.constant 0 : i32
    return %c0_i32, %c0_i32_0, %c0_i32_1 : i32, i32, i32
  }
}

module attributes {stable_mosaic.version = 14 : i64} {
  func.func @_fin_body(%arg0: i32, %arg1: memref<2000x128xf32, #tpu.memory_space<vmem>>, %arg2: memref<2x2000x64xf32, #tpu.memory_space<vmem>>, %arg3: memref<10000x128xf32, #tpu.memory_space<vmem>>, %arg4: memref<2x10000x128xf32, #tpu.memory_space<vmem>>, %arg5: memref<10000x128xf32, #tpu.memory_space<vmem>>, %arg6: memref<128xf32, #tpu.memory_space<vmem>>, %arg7: memref<128xf32, #tpu.memory_space<vmem>>, %arg8: memref<2x16x2x64xf32, #tpu.memory_space<vmem>>, %arg9: memref<128xf32, #tpu.memory_space<vmem>>, %arg10: memref<128xf32, #tpu.memory_space<vmem>>, %arg11: memref<2000x128xf32, #tpu.memory_space<vmem>>, %arg12: memref<10000x128xf32, #tpu.memory_space<vmem>>, %arg13: memref<2x128xf32, #tpu.memory_space<vmem>>) attributes {dimension_semantics = [#tpu.dimension_semantics<arbitrary>], iteration_bounds = array<i64: 161>, scalar_prefetch = 0 : i64, scratch_operands = 1 : i64, tpu.core_type = #tpu.core_type<tc>, window_params = [{transform_indices = @transform_0, window_bounds = array<i64: 2000, 128>}, {transform_indices = @transform_1, window_bounds = array<i64: 2, 2000, 64>}, {pipeline_mode = #tpu.pipeline_mode<synchronous>, transform_indices = @transform_2, window_bounds = array<i64: 10000, 128>}, {pipeline_mode = #tpu.pipeline_mode<synchronous>, transform_indices = @transform_3, window_bounds = array<i64: 2, 10000, 128>}, {pipeline_mode = #tpu.pipeline_mode<synchronous>, transform_indices = @transform_4, window_bounds = array<i64: 10000, 128>}, {pipeline_mode = #tpu.pipeline_mode<synchronous>, transform_indices = @transform_5, window_bounds = array<i64: 128>}, {pipeline_mode = #tpu.pipeline_mode<synchronous>, transform_indices = @transform_6, window_bounds = array<i64: 128>}, {pipeline_mode = #tpu.pipeline_mode<synchronous>, transform_indices = @transform_7, window_bounds = array<i64: 2, 16, 2, 64>}, {pipeline_mode = #tpu.pipeline_mode<synchronous>, transform_indices = @transform_8, window_bounds = array<i64: 128>}, {pipeline_mode = #tpu.pipeline_mode<synchronous>, transform_indices = @transform_9, window_bounds = array<i64: 128>}, {transform_indices = @transform_10, window_bounds = array<i64: 2000, 128>}, {pipeline_mode = #tpu.pipeline_mode<synchronous>, transform_indices = @transform_11, window_bounds = array<i64: 10000, 128>}]} {
    %eq3A = arith.constant 0 : i32
    %eq3A_0 = arith.cmpi eq, %arg0, %eq3A : i32
    %convert_element_type3A = arith.extui %eq3A_0 : i1 to i32
    %cond3A = arith.constant 0 : i32
    %cond3A_1 = arith.cmpi ne, %convert_element_type3A, %cond3A : i32
    scf.if %cond3A_1 {
      %get3A = arith.constant 0 : index
      %get3A_6 = arith.constant 0 : index
      %get3A_7 = arith.constant 0 : index
      %get3A_8 = vector.load %arg4[%get3A, %get3A_6, %get3A_7] : memref<2x10000x128xf32, #tpu.memory_space<vmem>>, vector<1x10000x64xf32>
      %get3A_9 = vector.shape_cast %get3A_8 : vector<1x10000x64xf32> to vector<10000x64xf32>
      %get3A_10 = arith.constant 1 : index
      %get3A_11 = arith.constant 0 : index
      %get3A_12 = arith.constant 0 : index
      %get3A_13 = vector.load %arg4[%get3A_10, %get3A_11, %get3A_12] : memref<2x10000x128xf32, #tpu.memory_space<vmem>>, vector<1x10000x64xf32>
      %get3A_14 = vector.shape_cast %get3A_13 : vector<1x10000x64xf32> to vector<10000x64xf32>
      %concatenate3A = tpu.concatenate %get3A_9, %get3A_14 in 1 : vector<10000x64xf32>, vector<10000x64xf32> -> vector<10000x128xf32>
      %get3A_15 = arith.constant 0 : index
      %get3A_16 = arith.constant 0 : index
      %get3A_17 = arith.constant 64 : index
      %get3A_18 = vector.load %arg4[%get3A_15, %get3A_16, %get3A_17] : memref<2x10000x128xf32, #tpu.memory_space<vmem>>, vector<1x10000x64xf32>
      %get3A_19 = vector.shape_cast %get3A_18 : vector<1x10000x64xf32> to vector<10000x64xf32>
      %get3A_20 = arith.constant 1 : index
      %get3A_21 = arith.constant 0 : index
      %get3A_22 = arith.constant 64 : index
      %get3A_23 = vector.load %arg4[%get3A_20, %get3A_21, %get3A_22] : memref<2x10000x128xf32, #tpu.memory_space<vmem>>, vector<1x10000x64xf32>
      %get3A_24 = vector.shape_cast %get3A_23 : vector<1x10000x64xf32> to vector<10000x64xf32>
      %concatenate3A_25 = tpu.concatenate %get3A_19, %get3A_24 in 1 : vector<10000x64xf32>, vector<10000x64xf32> -> vector<10000x128xf32>
      %get3A_26 = arith.constant 0 : index
      %get3A_27 = arith.constant 0 : index
      %get3A_28 = vector.load %arg3[%get3A_26, %get3A_27] : memref<10000x128xf32, #tpu.memory_space<vmem>>, vector<10000x128xf32>
      %add3A = arith.constant 9.99999997E-7 : f32
      %add3A_29 = vector.broadcast %add3A : f32 to vector<10000x128xf32>
      %add3A_30 = arith.addf %concatenate3A_25, %add3A_29 : vector<10000x128xf32>
      %div3A = arith.divf %concatenate3A, %add3A_30 : vector<10000x128xf32>
      %add3A_31 = arith.addf %get3A_28, %div3A : vector<10000x128xf32>
      %reduce_sum3A = arith.constant dense<0.000000e+00> : vector<128xf32>
      %reduce_sum3A_32 = vector.multi_reduction <add>, %add3A_31, %reduce_sum3A [0] : vector<10000x128xf32> to vector<128xf32>
      %broadcast_in_dim3A = vector.shape_cast %reduce_sum3A_32 : vector<128xf32> to vector<1x128xf32>
      %div3A_33 = arith.constant 1.000000e+04 : f32
      %div3A_34 = vector.broadcast %div3A_33 : f32 to vector<1x128xf32>
      %div3A_35 = arith.divf %broadcast_in_dim3A, %div3A_34 : vector<1x128xf32>
      %sub3A = vector.broadcast %div3A_35 : vector<1x128xf32> to vector<10000x128xf32>
      %sub3A_36 = arith.subf %add3A_31, %sub3A : vector<10000x128xf32>
      %sub3A_37 = vector.broadcast %div3A_35 : vector<1x128xf32> to vector<10000x128xf32>
      %sub3A_38 = arith.subf %add3A_31, %sub3A_37 : vector<10000x128xf32>
      %mul3A = arith.mulf %sub3A_36, %sub3A_38 : vector<10000x128xf32>
      %reduce_sum3A_39 = arith.constant dense<0.000000e+00> : vector<128xf32>
      %reduce_sum3A_40 = vector.multi_reduction <add>, %mul3A, %reduce_sum3A_39 [0] : vector<10000x128xf32> to vector<128xf32>
      %broadcast_in_dim3A_41 = vector.shape_cast %reduce_sum3A_40 : vector<128xf32> to vector<1x128xf32>
      %div3A_42 = arith.constant 1.000000e+04 : f32
      %div3A_43 = vector.broadcast %div3A_42 : f32 to vector<1x128xf32>
      %div3A_44 = arith.divf %broadcast_in_dim3A_41, %div3A_43 : vector<1x128xf32>
      %get3A_45 = arith.constant 0 : index
      %get3A_46 = vector.load %arg6[%get3A_45] : memref<128xf32, #tpu.memory_space<vmem>>, vector<128xf32>
      %sub3A_47 = vector.broadcast %div3A_35 : vector<1x128xf32> to vector<10000x128xf32>
      %sub3A_48 = arith.subf %add3A_31, %sub3A_47 : vector<10000x128xf32>
      %broadcast_in_dim3A_49 = vector.shape_cast %get3A_46 : vector<128xf32> to vector<1x128xf32>
      %mul3A_50 = vector.broadcast %broadcast_in_dim3A_49 : vector<1x128xf32> to vector<10000x128xf32>
      %mul3A_51 = arith.mulf %mul3A_50, %sub3A_48 : vector<10000x128xf32>
      %add3A_52 = arith.constant 9.99999974E-6 : f32
      %add3A_53 = vector.broadcast %add3A_52 : f32 to vector<1x128xf32>
      %add3A_54 = arith.addf %div3A_44, %add3A_53 : vector<1x128xf32>
      %sqrt3A = math.sqrt %add3A_54 : vector<1x128xf32>
      %div3A_55 = vector.broadcast %sqrt3A : vector<1x128xf32> to vector<10000x128xf32>
      %div3A_56 = arith.divf %mul3A_51, %div3A_55 : vector<10000x128xf32>
      %get3A_57 = arith.constant 0 : index
      %get3A_58 = vector.load %arg7[%get3A_57] : memref<128xf32, #tpu.memory_space<vmem>>, vector<128xf32>
      %broadcast_in_dim3A_59 = vector.shape_cast %get3A_58 : vector<128xf32> to vector<1x128xf32>
      %add3A_60 = vector.broadcast %broadcast_in_dim3A_59 : vector<1x128xf32> to vector<10000x128xf32>
      %add3A_61 = arith.addf %div3A_56, %add3A_60 : vector<10000x128xf32>
      %get3A_62 = arith.constant 0 : index
      %get3A_63 = arith.constant 0 : index
      %get3A_64 = vector.load %arg5[%get3A_62, %get3A_63] : memref<10000x128xf32, #tpu.memory_space<vmem>>, vector<10000x128xf32>
      %max3A = arith.constant 0.000000e+00 : f32
      %max3A_65 = vector.broadcast %max3A : f32 to vector<10000x128xf32>
      %max3A_66 = arith.maximumf %add3A_61, %max3A_65 : vector<10000x128xf32>
      %add3A_67 = arith.addf %get3A_64, %max3A_66 : vector<10000x128xf32>
      %swap3A = arith.constant 0 : index
      %swap3A_68 = arith.constant 0 : index
      %swap3A_69 = vector.load %arg12[%swap3A, %swap3A_68] : memref<10000x128xf32, #tpu.memory_space<vmem>>, vector<10000x128xf32>
      tpu.vector_store %arg12[%swap3A, %swap3A_68], %add3A_67 {strides = array<i32>} : memref<10000x128xf32, #tpu.memory_space<vmem>>, vector<10000x128xf32>,
      %get3A_70 = arith.constant 0 : index
      %get3A_71 = arith.constant 0 : index
      %get3A_72 = arith.constant 0 : index
      %get3A_73 = arith.constant 0 : index
      %get3A_74 = vector.load %arg8[%get3A_70, %get3A_71, %get3A_72, %get3A_73] : memref<2x16x2x64xf32, #tpu.memory_space<vmem>>, vector<2x16x2x64xf32>
      %reduce_sum3A_75 = arith.constant dense<0.000000e+00> : vector<2x2x64xf32>
      %reduce_sum3A_76 = vector.multi_reduction <add>, %get3A_74, %reduce_sum3A_75 [1] : vector<2x16x2x64xf32> to vector<2x2x64xf32>
      %slice3A = vector.extract_strided_slice %reduce_sum3A_76 {offsets = [0, 0, 0], sizes = [1, 1, 64], strides = [1, 1, 1]} : vector<2x2x64xf32> to vector<1x1x64xf32>
      %squeeze3A = vector.shape_cast %slice3A : vector<1x1x64xf32> to vector<64xf32>
      %slice3A_77 = vector.extract_strided_slice %reduce_sum3A_76 {offsets = [1, 0, 0], sizes = [1, 1, 64], strides = [1, 1, 1]} : vector<2x2x64xf32> to vector<1x1x64xf32>
      %squeeze3A_78 = vector.shape_cast %slice3A_77 : vector<1x1x64xf32> to vector<64xf32>
      %concatenate3A_79 = tpu.concatenate %squeeze3A, %squeeze3A_78 in 0 : vector<64xf32>, vector<64xf32> -> vector<128xf32>
      %mul3A_80 = arith.constant 3.125000e-06 : f32
      %mul3A_81 = vector.broadcast %mul3A_80 : f32 to vector<128xf32>
      %mul3A_82 = arith.mulf %concatenate3A_79, %mul3A_81 : vector<128xf32>
      %slice3A_83 = vector.extract_strided_slice %reduce_sum3A_76 {offsets = [0, 1, 0], sizes = [1, 1, 64], strides = [1, 1, 1]} : vector<2x2x64xf32> to vector<1x1x64xf32>
      %squeeze3A_84 = vector.shape_cast %slice3A_83 : vector<1x1x64xf32> to vector<64xf32>
      %slice3A_85 = vector.extract_strided_slice %reduce_sum3A_76 {offsets = [1, 1, 0], sizes = [1, 1, 64], strides = [1, 1, 1]} : vector<2x2x64xf32> to vector<1x1x64xf32>
      %squeeze3A_86 = vector.shape_cast %slice3A_85 : vector<1x1x64xf32> to vector<64xf32>
      %concatenate3A_87 = tpu.concatenate %squeeze3A_84, %squeeze3A_86 in 0 : vector<64xf32>, vector<64xf32> -> vector<128xf32>
      %mul3A_88 = arith.constant 3.125000e-06 : f32
      %mul3A_89 = vector.broadcast %mul3A_88 : f32 to vector<128xf32>
      %mul3A_90 = arith.mulf %concatenate3A_87, %mul3A_89 : vector<128xf32>
      %mul3A_91 = arith.mulf %mul3A_82, %mul3A_82 : vector<128xf32>
      %sub3A_92 = arith.subf %mul3A_90, %mul3A_91 : vector<128xf32>
      %get3A_93 = arith.constant 0 : index
      %get3A_94 = vector.load %arg9[%get3A_93] : memref<128xf32, #tpu.memory_space<vmem>>, vector<128xf32>
      %add3A_95 = arith.constant 9.99999974E-6 : f32
      %add3A_96 = vector.broadcast %add3A_95 : f32 to vector<128xf32>
      %add3A_97 = arith.addf %sub3A_92, %add3A_96 : vector<128xf32>
      %sqrt3A_98 = math.sqrt %add3A_97 : vector<128xf32>
      %div3A_99 = arith.divf %get3A_94, %sqrt3A_98 : vector<128xf32>
      %swap3A_100 = arith.constant 0 : index
      %swap3A_101 = arith.constant 0 : index
      %swap3A_102 = vector.load %arg13[%swap3A_100, %swap3A_101] : memref<2x128xf32, #tpu.memory_space<vmem>>, vector<1x128xf32>
      %swap3A_103 = vector.shape_cast %swap3A_102 : vector<1x128xf32> to vector<128xf32>
      %swap3A_104 = vector.shape_cast %div3A_99 : vector<128xf32> to vector<1x128xf32>
      tpu.vector_store %arg13[%swap3A_100, %swap3A_101], %swap3A_104 {strides = array<i32>} : memref<2x128xf32, #tpu.memory_space<vmem>>, vector<1x128xf32>,
      %get3A_105 = arith.constant 0 : index
      %get3A_106 = vector.load %arg10[%get3A_105] : memref<128xf32, #tpu.memory_space<vmem>>, vector<128xf32>
      %mul3A_107 = arith.mulf %mul3A_82, %div3A_99 : vector<128xf32>
      %sub3A_108 = arith.subf %get3A_106, %mul3A_107 : vector<128xf32>
      %swap3A_109 = arith.constant 1 : index
      %swap3A_110 = arith.constant 0 : index
      %swap3A_111 = vector.load %arg13[%swap3A_109, %swap3A_110] : memref<2x128xf32, #tpu.memory_space<vmem>>, vector<1x128xf32>
      %swap3A_112 = vector.shape_cast %swap3A_111 : vector<1x128xf32> to vector<128xf32>
      %swap3A_113 = vector.shape_cast %sub3A_108 : vector<128xf32> to vector<1x128xf32>
      tpu.vector_store %arg13[%swap3A_109, %swap3A_110], %swap3A_113 {strides = array<i32>} : memref<2x128xf32, #tpu.memory_space<vmem>>, vector<1x128xf32>,
    } else {
    }
    %gt3A = arith.constant 0 : i32
    %gt3A_2 = arith.cmpi sgt, %arg0, %gt3A : i32
    %convert_element_type3A_3 = arith.extui %gt3A_2 : i1 to i32
    %cond3A_4 = arith.constant 0 : i32
    %cond3A_5 = arith.cmpi ne, %convert_element_type3A_3, %cond3A_4 : i32
    scf.if %cond3A_5 {
      %get3A = arith.constant 0 : index
      %get3A_6 = arith.constant 0 : index
      %get3A_7 = arith.constant 0 : index
      %get3A_8 = vector.load %arg2[%get3A, %get3A_6, %get3A_7] : memref<2x2000x64xf32, #tpu.memory_space<vmem>>, vector<1x2000x64xf32>
      %get3A_9 = vector.shape_cast %get3A_8 : vector<1x2000x64xf32> to vector<2000x64xf32>
      %get3A_10 = arith.constant 1 : index
      %get3A_11 = arith.constant 0 : index
      %get3A_12 = arith.constant 0 : index
      %get3A_13 = vector.load %arg2[%get3A_10, %get3A_11, %get3A_12] : memref<2x2000x64xf32, #tpu.memory_space<vmem>>, vector<1x2000x64xf32>
      %get3A_14 = vector.shape_cast %get3A_13 : vector<1x2000x64xf32> to vector<2000x64xf32>
      %concatenate3A = tpu.concatenate %get3A_9, %get3A_14 in 1 : vector<2000x64xf32>, vector<2000x64xf32> -> vector<2000x128xf32>
      %get3A_15 = arith.constant 0 : index
      %get3A_16 = arith.constant 0 : index
      %get3A_17 = vector.load %arg1[%get3A_15, %get3A_16] : memref<2000x128xf32, #tpu.memory_space<vmem>>, vector<2000x128xf32>
      %get3A_18 = arith.constant 0 : index
      %get3A_19 = arith.constant 0 : index
      %get3A_20 = vector.load %arg13[%get3A_18, %get3A_19] : memref<2x128xf32, #tpu.memory_space<vmem>>, vector<1x128xf32>
      %mul3A = vector.broadcast %get3A_20 : vector<1x128xf32> to vector<2000x128xf32>
      %mul3A_21 = arith.mulf %concatenate3A, %mul3A : vector<2000x128xf32>
      %get3A_22 = arith.constant 1 : index
      %get3A_23 = arith.constant 0 : index
      %get3A_24 = vector.load %arg13[%get3A_22, %get3A_23] : memref<2x128xf32, #tpu.memory_space<vmem>>, vector<1x128xf32>
      %add3A = vector.broadcast %get3A_24 : vector<1x128xf32> to vector<2000x128xf32>
      %add3A_25 = arith.addf %mul3A_21, %add3A : vector<2000x128xf32>
      %max3A = arith.constant 0.000000e+00 : f32
      %max3A_26 = vector.broadcast %max3A : f32 to vector<2000x128xf32>
      %max3A_27 = arith.maximumf %add3A_25, %max3A_26 : vector<2000x128xf32>
      %add3A_28 = arith.addf %get3A_17, %max3A_27 : vector<2000x128xf32>
      %swap3A = arith.constant 0 : index
      %swap3A_29 = arith.constant 0 : index
      %swap3A_30 = vector.load %arg11[%swap3A, %swap3A_29] : memref<2000x128xf32, #tpu.memory_space<vmem>>, vector<2000x128xf32>
      tpu.vector_store %arg11[%swap3A, %swap3A_29], %add3A_28 {strides = array<i32>} : memref<2000x128xf32, #tpu.memory_space<vmem>>, vector<2000x128xf32>,
    } else {
    }
    return
  }
  func.func @transform_0(%arg0: i32) -> (i32, i32) {
    %sub3A = arith.constant 1 : i32
    %sub3A_0 = arith.subi %arg0, %sub3A : i32
    %max3A = arith.constant 0 : i32
    %max3A_1 = arith.maxsi %sub3A_0, %max3A : i32
    %c0_i32 = arith.constant 0 : i32
    %c0_i32_2 = arith.constant 0 : i32
    return %max3A_1, %c0_i32 : i32, i32
  }
  func.func @transform_1(%arg0: i32) -> (i32, i32, i32) {
    %sub3A = arith.constant 1 : i32
    %sub3A_0 = arith.subi %arg0, %sub3A : i32
    %max3A = arith.constant 0 : i32
    %max3A_1 = arith.maxsi %sub3A_0, %max3A : i32
    %c0_i32 = arith.constant 0 : i32
    %c0_i32_2 = arith.constant 0 : i32
    %c0_i32_3 = arith.constant 0 : i32
    return %c0_i32, %max3A_1, %c0_i32_2 : i32, i32, i32
  }
  func.func @transform_2(%arg0: i32) -> (i32, i32) {
    %c0_i32 = arith.constant 0 : i32
    %c0_i32_0 = arith.constant 0 : i32
    %c0_i32_1 = arith.constant 0 : i32
    return %c0_i32, %c0_i32_0 : i32, i32
  }
  func.func @transform_3(%arg0: i32) -> (i32, i32, i32) {
    %c0_i32 = arith.constant 0 : i32
    %c0_i32_0 = arith.constant 0 : i32
    %c0_i32_1 = arith.constant 0 : i32
    %c0_i32_2 = arith.constant 0 : i32
    return %c0_i32, %c0_i32_0, %c0_i32_1 : i32, i32, i32
  }
  func.func @transform_4(%arg0: i32) -> (i32, i32) {
    %c0_i32 = arith.constant 0 : i32
    %c0_i32_0 = arith.constant 0 : i32
    %c0_i32_1 = arith.constant 0 : i32
    return %c0_i32, %c0_i32_0 : i32, i32
  }
  func.func @transform_5(%arg0: i32) -> i32 {
    %c0_i32 = arith.constant 0 : i32
    %c0_i32_0 = arith.constant 0 : i32
    return %c0_i32 : i32
  }
  func.func @transform_6(%arg0: i32) -> i32 {
    %c0_i32 = arith.constant 0 : i32
    %c0_i32_0 = arith.constant 0 : i32
    return %c0_i32 : i32
  }
  func.func @transform_7(%arg0: i32) -> (i32, i32, i32, i32) {
    %c0_i32 = arith.constant 0 : i32
    %c0_i32_0 = arith.constant 0 : i32
    %c0_i32_1 = arith.constant 0 : i32
    %c0_i32_2 = arith.constant 0 : i32
    %c0_i32_3 = arith.constant 0 : i32
    return %c0_i32, %c0_i32_0, %c0_i32_1, %c0_i32_2 : i32, i32, i32, i32
  }
  func.func @transform_8(%arg0: i32) -> i32 {
    %c0_i32 = arith.constant 0 : i32
    %c0_i32_0 = arith.constant 0 : i32
    return %c0_i32 : i32
  }
  func.func @transform_9(%arg0: i32) -> i32 {
    %c0_i32 = arith.constant 0 : i32
    %c0_i32_0 = arith.constant 0 : i32
    return %c0_i32 : i32
  }
  func.func @transform_10(%arg0: i32) -> (i32, i32) {
    %sub3A = arith.constant 1 : i32
    %sub3A_0 = arith.subi %arg0, %sub3A : i32
    %max3A = arith.constant 0 : i32
    %max3A_1 = arith.maxsi %sub3A_0, %max3A : i32
    %c0_i32 = arith.constant 0 : i32
    %c0_i32_2 = arith.constant 0 : i32
    return %max3A_1, %c0_i32 : i32, i32
  }
  func.func @transform_11(%arg0: i32) -> (i32, i32) {
    %c0_i32 = arith.constant 0 : i32
    %c0_i32_0 = arith.constant 0 : i32
    %c0_i32_1 = arith.constant 0 : i32
    return %c0_i32, %c0_i32_0 : i32, i32
  }
}

</mosaic_0001>

<sc_bundles>
// kernel: kernel.5.cloned.1.call-start
scs
__scs_entry_jumppad:
0x0: {  	(pc) =	sbr.rel $0x88, $3  }
0x1: {  	(tag) =	ssettag $0x0;
	lr =	simm.s32 $0x1  }
0x2: {  	[smem:$0x3F90] =	sst lr;
	_ =	strace $0xD0000000  }
0x3: {  	_ = 	snop  }
0x4: {  	_ = 	snop  }
0x5: {  	_ = 	snop  }
0x6: {  	_ = 	snop  }
0x7: {  	_ = 	snop  }
__scs_overlays_trampoline_lowered:
0x8: {  	[smem:$0x3F9F] =	sst s0  }
0x9: {  	[smem:$0x3FA0] =	sst s1  }
0xa: {  	[smem:$0x3FA1] =	sst s2  }
0xb: {  	[smem:$0x3FA2] =	sst s3  }
0xc: {  	[smem:$0x3FA3] =	sst s4  }
0xd: {  	[smem:$0x3FA4] =	sst s5  }
0xe: {  	[smem:$0x3FA5] =	sst s6  }
0xf: {  	[smem:$0x3FA6] =	sst s7  }
0x10: {  	[smem:$0x3FA7] =	sst s8  }
0x11: {  	[smem:$0x3FA8] =	sst s9;
	s0 =	simm.s32 @!p0 $0x0  }
0x12: {  	s1 =	sld [smem:$0x3F8E];
	s0 =	simm.s32 @p0 $0x1  }
0x13: {  	[smem:$0x3FA9] =	sst s0;
	s0 =	simm.s32 @!p1 $0x0  }
0x14: {  	s2 =	sld [smem:$0x3F8D];
	s0 =	simm.s32 @p1 $0x1  }
0x15: {  	[smem:$0x3FAA] =	sst s0;
	s0 =	simm.s32 @!p2 $0x0  }
0x16: {  	s3 =	sld [smem:$0x3FDB];
	s0 =	simm.s32 @p2 $0x1  }
0x17: {  	s4 =	simm.s32 $0x1BF5;
	[smem:$0x3FAC] =	sst s0  }
0x18: {  	s0 =	sld [smem:$0x3F8F];
	_ =	swait.ge [sflag:s4], $0x0  }
0x19: {  	s7 =	sld [smem:$0x3F90]  }
0x1a: {  	s8 =	sadd.s32 $0xFFFFE003, lr  }
0x1b: {  	s9 =	sadd.s32 $0xFFFFFEF7, lr;
	s5 =	simm.s32 $0xFFFFFFFF;
	p2 =	slt.u32 s8, $0xFFFFF086  }
0x1c: {  	p1 =	slt.u32 s9, $0xF7A;
	s5 =	simm.s32 @!p2 $0x0  }
0x1d: {  	s5 =	simm.s32 @p1 $0x1;
	p0 =	seq.s32 s7, s2  }
0x1e: {  	s7 =	smul.u32 @!p0 $0xF7A, s2;
	p2 =	seq.s32 @!p0 s5, $0x0  }
0x1f: {  	s9 =	smul.u32 $0xF7A, s1;
	s8 =	simm.s32 @!p0 $0x1BF5;
	p2 =	por !p2, p0  }
0x20: {  	[sflag:s8] =	ssyncset.s32 @!p0 $0xFFFFF086;
	s6 =	sadd.s32 @!p0 s3, s7;
	s7 =	simm.s32 @!p0 $0x108  }
0x21: {  	s3 =	sadd.s32 s3, s9;
	s6 =	sadd.s32 @!p0 $0x88, s6;
	s7 =	simm.s32 @p2 $0x1082  }
0x22: {  	[simem:s7], [sflag:s8] =	dma.local @!p0 [hbm:s6], $0xF7A  }
0x23: {  	s9 =	sor.u32 $0xD0000000, s2;
	s6 =	simm.s32 $0x108;
	_ =	swait.ge @!p0 [sflag:s8], $0x0  }
0x24: {  	s3 =	sadd.s32 $0x88, s3;
	s6 =	simm.s32 @!p1 $0x1082;
	[sflag:s4] =	ssyncset.s32 $0xFFFFF086  }
0x25: {  	[simem:s6], [sflag:s4] =	dma.local [hbm:s3], $0xF7A  }
0x26: {  	[smem:$0x3F90] =	sst s1;
	(tag) =	ssettag s2;
	_ =	strace s9  }
0x27: {  	s1 =	sld [smem:$0x3FA0]  }
0x28: {  	s2 =	sld [smem:$0x3FA1]  }
0x29: {  	s4 =	sld [smem:$0x3FA3]  }
0x2a: {  	p0 =	seq.s32 s5, $0x0;
	s5 =	sld [smem:$0x3FA4]  }
0x2b: {  	s6 =	sld [smem:$0x3FA5]  }
0x2c: {  	s7 =	sld [smem:$0x3FA6]  }
0x2d: {  	s3 =	simm.s32 $0x108;
	s8 =	sld [smem:$0x3FA7]  }
0x2e: {  	s3 =	simm.s32 @!p0 $0x1082;
	s9 =	sld [smem:$0x3FA8]  }
0x2f: {  	lr =	sadd.s32 s0, s3;
	s0 =	sld [smem:$0x3F9F]  }
0x30: {  	s3 =	sld [smem:$0x3FA2]  }
0x31: {  	[smem:$0x3FAB] =	sst s10  }
0x32: {  	s10 =	sld [smem:$0x3FA9];
	_ =	sdelay $0x3  }
0x33: {  	p0 =	seq.s32 s10, $0x1;
	s10 =	sld [smem:$0x3FAB];
	_ =	sdelay $0x3  }
0x34: {  	[smem:$0x3FAB] =	sst s10  }
0x35: {  	s10 =	sld [smem:$0x3FAA];
	_ =	sdelay $0x3  }
0x36: {  	p1 =	seq.s32 s10, $0x1;
	s10 =	sld [smem:$0x3FAB];
	_ =	sdelay $0x3  }
0x37: {  	[smem:$0x3FAB] =	sst s10  }
0x38: {  	s10 =	sld [smem:$0x3FAC]  }
0x39: {  	_ = 	snop;
	(pc) =	sbr.ind lr, $3  }
0x3a: {  	_ = 	snop  }
0x3b: {  	_ = 	snop  }
0x3c: {  	p2 =	seq.s32 s10, $0x1;
	s10 =	sld [smem:$0x3FAB]  }
0x3d: {  	_ =	shalt  }
0x3e: {  	_ =	shalt  }
0x3f: {  	_ =	shalt  }
0x40: {  	_ =	shalt  }
0x41: {  	_ =	shalt  }
0x42: {  	_ =	shalt  }
0x43: {  	_ =	shalt  }
0x44: {  	_ =	shalt  }
0x45: {  	_ =	shalt  }
0x46: {  	_ =	shalt  }
0x47: {  	_ =	shalt  }
0x48: {  	_ =	shalt  }
0x49: {  	_ =	shalt  }
0x4a: {  	_ =	shalt  }
0x4b: {  	_ =	shalt  }
0x4c: {  	_ =	shalt  }
0x4d: {  	_ =	shalt  }
0x4e: {  	_ =	shalt  }
0x4f: {  	_ =	shalt  }
0x50: {  	_ =	shalt  }
0x51: {  	_ =	shalt  }
0x52: {  	_ =	shalt  }
0x53: {  	_ =	shalt  }
0x54: {  	_ =	shalt  }
0x55: {  	_ =	shalt  }
0x56: {  	_ =	shalt  }
0x57: {  	_ =	shalt  }
0x58: {  	_ =	shalt  }
0x59: {  	_ =	shalt  }
0x5a: {  	_ =	shalt  }
0x5b: {  	_ =	shalt  }
0x5c: {  	_ =	shalt  }
0x5d: {  	_ =	shalt  }
0x5e: {  	_ =	shalt  }
0x5f: {  	_ =	shalt  }
0x60: {  	_ =	shalt  }
0x61: {  	_ =	shalt  }
0x62: {  	_ =	shalt  }
0x63: {  	_ =	shalt  }
0x64: {  	_ =	shalt  }
0x65: {  	_ =	shalt  }
0x66: {  	_ =	shalt  }
0x67: {  	_ =	shalt  }
0x68: {  	_ =	shalt  }
0x69: {  	_ =	shalt  }
0x6a: {  	_ =	shalt  }
0x6b: {  	_ =	shalt  }
0x6c: {  	_ =	shalt  }
0x6d: {  	_ =	shalt  }
0x6e: {  	_ =	shalt  }
0x6f: {  	_ =	shalt  }
0x70: {  	_ =	shalt  }
0x71: {  	_ =	shalt  }
0x72: {  	_ =	shalt  }
0x73: {  	_ =	shalt  }
0x74: {  	_ =	shalt  }
0x75: {  	_ =	shalt  }
0x76: {  	_ =	shalt  }
0x77: {  	_ =	shalt  }
0x78: {  	_ =	shalt  }
0x79: {  	_ =	shalt  }
0x7a: {  	_ =	shalt  }
0x7b: {  	_ =	shalt  }
0x7c: {  	_ =	shalt  }
0x7d: {  	_ =	shalt  }
0x7e: {  	_ =	shalt  }
0x7f: {  	_ =	shalt  }
0x80: {  	_ =	shalt  }
0x81: {  	_ =	shalt  }
0x82: {  	_ =	shalt  }
0x83: {  	_ =	shalt  }
0x84: {  	_ =	shalt  }
0x85: {  	_ =	shalt  }
0x86: {  	_ =	shalt  }
0x87: {  	_ =	shalt  }
.Lfunc_end0:
.L_simem_size_0:
called_computation_lowered:
.L_overlay_start_0:
0x88: {  	s2 =	sld [smem:$0x3FD9]  }
0x89: {  	s3 =	sld [smem:$0x3FFE];
	_ =	sdelay $0x1  }
0x8a: {  	s1 =	srdreg.scid  }
0x8b: {  	s0 =	sand.u32 $0x1, s1  }
0x8c: {  	s14 =	sshll.u32 s0, $0xA;
	s2 =	sadd.s32 s3, s2  }
0x8d: {  	s2 =	sadd.s32 s2, s14  }
0x8e: {  	[smem:$0x3FB7] =	sst s2  }
0x8f: {  	_ = 	snop  }
0x90: {  	s2 =	sld [smem:$0x3FD0];
	_ =	sdelay $0x2  }
0x91: {  	s15 =	simm.s32 $0xA;
	s4 =	simm.s32 $0x10  }
0x92: {  	[smem:s4], [sflag:s15] =	dma.local [hbm:s2], $0x1  }
0x93: {  	_ =	swait.eq [sflag:s15], $0x1  }
0x94: {  	[sflag:s15] =	ssyncset.done $0x0  }
0x95: {  	[sflag:s15] =	ssyncadd.s32 $0xFFFFFFFF  }
0x96: {  	s16 =	sld [smem:$0x11];
	(tm) =	ssettm $0x1  }
0x97: {  	s17 =	sld [smem:$0x3FFB];
	_ =	sdelay $0x3  }
0x98: {  	_ =	strace s17  }
0x99: {  	s3 =	sld [smem:$0x3FFC];
	_ =	sdelay $0x3  }
0x9a: {  	_ =	strace s3  }
0x9b: {  	s3 =	sld [smem:$0x3FFD];
	_ =	sdelay $0x3  }
0x9c: {  	_ =	strace s3  }
0x9d: {  	_ =	strace $0x8FFFFFFF  }
0x9e: {  	s18 =	sld [smem:$0x3FDB];
	_ =	sdelay $0x1  }
0x9f: {  	s19 =	simm.s32 $_scs_section_size  }
0xa0: {  	s5 =	simm.s32 $_size__tile_overlayer_lowered;
	s6 =	simm.s32 $_tile_overlayer_lowered  }
0xa1: {  	s22 =	simm.s32 $0x1BFF;
	s21 =	sshll.u32 s6, $0x1;
	s3 =	sadd.s32 s19, s18  }
0xa2: {  	s7 =	simm.s32 $0x0;
	s20 =	sshll.u32 s5, $0x1;
	s5 =	sadd.s32 s21, s3  }
0xa3: {  	[timem:s7], [sflag:s22] =	dma.local [hbm:s5], s20  }
0xa4: {  	_ =	swait.ge [sflag:s22], s20  }
0xa5: {  	s4 =	ssub.s32 $0x0, s20;
	[sflag:s22] =	ssyncset.done $0x0  }
0xa6: {  	[sflag:s22] =	ssyncadd.s32 s4;
	_ =	sdelay $0x1  }
0xa7: {  	s23 =	simm.s32 $0x1B8B  }
0xa8: {  	_ =	swait.ge [sflag:s23], $0x1  }
0xa9: {  	[sflag:s23] =	ssyncset.done $0x0  }
0xaa: {  	s25 =	simm.s32 $0x1B8E;
	s24 =	sld [smem:$0x3FFE];
	[sflag:s23] =	ssyncadd.s32 $0xFFFFFFFF  }
0xab: {  	s26 =	simm.s32 $execute0_lowered;
	[smem:$0x3FD2] =	sst s25  }
0xac: {  	s5 =	sshll.u32 s26, $0x1;
	_ =	strace $0x80000046;
	[dreg:$0x1] =	wrdreg $0xFFFFFFFF  }
0xad: {  	s28 =	simm.s32 $_size_execute0_lowered;
	s3 =	sadd.s32 s3, s5;
	[dreg:$0x0] =	wrdreg $0x0  }
0xae: {  	s5 =	sshll.u32 s28, $0x1;
	[dreg:$0x2] =	wrdreg s3  }
0xaf: {  	[dreg:$0x3] =	wrdreg s5  }
0xb0: {  	[dreg:$0x4] =	wrdreg $0xC0  }
0xb1: {  	_ =	task [dreg:s7], $0x5FFFF  }
0xb2: {  	[dreg:$0x1] =	wrdreg $0xFFFFFFFF  }
0xb3: {  	[dreg:$0x0] =	wrdreg $0x60  }
0xb4: {  	[dreg:$0x2] =	wrdreg s24  }
0xb5: {  	[dreg:$0x3] =	wrdreg s16  }
0xb6: {  	[dreg:$0x4] =	wrdreg $0x7B000  }
0xb7: {  	[dreg:$0x5] =	wrdreg $0x9  }
0xb8: {  	_ =	task.clear_ibuf [dreg:s7], $0x6FFFF;
	_ =	strace $0x90000046  }
0xb9: {  	s29 =	simm.s32 $0x9;
	_ =	strace $0x80000048  }
0xba: {  	_ =	swait.ge [sflag:s29], $0x1  }
0xbb: {  	[sflag:s29] =	ssyncadd.s32 $0xFFFFFFFF  }
0xbc: {  	_ =	strace $0x90000048  }
0xbd: {  	_ =	sfence  }
0xbe: {  	s30 =	sld [smem:$0x0];
	_ =	sdelay $0x2  }
0xbf: {  	s31 =	sshll.u32 s1, $0xD;
	s1 =	sshrl.u32 s1, $0x2  }
0xc0: {  	s3 =	sand.u32 $0x4000, s31;
	s1 =	sadd.s32 s1, s30  }
0xc1: {  	s0 =	sor.u32 s3, s0;
	s1 =	sshll.u32 s1, $0x11  }
0xc2: {  	s0 =	sor.u32 s1, s0  }
0xc3: {  	s0 =	sadd.s32 $0x8F2B, s0  }
0xc4: {  	[sflag:s0] =	ssyncadd.remote.s32 $0x1  }
0xc5: {  	_ =	sfence.sel $0xFFFF  }
0xc6: {  	[dreg:$0x0] =	wrdreg $0xFFFFFFFF;
	(pc) =	sbr.abs _section_cstart, $3  }
0xc7: {  	[dreg:$0x1] =	wrdreg $0xFFFFFFFF  }
0xc8: {  	_ =	task.clear_ibuf [dreg:s7], $0x2FFFF;
	_ =	strace $0x9FFFFFFF  }
0xc9: {  	(tm) =	ssettm $0x7FFFFFFF  }
tec
execute0_lowered:
.L_overlay_start_1:
0x0: {  	(tag) =	ssettag $0x1  }
0x1: {  	s0 =	rddreg [dreg:$0x0]  }
0x2: {  	s1 =	rddreg [dreg:$0x1]  }
0x3: {  	s26 =	rddreg [dreg:$0x2];
	s3 =	srdreg.scid;
	s2 =	simm.s32 $0x0  }
0x4: {  	s21 =	stileid.u32;
	s29 =	simm.s32 $0x9;
	s5 =	sand.u32 $0x1, s3  }
0x5: {  	[smem:$0x7FF] =	sst s2;
	s3 =	sadd.s32 $0xCC00, s0;
	s4 =	sadd.s32 $0x2E00, s0  }
0x6: {  	s31 =	simm.s32 $0x2;
	s7 =	sadd.s32 $0xA28C00, s0;
	s8 =	sadd.s32 $0xA77400, s0  }
0x7: {  	s6 =	sadd.s32 $0x16A00, s0;
	s15 =	sadd.s32 $0xA28E00, s0;
	s12 =	smul.u32 $0x4E000, s21  }
0x8: {  	s10 =	sshll.u32 s21, $0x5;
	s23 =	smul.u32 $0x4E20, s21;
	s20 =	sshll.u32 s21, $0x6  }
0x9: {  	s16 =	smul.u32 $0x271000, s21;
	s17 =	sadd.s32 $0x138000, s26;
	p0 =	sne.s32 s21, $0xF  }
0xa: {  	s9 =	smul.u32 $0x138800, s5;
	_ =	strace $0x80000047;
	s11 =	ssub.s32 $0x2, s5  }
0xb: {  	[dreg:$0x4] =	wrdreg s17;
	s18 =	sshrl.u32 s11, $0x1;
	s19 =	sshrl.u32 s12, $0x2  }
0xc: {  	s12 =	sor.u32 $0x1C09, s20;
	s22 =	sshrl.u32 s23, $0x3;
	s20 =	smul.u32 $0x13800, s21  }
0xd: {  	s21 =	simm.s32 $0x4;
	s13 =	sshrl.u32 s9, $0x3;
	s18 =	ssub.s32 s11, s18  }
0xe: {  	s11 =	sadd.s32 s19, s26;
	s19 =	sadd.s32 s3, s22;
	s25 =	sadd.s32 s4, s22  }
0xf: {  	s14 =	sadd.s32 s13, s0;
	s0 =	sadd.s32 s10, s0;
	[dreg:$0x5] =	wrdreg s19  }
0x10: {  	s10 =	smul.u32 $0x2710000, s5;
	[dreg:$0x6] =	wrdreg s25;
	s17 =	sadd.s32 s1, s13  }
0x11: {  	s19 =	sadd.s32 $0x28, s23;
	s5 =	sshll.u32 s5, $0x9;
	s22 =	sadd.s32 s15, s13  }
0x12: {  	s25 =	smax.u32 s18, $0x1;
	s13 =	simm.s32 $0x3D00;
	[dreg:$0x8] =	wrdreg s19  }
0x13: {  	s18 =	simm.s32 $0x6;
	s0 =	sadd.s32 s5, s0;
	[dreg:$0xe] =	wrdreg s25  }
0x14: {  	s25 =	simm.s32 $0x7;
	s24 =	sadd.s32 s16, s10;
	s16 =	sadd.s32 $0x9DAA00, s14  }
0x15: {  	s14 =	sadd.s32 s20, s9;
	s20 =	sshrl.u32 s19, $0x3;
	s0 =	sadd.s32 $0xA77000, s0  }
0x16: {  	s19 =	simm.s32 $0x6600;
	s28 =	sshrl.u32 s24, $0x3;
	s1 =	sshrl.u32 s14, $0x3  }
0x17: {  	s9 =	sadd.s32 s3, s20;
	s5 =	sadd.s32 s4, s20;
	[dreg:$0xc] =	wrdreg s0  }
0x18: {  	s24 =	sadd.s32 $0x27000, s22;
	s22 =	smov.u32 s23;
	[dreg:$0xa] =	wrdreg s9  }
0x19: {  	s0 =	simm.s32 $0x28;
	s14 =	simm.s32 $0x3E00;
	[dreg:$0xb] =	wrdreg s5  }
.Ltmp0:
0x1a: {  	s30 =	sadd.s32 s6, s28;
	[dreg:$0xd] =	wrdreg s24;
	(pc) =	sbr.rel .LBB2_1-.Ltmp0, $4  }
0x1b: {  	s20 =	simm.s32 $0x0;
	s1 =	sadd.s32 s15, s1;
	[dreg:$0x7] =	wrdreg s30  }
0x1c: {  	s28 =	sadd.s32 $0x50, s23;
	s15 =	simm.s32 $0x3D80;
	[dreg:$0x9] =	wrdreg s1  }
0x1d: {  	s24 =	simm.s32 $0x3;
	[dreg:$0xf] =	wrdreg s28;
	s30 =	sadd.s32 $0x78, s23  }
0x1e: {  	s5 =	simm.s32 $0x8;
	s23 =	simm.s32 $0x1;
	[dreg:$0x10] =	wrdreg s30  }
.LBB2_10:
0x1f: {  	[tilespmem:$0x7A00] =	vst v8  }
0x20: {  	[tilespmem:$0x7A80] =	vst v11  }
0x21: {  	[tilespmem:$0x7A10] =	vst v15  }
0x22: {  	[tilespmem:$0x7A90] =	vst v17  }
0x23: {  	[tilespmem:$0x7A20] =	vst v6  }
0x24: {  	[tilespmem:$0x7AA0] =	vst v2  }
0x25: {  	[tilespmem:$0x7A30] =	vst v3  }
0x26: {  	[tilespmem:$0x7AB0] =	vst v1;
	s1 =	rddreg [dreg:$0xc];
	s9 =	simm.s32 $0x7A00  }
0x27: {  	[hbm4b:s1+s2] =	stream.linear.scatter [tilespmem:s9], [sflag:$0x9], $0x100, $0x38;
	[tilespmem:$0x1B380] =	vst v63  }
0x28: {  	_ =	swait.ge [sflag:s29], $0x100  }
0x29: {  	[sflag:s29] =	ssyncset.done $0x0  }
0x2a: {  	[sflag:s29] =	ssyncadd.s32 $0xFFFFFF00  }
0x2b: {  	[bflag:$0x0] =	sbarrier.arrive $0xFFFF  }
0x2c: {  	s20 =	sshrl.u32 s11, $0x3;
	s28 =	rddreg [dreg:$0x9]  }
0x2d: {  	[hbm:s28], [sflag:s12] =	dma.local [spmem:s20], $0x2700  }
0x2e: {  	_ =	swait.ge [sflag:s29], $0x2700  }
0x2f: {  	[sflag:s29] =	ssyncset.done $0x0;
	s1 =	rddreg [dreg:$0xd]  }
0x30: {  	s9 =	rddreg [dreg:$0x12];
	[sflag:s29] =	ssyncadd.s32 $0xFFFFD900  }
0x31: {  	[hbm:s1], [sflag:s12] =	dma.local @!p0 [spmem:s9], $0x100  }
0x32: {  	s1 =	simm.s32 @!p0 $0x9  }
0x33: {  	_ =	swait.ge @!p0 [sflag:s1], $0x100  }
0x34: {  	s20 =	rddreg [dreg:$0x11]  }
0x35: {  	s30 =	rddreg [dreg:$0xe];
	s20 =	sadd.s32 $0x1, s20  }
0x36: {  	p1 =	sne.s32 s20, s30  }
.Ltmp1:
0x37: {  	_ = 	snop;
	(pc) =	sbr.rel @!p1 .LBB2_11-.Ltmp1, $3  }
0x38: {  	_ =	sdelay $0x1  }
0x39: {  	[sflag:s1] =	ssyncset.done @!p0 $0x0  }
0x3a: {  	s13 =	simm.s32 $0x3D00;
	[sflag:s1] =	ssyncadd.s32 @!p0 $0xFFFFFF00  }
.LBB2_1:
0x3b: {  	s1 =	sadd.s32 $0x0, s11  }
0x3c: {  	s1 =	sshrl.u32 s1, $0x3  }
0x3d: {  	[spmem:s1], [sflag:s12] =	dma.local [hbm:s7], $0x100  }
0x3e: {  	s1 =	simm.s32 $0x2000;
	_ =	swait.ge [sflag:s29], $0x100  }
.LBB2_2:
0x3f: {  	s9 =	sshra.s32 s1, $0x2;
	[sflag:s29] =	ssyncset.done $0x0;
	p1 =	sne.s32 s1, $0x4C000  }
.Ltmp2:
0x40: {  	s9 =	sadd.s32 s9, s11;
	[sflag:s29] =	ssyncadd.s32 $0xFFFFFF00;
	(pc) =	sbr.rel @p1 .LBB2_2-.Ltmp2, $4  }
0x41: {  	s1 =	sadd.s32 $0x2000, s1;
	s9 =	sshrl.u32 s9, $0x3  }
0x42: {  	[spmem:s9], [sflag:s12] =	dma.local [hbm:s7], $0x100  }
0x43: {  	_ = 	snop  }
0x44: {  	_ =	swait.ge [sflag:s29], $0x100  }
0x45: {  	s1 =	rddreg [dreg:$0x4]  }
0x46: {  	[dreg:$0x11] =	wrdreg s20;
	[sflag:s29] =	ssyncset.done $0x0;
	s9 =	sshrl.u32 @!p0 s1, $0x3  }
0x47: {  	[sflag:s29] =	ssyncadd.s32 $0xFFFFFF00;
	s1 =	simm.s32 @!p0 $0x1FC9;
	[dreg:$0x12] =	wrdreg s9  }
0x48: {  	[spmem:s9], [sflag:s1] =	dma.local @!p0 [hbm:s7], $0x100  }
0x49: {  	s1 =	simm.s32 @!p0 $0x9  }
0x4a: {  	_ =	swait.ge @!p0 [sflag:s1], $0x100  }
0x4b: {  	[sflag:s1] =	ssyncset.done @!p0 $0x0  }
0x4c: {  	[sflag:s1] =	ssyncadd.s32 @!p0 $0xFFFFFF00  }
0x4d: {  	[bflag:$0x0] =	sbarrier.arrive $0xFFFF  }
0x4e: {  	s20 =	simm.s32 $0x0;
	s9 =	rddreg [dreg:$0x5]  }
0x4f: {  	[tilespmem:s20], [sflag:$0x5] =	stream.linear.gather [hbm4b:s9+s20], $0x28, $0x38;
	[tilespmem:$0x1B380] =	vst v63  }
0x50: {  	s28 =	rddreg [dreg:$0x6];
	s9 =	simm.s32 $0x80  }
0x51: {  	[tilespmem:s9], [sflag:$0x5] =	stream.linear.gather [hbm4b:s28+s20], $0x28, $0x38;
	[tilespmem:$0x1B380] =	vst v63  }
0x52: {  	s28 =	simm.s32 $0x5  }
0x53: {  	_ =	swait.ge [sflag:s28], $0x28  }
0x54: {  	[sflag:s28] =	ssyncset.done $0x0  }
0x55: {  	[sflag:s28] =	ssyncadd.s32 $0xFFFFFFD8  }
0x56: {  	_ =	swait.ge [sflag:s28], $0x28  }
0x57: {  	[sflag:s28] =	ssyncset.done $0x0  }
0x58: {  	[sflag:s28] =	ssyncadd.s32 $0xFFFFFFD8;
	s28 =	simm.s32 $0x100  }
0x59: {  	[tilespmem:s28], [sflag:$0x1] =	stream.indirect.gather [hbm4b:s16+s0], $0x80, s20, s0, $0xb8;
	[tilespmem:$0x1B380] =	vst v63  }
0x5a: {  	s28 =	simm.s32 $0x1500  }
0x5b: {  	[tilespmem:s28], [sflag:$0x1] =	stream.indirect.gather [hbm4b:s17+s0], $0x80, s9, s0, $0xb8;
	[tilespmem:$0x1B380] =	vst v63  }
0x5c: {  	s9 =	rddreg [dreg:$0x7];
	s28 =	simm.s32 $0x2900  }
0x5d: {  	[tilespmem:s28], [sflag:$0x1] =	stream.linear.gather [hbm4b:s9+s20], $0x1400, $0x38;
	[tilespmem:$0x1B380] =	vst v63  }
0x5e: {  	s9 =	rddreg [dreg:$0xa]  }
0x5f: {  	v1 =	vimm.f32 $0.0e+00;
	v2 =	vimm.f32 $0.0e+00;
	[tilespmem:s13], [sflag:$0x6] =	stream.linear.gather [hbm4b:s9+s20], $0x28, $0x38;
	[tilespmem:$0x1B380] =	vst v63  }
0x60: {  	v17 =	vimm.f32 $0.0e+00;
	v11 =	vimm.f32 $0.0e+00;
	v3 =	vimm.f32 $0.0e+00;
	s30 =	simm.s32 $0x0;
	s28 =	rddreg [dreg:$0xb]  }
0x61: {  	v6 =	vimm.f32 $0.0e+00;
	v15 =	vimm.f32 $0.0e+00;
	v8 =	vimm.f32 $0.0e+00;
	[tilespmem:s15], [sflag:$0x6] =	stream.linear.gather [hbm4b:s28+s20], $0x28, $0x38;
	[tilespmem:$0x1B380] =	vst v63  }
.LBB2_4:
0x62: {  	_ =	swait.ge [sflag:s18], $0x28  }
0x63: {  	[sflag:s18] =	ssyncset.done $0x0  }
0x64: {  	[sflag:s18] =	ssyncadd.s32 $0xFFFFFFD8  }
0x65: {  	_ =	swait.ge [sflag:s18], $0x28  }
0x66: {  	[sflag:s18] =	ssyncset.done $0x0  }
0x67: {  	[sflag:s18] =	ssyncadd.s32 $0xFFFFFFD8  }
0x68: {  	[tilespmem:s14], [sflag:$0x2] =	stream.indirect.gather [hbm4b:s16+s0], $0x80, s13, s0, $0xb8;
	[tilespmem:$0x1B380] =	vst v63  }
0x69: {  	s1 =	simm.s32 $0x5200;
	s13 =	smul.u32 $0x50, s30;
	s14 =	rddreg [dreg:$0x8]  }
0x6a: {  	[tilespmem:s1], [sflag:$0x2] =	stream.indirect.gather [hbm4b:s17+s0], $0x80, s15, s0, $0xb8;
	[tilespmem:$0x1B380] =	vst v63  }
0x6b: {  	s1 =	sadd.s32 s13, s14  }
0x6c: {  	s1 =	sshll.u32 s1, $0x7  }
0x6d: {  	s1 =	sadd.s32 s10, s1  }
0x6e: {  	s1 =	sshrl.u32 s1, $0x3  }
0x6f: {  	s20 =	simm.s32 $0x0;
	s9 =	sadd.s32 s6, s1  }
0x70: {  	[tilespmem:s19], [sflag:$0x2] =	stream.linear.gather [hbm4b:s9+s20], $0x1400, $0x38;
	[tilespmem:$0x1B380] =	vst v63  }
0x71: {  	_ =	swait.ge [sflag:s23], $0x1400  }
0x72: {  	[sflag:s23] =	ssyncset.done $0x0  }
0x73: {  	[sflag:s23] =	ssyncadd.s32 $0xFFFFEC00  }
0x74: {  	_ =	swait.ge [sflag:s23], $0x1400  }
0x75: {  	[sflag:s23] =	ssyncset.done $0x0  }
0x76: {  	[sflag:s23] =	ssyncadd.s32 $0xFFFFEC00  }
0x77: {  	_ =	swait.ge [sflag:s23], $0x1400  }
0x78: {  	[sflag:s23] =	ssyncset.done $0x0  }
0x79: {  	s28 =	simm.s32 $0x0;
	[sflag:s23] =	ssyncadd.s32 $0xFFFFEC00  }
0x7a: {  	v0 =	vld [tilespmem:s28+$0x1500]  }
0x7b: {  	v4 =	vld [tilespmem:s28+$0x1680]  }
0x7c: {  	v7 =	vld [tilespmem:s28+$0x100]  }
0x7d: {  	v9 =	vld [tilespmem:s28+$0x280]  }
0x7e: {  	v10 =	vld [tilespmem:s28+$0x2900]  }
0x7f: {  	v12 =	vld [tilespmem:s28+$0x2A80]  }
0x80: {  	v5 =	vld [tilespmem:s28+$0x1510]  }
0x81: {  	v14 =	vld [tilespmem:s28+$0x1520]  }
0x82: {  	v23 =	vld [tilespmem:s28+$0x1530];
	v4 =	vadd.f32 v4, v9;
	v7 =	vadd.f32 v0, v7  }
0x83: {  	v13 =	vld [tilespmem:s28+$0x1580]  }
0x84: {  	v16 =	vld [tilespmem:s28+$0x1590];
	v0 =	vadd.f32 v12, v4;
	v12 =	vadd.f32 v10, v7  }
0x85: {  	v18 =	vld [tilespmem:s28+$0x1610]  }
0x86: {  	v20 =	vld [tilespmem:s28+$0x180];
	v19 =	vsub.f32 $0.0e+00, v12  }
0x87: {  	v24 =	vld [tilespmem:s28+$0x2A00]  }
0x88: {  	v9 =	vld [tilespmem:s28+$0x1600];
	v27 =	vsub.f32 $0.0e+00, v0;
	v19 =	vmul.f32 $1.442695020e+00, v19  }
0x89: {  	v7 =	vld [tilespmem:s28+$0x200]  }
0x8a: {  	v28 =	vld [tilespmem:s28+$0x110];
	v27 =	vmul.f32 $1.442695020e+00, v27;
	(erf) = vpow2.f32 v19  }
0x8b: {  	v26 =	vld [tilespmem:s28+$0x2980]  }
0x8c: {  	v29 =	vld [tilespmem:s28+$0x2910];
	(erf) = vpow2.f32 v27  }
0x8d: {  	v10 =	vld [tilespmem:s28+$0x1690]  }
0x8e: {  	v7 =	vadd.f32 v9, v7;
	v9 =	vadd.f32 v13, v20;
	v19 =	vld [tilespmem:s28+$0x290]  }
0x8f: {  	v5 =	vadd.f32 v5, v28;
	v13 =	vld [tilespmem:s28+$0x2A90]  }
0x90: {  	v9 =	vadd.f32 v26, v9;
	v26 =	vld [tilespmem:s28+$0x190]  }
0x91: {  	v20 =	vld [tilespmem:s28+$0x210];
	v7 =	vadd.f32 v24, v7  }
0x92: {  	v21 =	vld [tilespmem:s28+$0x15A0];
	v28 =	vadd.f32 v29, v5;
	v8 =	vadd.f32 v12, v8  }
0x93: {  	v29 =	vld [tilespmem:s28+$0x2990];
	v30 =	vsub.f32 $0.0e+00, v7;
	v10 =	vadd.f32 v10, v19;
	v5 =	vpop (erf)  }
0x94: {  	v22 =	vld [tilespmem:s28+$0x15B0];
	v31 =	vsub.f32 $0.0e+00, v9;
	v5 =	vadd.f32 $1.000000000e+00, v5  }
0x95: {  	v27 =	vld [tilespmem:s28+$0x2A10];
	v16 =	vadd.f32 v16, v26;
	v26 =	vmul.f32 v12, v12;
	v10 =	vadd.f32 v13, v10;
	v13 =	vpop (erf)  }
0x96: {  	v25 =	vld [tilespmem:s28+$0x1620];
	(erf) = vrcp.f32 v5;
	v5 =	vadd.f32 v18, v20;
	v20 =	vadd.f32 $1.000000000e+00, v13  }
0x97: {  	v55 =	vld [tilespmem:s28+$0x2C0];
	v32 =	vsub.f32 $0.0e+00, v28;
	v30 =	vmul.f32 $1.442695020e+00, v30;
	v31 =	vmul.f32 $1.442695020e+00, v31  }
0x98: {  	v16 =	vadd.f32 v29, v16;
	v11 =	vadd.f32 v26, v11;
	v18 =	vld [tilespmem:s28+$0x120];
	(erf) = vrcp.f32 v20  }
0x99: {  	v19 =	vld [tilespmem:s28+$0x16A0];
	v26 =	vmul.f32 $1.442695020e+00, v32;
	v33 =	vsub.f32 $0.0e+00, v10;
	(erf) = vpow2.f32 v30  }
0x9a: {  	v13 =	vadd.f32 v27, v5;
	v27 =	vld [tilespmem:s28+$0x2A0];
	(erf) = vpow2.f32 v31;
	v31 =	vmul.f32 v28, v28  }
0x9b: {  	[tilespmem:s28+$0x2900] =	vst v12;
	v12 =	vmul.f32 v7, v7;
	v36 =	vsub.f32 $0.0e+00, v16;
	v33 =	vmul.f32 $1.442695020e+00, v33;
	v20 =	vld [tilespmem:s28+$0x2920]  }
0x9c: {  	v34 =	vld [tilespmem:s28+$0x220];
	(erf) = vpow2.f32 v26;
	v26 =	vmul.f32 v16, v16;
	v17 =	vadd.f32 v31, v17  }
0x9d: {  	v29 =	vld [tilespmem:s28+$0x2AA0];
	v5 =	vmul.f32 v0, v0;
	v18 =	vadd.f32 v14, v18;
	v31 =	vsub.f32 $0.0e+00, v13  }
0x9e: {  	[tilespmem:s28+$0x2A80] =	vst v0;
	v30 =	vld [tilespmem:s28+$0x140];
	(erf) = vpow2.f32 v33;
	v17 =	vadd.f32 v26, v17;
	v26 =	vmul.f32 v13, v13  }
0x9f: {  	v56 =	vld [tilespmem:s28+$0x1A0];
	[tilespmem:s28+$0x2910] =	vst v28;
	v14 =	vmul.f32 v9, v9;
	v31 =	vmul.f32 $1.442695020e+00, v31  }
0xa0: {  	v38 =	vld [tilespmem:s28+$0x2A20];
	[tilespmem:s28+$0x2A00] =	vst v7;
	v20 =	vadd.f32 v20, v18;
	v19 =	vadd.f32 v19, v27;
	v27 =	vmul.f32 $1.442695020e+00, v36;
	v35 =	vpop (erf)  }
0xa1: {  	v4 =	vld [tilespmem:s28+$0x1630];
	[tilespmem:s28+$0x2980] =	vst v9;
	v18 =	vadd.f32 v28, v15;
	v15 =	vmul.f32 v10, v10;
	(erf) = vpow2.f32 v31;
	v37 =	vpop (erf)  }
0xa2: {  	v24 =	vld [tilespmem:s28+$0x16B0];
	[tilespmem:s28+$0x2A90] =	vst v10;
	v19 =	vadd.f32 v29, v19;
	v17 =	vadd.f32 v26, v17;
	(erf) = vpow2.f32 v27;
	v26 =	vpop (erf)  }
0xa3: {  	[tilespmem:s28+$0x2990] =	vst v16;
	v31 =	vld [tilespmem:s28+$0x29A0];
	v30 =	vmul.f32 v35, v30;
	v27 =	vsub.f32 $0.0e+00, v20;
	v57 =	vadd.f32 $1.000000000e+00, v26;
	v28 =	vpop (erf)  }
0xa4: {  	[tilespmem:s28+$0x2A10] =	vst v13;
	v59 =	vsub.f32 $0.0e+00, v19;
	v29 =	vmul.f32 v37, v55;
	v26 =	vld [tilespmem:s28+$0x130];
	v58 =	vadd.f32 $1.000000000e+00, v28  }
0xa5: {  	v25 =	vadd.f32 v25, v34;
	[tilespmem:s28+$0x2920] =	vst v20;
	v60 =	vmul.f32 $1.442695020e+00, v27;
	v28 =	vld [tilespmem:s28+$0x2B0];
	(erf) = vrcp.f32 v57  }
0xa6: {  	v61 =	vadd.f32 v21, v56;
	[tilespmem:s28+$0x140] =	vst v35;
	v27 =	vld [tilespmem:s28+$0x2930];
	v62 =	vmul.f32 $1.442695020e+00, v59;
	v21 =	vpop (erf);
	(erf) = vrcp.f32 v58  }
0xa7: {  	v32 =	vld [tilespmem:s28+$0x2AB0];
	[tilespmem:s28+$0x2AA0] =	vst v19;
	v33 =	vadd.f32 $1.000000000e+00, v21;
	v21 =	vadd.f32 v38, v25;
	v63 =	vpop (erf);
	(erf) = vpow2.f32 v60  }
0xa8: {  	s9 =	simm.s32 $0x800;
	[tilespmem:s28+$0x2C0] =	vst v37;
	v25 =	vadd.f32 v31, v61;
	v31 =	vld [tilespmem:s28+$0x230];
	v34 =	vadd.f32 $1.000000000e+00, v63;
	(erf) = vpow2.f32 v62  }
.LBB2_5:
0xa9: {  	p1 =	sne.s32 s9, $0x4800;
	v23 =	vadd.f32 v23, v26;
	v26 =	vld [tilespmem:s28+$0x1B0];
	[tilespmem:s28+$0x2A20] =	vst v21;
	v37 =	vsub.f32 $0.0e+00, v21;
	(erf) = vrcp.f32 v33  }
0xaa: {  	[tilespmem:s28+$0x29A0] =	vst v25;
	v33 =	vsub.f32 $0.0e+00, v25;
	v36 =	vld [tilespmem:s28+$0x2A30];
	v24 =	vadd.f32 v24, v28;
	v28 =	vpop (erf);
	(erf) = vrcp.f32 v34  }
0xab: {  	v23 =	vadd.f32 v27, v23;
	v27 =	vld [tilespmem:s28+$0x29B0];
	v28 =	vadd.f32 $1.000000000e+00, v28;
	v34 =	vmul.f32 $1.442695020e+00, v37;
	v35 =	vpop (erf)  }
0xac: {  	v35 =	vadd.f32 $1.000000000e+00, v35;
	v37 =	vmul.f32 $1.442695020e+00, v33;
	v32 =	vadd.f32 v32, v24  }
0xad: {  	[tilespmem:s28+$0x2930] =	vst v23;
	v24 =	vsub.f32 $0.0e+00, v23;
	v4 =	vadd.f32 v4, v31;
	(erf) = vpow2.f32 v34  }
0xae: {  	v22 =	vadd.f32 v22, v26;
	[tilespmem:s28+$0x2AB0] =	vst v32;
	v26 =	vsub.f32 $0.0e+00, v32;
	(erf) = vpow2.f32 v37;
	v31 =	vpop (erf)  }
0xaf: {  	v39 =	vmul.f32 $1.442695020e+00, v24;
	v4 =	vadd.f32 v36, v4;
	v33 =	vpop (erf);
	(erf) = vrcp.f32 v28  }
0xb0: {  	v22 =	vadd.f32 v27, v22;
	v27 =	vld [tilespmem:s28+$0x240];
	[tilespmem:s28+$0x240] =	vst v31;
	v26 =	vmul.f32 $1.442695020e+00, v26;
	v28 =	vpop (erf);
	(erf) = vrcp.f32 v35  }
0xb1: {  	v38 =	vadd.f32 $1.000000000e+00, v28;
	v34 =	vld [tilespmem:s28+$0x1C0];
	[tilespmem:s28+$0x1C0] =	vst v33;
	v35 =	vsub.f32 $0.0e+00, v4;
	(erf) = vpow2.f32 v39;
	v24 =	vpop (erf)  }
0xb2: {  	[tilespmem:s28+$0x29B0] =	vst v22;
	v36 =	vsub.f32 $0.0e+00, v22;
	v24 =	vadd.f32 $1.000000000e+00, v24;
	v37 =	vpop (erf);
	(erf) = vpow2.f32 v26  }
0xb3: {  	v3 =	vadd.f32 v23, v3;
	[tilespmem:s28+$0x100] =	vst v30;
	v26 =	vmul.f32 $1.442695020e+00, v35;
	(erf) = vrcp.f32 v38;
	v28 =	vpop (erf)  }
0xb4: {  	v6 =	vadd.f32 v20, v6;
	v30 =	vld [tilespmem:s28+$0x150];
	[tilespmem:s28+$0x150] =	vst v37;
	v35 =	vmul.f32 $1.442695020e+00, v36;
	(erf) = vrcp.f32 v24  }
0xb5: {  	s19 =	sshra.s32 s9, $0x2;
	v3 =	vadd.f32 v22, v3;
	v27 =	vmul.f32 v31, v27;
	v31 =	vld [tilespmem:s28+$0x2D0];
	[tilespmem:s28+$0x2D0] =	vst v28;
	(erf) = vpow2.f32 v26  }
0xb6: {  	v6 =	vadd.f32 v25, v6;
	v26 =	vld [tilespmem:s19+$0x1500];
	v33 =	vmul.f32 v33, v34;
	[tilespmem:s28+$0x280] =	vst v29;
	(erf) = vpow2.f32 v35;
	v29 =	vpop (erf)  }
0xb7: {  	v23 =	vmul.f32 v23, v23;
	v22 =	vmul.f32 v22, v22;
	v24 =	vld [tilespmem:s19+$0x1510];
	[tilespmem:s28+$0x200] =	vst v27;
	v27 =	vadd.f32 $1.000000000e+00, v29;
	v29 =	vpop (erf)  }
0xb8: {  	v34 =	vmul.f32 v4, v4;
	v35 =	vmul.f32 v32, v32;
	[tilespmem:s28+$0x180] =	vst v33;
	v29 =	vadd.f32 $1.000000000e+00, v29;
	v33 =	vld [tilespmem:s28+$0x250];
	v36 =	vpop (erf)  }
0xb9: {  	v1 =	vadd.f32 v23, v1;
	v30 =	vmul.f32 v37, v30;
	v23 =	vld [tilespmem:s28+$0x1D0];
	[tilespmem:s28+$0x250] =	vst v36;
	v37 =	vpop (erf);
	(erf) = vrcp.f32 v27  }
0xba: {  	v3 =	vadd.f32 v4, v3;
	v27 =	vld [tilespmem:s28+$0x160];
	[tilespmem:s28+$0x1D0] =	vst v37;
	v28 =	vmul.f32 v28, v31;
	v31 =	vpop (erf);
	(erf) = vrcp.f32 v29  }
0xbb: {  	v1 =	vadd.f32 v22, v1;
	v29 =	vmul.f32 v20, v20;
	[tilespmem:s28+$0x110] =	vst v30;
	v38 =	vadd.f32 $1.000000000e+00, v31;
	v22 =	vld [tilespmem:s28+$0x2E0];
	v31 =	vpop (erf)  }
0xbc: {  	v25 =	vmul.f32 v25, v25;
	v3 =	vadd.f32 v32, v3;
	v20 =	vld [tilespmem:s19+$0x1520];
	[tilespmem:s28+$0x290] =	vst v28;
	v28 =	vadd.f32 $1.000000000e+00, v31;
	v31 =	vpop (erf)  }
0xbd: {  	v1 =	vadd.f32 v34, v1;
	v32 =	vld [tilespmem:s19+$0x1680];
	[tilespmem:s28+$0x160] =	vst v31;
	v36 =	vmul.f32 v36, v33;
	(erf) = vrcp.f32 v38;
	v30 =	vpop (erf)  }
0xbe: {  	v2 =	vadd.f32 v29, v2;
	v23 =	vmul.f32 v37, v23;
	v29 =	vld [tilespmem:s28+$0x260];
	[tilespmem:s28+$0x2E0] =	vst v30;
	v34 =	vpop (erf);
	(erf) = vrcp.f32 v28  }
0xbf: {  	v1 =	vadd.f32 v35, v1;
	v27 =	vmul.f32 v31, v27;
	v28 =	vld [tilespmem:s28+$0x1E0];
	[tilespmem:s28+$0x210] =	vst v36;
	v31 =	vadd.f32 $1.000000000e+00, v34;
	v33 =	vpop (erf)  }
0xc0: {  	v2 =	vadd.f32 v25, v2;
	v34 =	vld [tilespmem:s19+$0x100];
	[tilespmem:s28+$0x190] =	vst v23;
	v23 =	vadd.f32 $1.000000000e+00, v33;
	v30 =	vmul.f32 v30, v22  }
0xc1: {  	v6 =	vadd.f32 v21, v6;
	v33 =	vmul.f32 v21, v21;
	v25 =	vld [tilespmem:s19+$0x280];
	[tilespmem:s28+$0x120] =	vst v27;
	(erf) = vrcp.f32 v31  }
0xc2: {  	v17 =	vadd.f32 v15, v17;
	v15 =	vmul.f32 v19, v19;
	v27 =	vld [tilespmem:s28+$0x170];
	[tilespmem:s28+$0x2A0] =	vst v30;
	(erf) = vrcp.f32 v23;
	v22 =	vpop (erf)  }
0xc3: {  	v6 =	vadd.f32 v19, v6;
	v2 =	vadd.f32 v33, v2;
	v23 =	vmul.f32 v22, v29;
	[tilespmem:s28+$0x260] =	vst v22;
	v19 =	vld [tilespmem:s28+$0x2F0];
	v21 =	vpop (erf)  }
0xc4: {  	v11 =	vadd.f32 v14, v11;
	v14 =	vadd.f32 v16, v18;
	v22 =	vld [tilespmem:s19+$0x2900];
	v16 =	vmul.f32 v21, v28;
	[tilespmem:s28+$0x1E0] =	vst v21  }
0xc5: {  	v18 =	vadd.f32 v9, v8;
	v2 =	vadd.f32 v15, v2;
	v21 =	vld [tilespmem:s19+$0x2A80];
	[tilespmem:s28+$0x220] =	vst v23  }
0xc6: {  	v9 =	vadd.f32 v12, v11;
	v11 =	vadd.f32 v13, v14;
	[tilespmem:s28+$0x1A0] =	vst v16;
	v12 =	vld [tilespmem:s28+$0x270];
	v13 =	vpop (erf)  }
0xc7: {  	v7 =	vadd.f32 v7, v18;
	v14 =	vadd.f32 v26, v34;
	v15 =	vmul.f32 v13, v27;
	[tilespmem:s28+$0x170] =	vst v13;
	v13 =	vld [tilespmem:s28+$0x1F0];
	v8 =	vpop (erf)  }
0xc8: {  	v18 =	vadd.f32 v10, v11;
	v16 =	vadd.f32 v32, v25;
	v23 =	vld [tilespmem:s19+$0x1530];
	v10 =	vmul.f32 v8, v19;
	[tilespmem:s28+$0x2F0] =	vst v8  }
0xc9: {  	v9 =	vadd.f32 v5, v9;
	v14 =	vadd.f32 v22, v14;
	v19 =	vld [tilespmem:s19+$0x1580];
	[tilespmem:s28+$0x130] =	vst v15  }
0xca: {  	v7 =	vadd.f32 v0, v7;
	v15 =	vld [tilespmem:s19+$0x1590];
	v0 =	vadd.f32 v21, v16;
	[tilespmem:s28+$0x2B0] =	vst v10;
	v5 =	vpop (erf)  }
0xcb: {  	v8 =	vsub.f32 $0.0e+00, v14;
	v10 =	vmul.f32 v14, v14;
	v21 =	vld [tilespmem:s19+$0x15A0];
	v12 =	vmul.f32 v5, v12;
	[tilespmem:s28+$0x270] =	vst v5;
	v11 =	vpop (erf)  }
0xcc: {  	v22 =	vld [tilespmem:s19+$0x15B0];
	v16 =	vsub.f32 $0.0e+00, v0;
	v5 =	vmul.f32 v0, v0;
	v13 =	vmul.f32 v11, v13;
	[tilespmem:s28+$0x1F0] =	vst v11  }
0xcd: {  	v26 =	vmul.f32 $1.442695020e+00, v8;
	v8 =	vadd.f32 v14, v7;
	v11 =	vadd.f32 v10, v9;
	v7 =	vld [tilespmem:s19+$0x1600];
	[tilespmem:s28+$0x230] =	vst v12  }
0xce: {  	v27 =	vld [tilespmem:s19+$0x1610];
	v9 =	vmul.f32 $1.442695020e+00, v16;
	[tilespmem:s28+$0x1B0] =	vst v13  }
0xcf: {  	v25 =	vld [tilespmem:s19+$0x1620];
	(erf) = vpow2.f32 v26;
	[tilespmem:s28+$0x2A30] =	vst v4;
	s28 =	smov.u32 s19  }
0xd0: {  	v4 =	vld [tilespmem:s28+$0x1630];
	[tilespmem:s28+$0x2A80] =	vst v0;
	(erf) = vpow2.f32 v9  }
0xd1: {  	[tilespmem:s28+$0x2900] =	vst v14;
	v10 =	vld [tilespmem:s28+$0x1690]  }
0xd2: {  	v9 =	vld [tilespmem:s28+$0x200]  }
0xd3: {  	v12 =	vld [tilespmem:s28+$0x180]  }
0xd4: {  	v13 =	vld [tilespmem:s28+$0x2A00]  }
0xd5: {  	v14 =	vld [tilespmem:s28+$0x2980]  }
0xd6: {  	v16 =	vld [tilespmem:s28+$0x110]  }
0xd7: {  	v7 =	vadd.f32 v7, v9;
	v26 =	vld [tilespmem:s28+$0x290]  }
0xd8: {  	v28 =	vld [tilespmem:s28+$0x2910];
	v9 =	vadd.f32 v19, v12;
	v12 =	vpop (erf)  }
0xd9: {  	v19 =	vadd.f32 $1.000000000e+00, v12;
	v7 =	vadd.f32 v13, v7;
	v13 =	vld [tilespmem:s28+$0x2A90];
	v12 =	vpop (erf)  }
0xda: {  	v9 =	vadd.f32 v14, v9;
	v29 =	vld [tilespmem:s28+$0x210];
	v30 =	vadd.f32 $1.000000000e+00, v12  }
0xdb: {  	v16 =	vadd.f32 v24, v16;
	v31 =	vld [tilespmem:s28+$0x190];
	[tilespmem:s28+$0x2A00] =	vst v7;
	v24 =	vsub.f32 $0.0e+00, v7;
	v12 =	vmul.f32 v7, v7  }
0xdc: {  	[tilespmem:s28+$0x2980] =	vst v9;
	v32 =	vsub.f32 $0.0e+00, v9;
	v14 =	vmul.f32 v9, v9;
	v33 =	vld [tilespmem:s28+$0x2A10];
	v10 =	vadd.f32 v10, v26  }
0xdd: {  	v26 =	vadd.f32 v28, v16;
	v16 =	vld [tilespmem:s28+$0x2990];
	v28 =	vmul.f32 $1.442695020e+00, v24;
	(erf) = vrcp.f32 v19  }
0xde: {  	v19 =	vmul.f32 $1.442695020e+00, v32;
	v10 =	vadd.f32 v13, v10;
	v32 =	vld [tilespmem:s28+$0x16A0];
	(erf) = vrcp.f32 v30  }
0xdf: {  	[tilespmem:s28+$0x2910] =	vst v26;
	v13 =	vsub.f32 $0.0e+00, v26;
	v27 =	vadd.f32 v27, v29;
	v24 =	vld [tilespmem:s28+$0x16B0];
	(erf) = vpow2.f32 v28  }
0xe0: {  	v28 =	vld [tilespmem:s28+$0x120];
	v15 =	vadd.f32 v15, v31;
	[tilespmem:s28+$0x2A90] =	vst v10;
	v29 =	vsub.f32 $0.0e+00, v10;
	(erf) = vpow2.f32 v19  }
0xe1: {  	v30 =	vmul.f32 v26, v26;
	v19 =	vmul.f32 $1.442695020e+00, v13;
	v13 =	vadd.f32 v33, v27;
	v27 =	vld [tilespmem:s28+$0x2A0]  }
0xe2: {  	v31 =	vld [tilespmem:s28+$0x2920];
	v16 =	vadd.f32 v16, v15;
	v29 =	vmul.f32 $1.442695020e+00, v29;
	v15 =	vmul.f32 v10, v10  }
0xe3: {  	v17 =	vadd.f32 v30, v17;
	[tilespmem:s28+$0x2A10] =	vst v13;
	v30 =	vsub.f32 $0.0e+00, v13;
	v33 =	vld [tilespmem:s28+$0x2AA0];
	(erf) = vpow2.f32 v19  }
0xe4: {  	v34 =	vld [tilespmem:s28+$0x140];
	[tilespmem:s28+$0x2990] =	vst v16;
	v19 =	vsub.f32 $0.0e+00, v16;
	v35 =	vmul.f32 v16, v16;
	(erf) = vpow2.f32 v29  }
0xe5: {  	v29 =	vmul.f32 v13, v13;
	v20 =	vadd.f32 v20, v28;
	v37 =	vmul.f32 $1.442695020e+00, v30;
	v36 =	vld [tilespmem:s28+$0x2C0]  }
0xe6: {  	v30 =	vmul.f32 $1.442695020e+00, v19;
	v17 =	vadd.f32 v35, v17;
	v35 =	vld [tilespmem:s28+$0x220];
	v19 =	vadd.f32 v32, v27;
	v27 =	vpop (erf)  }
0xe7: {  	v18 =	vadd.f32 v26, v18;
	[tilespmem:s28+$0x140] =	vst v27;
	v20 =	vadd.f32 v31, v20;
	v31 =	vld [tilespmem:s28+$0x1A0];
	(erf) = vpow2.f32 v37;
	v28 =	vpop (erf)  }
0xe8: {  	v17 =	vadd.f32 v29, v17;
	v32 =	vld [tilespmem:s28+$0x2A20];
	[tilespmem:s28+$0x2C0] =	vst v28;
	v19 =	vadd.f32 v33, v19;
	(erf) = vpow2.f32 v30;
	v26 =	vpop (erf)  }
0xe9: {  	v30 =	vmul.f32 v27, v34;
	[tilespmem:s28+$0x2920] =	vst v20;
	v27 =	vsub.f32 $0.0e+00, v20;
	v34 =	vld [tilespmem:s28+$0x29A0];
	v33 =	vadd.f32 $1.000000000e+00, v26;
	v29 =	vpop (erf)  }
.Ltmp3:
0xea: {  	v26 =	vld [tilespmem:s28+$0x130];
	v37 =	vadd.f32 $1.000000000e+00, v29;
	v29 =	vmul.f32 v28, v36;
	[tilespmem:s28+$0x2AA0] =	vst v19;
	v39 =	vsub.f32 $0.0e+00, v19;
	(pc) =	sbr.rel @p1 .LBB2_5-.Ltmp3, $4  }
0xeb: {  	v38 =	vmul.f32 $1.442695020e+00, v27;
	v25 =	vadd.f32 v25, v35;
	v28 =	vld [tilespmem:s28+$0x2B0];
	(erf) = vrcp.f32 v33  }
0xec: {  	v27 =	vld [tilespmem:s28+$0x2930];
	v31 =	vadd.f32 v21, v31;
	v35 =	vmul.f32 $1.442695020e+00, v39;
	v21 =	vpop (erf);
	(erf) = vrcp.f32 v37  }
0xed: {  	v33 =	vadd.f32 $1.000000000e+00, v21;
	v21 =	vadd.f32 v32, v25;
	v32 =	vld [tilespmem:s28+$0x2AB0];
	(erf) = vpow2.f32 v38;
	v36 =	vpop (erf)  }
0xee: {  	s9 =	sadd.s32 $0x800, s9;
	v25 =	vadd.f32 v34, v31;
	v31 =	vld [tilespmem:s28+$0x230];
	v34 =	vadd.f32 $1.000000000e+00, v36;
	(erf) = vpow2.f32 v35  }
0xef: {  	_ = 	snop  }
0xf0: {  	v35 =	vld [tilespmem:s28+$0x1B0];
	v23 =	vadd.f32 v23, v26;
	v24 =	vadd.f32 v24, v28;
	_ =	sdelay $0x1  }
0xf1: {  	v27 =	vadd.f32 v27, v23;
	v23 =	vld [tilespmem:s28+$0x29B0]  }
0xf2: {  	(erf) = vrcp.f32 v33  }
0xf3: {  	v26 =	vadd.f32 v32, v24;
	v24 =	vpop (erf);
	(erf) = vrcp.f32 v34  }
0xf4: {  	v28 =	vsub.f32 $0.0e+00, v21;
	v22 =	vadd.f32 v22, v35  }
0xf5: {  	v61 =	vsub.f32 $0.0e+00, v25  }
0xf6: {  	v37 =	vmul.f32 $1.442695020e+00, v28;
	v60 =	vpop (erf);
	v28 =	vadd.f32 v23, v22;
	v23 =	vadd.f32 $1.000000000e+00, v24  }
0xf7: {  	v33 =	vmul.f32 $1.442695020e+00, v61;
	v62 =	vpop (erf)  }
0xf8: {  	v36 =	vld [tilespmem:s28+$0x2A30];
	v44 =	vsub.f32 $0.0e+00, v27;
	(erf) = vpow2.f32 v37;
	v38 =	vpop (erf)  }
0xf9: {  	v22 =	vld [tilespmem:s28+$0x1C0];
	(erf) = vpow2.f32 v33;
	v32 =	vadd.f32 $1.000000000e+00, v60;
	v24 =	vpop (erf)  }
0xfa: {  	[tilespmem:s28+$0x100] =	vst v30;
	v30 =	vsub.f32 $0.0e+00, v26;
	v33 =	vmul.f32 $1.442695020e+00, v44;
	(erf) = vrcp.f32 v23;
	v23 =	vpop (erf)  }
0xfb: {  	[tilespmem:s28+$0x2A20] =	vst v21;
	v4 =	vadd.f32 v4, v31;
	(erf) = vrcp.f32 v32;
	v45 =	vpop (erf)  }
0xfc: {  	[tilespmem:s28+$0x280] =	vst v29;
	v30 =	vmul.f32 $1.442695020e+00, v30;
	v46 =	vpop (erf);
	(erf) = vpow2.f32 v33  }
0xfd: {  	v63 =	vld [tilespmem:s28+$0x240];
	[tilespmem:s28+$0x29A0] =	vst v25;
	v29 =	vadd.f32 v36, v4;
	v24 =	vadd.f32 $1.000000000e+00, v24  }
0xfe: {  	[tilespmem:s28+$0x2930] =	vst v27;
	v22 =	vmul.f32 v38, v22;
	(erf) = vpow2.f32 v30  }
0xff: {  	[tilespmem:s28+$0x2AB0] =	vst v26;
	v23 =	vadd.f32 $1.000000000e+00, v23;
	(erf) = vrcp.f32 v24;
	v24 =	vsub.f32 $0.0e+00, v29  }
0x100: {  	[tilespmem:s28+$0x240] =	vst v62  }
0x101: {  	v40 =	vld [tilespmem:s28+$0x2D0];
	[tilespmem:s28+$0x2A30] =	vst v29;
	v48 =	vsub.f32 $0.0e+00, v28;
	v4 =	vpop (erf);
	(erf) = vrcp.f32 v23;
	v24 =	vmul.f32 $1.442695020e+00, v24  }
0x102: {  	v47 =	vmul.f32 v62, v63;
	[tilespmem:s28+$0x180] =	vst v22;
	v22 =	vpop (erf);
	v23 =	vld [tilespmem:s28+$0x250]  }
0x103: {  	[tilespmem:s28+$0x1C0] =	vst v38;
	v33 =	vmul.f32 $1.442695020e+00, v48;
	v30 =	vpop (erf);
	(erf) = vpow2.f32 v24  }
0x104: {  	v39 =	vld [tilespmem:s28+$0x150];
	[tilespmem:s28+$0x29B0] =	vst v28;
	v4 =	vadd.f32 $1.000000000e+00, v4;
	v50 =	vpop (erf)  }
0x105: {  	v51 =	vld [tilespmem:s28+$0x160];
	[tilespmem:s28+$0x200] =	vst v47;
	v52 =	vpop (erf);
	(erf) = vpow2.f32 v33  }
0x106: {  	v53 =	vld [tilespmem:s28+$0x2E0];
	[tilespmem:s28+$0x150] =	vst v45;
	v22 =	vadd.f32 $1.000000000e+00, v22;
	v24 =	vmul.f32 v46, v40;
	(erf) = vrcp.f32 v4  }
0x107: {  	[tilespmem:s28+$0x250] =	vst v30;
	v23 =	vmul.f32 v30, v23  }
0x108: {  	[tilespmem:s28+$0x290] =	vst v24;
	v54 =	vpop (erf);
	v30 =	vadd.f32 $1.000000000e+00, v52;
	(erf) = vrcp.f32 v22  }
0x109: {  	[tilespmem:s28+$0x210] =	vst v23;
	v4 =	vpop (erf)  }
0x10a: {  	v31 =	vld [tilespmem:s28+$0x1D0];
	v49 =	vmul.f32 v45, v39;
	[tilespmem:s28+$0x160] =	vst v4;
	v22 =	vpop (erf);
	v4 =	vmul.f32 v4, v51  }
0x10b: {  	v24 =	vld [tilespmem:s28+$0x260];
	v23 =	vadd.f32 $1.000000000e+00, v54;
	(erf) = vrcp.f32 v30;
	[tilespmem:s28+$0x2E0] =	vst v22;
	v22 =	vmul.f32 v22, v53  }
0x10c: {  	[tilespmem:s28+$0x2D0] =	vst v46;
	v30 =	vpop (erf)  }
0x10d: {  	v55 =	vld [tilespmem:s28+$0x1E0];
	[tilespmem:s28+$0x110] =	vst v49;
	(erf) = vrcp.f32 v23;
	v30 =	vadd.f32 $1.000000000e+00, v30  }
0x10e: {  	[tilespmem:s28+$0x120] =	vst v4;
	v4 =	vpop (erf)  }
0x10f: {  	v31 =	vmul.f32 v50, v31;
	[tilespmem:s28+$0x2A0] =	vst v22;
	v22 =	vpop (erf);
	v4 =	vadd.f32 $1.000000000e+00, v4  }
0x110: {  	v23 =	vld [tilespmem:s28+$0x170];
	(erf) = vrcp.f32 v30;
	[tilespmem:s28+$0x260] =	vst v22;
	v22 =	vmul.f32 v22, v24  }
0x111: {  	[tilespmem:s28+$0x1D0] =	vst v50;
	v30 =	vpop (erf);
	(erf) = vrcp.f32 v4  }
0x112: {  	[tilespmem:s28+$0x190] =	vst v31;
	v24 =	vld [tilespmem:s28+$0x2F0];
	v4 =	vmul.f32 v30, v55  }
0x113: {  	[tilespmem:s28+$0x220] =	vst v22  }
0x114: {  	[tilespmem:s28+$0x1A0] =	vst v4;
	v22 =	vpop (erf)  }
0x115: {  	v4 =	vld [tilespmem:s28+$0x270];
	[tilespmem:s28+$0x170] =	vst v22;
	v22 =	vmul.f32 v22, v23  }
0x116: {  	[tilespmem:s28+$0x1E0] =	vst v30;
	v23 =	vld [tilespmem:s28+$0x1F0];
	v30 =	vpop (erf)  }
0x117: {  	v24 =	vmul.f32 v30, v24;
	[tilespmem:s28+$0x2F0] =	vst v30  }
0x118: {  	[tilespmem:s28+$0x130] =	vst v22  }
0x119: {  	s9 =	sadd.s32 s22, s13;
	[tilespmem:s28+$0x2B0] =	vst v24;
	v22 =	vpop (erf)  }
0x11a: {  	s9 =	sshll.u32 s9, $0x7;
	v4 =	vmul.f32 v22, v4;
	[tilespmem:s28+$0x270] =	vst v22;
	v22 =	vpop (erf)  }
0x11b: {  	s9 =	sadd.s32 s10, s9;
	v23 =	vmul.f32 v22, v23;
	[tilespmem:s28+$0x1F0] =	vst v22  }
0x11c: {  	s9 =	sshrl.u32 s9, $0x3;
	[tilespmem:s28+$0x230] =	vst v4  }
0x11d: {  	s14 =	simm.s32 $0x2900;
	s9 =	sadd.s32 s8, s9;
	[tilespmem:s28+$0x1B0] =	vst v23  }
0x11e: {  	[hbm4b:s9+s2] =	stream.linear.scatter [tilespmem:s14], [sflag:$0x3], $0x1400, $0x38;
	[tilespmem:$0x1B380] =	vst v63  }
0x11f: {  	s19 =	simm.s32 $0x100;
	s14 =	simm.s32 $0x80  }
0x120: {  	[spmem:s26] =	stream.indirect.scatter.add.f32 [tilespmem:s19], [sflag:$0x7], $0x80, s14, s0, $0xb8;
	[tilespmem:$0x1B380] =	vst v63  }
0x121: {  	_ =	swait.ge [sflag:s24], $0x1400  }
0x122: {  	[sflag:s24] =	ssyncset.done $0x0  }
0x123: {  	[sflag:s24] =	ssyncadd.s32 $0xFFFFEC00  }
0x124: {  	_ =	swait.ge [sflag:s25], $0x1400  }
0x125: {  	p1 =	seq.s32 s30, $0xF9;
	s9 =	rddreg [dreg:$0xf]  }
0x126: {  	s9 =	sadd.s32 @!p1 s13, s9  }
0x127: {  	s20 =	smov.u32 s26;
	[sflag:s25] =	ssyncset.done $0x0;
	s19 =	sshrl.u32 @!p1 s9, $0x3  }
0x128: {  	s26 =	simm.s32 @!p1 $0x0;
	[sflag:s25] =	ssyncadd.s32 $0xFFFFEC00;
	s28 =	sadd.s32 @!p1 s3, s19  }
0x129: {  	[tilespmem:s26], [sflag:$0x5] =	stream.linear.gather @!p1 [hbm4b:s28+s26], $0x28, $0x38;
	[tilespmem:$0x1B380] =	vst v63  }
0x12a: {  	s19 =	sadd.s32 @!p1 s4, s19;
	s28 =	simm.s32 @!p1 $0x80  }
0x12b: {  	[tilespmem:s28], [sflag:$0x5] =	stream.linear.gather @!p1 [hbm4b:s19+s26], $0x28, $0x38;
	[tilespmem:$0x1B380] =	vst v63  }
0x12c: {  	s19 =	simm.s32 @!p1 $0x5  }
0x12d: {  	_ =	swait.ge @!p1 [sflag:s19], $0x28  }
0x12e: {  	[sflag:s19] =	ssyncset.done @!p1 $0x0  }
0x12f: {  	[sflag:s19] =	ssyncadd.s32 @!p1 $0xFFFFFFD8  }
0x130: {  	_ =	swait.ge @!p1 [sflag:s19], $0x28  }
0x131: {  	s14 =	simm.s32 @!p1 $0x100;
	s9 =	sshll.u32 @!p1 s9, $0x7;
	[sflag:s19] =	ssyncset.done @!p1 $0x0  }
0x132: {  	s9 =	sadd.s32 @!p1 s10, s9;
	[sflag:s19] =	ssyncadd.s32 @!p1 $0xFFFFFFD8;
	s19 =	simm.s32 @!p1 $0x28  }
0x133: {  	[tilespmem:s14], [sflag:$0x1] =	stream.indirect.gather @!p1 [hbm4b:s16+s19], $0x80, s26, s19, $0xb8;
	[tilespmem:$0x1B380] =	vst v63  }
0x134: {  	s9 =	sshrl.u32 @!p1 s9, $0x3;
	s14 =	simm.s32 @!p1 $0x1500  }
0x135: {  	[tilespmem:s14], [sflag:$0x1] =	stream.indirect.gather @!p1 [hbm4b:s17+s19], $0x80, s28, s19, $0xb8;
	[tilespmem:$0x1B380] =	vst v63  }
0x136: {  	s9 =	sadd.s32 @!p1 s6, s9;
	s14 =	simm.s32 @!p1 $0x2900  }
0x137: {  	[tilespmem:s14], [sflag:$0x1] =	stream.linear.gather @!p1 [hbm4b:s9+s26], $0x1400, $0x38;
	[tilespmem:$0x1B380] =	vst v63  }
0x138: {  	_ =	swait.ge [sflag:s31], $0x1400  }
0x139: {  	[sflag:s31] =	ssyncset.done $0x0  }
0x13a: {  	[sflag:s31] =	ssyncadd.s32 $0xFFFFEC00  }
0x13b: {  	_ =	swait.ge [sflag:s31], $0x1400  }
0x13c: {  	[sflag:s31] =	ssyncset.done $0x0  }
0x13d: {  	[sflag:s31] =	ssyncadd.s32 $0xFFFFEC00  }
0x13e: {  	_ =	swait.ge [sflag:s31], $0x1400  }
0x13f: {  	[sflag:s31] =	ssyncset.done $0x0  }
0x140: {  	s28 =	simm.s32 $0x0;
	[sflag:s31] =	ssyncadd.s32 $0xFFFFEC00  }
0x141: {  	v4 =	vld [tilespmem:s28+$0x5200]  }
0x142: {  	v31 =	vld [tilespmem:s28+$0x3E00]  }
0x143: {  	v22 =	vld [tilespmem:s28+$0x5380]  }
0x144: {  	v59 =	vld [tilespmem:s28+$0x6600]  }
0x145: {  	v58 =	vld [tilespmem:s28+$0x3F80];
	_ =	sdelay $0x1  }
0x146: {  	v60 =	vld [tilespmem:s28+$0x6780];
	v44 =	vadd.f32 v4, v31  }
0x147: {  	v6 =	vadd.f32 v20, v6  }
0x148: {  	v11 =	vadd.f32 v14, v11;
	v56 =	vld [tilespmem:s28+$0x5210];
	v35 =	vadd.f32 v59, v44  }
0x149: {  	v16 =	vadd.f32 v16, v18;
	v57 =	vld [tilespmem:s28+$0x5220];
	v22 =	vadd.f32 v22, v58  }
0x14a: {  	v20 =	vmul.f32 v20, v20;
	v3 =	vadd.f32 v27, v3;
	v24 =	vld [tilespmem:s28+$0x5230];
	v39 =	vsub.f32 $0.0e+00, v35  }
0x14b: {  	v8 =	vadd.f32 v9, v8;
	v27 =	vmul.f32 v27, v27;
	v61 =	vld [tilespmem:s28+$0x5280];
	v4 =	vadd.f32 v60, v22  }
0x14c: {  	v6 =	vadd.f32 v25, v6;
	v3 =	vadd.f32 v28, v3;
	v63 =	vld [tilespmem:s28+$0x5300];
	v39 =	vmul.f32 $1.442695020e+00, v39  }
0x14d: {  	v1 =	vadd.f32 v27, v1;
	v28 =	vmul.f32 v28, v28;
	v45 =	vld [tilespmem:s28+$0x5310];
	v42 =	vsub.f32 $0.0e+00, v4  }
0x14e: {  	v2 =	vadd.f32 v20, v2;
	v3 =	vadd.f32 v29, v3;
	v27 =	vld [tilespmem:s28+$0x3F00];
	(erf) = vpow2.f32 v39  }
0x14f: {  	v1 =	vadd.f32 v28, v1;
	v29 =	vmul.f32 v29, v29;
	v46 =	vld [tilespmem:s28+$0x5390];
	v20 =	vmul.f32 $1.442695020e+00, v42  }
0x150: {  	v11 =	vadd.f32 v12, v11;
	v3 =	vadd.f32 v26, v3;
	v28 =	vld [tilespmem:s28+$0x6700]  }
0x151: {  	v26 =	vmul.f32 v26, v26;
	v1 =	vadd.f32 v29, v1;
	v41 =	vld [tilespmem:s28+$0x3E80];
	(erf) = vpow2.f32 v20  }
0x152: {  	v25 =	vmul.f32 v25, v25;
	v13 =	vadd.f32 v13, v16;
	v8 =	vadd.f32 v7, v8;
	v47 =	vld [tilespmem:s28+$0x3F90]  }
0x153: {  	v1 =	vadd.f32 v26, v1;
	v43 =	vld [tilespmem:s28+$0x6680];
	v26 =	vadd.f32 v63, v27  }
0x154: {  	v25 =	vadd.f32 v25, v2;
	v6 =	vadd.f32 v21, v6;
	v48 =	vld [tilespmem:s28+$0x6790]  }
0x155: {  	v16 =	vadd.f32 v10, v13;
	v2 =	vadd.f32 v28, v26;
	v26 =	vld [tilespmem:s28+$0x3F10]  }
0x156: {  	v21 =	vmul.f32 v21, v21;
	v11 =	vadd.f32 v5, v11;
	v62 =	vld [tilespmem:s28+$0x5290];
	v28 =	vadd.f32 v15, v17  }
0x157: {  	v9 =	vld [tilespmem:s28+$0x6710];
	v17 =	vadd.f32 v19, v6;
	v6 =	vmul.f32 v19, v19;
	v19 =	vadd.f32 v46, v47;
	v12 =	vpop (erf)  }
0x158: {  	v29 =	vld [tilespmem:s28+$0x3E10];
	v20 =	vadd.f32 v61, v41;
	v12 =	vadd.f32 $1.000000000e+00, v12  }
0x159: {  	v21 =	vadd.f32 v21, v25;
	v27 =	vld [tilespmem:s28+$0x6610];
	v7 =	vadd.f32 v48, v19  }
0x15a: {  	v15 =	vadd.f32 v43, v20;
	v20 =	vld [tilespmem:s28+$0x3E90];
	v10 =	vpop (erf);
	(erf) = vrcp.f32 v12;
	v12 =	vadd.f32 v45, v26  }
0x15b: {  	v13 =	vld [tilespmem:s28+$0x3E20];
	v19 =	vsub.f32 $0.0e+00, v2;
	v5 =	vadd.f32 $1.000000000e+00, v10  }
0x15c: {  	v18 =	vld [tilespmem:s28+$0x6690];
	v10 =	vadd.f32 v9, v12;
	v9 =	vsub.f32 $0.0e+00, v15  }
0x15d: {  	v8 =	vadd.f32 v0, v8;
	v30 =	vld [tilespmem:s28+$0x52A0];
	v14 =	vadd.f32 v56, v29;
	v19 =	vmul.f32 $1.442695020e+00, v19  }
0x15e: {  	v6 =	vadd.f32 v6, v21;
	v21 =	vld [tilespmem:s28+$0x53A0];
	(erf) = vrcp.f32 v5;
	v9 =	vmul.f32 $1.442695020e+00, v9  }
0x15f: {  	v14 =	vadd.f32 v27, v14;
	v26 =	vld [tilespmem:s28+$0x3FA0];
	v5 =	vadd.f32 v62, v20;
	(erf) = vpow2.f32 v19  }
0x160: {  	v23 =	vld [tilespmem:s28+$0x52B0];
	v13 =	vadd.f32 v57, v13;
	v0 =	vmul.f32 v4, v4;
	(erf) = vpow2.f32 v9  }
0x161: {  	v25 =	vld [tilespmem:s28+$0x53B0];
	v27 =	vmul.f32 v35, v35;
	v12 =	vadd.f32 v18, v5;
	v18 =	vsub.f32 $0.0e+00, v14  }
0x162: {  	v50 =	vmul.f32 v14, v14;
	v20 =	vld [tilespmem:s28+$0x6620];
	v19 =	vsub.f32 $0.0e+00, v7;
	v5 =	vadd.f32 v35, v8  }
0x163: {  	v29 =	vld [tilespmem:s28+$0x67A0];
	v8 =	vadd.f32 v27, v11;
	v27 =	vsub.f32 $0.0e+00, v10;
	v11 =	vmul.f32 $1.442695020e+00, v18  }
0x164: {  	v49 =	vld [tilespmem:s28+$0x3E40];
	v18 =	vmul.f32 $1.442695020e+00, v19;
	v19 =	vadd.f32 v50, v28;
	v21 =	vadd.f32 v21, v26  }
0x165: {  	v51 =	vld [tilespmem:s28+$0x3FC0];
	[tilespmem:s28+$0x6780] =	vst v4;
	v53 =	vmul.f32 v12, v12;
	v54 =	vsub.f32 $0.0e+00, v12;
	(erf) = vpow2.f32 v11  }
0x166: {  	v55 =	vld [tilespmem:s28+$0x3EA0];
	[tilespmem:s28+$0x6610] =	vst v14;
	v14 =	vadd.f32 v14, v16;
	(erf) = vpow2.f32 v18;
	v18 =	vmul.f32 $1.442695020e+00, v27;
	v52 =	vpop (erf)  }
0x167: {  	v31 =	vld [tilespmem:s28+$0x5320];
	[tilespmem:s28+$0x6600] =	vst v35;
	v33 =	vmul.f32 $1.442695020e+00, v54;
	v27 =	vadd.f32 v53, v19;
	v19 =	vadd.f32 v20, v13;
	v20 =	vpop (erf)  }
0x168: {  	[tilespmem:s28+$0x6700] =	vst v2;
	v57 =	vmul.f32 v10, v10;
	v28 =	vld [tilespmem:s28+$0x3F20];
	v16 =	vadd.f32 v29, v21;
	(erf) = vpow2.f32 v18;
	v21 =	vpop (erf)  }
0x169: {  	v32 =	vld [tilespmem:s28+$0x3FB0];
	[tilespmem:s28+$0x6790] =	vst v7;
	v9 =	vmul.f32 v2, v2;
	(erf) = vpow2.f32 v33;
	v26 =	vpop (erf)  }
0x16a: {  	v56 =	vld [tilespmem:s28+$0x6720];
	[tilespmem:s28+$0x3FC0] =	vst v20;
	v60 =	vadd.f32 $1.000000000e+00, v26;
	v26 =	vmul.f32 v20, v51;
	v20 =	vsub.f32 $0.0e+00, v16  }
0x16b: {  	v58 =	vld [tilespmem:s28+$0x66A0];
	[tilespmem:s28+$0x6680] =	vst v15;
	v11 =	vmul.f32 v15, v15;
	v59 =	vsub.f32 $0.0e+00, v19;
	v21 =	vadd.f32 $1.000000000e+00, v21  }
0x16c: {  	[tilespmem:s28+$0x6710] =	vst v10;
	v29 =	vld [tilespmem:s28+$0x3E30];
	v13 =	vmul.f32 v7, v7;
	v18 =	vadd.f32 v57, v27;
	v27 =	vmul.f32 v52, v49  }
0x16d: {  	v22 =	vld [tilespmem:s28+$0x5330];
	[tilespmem:s28+$0x6690] =	vst v12;
	v28 =	vadd.f32 v31, v28;
	v61 =	vmul.f32 $1.442695020e+00, v59;
	(erf) = vrcp.f32 v21  }
0x16e: {  	[tilespmem:s28+$0x67A0] =	vst v16;
	v31 =	vld [tilespmem:s28+$0x6630];
	v21 =	vadd.f32 v30, v55;
	v62 =	vmul.f32 $1.442695020e+00, v20;
	v20 =	vpop (erf);
	(erf) = vrcp.f32 v60  }
0x16f: {  	[tilespmem:s28+$0x3E40] =	vst v52;
	v30 =	vld [tilespmem:s28+$0x67B0];
	v33 =	vadd.f32 $1.000000000e+00, v20;
	v20 =	vadd.f32 v56, v28;
	(erf) = vpow2.f32 v61;
	v63 =	vpop (erf)  }
0x170: {  	s9 =	simm.s32 $0x800;
	[tilespmem:s28+$0x6620] =	vst v19;
	v21 =	vadd.f32 v58, v21;
	v28 =	vld [tilespmem:s28+$0x3F30];
	v34 =	vadd.f32 $1.000000000e+00, v63;
	(erf) = vpow2.f32 v62  }
.LBB2_7:
0x171: {  	p2 =	sne.s32 s9, $0x4800;
	v24 =	vadd.f32 v24, v29;
	v29 =	vld [tilespmem:s28+$0x3EB0];
	[tilespmem:s28+$0x6720] =	vst v20;
	v37 =	vsub.f32 $0.0e+00, v20;
	(erf) = vrcp.f32 v33  }
0x172: {  	[tilespmem:s28+$0x66A0] =	vst v21;
	v33 =	vsub.f32 $0.0e+00, v21;
	v36 =	vld [tilespmem:s28+$0x6730];
	v25 =	vadd.f32 v25, v32;
	v32 =	vpop (erf);
	(erf) = vrcp.f32 v34  }
0x173: {  	v24 =	vadd.f32 v31, v24;
	v31 =	vld [tilespmem:s28+$0x66B0];
	v32 =	vadd.f32 $1.000000000e+00, v32;
	v34 =	vmul.f32 $1.442695020e+00, v37;
	v35 =	vpop (erf)  }
0x174: {  	v35 =	vadd.f32 $1.000000000e+00, v35;
	v37 =	vmul.f32 $1.442695020e+00, v33;
	v30 =	vadd.f32 v30, v25  }
0x175: {  	[tilespmem:s28+$0x6630] =	vst v24;
	v25 =	vsub.f32 $0.0e+00, v24;
	v22 =	vadd.f32 v22, v28;
	(erf) = vpow2.f32 v34  }
0x176: {  	v23 =	vadd.f32 v23, v29;
	[tilespmem:s28+$0x67B0] =	vst v30;
	v28 =	vsub.f32 $0.0e+00, v30;
	(erf) = vpow2.f32 v37;
	v29 =	vpop (erf)  }
0x177: {  	v39 =	vmul.f32 $1.442695020e+00, v25;
	v22 =	vadd.f32 v36, v22;
	v33 =	vpop (erf);
	(erf) = vrcp.f32 v32  }
0x178: {  	v23 =	vadd.f32 v31, v23;
	v31 =	vld [tilespmem:s28+$0x3F40];
	[tilespmem:s28+$0x3F40] =	vst v29;
	v38 =	vmul.f32 $1.442695020e+00, v28;
	v32 =	vpop (erf);
	(erf) = vrcp.f32 v35  }
0x179: {  	v32 =	vadd.f32 $1.000000000e+00, v32;
	v34 =	vld [tilespmem:s28+$0x3EC0];
	[tilespmem:s28+$0x3EC0] =	vst v33;
	v35 =	vsub.f32 $0.0e+00, v22;
	(erf) = vpow2.f32 v39;
	v25 =	vpop (erf)  }
0x17a: {  	[tilespmem:s28+$0x66B0] =	vst v23;
	v36 =	vsub.f32 $0.0e+00, v23;
	v25 =	vadd.f32 $1.000000000e+00, v25;
	v37 =	vpop (erf);
	(erf) = vpow2.f32 v38  }
0x17b: {  	v3 =	vadd.f32 v24, v3;
	[tilespmem:s28+$0x3E00] =	vst v27;
	v27 =	vmul.f32 $1.442695020e+00, v35;
	(erf) = vrcp.f32 v32;
	v28 =	vpop (erf)  }
0x17c: {  	v17 =	vadd.f32 v19, v17;
	v32 =	vld [tilespmem:s28+$0x3E50];
	[tilespmem:s28+$0x3E50] =	vst v37;
	v35 =	vmul.f32 $1.442695020e+00, v36;
	(erf) = vrcp.f32 v25  }
0x17d: {  	s19 =	sshra.s32 s9, $0x2;
	v3 =	vadd.f32 v23, v3;
	v38 =	vmul.f32 v29, v31;
	v31 =	vld [tilespmem:s28+$0x3FD0];
	[tilespmem:s28+$0x3FD0] =	vst v28;
	(erf) = vpow2.f32 v27  }
0x17e: {  	v17 =	vadd.f32 v21, v17;
	v27 =	vld [tilespmem:s19+$0x5200];
	v33 =	vmul.f32 v33, v34;
	[tilespmem:s28+$0x3F80] =	vst v26;
	(erf) = vpow2.f32 v35;
	v26 =	vpop (erf)  }
0x17f: {  	v24 =	vmul.f32 v24, v24;
	v23 =	vmul.f32 v23, v23;
	v25 =	vld [tilespmem:s19+$0x5210];
	[tilespmem:s28+$0x3F00] =	vst v38;
	v26 =	vadd.f32 $1.000000000e+00, v26;
	v29 =	vpop (erf)  }
0x180: {  	v34 =	vmul.f32 v22, v22;
	v35 =	vmul.f32 v30, v30;
	[tilespmem:s28+$0x3E80] =	vst v33;
	v29 =	vadd.f32 $1.000000000e+00, v29;
	v33 =	vld [tilespmem:s28+$0x3F50];
	v36 =	vpop (erf)  }
0x181: {  	v1 =	vadd.f32 v24, v1;
	v38 =	vmul.f32 v37, v32;
	v24 =	vld [tilespmem:s28+$0x3ED0];
	[tilespmem:s28+$0x3F50] =	vst v36;
	v37 =	vpop (erf);
	(erf) = vrcp.f32 v26  }
0x182: {  	v3 =	vadd.f32 v22, v3;
	v26 =	vld [tilespmem:s28+$0x3E60];
	[tilespmem:s28+$0x3ED0] =	vst v37;
	v28 =	vmul.f32 v28, v31;
	v31 =	vpop (erf);
	(erf) = vrcp.f32 v29  }
0x183: {  	v1 =	vadd.f32 v23, v1;
	v29 =	vmul.f32 v19, v19;
	[tilespmem:s28+$0x3E10] =	vst v38;
	v38 =	vadd.f32 $1.000000000e+00, v31;
	v23 =	vld [tilespmem:s28+$0x3FE0];
	v32 =	vpop (erf)  }
0x184: {  	v21 =	vmul.f32 v21, v21;
	v3 =	vadd.f32 v30, v3;
	v19 =	vld [tilespmem:s19+$0x5220];
	[tilespmem:s28+$0x3F90] =	vst v28;
	v28 =	vadd.f32 $1.000000000e+00, v32;
	v30 =	vpop (erf)  }
0x185: {  	v1 =	vadd.f32 v34, v1;
	v32 =	vld [tilespmem:s19+$0x5380];
	[tilespmem:s28+$0x3E60] =	vst v30;
	v36 =	vmul.f32 v36, v33;
	(erf) = vrcp.f32 v38;
	v31 =	vpop (erf)  }
0x186: {  	v6 =	vadd.f32 v29, v6;
	v24 =	vmul.f32 v37, v24;
	v29 =	vld [tilespmem:s28+$0x3F60];
	[tilespmem:s28+$0x3FE0] =	vst v31;
	v34 =	vpop (erf);
	(erf) = vrcp.f32 v28  }
0x187: {  	v1 =	vadd.f32 v35, v1;
	v26 =	vmul.f32 v30, v26;
	v28 =	vld [tilespmem:s28+$0x3EE0];
	[tilespmem:s28+$0x3F10] =	vst v36;
	v30 =	vadd.f32 $1.000000000e+00, v34;
	v33 =	vpop (erf)  }
0x188: {  	v6 =	vadd.f32 v21, v6;
	v34 =	vld [tilespmem:s19+$0x3E00];
	[tilespmem:s28+$0x3E90] =	vst v24;
	v33 =	vadd.f32 $1.000000000e+00, v33;
	v23 =	vmul.f32 v31, v23  }
0x189: {  	v17 =	vadd.f32 v20, v17;
	v31 =	vld [tilespmem:s19+$0x3F80];
	[tilespmem:s28+$0x3E20] =	vst v26;
	v26 =	vmul.f32 v20, v20;
	(erf) = vrcp.f32 v30  }
0x18a: {  	v18 =	vadd.f32 v13, v18;
	v13 =	vmul.f32 v16, v16;
	v24 =	vld [tilespmem:s28+$0x3E70];
	[tilespmem:s28+$0x3FA0] =	vst v23;
	(erf) = vrcp.f32 v33;
	v21 =	vpop (erf)  }
0x18b: {  	v17 =	vadd.f32 v16, v17;
	v23 =	vmul.f32 v21, v29;
	[tilespmem:s28+$0x3F60] =	vst v21;
	v6 =	vadd.f32 v26, v6;
	v16 =	vld [tilespmem:s28+$0x3FF0];
	v20 =	vpop (erf)  }
0x18c: {  	v8 =	vadd.f32 v11, v8;
	v14 =	vadd.f32 v12, v14;
	v21 =	vld [tilespmem:s19+$0x6600];
	v12 =	vmul.f32 v20, v28;
	[tilespmem:s28+$0x3EE0] =	vst v20  }
0x18d: {  	v15 =	vadd.f32 v15, v5;
	v20 =	vld [tilespmem:s19+$0x6780];
	[tilespmem:s28+$0x3F20] =	vst v23;
	v6 =	vadd.f32 v13, v6  }
0x18e: {  	v8 =	vadd.f32 v9, v8;
	v9 =	vadd.f32 v10, v14;
	[tilespmem:s28+$0x3EA0] =	vst v12;
	v10 =	vld [tilespmem:s28+$0x3F70];
	v11 =	vpop (erf)  }
0x18f: {  	v2 =	vadd.f32 v2, v15;
	v12 =	vadd.f32 v27, v34;
	v13 =	vmul.f32 v11, v24;
	[tilespmem:s28+$0x3E70] =	vst v11;
	v11 =	vld [tilespmem:s28+$0x3EF0];
	v5 =	vpop (erf)  }
0x190: {  	v14 =	vadd.f32 v7, v9;
	v23 =	vadd.f32 v32, v31;
	v24 =	vld [tilespmem:s19+$0x5230];
	v7 =	vmul.f32 v5, v16;
	[tilespmem:s28+$0x3FF0] =	vst v5  }
0x191: {  	v8 =	vadd.f32 v0, v8;
	v9 =	vadd.f32 v21, v12;
	v12 =	vld [tilespmem:s19+$0x5280];
	[tilespmem:s28+$0x3E30] =	vst v13  }
0x192: {  	v2 =	vadd.f32 v4, v2;
	v13 =	vld [tilespmem:s19+$0x5290];
	v4 =	vadd.f32 v20, v23;
	[tilespmem:s28+$0x3FB0] =	vst v7;
	v0 =	vpop (erf)  }
0x193: {  	v5 =	vsub.f32 $0.0e+00, v9;
	v7 =	vmul.f32 v9, v9;
	v20 =	vld [tilespmem:s19+$0x52A0];
	v10 =	vmul.f32 v0, v10;
	[tilespmem:s28+$0x3F70] =	vst v0;
	v15 =	vpop (erf)  }
0x194: {  	v23 =	vld [tilespmem:s19+$0x52B0];
	v16 =	vsub.f32 $0.0e+00, v4;
	v0 =	vmul.f32 v4, v4;
	v11 =	vmul.f32 v15, v11;
	[tilespmem:s28+$0x3EF0] =	vst v15  }
0x195: {  	v15 =	vmul.f32 $1.442695020e+00, v5;
	v5 =	vadd.f32 v9, v2;
	v8 =	vadd.f32 v7, v8;
	v2 =	vld [tilespmem:s19+$0x5300];
	[tilespmem:s28+$0x3F30] =	vst v10  }
0x196: {  	v10 =	vld [tilespmem:s19+$0x5310];
	v7 =	vmul.f32 $1.442695020e+00, v16;
	[tilespmem:s28+$0x3EB0] =	vst v11  }
0x197: {  	v21 =	vld [tilespmem:s19+$0x5320];
	(erf) = vpow2.f32 v15;
	[tilespmem:s28+$0x6730] =	vst v22;
	s28 =	smov.u32 s19  }
0x198: {  	v22 =	vld [tilespmem:s28+$0x5330];
	[tilespmem:s28+$0x6780] =	vst v4;
	(erf) = vpow2.f32 v7  }
0x199: {  	[tilespmem:s28+$0x6600] =	vst v9;
	v7 =	vld [tilespmem:s28+$0x5390]  }
0x19a: {  	v9 =	vld [tilespmem:s28+$0x3F00]  }
0x19b: {  	v11 =	vld [tilespmem:s28+$0x3E80]  }
0x19c: {  	v15 =	vld [tilespmem:s28+$0x6700]  }
0x19d: {  	v16 =	vld [tilespmem:s28+$0x6680]  }
0x19e: {  	v26 =	vld [tilespmem:s28+$0x3E10]  }
0x19f: {  	v2 =	vadd.f32 v2, v9;
	v27 =	vld [tilespmem:s28+$0x3F90]  }
0x1a0: {  	v28 =	vld [tilespmem:s28+$0x6610];
	v9 =	vadd.f32 v12, v11;
	v11 =	vpop (erf)  }
0x1a1: {  	v12 =	vadd.f32 $1.000000000e+00, v11;
	v2 =	vadd.f32 v15, v2;
	v29 =	vld [tilespmem:s28+$0x6790];
	v11 =	vpop (erf)  }
0x1a2: {  	v15 =	vadd.f32 v16, v9;
	v16 =	vld [tilespmem:s28+$0x3F10];
	v30 =	vadd.f32 $1.000000000e+00, v11  }
0x1a3: {  	v25 =	vadd.f32 v25, v26;
	v26 =	vld [tilespmem:s28+$0x3E90];
	[tilespmem:s28+$0x6700] =	vst v2;
	v31 =	vsub.f32 $0.0e+00, v2;
	v9 =	vmul.f32 v2, v2  }
0x1a4: {  	[tilespmem:s28+$0x6680] =	vst v15;
	v32 =	vsub.f32 $0.0e+00, v15;
	v11 =	vmul.f32 v15, v15;
	v33 =	vld [tilespmem:s28+$0x6710];
	v7 =	vadd.f32 v7, v27  }
0x1a5: {  	v27 =	vadd.f32 v28, v25;
	v28 =	vld [tilespmem:s28+$0x6690];
	v31 =	vmul.f32 $1.442695020e+00, v31;
	(erf) = vrcp.f32 v12  }
0x1a6: {  	v12 =	vmul.f32 $1.442695020e+00, v32;
	v7 =	vadd.f32 v29, v7;
	v29 =	vld [tilespmem:s28+$0x53A0];
	(erf) = vrcp.f32 v30  }
0x1a7: {  	[tilespmem:s28+$0x6610] =	vst v27;
	v30 =	vsub.f32 $0.0e+00, v27;
	v10 =	vadd.f32 v10, v16;
	v25 =	vld [tilespmem:s28+$0x53B0];
	(erf) = vpow2.f32 v31  }
0x1a8: {  	v16 =	vld [tilespmem:s28+$0x3E20];
	v13 =	vadd.f32 v13, v26;
	[tilespmem:s28+$0x6790] =	vst v7;
	v26 =	vsub.f32 $0.0e+00, v7;
	(erf) = vpow2.f32 v12  }
0x1a9: {  	v31 =	vmul.f32 v27, v27;
	v30 =	vmul.f32 $1.442695020e+00, v30;
	v10 =	vadd.f32 v33, v10;
	v32 =	vld [tilespmem:s28+$0x3FA0]  }
0x1aa: {  	v33 =	vld [tilespmem:s28+$0x6620];
	v12 =	vadd.f32 v28, v13;
	v26 =	vmul.f32 $1.442695020e+00, v26;
	v13 =	vmul.f32 v7, v7  }
0x1ab: {  	v18 =	vadd.f32 v31, v18;
	[tilespmem:s28+$0x6710] =	vst v10;
	v28 =	vsub.f32 $0.0e+00, v10;
	v31 =	vld [tilespmem:s28+$0x67A0];
	(erf) = vpow2.f32 v30  }
0x1ac: {  	v30 =	vld [tilespmem:s28+$0x3E40];
	[tilespmem:s28+$0x6690] =	vst v12;
	v34 =	vsub.f32 $0.0e+00, v12;
	v35 =	vmul.f32 v12, v12;
	(erf) = vpow2.f32 v26  }
0x1ad: {  	v16 =	vadd.f32 v19, v16;
	v37 =	vmul.f32 $1.442695020e+00, v28;
	v28 =	vmul.f32 v10, v10;
	v36 =	vld [tilespmem:s28+$0x3FC0]  }
0x1ae: {  	v34 =	vmul.f32 $1.442695020e+00, v34;
	v18 =	vadd.f32 v35, v18;
	v35 =	vld [tilespmem:s28+$0x3F20];
	v38 =	vadd.f32 v29, v32;
	v32 =	vpop (erf)  }
0x1af: {  	v14 =	vadd.f32 v27, v14;
	[tilespmem:s28+$0x3E40] =	vst v32;
	v19 =	vadd.f32 v33, v16;
	v33 =	vld [tilespmem:s28+$0x3EA0];
	(erf) = vpow2.f32 v37;
	v26 =	vpop (erf)  }
0x1b0: {  	v18 =	vadd.f32 v28, v18;
	v28 =	vld [tilespmem:s28+$0x6720];
	[tilespmem:s28+$0x3FC0] =	vst v26;
	v16 =	vadd.f32 v31, v38;
	(erf) = vpow2.f32 v34;
	v29 =	vpop (erf)  }
0x1b1: {  	v27 =	vmul.f32 v32, v30;
	[tilespmem:s28+$0x6620] =	vst v19;
	v30 =	vsub.f32 $0.0e+00, v19;
	v34 =	vld [tilespmem:s28+$0x66A0];
	v31 =	vadd.f32 $1.000000000e+00, v29;
	v32 =	vpop (erf)  }
.Ltmp4:
0x1b2: {  	v29 =	vld [tilespmem:s28+$0x3E30];
	v39 =	vadd.f32 $1.000000000e+00, v32;
	v26 =	vmul.f32 v26, v36;
	[tilespmem:s28+$0x67A0] =	vst v16;
	v36 =	vsub.f32 $0.0e+00, v16;
	(pc) =	sbr.rel @p2 .LBB2_7-.Ltmp4, $4  }
0x1b3: {  	v38 =	vmul.f32 $1.442695020e+00, v30;
	v21 =	vadd.f32 v21, v35;
	v32 =	vld [tilespmem:s28+$0x3FB0];
	(erf) = vrcp.f32 v31  }
0x1b4: {  	v31 =	vld [tilespmem:s28+$0x6630];
	v35 =	vadd.f32 v20, v33;
	v36 =	vmul.f32 $1.442695020e+00, v36;
	v20 =	vpop (erf);
	(erf) = vrcp.f32 v39  }
0x1b5: {  	v33 =	vadd.f32 $1.000000000e+00, v20;
	v20 =	vadd.f32 v28, v21;
	v30 =	vld [tilespmem:s28+$0x67B0];
	(erf) = vpow2.f32 v38;
	v37 =	vpop (erf)  }
0x1b6: {  	s9 =	sadd.s32 $0x800, s9;
	v21 =	vadd.f32 v34, v35;
	v28 =	vld [tilespmem:s28+$0x3F30];
	v34 =	vadd.f32 $1.000000000e+00, v37;
	(erf) = vpow2.f32 v36  }
0x1b7: {  	(erf) = vrcp.f32 v33  }
0x1b8: {  	v24 =	vadd.f32 v24, v29;
	v58 =	vpop (erf);
	(erf) = vrcp.f32 v34  }
0x1b9: {  	v59 =	vsub.f32 $0.0e+00, v20;
	v25 =	vadd.f32 v25, v32  }
0x1ba: {  	v61 =	vsub.f32 $0.0e+00, v21  }
0x1bb: {  	v31 =	vadd.f32 v31, v24;
	v60 =	vpop (erf);
	v24 =	vadd.f32 v30, v25;
	v30 =	vmul.f32 $1.442695020e+00, v59  }
0x1bc: {  	v35 =	vld [tilespmem:s28+$0x3EB0];
	v34 =	vmul.f32 $1.442695020e+00, v61;
	v62 =	vpop (erf)  }
0x1bd: {  	v56 =	vld [tilespmem:s28+$0x6730];
	v25 =	vadd.f32 $1.000000000e+00, v58;
	v45 =	vsub.f32 $0.0e+00, v31;
	(erf) = vpow2.f32 v30;
	v37 =	vpop (erf)  }
0x1be: {  	v57 =	vld [tilespmem:s28+$0x66B0];
	v33 =	vadd.f32 $1.000000000e+00, v60;
	(erf) = vpow2.f32 v34;
	v44 =	vpop (erf)  }
0x1bf: {  	[tilespmem:s28+$0x6720] =	vst v20;
	v34 =	vmul.f32 $1.442695020e+00, v45;
	(erf) = vrcp.f32 v25;
	v46 =	vpop (erf)  }
0x1c0: {  	v36 =	vld [tilespmem:s28+$0x3F40];
	[tilespmem:s28+$0x3E00] =	vst v27;
	v22 =	vadd.f32 v22, v28;
	(erf) = vrcp.f32 v33;
	v38 =	vpop (erf)  }
0x1c1: {  	[tilespmem:s28+$0x3F80] =	vst v26;
	v23 =	vadd.f32 v23, v35;
	v47 =	vsub.f32 $0.0e+00, v24;
	v48 =	vpop (erf);
	(erf) = vpow2.f32 v34  }
0x1c2: {  	v63 =	vld [tilespmem:s28+$0x3EC0];
	[tilespmem:s28+$0x66A0] =	vst v21;
	v22 =	vadd.f32 v56, v22  }
0x1c3: {  	[tilespmem:s28+$0x6630] =	vst v31;
	v23 =	vadd.f32 v57, v23;
	v27 =	vmul.f32 $1.442695020e+00, v47  }
0x1c4: {  	[tilespmem:s28+$0x67B0] =	vst v24;
	v30 =	vadd.f32 $1.000000000e+00, v44;
	v54 =	vsub.f32 $0.0e+00, v22  }
0x1c5: {  	[tilespmem:s28+$0x3F40] =	vst v62;
	v49 =	vmul.f32 v62, v36;
	v25 =	vadd.f32 $1.000000000e+00, v46;
	(erf) = vpow2.f32 v27  }
0x1c6: {  	v39 =	vld [tilespmem:s28+$0x3E50];
	[tilespmem:s28+$0x3EC0] =	vst v37;
	v57 =	vsub.f32 $0.0e+00, v23;
	v28 =	vmul.f32 $1.442695020e+00, v54;
	(erf) = vrcp.f32 v30;
	v51 =	vpop (erf)  }
0x1c7: {  	v40 =	vld [tilespmem:s28+$0x3FD0];
	v50 =	vmul.f32 v37, v63;
	[tilespmem:s28+$0x3F00] =	vst v49;
	(erf) = vrcp.f32 v25;
	v52 =	vpop (erf)  }
0x1c8: {  	[tilespmem:s28+$0x6730] =	vst v22;
	v32 =	vmul.f32 $1.442695020e+00, v57;
	v55 =	vpop (erf);
	(erf) = vpow2.f32 v28  }
0x1c9: {  	[tilespmem:s28+$0x66B0] =	vst v23;
	v59 =	vpop (erf)  }
0x1ca: {  	v53 =	vld [tilespmem:s28+$0x3F50];
	[tilespmem:s28+$0x3E80] =	vst v50;
	v62 =	vpop (erf);
	(erf) = vpow2.f32 v32  }
0x1cb: {  	v56 =	vld [tilespmem:s28+$0x3ED0];
	[tilespmem:s28+$0x3E50] =	vst v38;
	v58 =	vmul.f32 v38, v39;
	v26 =	vadd.f32 $1.000000000e+00, v51  }
0x1cc: {  	[tilespmem:s28+$0x3FD0] =	vst v48;
	v61 =	vmul.f32 v48, v40;
	v25 =	vadd.f32 $1.000000000e+00, v52  }
0x1cd: {  	v60 =	vld [tilespmem:s28+$0x3E60];
	[tilespmem:s28+$0x3E10] =	vst v58;
	(erf) = vrcp.f32 v26  }
0x1ce: {  	[tilespmem:s28+$0x3F90] =	vst v61;
	v37 =	vpop (erf);
	(erf) = vrcp.f32 v25  }
0x1cf: {  	v63 =	vld [tilespmem:s28+$0x3FE0];
	[tilespmem:s28+$0x3F50] =	vst v55;
	v27 =	vmul.f32 v55, v53;
	v41 =	vadd.f32 $1.000000000e+00, v62;
	v38 =	vpop (erf)  }
0x1d0: {  	[tilespmem:s28+$0x3ED0] =	vst v59;
	v30 =	vmul.f32 v59, v56;
	v43 =	vadd.f32 $1.000000000e+00, v37;
	v39 =	vpop (erf)  }
0x1d1: {  	[tilespmem:s28+$0x3F10] =	vst v27;
	(erf) = vrcp.f32 v41;
	v44 =	vpop (erf)  }
0x1d2: {  	v40 =	vld [tilespmem:s28+$0x3F60];
	[tilespmem:s28+$0x3E90] =	vst v30;
	v26 =	vmul.f32 v38, v60;
	(erf) = vrcp.f32 v43;
	v29 =	vadd.f32 $1.000000000e+00, v44  }
0x1d3: {  	v42 =	vld [tilespmem:s28+$0x3EE0];
	[tilespmem:s28+$0x3E60] =	vst v38;
	v45 =	vpop (erf)  }
0x1d4: {  	v25 =	vmul.f32 v39, v63;
	[tilespmem:s28+$0x3E20] =	vst v26;
	(erf) = vrcp.f32 v29;
	v26 =	vadd.f32 $1.000000000e+00, v45  }
0x1d5: {  	[tilespmem:s28+$0x3FE0] =	vst v39  }
0x1d6: {  	v46 =	vld [tilespmem:s28+$0x3E70];
	[tilespmem:s28+$0x3FA0] =	vst v25;
	v47 =	vpop (erf);
	(erf) = vrcp.f32 v26  }
0x1d7: {  	v48 =	vld [tilespmem:s28+$0x3FF0];
	[tilespmem:s28+$0x3F60] =	vst v47;
	v25 =	vmul.f32 v47, v40;
	v49 =	vpop (erf)  }
0x1d8: {  	v50 =	vmul.f32 v49, v42;
	[tilespmem:s28+$0x3EE0] =	vst v49  }
0x1d9: {  	v51 =	vld [tilespmem:s28+$0x3F70];
	[tilespmem:s28+$0x3F20] =	vst v25  }
0x1da: {  	v52 =	vpop (erf);
	[tilespmem:s28+$0x3EA0] =	vst v50  }
0x1db: {  	v53 =	vld [tilespmem:s28+$0x3EF0];
	[tilespmem:s28+$0x3E70] =	vst v52;
	v26 =	vmul.f32 v52, v46;
	v54 =	vpop (erf)  }
0x1dc: {  	v28 =	vmul.f32 v54, v48;
	[tilespmem:s28+$0x3FF0] =	vst v54  }
0x1dd: {  	v55 =	vmul.f32 v31, v31;
	[tilespmem:s28+$0x3E30] =	vst v26;
	v56 =	vpop (erf)  }
0x1de: {  	v17 =	vadd.f32 v19, v17;
	[tilespmem:s28+$0x3FB0] =	vst v28;
	v25 =	vmul.f32 v56, v51  }
0x1df: {  	v12 =	vadd.f32 v12, v14;
	v57 =	vmul.f32 v23, v23;
	v1 =	vadd.f32 v55, v1;
	[tilespmem:s28+$0x3F70] =	vst v56;
	v58 =	vpop (erf)  }
0x1e0: {  	v8 =	vadd.f32 v11, v8;
	v5 =	vadd.f32 v15, v5;
	[tilespmem:s28+$0x3F30] =	vst v25;
	v59 =	vmul.f32 v58, v53  }
0x1e1: {  	v61 =	vmul.f32 v19, v19;
	v1 =	vadd.f32 v57, v1;
	v60 =	vmul.f32 v22, v22;
	[tilespmem:s28+$0x3EF0] =	vst v58  }
0x1e2: {  	s1 =	sadd.s32 s8, s1;
	s19 =	simm.s32 $0x6600;
	v17 =	vadd.f32 v21, v17;
	v10 =	vadd.f32 v10, v12;
	v19 =	vmul.f32 v24, v24;
	[tilespmem:s28+$0x3EB0] =	vst v59  }
0x1e3: {  	v6 =	vadd.f32 v61, v6;
	v62 =	vmul.f32 v21, v21;
	v1 =	vadd.f32 v60, v1;
	[hbm4b:s1+s2] =	stream.linear.scatter [tilespmem:s19], [sflag:$0x4], $0x1400, $0x38;
	[tilespmem:$0x1B380] =	vst v63  }
0x1e4: {  	s14 =	simm.s32 $0x3E00;
	v8 =	vadd.f32 v9, v8;
	v3 =	vadd.f32 v31, v3  }
0x1e5: {  	v6 =	vadd.f32 v62, v6;
	v1 =	vadd.f32 v19, v1;
	v19 =	vmul.f32 v20, v20;
	[spmem:s20] =	stream.indirect.scatter.add.f32 [tilespmem:s14], [sflag:$0x8], $0x80, s15, s0, $0xb8;
	[tilespmem:$0x1B380] =	vst v63  }
0x1e6: {  	v3 =	vadd.f32 v23, v3;
	v63 =	vadd.f32 v20, v17;
	_ =	swait.ge [sflag:s21], $0x1400  }
.Ltmp5:
0x1e7: {  	v11 =	vmul.f32 v16, v16;
	v17 =	vadd.f32 v13, v18;
	v13 =	vadd.f32 v19, v6;
	[sflag:s21] =	ssyncset.done $0x0;
	(pc) =	sbr.rel @p1 .LBB2_10-.Ltmp5, $4  }
0x1e8: {  	v5 =	vadd.f32 v2, v5;
	v15 =	vadd.f32 v7, v10;
	[sflag:s21] =	ssyncadd.s32 $0xFFFFEC00  }
0x1e9: {  	v3 =	vadd.f32 v22, v3;
	v2 =	vadd.f32 v11, v13;
	_ =	swait.ge [sflag:s5], $0x1400  }
0x1ea: {  	v11 =	vadd.f32 v0, v8;
	v8 =	vadd.f32 v4, v5;
	[sflag:s5] =	ssyncset.done $0x0  }
0x1eb: {  	s26 =	smov.u32 s20;
	v3 =	vadd.f32 v24, v3;
	v6 =	vadd.f32 v16, v63;
	[sflag:s5] =	ssyncadd.s32 $0xFFFFEC00  }
0x1ec: {  	s1 =	rddreg [dreg:$0x10]  }
0x1ed: {  	s1 =	sadd.s32 s13, s1  }
.Ltmp6:
0x1ee: {  	s1 =	sshrl.u32 s1, $0x3;
	(pc) =	sbr.rel .LBB2_4-.Ltmp6, $4  }
0x1ef: {  	s13 =	simm.s32 $0x3D00;
	s9 =	sadd.s32 s3, s1  }
0x1f0: {  	[tilespmem:s13], [sflag:$0x6] =	stream.linear.gather [hbm4b:s9+s2], $0x28, $0x38;
	[tilespmem:$0x1B380] =	vst v63  }
0x1f1: {  	s30 =	sadd.s32 $0x1, s30;
	s1 =	sadd.s32 s4, s1  }
0x1f2: {  	[tilespmem:s15], [sflag:$0x6] =	stream.linear.gather [hbm4b:s1+s2], $0x28, $0x38;
	[tilespmem:$0x1B380] =	vst v63  }
.LBB2_11:
0x1f3: {  	_ =	sfence.sel $0x180000  }
0x1f4: {  	[bflag:$0x0] =	sbarrier.arrive $0xFFFF  }
0x1f5: {  	_ =	strace $0x90000047  }
0x1f6: {  	s0 =	stileid.u32;
	[bflag:$0x2] =	sbarrier.arrive $0xFFFF  }
0x1f7: {  	p0 =	sne.s32 s0, $0x0;
	s0 =	rddreg [dreg:$0x3]  }
0x1f8: {  	s0 =	sadd.s32 @!p0 $0x100000, s0  }
0x1f9: {  	[sflag:s0] =	ssyncadd.tile.s32 @!p0 $0x1;
	_ =	shalt  }
.Lfunc_end2:
_tile_overlayer_lowered:
.L_overlay_start_2:
0x1fa: {  	(tag) =	ssettag $0x2  }
0x1fb: {  	s0 =	rddreg [dreg:$0x0];
	s2 =	stileid.u32  }
0x1fc: {  	s1 =	rddreg [dreg:$0x1];
	p0 =	sne.s32 s2, $0x0  }
0x1fd: {  	s3 =	rddreg [dreg:$0x2];
	[bflag:$0x3] =	sbarrier.arrive $0xFFFF;
	s2 =	simm.s32 @!p0 $0x1C09  }
0x1fe: {  	[timem:s3], [sflag:s2] =	dma.local @!p0 [hbm:s0], s1  }
0x1ff: {  	s0 =	simm.s32 @!p0 $0x9  }
0x200: {  	_ =	swait.ge @!p0 [sflag:s0], s1  }
0x201: {  	s1 =	ssub.s32 @!p0 $0x0, s1;
	[sflag:s0] =	ssyncset.done @!p0 $0x0  }
0x202: {  	[sflag:s0] =	ssyncadd.s32 @!p0 s1  }
0x203: {  	[bflag:$0x3] =	sbarrier.arrive $0xFFFF  }
0x204: {  	_ =	shalt  }

</sc_bundles>
